<compile_context>
chip_gen: v7x
topology: tpu7x:2x2x1
jax: 0.10.2.dev20260603
libtpu: 0.0.44.dev20260713+nightly
codegen_flags: <defaults>
</compile_context>

<pallas_src>
import jax
import jax.numpy as jnp
from jax.experimental import pallas as pl
from jax.experimental.pallas import tpu as pltpu

STEP_SIZE = 0.1
MAX_RESAMPLINGS = 50
N_ROWS = 16384
N_COLS = 128
BLOCK_ROWS = 1024
T1 = 12
B_BLOCK_ROWS = 1024


def _threefry2x32(k0, k1, x0, x1):

    def rotl(v, r):
        return (v << jnp.uint32(r)) | (v >> jnp.uint32(32 - r))

    ks2 = k0 ^ k1 ^ jnp.uint32(0x1BD11BDA)
    rots = ((13, 15, 26, 6), (17, 29, 16, 24))
    inject = ((k1, ks2, 1), (ks2, k0, 2), (k0, k1, 3), (k1, ks2, 4), (ks2, k0, 5))
    x0 = x0 + k0
    x1 = x1 + k1
    for g in range(5):
        for r in rots[g % 2]:
            x0 = x0 + x1
            x1 = rotl(x1, r)
            x1 = x0 ^ x1
        a, b, c = inject[g]
        x0 = x0 + a
        x1 = x1 + b + jnp.uint32(c)
    return x0, x1


def _uniform(k0, k1, idx):
    o0, o1 = _threefry2x32(k0, k1, jnp.zeros_like(idx), idx)
    bits = o0 ^ o1
    f = jax.lax.bitcast_convert_type(
        (bits >> jnp.uint32(9)) | jnp.uint32(0x3F800000), jnp.float32
    )
    return f - 1.0


def _one_iter(kd_ref, i, x, y, flat_ids, a, b, x_new, rej_f):
    reject = rej_f > 0.0
    smaller = x_new < x
    a = jnp.where(reject & smaller, x_new, a)
    b = jnp.where(reject & (~smaller), x_new, b)
    u = _uniform(kd_ref[4 + i, 0], kd_ref[4 + i, 1], flat_ids)
    x_new = jnp.where(reject, u * (b - a) + a, x_new)
    pot = -0.5 * jnp.sum(x_new * x_new, axis=-1, keepdims=True)
    rej_f = jnp.where(reject & (pot < y), 1.0, 0.0).astype(jnp.float32)
    return a, b, x_new, rej_f


def _phase_a(kd_ref, x_ref, st_ref, rej_ref):
    i_blk = pl.program_id(0)
    x = x_ref[...]
    rows, cols = x.shape

    row_in_blk = jax.lax.broadcasted_iota(jnp.uint32, (rows, 1), 0)
    row_ids = jnp.uint32(rows) * jnp.uint32(i_blk) + row_in_blk
    col_ids = jax.lax.broadcasted_iota(jnp.uint32, (rows, cols), 1)
    flat_ids = row_ids * jnp.uint32(cols) + col_ids

    pot_x = -0.5 * jnp.sum(x * x, axis=-1, keepdims=True)

    k0, k1 = kd_ref[0, 0], kd_ref[0, 1]
    y = jnp.log(1.0 - _uniform(k0, k1, row_ids)) + pot_x

    k0, k1 = kd_ref[2, 0], kd_ref[2, 1]
    sw = jnp.log(1.0 - _uniform(k0, k1, flat_ids)) / (-STEP_SIZE)
    a = x - sw / 2.0
    b = x + sw / 2.0

    k0, k1 = kd_ref[3, 0], kd_ref[3, 1]
    x_new = _uniform(k0, k1, flat_ids) * (b - a) + a
    pot = -0.5 * jnp.sum(x_new * x_new, axis=-1, keepdims=True)
    rej_f = jnp.where(pot < y, 1.0, 0.0).astype(jnp.float32)

    for i in range(T1):
        a, b, x_new, rej_f = _one_iter(kd_ref, i, x, y, flat_ids, a, b, x_new, rej_f)
    st_ref[:, 0:N_COLS] = x_new
    st_ref[:, N_COLS : 2 * N_COLS] = a
    st_ref[:, 2 * N_COLS : 3 * N_COLS] = b
    st_ref[:, 3 * N_COLS : 4 * N_COLS] = x
    rej_ref[...] = rej_f


def _phase_b(kd_ref, st_ref, rej_ref, rid_ref, xn_out_ref):
    x_new = st_ref[:, 0:N_COLS]
    a = st_ref[:, N_COLS : 2 * N_COLS]
    b = st_ref[:, 2 * N_COLS : 3 * N_COLS]
    x = st_ref[:, 3 * N_COLS : 4 * N_COLS]
    rows, cols = x.shape
    row_ids = rid_ref[...].astype(jnp.uint32)
    col_ids = jax.lax.broadcasted_iota(jnp.uint32, (rows, cols), 1)
    flat_ids = row_ids * jnp.uint32(cols) + col_ids

    pot_x = -0.5 * jnp.sum(x * x, axis=-1, keepdims=True)
    k0, k1 = kd_ref[0, 0], kd_ref[0, 1]
    y = jnp.log(1.0 - _uniform(k0, k1, row_ids)) + pot_x
    rej_f = rej_ref[...]

    def cond(carry):
        i, _, _, _, rej_f = carry
        return jnp.logical_and(i < MAX_RESAMPLINGS, jnp.sum(rej_f) > 0.0)

    def step(carry):
        i, a, b, x_new, rej_f = carry
        a, b, x_new, rej_f = _one_iter(kd_ref, i, x, y, flat_ids, a, b, x_new, rej_f)
        a, b, x_new, rej_f = _one_iter(
            kd_ref, i + 1, x, y, flat_ids, a, b, x_new, rej_f
        )
        return i + 2, a, b, x_new, rej_f

    _, _, _, x_new, _ = jax.lax.while_loop(
        cond, step, (jnp.int32(T1), a, b, x_new, rej_f)
    )
    xn_out_ref[...] = x_new


def _row_spec(rows=BLOCK_ROWS):
    return pl.BlockSpec((rows, N_COLS), lambda i: (i, 0))


def _col_spec(rows=BLOCK_ROWS):
    return pl.BlockSpec((rows, 1), lambda i: (i, 0))


@jax.jit
def kernel(x):
    ks = jax.random.split(jax.random.key(1), 4 + MAX_RESAMPLINGS)
    kd = jax.random.key_data(ks).astype(jnp.uint32)

    mat = jax.ShapeDtypeStruct((N_ROWS, N_COLS), jnp.float32)
    wide = jax.ShapeDtypeStruct((N_ROWS, 4 * N_COLS), jnp.float32)
    col = jax.ShapeDtypeStruct((N_ROWS, 1), jnp.float32)

    st, rej = pl.pallas_call(
        _phase_a,
        grid=(N_ROWS // BLOCK_ROWS,),
        in_specs=[pl.BlockSpec(memory_space=pltpu.SMEM), _row_spec()],
        out_specs=[
            pl.BlockSpec((BLOCK_ROWS, 4 * N_COLS), lambda i: (i, 0)),
            _col_spec(),
        ],
        out_shape=[wide, col],
        compiler_params=pltpu.CompilerParams(
            dimension_semantics=("arbitrary",),
        ),
    )(kd, x)

    order = jnp.argsort(-rej[:, 0]).astype(jnp.int32)
    inv = jnp.argsort(order).astype(jnp.int32)

    sts = st[order]
    rejs = rej[order]
    rid = order[:, None]

    xn_final = pl.pallas_call(
        _phase_b,
        grid=(N_ROWS // B_BLOCK_ROWS,),
        in_specs=[
            pl.BlockSpec(memory_space=pltpu.SMEM),
            pl.BlockSpec((B_BLOCK_ROWS, 4 * N_COLS), lambda i: (i, 0)),
            _col_spec(B_BLOCK_ROWS),
            pl.BlockSpec((B_BLOCK_ROWS, 1), lambda i: (i, 0)),
        ],
        out_specs=_row_spec(B_BLOCK_ROWS),
        out_shape=mat,
        compiler_params=pltpu.CompilerParams(
            dimension_semantics=("arbitrary",),
        ),
    )(kd, sts, rejs, rid)

    return xn_final[inv]

# --- scband reference (transcript-rebuilt; emitter-appended) ---
"""Pipeline reference for scband-latent-slice-kernel-67302137528388 (READ-ONLY COPY).

The authoritative reference and input builder live on the scoring server;
editing this copy changes nothing except your own understanding.
"""

import jax, jax.numpy as jnp
import numpy as np

STEP_SIZE = 0.1
MAX_RESAMPLINGS = 50


def potential_fn(x):
    # standard Gaussian log-density over the last dim (the 'potential')
    d = x.shape[-1]
    return -0.5 * jnp.sum(x * x, axis=-1) - 0.5 * d * jnp.log(2.0 * jnp.pi)


def setup_inputs(seed: int = 0) -> dict:
    key = jax.random.key(seed)
    x = jax.random.normal(key, (16384, 128), dtype=jnp.float32)
    return {"x": x}


def reference(x):
    # Faithful JAX translation of LatentSliceKernel.sample(x) with context=None.
    # Torch's masked in-place updates are replaced by jnp.where with the same
    # semantics; fresh uniforms are drawn per iteration (equal in distribution).
    key = jax.random.key(1)
    ks = jax.random.split(key, 4 + MAX_RESAMPLINGS)
    pot = potential_fn(x)
    y = jnp.log(1.0 - jax.random.uniform(ks[0], pot.shape, dtype=x.dtype)) + pot
    # self.s starts as zeros(1) -> broadcasts to scalar 0
    s0 = jnp.zeros((1,), dtype=x.dtype)
    l = jax.random.uniform(ks[1], x.shape, dtype=x.dtype) * s0 + (x - s0 / 2.0)
    diff = jnp.abs(l - x) * 2.0
    random_exp = jnp.log(1.0 - jax.random.uniform(ks[2], x.shape, dtype=x.dtype)) / (-STEP_SIZE)
    s = diff + random_exp
    a = l - s / 2.0
    b = l + s / 2.0
    x_new = jax.random.uniform(ks[3], x.shape, dtype=x.dtype) * (b - a) + a
    pot = potential_fn(x_new)
    reject = pot < y
    for i in range(MAX_RESAMPLINGS):
        smaller = x_new < x
        rej = reject[:, None]
        a = jnp.where(rej & smaller, x_new, a)
        b = jnp.where(rej & (~smaller), x_new, b)
        u = jax.random.uniform(ks[4 + i], x.shape, dtype=x.dtype)
        x_new = jnp.where(rej, u * (b - a) + a, x_new)
        pot = potential_fn(x_new)
        reject = reject & (pot < y)
    return x_new

if __name__ == "__main__":
    import jax
    _d = setup_inputs()
    print(jax.jit(kernel)(*tuple(_d.values())))

</pallas_src>

<mosaic_0001>
module attributes {stable_mosaic.version = 14 : i64} {
  func.func @_phase_a(%arg0: i32, %arg1: memref<54x2xi32, #tpu.memory_space<smem>>, %arg2: memref<1024x128xf32, #tpu.memory_space<vmem>>, %arg3: memref<1024x512xf32, #tpu.memory_space<vmem>>, %arg4: memref<1024x1xf32, #tpu.memory_space<vmem>>) attributes {dimension_semantics = [#tpu.dimension_semantics<arbitrary>], iteration_bounds = array<i64: 16>, scalar_prefetch = 0 : i64, scratch_operands = 0 : i64, tpu.core_type = #tpu.core_type<tc>, window_params = [{transform_indices = @transform_0, window_bounds = array<i64: 54, 2>}, {transform_indices = @transform_1, window_bounds = array<i64: 1024, 128>}, {transform_indices = @transform_2, window_bounds = array<i64: 1024, 512>}, {transform_indices = @transform_3, window_bounds = array<i64: 1024, 1>}]} {
    %get3A = arith.constant 0 : index
    %get3A_0 = arith.constant 0 : index
    %get3A_1 = vector.load %arg2[%get3A, %get3A_0] : memref<1024x128xf32, #tpu.memory_space<vmem>>, vector<1024x128xf32>
    %iota3A = tpu.iota {dimensions = array<i32: 0>} : vector<1024x1xi32>
    %mul3A = arith.constant 1024 : i32
    %mul3A_2 = arith.muli %mul3A, %arg0 : i32
    %add3A = vector.broadcast %mul3A_2 : i32 to vector<1024x1xi32>
    %add3A_3 = arith.addi %add3A, %iota3A : vector<1024x1xi32>
    %iota3A_4 = tpu.iota {dimensions = array<i32: 1>} : vector<1024x128xi32>
    %mul3A_5 = arith.constant 128 : i32
    %mul3A_6 = vector.broadcast %mul3A_5 : i32 to vector<1024x1xi32>
    %mul3A_7 = arith.muli %add3A_3, %mul3A_6 : vector<1024x1xi32>
    %add3A_8 = vector.broadcast %mul3A_7 : vector<1024x1xi32> to vector<1024x128xi32>
    %add3A_9 = arith.addi %add3A_8, %iota3A_4 : vector<1024x128xi32>
    %mul3A_10 = arith.mulf %get3A_1, %get3A_1 : vector<1024x128xf32>
    %reduce_sum3A = arith.constant dense<0.000000e+00> : vector<1024xf32>
    %reduce_sum3A_11 = vector.multi_reduction <add>, %mul3A_10, %reduce_sum3A [1] : vector<1024x128xf32> to vector<1024xf32>
    %broadcast_in_dim3A = vector.shape_cast %reduce_sum3A_11 : vector<1024xf32> to vector<1024x1xf32>
    %mul3A_12 = arith.constant -5.000000e-01 : f32
    %mul3A_13 = vector.broadcast %mul3A_12 : f32 to vector<1024x1xf32>
    %mul3A_14 = arith.mulf %mul3A_13, %broadcast_in_dim3A : vector<1024x1xf32>
    %get3A_15 = arith.constant 0 : index
    %get3A_16 = arith.constant 0 : index
    %get3A_17 = memref.load %arg1[%get3A_15, %get3A_16] : memref<54x2xi32, #tpu.memory_space<smem>>
    %get3A_18 = arith.constant 0 : index
    %get3A_19 = arith.constant 1 : index
    %get3A_20 = memref.load %arg1[%get3A_18, %get3A_19] : memref<54x2xi32, #tpu.memory_space<smem>>
    %broadcast_in_dim3A_21 = arith.constant 0 : i32
    %broadcast_in_dim3A_22 = vector.broadcast %broadcast_in_dim3A_21 : i32 to vector<1024x1xi32>
    %xor3A = arith.xori %get3A_17, %get3A_20 : i32
    %xor3A_23 = arith.constant 466688986 : i32
    %xor3A_24 = arith.xori %xor3A, %xor3A_23 : i32
    %add3A_25 = vector.broadcast %get3A_17 : i32 to vector<1024x1xi32>
    %add3A_26 = arith.addi %broadcast_in_dim3A_22, %add3A_25 : vector<1024x1xi32>
    %add3A_27 = vector.broadcast %get3A_20 : i32 to vector<1024x1xi32>
    %add3A_28 = arith.addi %add3A_3, %add3A_27 : vector<1024x1xi32>
    %add3A_29 = arith.addi %add3A_26, %add3A_28 : vector<1024x1xi32>
    %shift_left3A = arith.constant 13 : i32
    %shift_left3A_30 = vector.broadcast %shift_left3A : i32 to vector<1024x1xi32>
    %shift_left3A_31 = arith.shli %add3A_28, %shift_left3A_30 : vector<1024x1xi32>
    %shift_right_logical3A = arith.constant 19 : i32
    %shift_right_logical3A_32 = vector.broadcast %shift_right_logical3A : i32 to vector<1024x1xi32>
    %shift_right_logical3A_33 = arith.shrui %add3A_28, %shift_right_logical3A_32 : vector<1024x1xi32>
    %or3A = arith.ori %shift_left3A_31, %shift_right_logical3A_33 : vector<1024x1xi32>
    %xor3A_34 = arith.xori %add3A_29, %or3A : vector<1024x1xi32>
    %add3A_35 = arith.addi %add3A_29, %xor3A_34 : vector<1024x1xi32>
    %shift_left3A_36 = arith.constant 15 : i32
    %shift_left3A_37 = vector.broadcast %shift_left3A_36 : i32 to vector<1024x1xi32>
    %shift_left3A_38 = arith.shli %xor3A_34, %shift_left3A_37 : vector<1024x1xi32>
    %shift_right_logical3A_39 = arith.constant 17 : i32
    %shift_right_logical3A_40 = vector.broadcast %shift_right_logical3A_39 : i32 to vector<1024x1xi32>
    %shift_right_logical3A_41 = arith.shrui %xor3A_34, %shift_right_logical3A_40 : vector<1024x1xi32>
    %or3A_42 = arith.ori %shift_left3A_38, %shift_right_logical3A_41 : vector<1024x1xi32>
    %xor3A_43 = arith.xori %add3A_35, %or3A_42 : vector<1024x1xi32>
    %add3A_44 = arith.addi %add3A_35, %xor3A_43 : vector<1024x1xi32>
    %shift_left3A_45 = arith.constant 26 : i32
    %shift_left3A_46 = vector.broadcast %shift_left3A_45 : i32 to vector<1024x1xi32>
    %shift_left3A_47 = arith.shli %xor3A_43, %shift_left3A_46 : vector<1024x1xi32>
    %shift_right_logical3A_48 = arith.constant 6 : i32
    %shift_right_logical3A_49 = vector.broadcast %shift_right_logical3A_48 : i32 to vector<1024x1xi32>
    %shift_right_logical3A_50 = arith.shrui %xor3A_43, %shift_right_logical3A_49 : vector<1024x1xi32>
    %or3A_51 = arith.ori %shift_left3A_47, %shift_right_logical3A_50 : vector<1024x1xi32>
    %xor3A_52 = arith.xori %add3A_44, %or3A_51 : vector<1024x1xi32>
    %add3A_53 = arith.addi %add3A_44, %xor3A_52 : vector<1024x1xi32>
    %shift_left3A_54 = arith.constant 6 : i32
    %shift_left3A_55 = vector.broadcast %shift_left3A_54 : i32 to vector<1024x1xi32>
    %shift_left3A_56 = arith.shli %xor3A_52, %shift_left3A_55 : vector<1024x1xi32>
    %shift_right_logical3A_57 = arith.constant 26 : i32
    %shift_right_logical3A_58 = vector.broadcast %shift_right_logical3A_57 : i32 to vector<1024x1xi32>
    %shift_right_logical3A_59 = arith.shrui %xor3A_52, %shift_right_logical3A_58 : vector<1024x1xi32>
    %or3A_60 = arith.ori %shift_left3A_56, %shift_right_logical3A_59 : vector<1024x1xi32>
    %xor3A_61 = arith.xori %add3A_53, %or3A_60 : vector<1024x1xi32>
    %add3A_62 = vector.broadcast %get3A_20 : i32 to vector<1024x1xi32>
    %add3A_63 = arith.addi %add3A_53, %add3A_62 : vector<1024x1xi32>
    %add3A_64 = vector.broadcast %xor3A_24 : i32 to vector<1024x1xi32>
    %add3A_65 = arith.addi %xor3A_61, %add3A_64 : vector<1024x1xi32>
    %add3A_66 = arith.constant 1 : i32
    %add3A_67 = vector.broadcast %add3A_66 : i32 to vector<1024x1xi32>
    %add3A_68 = arith.addi %add3A_65, %add3A_67 : vector<1024x1xi32>
    %add3A_69 = arith.addi %add3A_63, %add3A_68 : vector<1024x1xi32>
    %shift_left3A_70 = arith.constant 17 : i32
    %shift_left3A_71 = vector.broadcast %shift_left3A_70 : i32 to vector<1024x1xi32>
    %shift_left3A_72 = arith.shli %add3A_68, %shift_left3A_71 : vector<1024x1xi32>
    %shift_right_logical3A_73 = arith.constant 15 : i32
    %shift_right_logical3A_74 = vector.broadcast %shift_right_logical3A_73 : i32 to vector<1024x1xi32>
    %shift_right_logical3A_75 = arith.shrui %add3A_68, %shift_right_logical3A_74 : vector<1024x1xi32>
    %or3A_76 = arith.ori %shift_left3A_72, %shift_right_logical3A_75 : vector<1024x1xi32>
    %xor3A_77 = arith.xori %add3A_69, %or3A_76 : vector<1024x1xi32>
    %add3A_78 = arith.addi %add3A_69, %xor3A_77 : vector<1024x1xi32>
    %shift_left3A_79 = arith.constant 29 : i32
    %shift_left3A_80 = vector.broadcast %shift_left3A_79 : i32 to vector<1024x1xi32>
    %shift_left3A_81 = arith.shli %xor3A_77, %shift_left3A_80 : vector<1024x1xi32>
    %shift_right_logical3A_82 = arith.constant 3 : i32
    %shift_right_logical3A_83 = vector.broadcast %shift_right_logical3A_82 : i32 to vector<1024x1xi32>
    %shift_right_logical3A_84 = arith.shrui %xor3A_77, %shift_right_logical3A_83 : vector<1024x1xi32>
    %or3A_85 = arith.ori %shift_left3A_81, %shift_right_logical3A_84 : vector<1024x1xi32>
    %xor3A_86 = arith.xori %add3A_78, %or3A_85 : vector<1024x1xi32>
    %add3A_87 = arith.addi %add3A_78, %xor3A_86 : vector<1024x1xi32>
    %shift_left3A_88 = arith.constant 16 : i32
    %shift_left3A_89 = vector.broadcast %shift_left3A_88 : i32 to vector<1024x1xi32>
    %shift_left3A_90 = arith.shli %xor3A_86, %shift_left3A_89 : vector<1024x1xi32>
    %shift_right_logical3A_91 = arith.constant 16 : i32
    %shift_right_logical3A_92 = vector.broadcast %shift_right_logical3A_91 : i32 to vector<1024x1xi32>
    %shift_right_logical3A_93 = arith.shrui %xor3A_86, %shift_right_logical3A_92 : vector<1024x1xi32>
    %or3A_94 = arith.ori %shift_left3A_90, %shift_right_logical3A_93 : vector<1024x1xi32>
    %xor3A_95 = arith.xori %add3A_87, %or3A_94 : vector<1024x1xi32>
    %add3A_96 = arith.addi %add3A_87, %xor3A_95 : vector<1024x1xi32>
    %shift_left3A_97 = arith.constant 24 : i32
    %shift_left3A_98 = vector.broadcast %shift_left3A_97 : i32 to vector<1024x1xi32>
    %shift_left3A_99 = arith.shli %xor3A_95, %shift_left3A_98 : vector<1024x1xi32>
    %shift_right_logical3A_100 = arith.constant 8 : i32
    %shift_right_logical3A_101 = vector.broadcast %shift_right_logical3A_100 : i32 to vector<1024x1xi32>
    %shift_right_logical3A_102 = arith.shrui %xor3A_95, %shift_right_logical3A_101 : vector<1024x1xi32>
    %or3A_103 = arith.ori %shift_left3A_99, %shift_right_logical3A_102 : vector<1024x1xi32>
    %xor3A_104 = arith.xori %add3A_96, %or3A_103 : vector<1024x1xi32>
    %add3A_105 = vector.broadcast %xor3A_24 : i32 to vector<1024x1xi32>
    %add3A_106 = arith.addi %add3A_96, %add3A_105 : vector<1024x1xi32>
    %add3A_107 = vector.broadcast %get3A_17 : i32 to vector<1024x1xi32>
    %add3A_108 = arith.addi %xor3A_104, %add3A_107 : vector<1024x1xi32>
    %add3A_109 = arith.constant 2 : i32
    %add3A_110 = vector.broadcast %add3A_109 : i32 to vector<1024x1xi32>
    %add3A_111 = arith.addi %add3A_108, %add3A_110 : vector<1024x1xi32>
    %add3A_112 = arith.addi %add3A_106, %add3A_111 : vector<1024x1xi32>
    %shift_left3A_113 = arith.constant 13 : i32
    %shift_left3A_114 = vector.broadcast %shift_left3A_113 : i32 to vector<1024x1xi32>
    %shift_left3A_115 = arith.shli %add3A_111, %shift_left3A_114 : vector<1024x1xi32>
    %shift_right_logical3A_116 = arith.constant 19 : i32
    %shift_right_logical3A_117 = vector.broadcast %shift_right_logical3A_116 : i32 to vector<1024x1xi32>
    %shift_right_logical3A_118 = arith.shrui %add3A_111, %shift_right_logical3A_117 : vector<1024x1xi32>
    %or3A_119 = arith.ori %shift_left3A_115, %shift_right_logical3A_118 : vector<1024x1xi32>
    %xor3A_120 = arith.xori %add3A_112, %or3A_119 : vector<1024x1xi32>
    %add3A_121 = arith.addi %add3A_112, %xor3A_120 : vector<1024x1xi32>
    %shift_left3A_122 = arith.constant 15 : i32
    %shift_left3A_123 = vector.broadcast %shift_left3A_122 : i32 to vector<1024x1xi32>
    %shift_left3A_124 = arith.shli %xor3A_120, %shift_left3A_123 : vector<1024x1xi32>
    %shift_right_logical3A_125 = arith.constant 17 : i32
    %shift_right_logical3A_126 = vector.broadcast %shift_right_logical3A_125 : i32 to vector<1024x1xi32>
    %shift_right_logical3A_127 = arith.shrui %xor3A_120, %shift_right_logical3A_126 : vector<1024x1xi32>
    %or3A_128 = arith.ori %shift_left3A_124, %shift_right_logical3A_127 : vector<1024x1xi32>
    %xor3A_129 = arith.xori %add3A_121, %or3A_128 : vector<1024x1xi32>
    %add3A_130 = arith.addi %add3A_121, %xor3A_129 : vector<1024x1xi32>
    %shift_left3A_131 = arith.constant 26 : i32
    %shift_left3A_132 = vector.broadcast %shift_left3A_131 : i32 to vector<1024x1xi32>
    %shift_left3A_133 = arith.shli %xor3A_129, %shift_left3A_132 : vector<1024x1xi32>
    %shift_right_logical3A_134 = arith.constant 6 : i32
    %shift_right_logical3A_135 = vector.broadcast %shift_right_logical3A_134 : i32 to vector<1024x1xi32>
    %shift_right_logical3A_136 = arith.shrui %xor3A_129, %shift_right_logical3A_135 : vector<1024x1xi32>
    %or3A_137 = arith.ori %shift_left3A_133, %shift_right_logical3A_136 : vector<1024x1xi32>
    %xor3A_138 = arith.xori %add3A_130, %or3A_137 : vector<1024x1xi32>
    %add3A_139 = arith.addi %add3A_130, %xor3A_138 : vector<1024x1xi32>
    %shift_left3A_140 = arith.constant 6 : i32
    %shift_left3A_141 = vector.broadcast %shift_left3A_140 : i32 to vector<1024x1xi32>
    %shift_left3A_142 = arith.shli %xor3A_138, %shift_left3A_141 : vector<1024x1xi32>
    %shift_right_logical3A_143 = arith.constant 26 : i32
    %shift_right_logical3A_144 = vector.broadcast %shift_right_logical3A_143 : i32 to vector<1024x1xi32>
    %shift_right_logical3A_145 = arith.shrui %xor3A_138, %shift_right_logical3A_144 : vector<1024x1xi32>
    %or3A_146 = arith.ori %shift_left3A_142, %shift_right_logical3A_145 : vector<1024x1xi32>
    %xor3A_147 = arith.xori %add3A_139, %or3A_146 : vector<1024x1xi32>
    %add3A_148 = vector.broadcast %get3A_17 : i32 to vector<1024x1xi32>
    %add3A_149 = arith.addi %add3A_139, %add3A_148 : vector<1024x1xi32>
    %add3A_150 = vector.broadcast %get3A_20 : i32 to vector<1024x1xi32>
    %add3A_151 = arith.addi %xor3A_147, %add3A_150 : vector<1024x1xi32>
    %add3A_152 = arith.constant 3 : i32
    %add3A_153 = vector.broadcast %add3A_152 : i32 to vector<1024x1xi32>
    %add3A_154 = arith.addi %add3A_151, %add3A_153 : vector<1024x1xi32>
    %add3A_155 = arith.addi %add3A_149, %add3A_154 : vector<1024x1xi32>
    %shift_left3A_156 = arith.constant 17 : i32
    %shift_left3A_157 = vector.broadcast %shift_left3A_156 : i32 to vector<1024x1xi32>
    %shift_left3A_158 = arith.shli %add3A_154, %shift_left3A_157 : vector<1024x1xi32>
    %shift_right_logical3A_159 = arith.constant 15 : i32
    %shift_right_logical3A_160 = vector.broadcast %shift_right_logical3A_159 : i32 to vector<1024x1xi32>
    %shift_right_logical3A_161 = arith.shrui %add3A_154, %shift_right_logical3A_160 : vector<1024x1xi32>
    %or3A_162 = arith.ori %shift_left3A_158, %shift_right_logical3A_161 : vector<1024x1xi32>
    %xor3A_163 = arith.xori %add3A_155, %or3A_162 : vector<1024x1xi32>
    %add3A_164 = arith.addi %add3A_155, %xor3A_163 : vector<1024x1xi32>
    %shift_left3A_165 = arith.constant 29 : i32
    %shift_left3A_166 = vector.broadcast %shift_left3A_165 : i32 to vector<1024x1xi32>
    %shift_left3A_167 = arith.shli %xor3A_163, %shift_left3A_166 : vector<1024x1xi32>
    %shift_right_logical3A_168 = arith.constant 3 : i32
    %shift_right_logical3A_169 = vector.broadcast %shift_right_logical3A_168 : i32 to vector<1024x1xi32>
    %shift_right_logical3A_170 = arith.shrui %xor3A_163, %shift_right_logical3A_169 : vector<1024x1xi32>
    %or3A_171 = arith.ori %shift_left3A_167, %shift_right_logical3A_170 : vector<1024x1xi32>
    %xor3A_172 = arith.xori %add3A_164, %or3A_171 : vector<1024x1xi32>
    %add3A_173 = arith.addi %add3A_164, %xor3A_172 : vector<1024x1xi32>
    %shift_left3A_174 = arith.constant 16 : i32
    %shift_left3A_175 = vector.broadcast %shift_left3A_174 : i32 to vector<1024x1xi32>
    %shift_left3A_176 = arith.shli %xor3A_172, %shift_left3A_175 : vector<1024x1xi32>
    %shift_right_logical3A_177 = arith.constant 16 : i32
    %shift_right_logical3A_178 = vector.broadcast %shift_right_logical3A_177 : i32 to vector<1024x1xi32>
    %shift_right_logical3A_179 = arith.shrui %xor3A_172, %shift_right_logical3A_178 : vector<1024x1xi32>
    %or3A_180 = arith.ori %shift_left3A_176, %shift_right_logical3A_179 : vector<1024x1xi32>
    %xor3A_181 = arith.xori %add3A_173, %or3A_180 : vector<1024x1xi32>
    %add3A_182 = arith.addi %add3A_173, %xor3A_181 : vector<1024x1xi32>
    %shift_left3A_183 = arith.constant 24 : i32
    %shift_left3A_184 = vector.broadcast %shift_left3A_183 : i32 to vector<1024x1xi32>
    %shift_left3A_185 = arith.shli %xor3A_181, %shift_left3A_184 : vector<1024x1xi32>
    %shift_right_logical3A_186 = arith.constant 8 : i32
    %shift_right_logical3A_187 = vector.broadcast %shift_right_logical3A_186 : i32 to vector<1024x1xi32>
    %shift_right_logical3A_188 = arith.shrui %xor3A_181, %shift_right_logical3A_187 : vector<1024x1xi32>
    %or3A_189 = arith.ori %shift_left3A_185, %shift_right_logical3A_188 : vector<1024x1xi32>
    %xor3A_190 = arith.xori %add3A_182, %or3A_189 : vector<1024x1xi32>
    %add3A_191 = vector.broadcast %get3A_20 : i32 to vector<1024x1xi32>
    %add3A_192 = arith.addi %add3A_182, %add3A_191 : vector<1024x1xi32>
    %add3A_193 = vector.broadcast %xor3A_24 : i32 to vector<1024x1xi32>
    %add3A_194 = arith.addi %xor3A_190, %add3A_193 : vector<1024x1xi32>
    %add3A_195 = arith.constant 4 : i32
    %add3A_196 = vector.broadcast %add3A_195 : i32 to vector<1024x1xi32>
    %add3A_197 = arith.addi %add3A_194, %add3A_196 : vector<1024x1xi32>
    %add3A_198 = arith.addi %add3A_192, %add3A_197 : vector<1024x1xi32>
    %shift_left3A_199 = arith.constant 13 : i32
    %shift_left3A_200 = vector.broadcast %shift_left3A_199 : i32 to vector<1024x1xi32>
    %shift_left3A_201 = arith.shli %add3A_197, %shift_left3A_200 : vector<1024x1xi32>
    %shift_right_logical3A_202 = arith.constant 19 : i32
    %shift_right_logical3A_203 = vector.broadcast %shift_right_logical3A_202 : i32 to vector<1024x1xi32>
    %shift_right_logical3A_204 = arith.shrui %add3A_197, %shift_right_logical3A_203 : vector<1024x1xi32>
    %or3A_205 = arith.ori %shift_left3A_201, %shift_right_logical3A_204 : vector<1024x1xi32>
    %xor3A_206 = arith.xori %add3A_198, %or3A_205 : vector<1024x1xi32>
    %add3A_207 = arith.addi %add3A_198, %xor3A_206 : vector<1024x1xi32>
    %shift_left3A_208 = arith.constant 15 : i32
    %shift_left3A_209 = vector.broadcast %shift_left3A_208 : i32 to vector<1024x1xi32>
    %shift_left3A_210 = arith.shli %xor3A_206, %shift_left3A_209 : vector<1024x1xi32>
    %shift_right_logical3A_211 = arith.constant 17 : i32
    %shift_right_logical3A_212 = vector.broadcast %shift_right_logical3A_211 : i32 to vector<1024x1xi32>
    %shift_right_logical3A_213 = arith.shrui %xor3A_206, %shift_right_logical3A_212 : vector<1024x1xi32>
    %or3A_214 = arith.ori %shift_left3A_210, %shift_right_logical3A_213 : vector<1024x1xi32>
    %xor3A_215 = arith.xori %add3A_207, %or3A_214 : vector<1024x1xi32>
    %add3A_216 = arith.addi %add3A_207, %xor3A_215 : vector<1024x1xi32>
    %shift_left3A_217 = arith.constant 26 : i32
    %shift_left3A_218 = vector.broadcast %shift_left3A_217 : i32 to vector<1024x1xi32>
    %shift_left3A_219 = arith.shli %xor3A_215, %shift_left3A_218 : vector<1024x1xi32>
    %shift_right_logical3A_220 = arith.constant 6 : i32
    %shift_right_logical3A_221 = vector.broadcast %shift_right_logical3A_220 : i32 to vector<1024x1xi32>
    %shift_right_logical3A_222 = arith.shrui %xor3A_215, %shift_right_logical3A_221 : vector<1024x1xi32>
    %or3A_223 = arith.ori %shift_left3A_219, %shift_right_logical3A_222 : vector<1024x1xi32>
    %xor3A_224 = arith.xori %add3A_216, %or3A_223 : vector<1024x1xi32>
    %add3A_225 = arith.addi %add3A_216, %xor3A_224 : vector<1024x1xi32>
    %shift_left3A_226 = arith.constant 6 : i32
    %shift_left3A_227 = vector.broadcast %shift_left3A_226 : i32 to vector<1024x1xi32>
    %shift_left3A_228 = arith.shli %xor3A_224, %shift_left3A_227 : vector<1024x1xi32>
    %shift_right_logical3A_229 = arith.constant 26 : i32
    %shift_right_logical3A_230 = vector.broadcast %shift_right_logical3A_229 : i32 to vector<1024x1xi32>
    %shift_right_logical3A_231 = arith.shrui %xor3A_224, %shift_right_logical3A_230 : vector<1024x1xi32>
    %or3A_232 = arith.ori %shift_left3A_228, %shift_right_logical3A_231 : vector<1024x1xi32>
    %xor3A_233 = arith.xori %add3A_225, %or3A_232 : vector<1024x1xi32>
    %add3A_234 = vector.broadcast %xor3A_24 : i32 to vector<1024x1xi32>
    %add3A_235 = arith.addi %add3A_225, %add3A_234 : vector<1024x1xi32>
    %add3A_236 = vector.broadcast %get3A_17 : i32 to vector<1024x1xi32>
    %add3A_237 = arith.addi %xor3A_233, %add3A_236 : vector<1024x1xi32>
    %add3A_238 = arith.constant 5 : i32
    %add3A_239 = vector.broadcast %add3A_238 : i32 to vector<1024x1xi32>
    %add3A_240 = arith.addi %add3A_237, %add3A_239 : vector<1024x1xi32>
    %xor3A_241 = arith.xori %add3A_235, %add3A_240 : vector<1024x1xi32>
    %shift_right_logical3A_242 = arith.constant 9 : i32
    %shift_right_logical3A_243 = vector.broadcast %shift_right_logical3A_242 : i32 to vector<1024x1xi32>
    %shift_right_logical3A_244 = arith.shrui %xor3A_241, %shift_right_logical3A_243 : vector<1024x1xi32>
    %or3A_245 = arith.constant 1065353216 : i32
    %or3A_246 = vector.broadcast %or3A_245 : i32 to vector<1024x1xi32>
    %or3A_247 = arith.ori %shift_right_logical3A_244, %or3A_246 : vector<1024x1xi32>
    %bitcast_convert_type3A = tpu.bitcast %or3A_247 : vector<1024x1xi32> -> vector<1024x1xf32>
    %sub3A = arith.constant 1.000000e+00 : f32
    %sub3A_248 = vector.broadcast %sub3A : f32 to vector<1024x1xf32>
    %sub3A_249 = arith.subf %bitcast_convert_type3A, %sub3A_248 : vector<1024x1xf32>
    %sub3A_250 = arith.constant 1.000000e+00 : f32
    %sub3A_251 = vector.broadcast %sub3A_250 : f32 to vector<1024x1xf32>
    %sub3A_252 = arith.subf %sub3A_251, %sub3A_249 : vector<1024x1xf32>
    %log3A = math.log %sub3A_252 : vector<1024x1xf32>
    %add3A_253 = arith.addf %log3A, %mul3A_14 : vector<1024x1xf32>
    %get3A_254 = arith.constant 2 : index
    %get3A_255 = arith.constant 0 : index
    %get3A_256 = memref.load %arg1[%get3A_254, %get3A_255] : memref<54x2xi32, #tpu.memory_space<smem>>
    %get3A_257 = arith.constant 2 : index
    %get3A_258 = arith.constant 1 : index
    %get3A_259 = memref.load %arg1[%get3A_257, %get3A_258] : memref<54x2xi32, #tpu.memory_space<smem>>
    %broadcast_in_dim3A_260 = arith.constant 0 : i32
    %broadcast_in_dim3A_261 = vector.broadcast %broadcast_in_dim3A_260 : i32 to vector<1024x128xi32>
    %xor3A_262 = arith.xori %get3A_256, %get3A_259 : i32
    %xor3A_263 = arith.constant 466688986 : i32
    %xor3A_264 = arith.xori %xor3A_262, %xor3A_263 : i32
    %add3A_265 = vector.broadcast %get3A_256 : i32 to vector<1024x128xi32>
    %add3A_266 = arith.addi %broadcast_in_dim3A_261, %add3A_265 : vector<1024x128xi32>
    %add3A_267 = vector.broadcast %get3A_259 : i32 to vector<1024x128xi32>
    %add3A_268 = arith.addi %add3A_9, %add3A_267 : vector<1024x128xi32>
    %add3A_269 = arith.addi %add3A_266, %add3A_268 : vector<1024x128xi32>
    %shift_left3A_270 = arith.constant 13 : i32
    %shift_left3A_271 = vector.broadcast %shift_left3A_270 : i32 to vector<1024x128xi32>
    %shift_left3A_272 = arith.shli %add3A_268, %shift_left3A_271 : vector<1024x128xi32>
    %shift_right_logical3A_273 = arith.constant 19 : i32
    %shift_right_logical3A_274 = vector.broadcast %shift_right_logical3A_273 : i32 to vector<1024x128xi32>
    %shift_right_logical3A_275 = arith.shrui %add3A_268, %shift_right_logical3A_274 : vector<1024x128xi32>
    %or3A_276 = arith.ori %shift_left3A_272, %shift_right_logical3A_275 : vector<1024x128xi32>
    %xor3A_277 = arith.xori %add3A_269, %or3A_276 : vector<1024x128xi32>
    %add3A_278 = arith.addi %add3A_269, %xor3A_277 : vector<1024x128xi32>
    %shift_left3A_279 = arith.constant 15 : i32
    %shift_left3A_280 = vector.broadcast %shift_left3A_279 : i32 to vector<1024x128xi32>
    %shift_left3A_281 = arith.shli %xor3A_277, %shift_left3A_280 : vector<1024x128xi32>
    %shift_right_logical3A_282 = arith.constant 17 : i32
    %shift_right_logical3A_283 = vector.broadcast %shift_right_logical3A_282 : i32 to vector<1024x128xi32>
    %shift_right_logical3A_284 = arith.shrui %xor3A_277, %shift_right_logical3A_283 : vector<1024x128xi32>
    %or3A_285 = arith.ori %shift_left3A_281, %shift_right_logical3A_284 : vector<1024x128xi32>
    %xor3A_286 = arith.xori %add3A_278, %or3A_285 : vector<1024x128xi32>
    %add3A_287 = arith.addi %add3A_278, %xor3A_286 : vector<1024x128xi32>
    %shift_left3A_288 = arith.constant 26 : i32
    %shift_left3A_289 = vector.broadcast %shift_left3A_288 : i32 to vector<1024x128xi32>
    %shift_left3A_290 = arith.shli %xor3A_286, %shift_left3A_289 : vector<1024x128xi32>
    %shift_right_logical3A_291 = arith.constant 6 : i32
    %shift_right_logical3A_292 = vector.broadcast %shift_right_logical3A_291 : i32 to vector<1024x128xi32>
    %shift_right_logical3A_293 = arith.shrui %xor3A_286, %shift_right_logical3A_292 : vector<1024x128xi32>
    %or3A_294 = arith.ori %shift_left3A_290, %shift_right_logical3A_293 : vector<1024x128xi32>
    %xor3A_295 = arith.xori %add3A_287, %or3A_294 : vector<1024x128xi32>
    %add3A_296 = arith.addi %add3A_287, %xor3A_295 : vector<1024x128xi32>
    %shift_left3A_297 = arith.constant 6 : i32
    %shift_left3A_298 = vector.broadcast %shift_left3A_297 : i32 to vector<1024x128xi32>
    %shift_left3A_299 = arith.shli %xor3A_295, %shift_left3A_298 : vector<1024x128xi32>
    %shift_right_logical3A_300 = arith.constant 26 : i32
    %shift_right_logical3A_301 = vector.broadcast %shift_right_logical3A_300 : i32 to vector<1024x128xi32>
    %shift_right_logical3A_302 = arith.shrui %xor3A_295, %shift_right_logical3A_301 : vector<1024x128xi32>
    %or3A_303 = arith.ori %shift_left3A_299, %shift_right_logical3A_302 : vector<1024x128xi32>
    %xor3A_304 = arith.xori %add3A_296, %or3A_303 : vector<1024x128xi32>
    %add3A_305 = vector.broadcast %get3A_259 : i32 to vector<1024x128xi32>
    %add3A_306 = arith.addi %add3A_296, %add3A_305 : vector<1024x128xi32>
    %add3A_307 = vector.broadcast %xor3A_264 : i32 to vector<1024x128xi32>
    %add3A_308 = arith.addi %xor3A_304, %add3A_307 : vector<1024x128xi32>
    %add3A_309 = arith.constant 1 : i32
    %add3A_310 = vector.broadcast %add3A_309 : i32 to vector<1024x128xi32>
    %add3A_311 = arith.addi %add3A_308, %add3A_310 : vector<1024x128xi32>
    %add3A_312 = arith.addi %add3A_306, %add3A_311 : vector<1024x128xi32>
    %shift_left3A_313 = arith.constant 17 : i32
    %shift_left3A_314 = vector.broadcast %shift_left3A_313 : i32 to vector<1024x128xi32>
    %shift_left3A_315 = arith.shli %add3A_311, %shift_left3A_314 : vector<1024x128xi32>
    %shift_right_logical3A_316 = arith.constant 15 : i32
    %shift_right_logical3A_317 = vector.broadcast %shift_right_logical3A_316 : i32 to vector<1024x128xi32>
    %shift_right_logical3A_318 = arith.shrui %add3A_311, %shift_right_logical3A_317 : vector<1024x128xi32>
    %or3A_319 = arith.ori %shift_left3A_315, %shift_right_logical3A_318 : vector<1024x128xi32>
    %xor3A_320 = arith.xori %add3A_312, %or3A_319 : vector<1024x128xi32>
    %add3A_321 = arith.addi %add3A_312, %xor3A_320 : vector<1024x128xi32>
    %shift_left3A_322 = arith.constant 29 : i32
    %shift_left3A_323 = vector.broadcast %shift_left3A_322 : i32 to vector<1024x128xi32>
    %shift_left3A_324 = arith.shli %xor3A_320, %shift_left3A_323 : vector<1024x128xi32>
    %shift_right_logical3A_325 = arith.constant 3 : i32
    %shift_right_logical3A_326 = vector.broadcast %shift_right_logical3A_325 : i32 to vector<1024x128xi32>
    %shift_right_logical3A_327 = arith.shrui %xor3A_320, %shift_right_logical3A_326 : vector<1024x128xi32>
    %or3A_328 = arith.ori %shift_left3A_324, %shift_right_logical3A_327 : vector<1024x128xi32>
    %xor3A_329 = arith.xori %add3A_321, %or3A_328 : vector<1024x128xi32>
    %add3A_330 = arith.addi %add3A_321, %xor3A_329 : vector<1024x128xi32>
    %shift_left3A_331 = arith.constant 16 : i32
    %shift_left3A_332 = vector.broadcast %shift_left3A_331 : i32 to vector<1024x128xi32>
    %shift_left3A_333 = arith.shli %xor3A_329, %shift_left3A_332 : vector<1024x128xi32>
    %shift_right_logical3A_334 = arith.constant 16 : i32
    %shift_right_logical3A_335 = vector.broadcast %shift_right_logical3A_334 : i32 to vector<1024x128xi32>
    %shift_right_logical3A_336 = arith.shrui %xor3A_329, %shift_right_logical3A_335 : vector<1024x128xi32>
    %or3A_337 = arith.ori %shift_left3A_333, %shift_right_logical3A_336 : vector<1024x128xi32>
    %xor3A_338 = arith.xori %add3A_330, %or3A_337 : vector<1024x128xi32>
    %add3A_339 = arith.addi %add3A_330, %xor3A_338 : vector<1024x128xi32>
    %shift_left3A_340 = arith.constant 24 : i32
    %shift_left3A_341 = vector.broadcast %shift_left3A_340 : i32 to vector<1024x128xi32>
    %shift_left3A_342 = arith.shli %xor3A_338, %shift_left3A_341 : vector<1024x128xi32>
    %shift_right_logical3A_343 = arith.constant 8 : i32
    %shift_right_logical3A_344 = vector.broadcast %shift_right_logical3A_343 : i32 to vector<1024x128xi32>
    %shift_right_logical3A_345 = arith.shrui %xor3A_338, %shift_right_logical3A_344 : vector<1024x128xi32>
    %or3A_346 = arith.ori %shift_left3A_342, %shift_right_logical3A_345 : vector<1024x128xi32>
    %xor3A_347 = arith.xori %add3A_339, %or3A_346 : vector<1024x128xi32>
    %add3A_348 = vector.broadcast %xor3A_264 : i32 to vector<1024x128xi32>
    %add3A_349 = arith.addi %add3A_339, %add3A_348 : vector<1024x128xi32>
    %add3A_350 = vector.broadcast %get3A_256 : i32 to vector<1024x128xi32>
    %add3A_351 = arith.addi %xor3A_347, %add3A_350 : vector<1024x128xi32>
    %add3A_352 = arith.constant 2 : i32
    %add3A_353 = vector.broadcast %add3A_352 : i32 to vector<1024x128xi32>
    %add3A_354 = arith.addi %add3A_351, %add3A_353 : vector<1024x128xi32>
    %add3A_355 = arith.addi %add3A_349, %add3A_354 : vector<1024x128xi32>
    %shift_left3A_356 = arith.constant 13 : i32
    %shift_left3A_357 = vector.broadcast %shift_left3A_356 : i32 to vector<1024x128xi32>
    %shift_left3A_358 = arith.shli %add3A_354, %shift_left3A_357 : vector<1024x128xi32>
    %shift_right_logical3A_359 = arith.constant 19 : i32
    %shift_right_logical3A_360 = vector.broadcast %shift_right_logical3A_359 : i32 to vector<1024x128xi32>
    %shift_right_logical3A_361 = arith.shrui %add3A_354, %shift_right_logical3A_360 : vector<1024x128xi32>
    %or3A_362 = arith.ori %shift_left3A_358, %shift_right_logical3A_361 : vector<1024x128xi32>
    %xor3A_363 = arith.xori %add3A_355, %or3A_362 : vector<1024x128xi32>
    %add3A_364 = arith.addi %add3A_355, %xor3A_363 : vector<1024x128xi32>
    %shift_left3A_365 = arith.constant 15 : i32
    %shift_left3A_366 = vector.broadcast %shift_left3A_365 : i32 to vector<1024x128xi32>
    %shift_left3A_367 = arith.shli %xor3A_363, %shift_left3A_366 : vector<1024x128xi32>
    %shift_right_logical3A_368 = arith.constant 17 : i32
    %shift_right_logical3A_369 = vector.broadcast %shift_right_logical3A_368 : i32 to vector<1024x128xi32>
    %shift_right_logical3A_370 = arith.shrui %xor3A_363, %shift_right_logical3A_369 : vector<1024x128xi32>
    %or3A_371 = arith.ori %shift_left3A_367, %shift_right_logical3A_370 : vector<1024x128xi32>
    %xor3A_372 = arith.xori %add3A_364, %or3A_371 : vector<1024x128xi32>
    %add3A_373 = arith.addi %add3A_364, %xor3A_372 : vector<1024x128xi32>
    %shift_left3A_374 = arith.constant 26 : i32
    %shift_left3A_375 = vector.broadcast %shift_left3A_374 : i32 to vector<1024x128xi32>
    %shift_left3A_376 = arith.shli %xor3A_372, %shift_left3A_375 : vector<1024x128xi32>
    %shift_right_logical3A_377 = arith.constant 6 : i32
    %shift_right_logical3A_378 = vector.broadcast %shift_right_logical3A_377 : i32 to vector<1024x128xi32>
    %shift_right_logical3A_379 = arith.shrui %xor3A_372, %shift_right_logical3A_378 : vector<1024x128xi32>
    %or3A_380 = arith.ori %shift_left3A_376, %shift_right_logical3A_379 : vector<1024x128xi32>
    %xor3A_381 = arith.xori %add3A_373, %or3A_380 : vector<1024x128xi32>
    %add3A_382 = arith.addi %add3A_373, %xor3A_381 : vector<1024x128xi32>
    %shift_left3A_383 = arith.constant 6 : i32
    %shift_left3A_384 = vector.broadcast %shift_left3A_383 : i32 to vector<1024x128xi32>
    %shift_left3A_385 = arith.shli %xor3A_381, %shift_left3A_384 : vector<1024x128xi32>
    %shift_right_logical3A_386 = arith.constant 26 : i32
    %shift_right_logical3A_387 = vector.broadcast %shift_right_logical3A_386 : i32 to vector<1024x128xi32>
    %shift_right_logical3A_388 = arith.shrui %xor3A_381, %shift_right_logical3A_387 : vector<1024x128xi32>
    %or3A_389 = arith.ori %shift_left3A_385, %shift_right_logical3A_388 : vector<1024x128xi32>
    %xor3A_390 = arith.xori %add3A_382, %or3A_389 : vector<1024x128xi32>
    %add3A_391 = vector.broadcast %get3A_256 : i32 to vector<1024x128xi32>
    %add3A_392 = arith.addi %add3A_382, %add3A_391 : vector<1024x128xi32>
    %add3A_393 = vector.broadcast %get3A_259 : i32 to vector<1024x128xi32>
    %add3A_394 = arith.addi %xor3A_390, %add3A_393 : vector<1024x128xi32>
    %add3A_395 = arith.constant 3 : i32
    %add3A_396 = vector.broadcast %add3A_395 : i32 to vector<1024x128xi32>
    %add3A_397 = arith.addi %add3A_394, %add3A_396 : vector<1024x128xi32>
    %add3A_398 = arith.addi %add3A_392, %add3A_397 : vector<1024x128xi32>
    %shift_left3A_399 = arith.constant 17 : i32
    %shift_left3A_400 = vector.broadcast %shift_left3A_399 : i32 to vector<1024x128xi32>
    %shift_left3A_401 = arith.shli %add3A_397, %shift_left3A_400 : vector<1024x128xi32>
    %shift_right_logical3A_402 = arith.constant 15 : i32
    %shift_right_logical3A_403 = vector.broadcast %shift_right_logical3A_402 : i32 to vector<1024x128xi32>
    %shift_right_logical3A_404 = arith.shrui %add3A_397, %shift_right_logical3A_403 : vector<1024x128xi32>
    %or3A_405 = arith.ori %shift_left3A_401, %shift_right_logical3A_404 : vector<1024x128xi32>
    %xor3A_406 = arith.xori %add3A_398, %or3A_405 : vector<1024x128xi32>
    %add3A_407 = arith.addi %add3A_398, %xor3A_406 : vector<1024x128xi32>
    %shift_left3A_408 = arith.constant 29 : i32
    %shift_left3A_409 = vector.broadcast %shift_left3A_408 : i32 to vector<1024x128xi32>
    %shift_left3A_410 = arith.shli %xor3A_406, %shift_left3A_409 : vector<1024x128xi32>
    %shift_right_logical3A_411 = arith.constant 3 : i32
    %shift_right_logical3A_412 = vector.broadcast %shift_right_logical3A_411 : i32 to vector<1024x128xi32>
    %shift_right_logical3A_413 = arith.shrui %xor3A_406, %shift_right_logical3A_412 : vector<1024x128xi32>
    %or3A_414 = arith.ori %shift_left3A_410, %shift_right_logical3A_413 : vector<1024x128xi32>
    %xor3A_415 = arith.xori %add3A_407, %or3A_414 : vector<1024x128xi32>
    %add3A_416 = arith.addi %add3A_407, %xor3A_415 : vector<1024x128xi32>
    %shift_left3A_417 = arith.constant 16 : i32
    %shift_left3A_418 = vector.broadcast %shift_left3A_417 : i32 to vector<1024x128xi32>
    %shift_left3A_419 = arith.shli %xor3A_415, %shift_left3A_418 : vector<1024x128xi32>
    %shift_right_logical3A_420 = arith.constant 16 : i32
    %shift_right_logical3A_421 = vector.broadcast %shift_right_logical3A_420 : i32 to vector<1024x128xi32>
    %shift_right_logical3A_422 = arith.shrui %xor3A_415, %shift_right_logical3A_421 : vector<1024x128xi32>
    %or3A_423 = arith.ori %shift_left3A_419, %shift_right_logical3A_422 : vector<1024x128xi32>
    %xor3A_424 = arith.xori %add3A_416, %or3A_423 : vector<1024x128xi32>
    %add3A_425 = arith.addi %add3A_416, %xor3A_424 : vector<1024x128xi32>
    %shift_left3A_426 = arith.constant 24 : i32
    %shift_left3A_427 = vector.broadcast %shift_left3A_426 : i32 to vector<1024x128xi32>
    %shift_left3A_428 = arith.shli %xor3A_424, %shift_left3A_427 : vector<1024x128xi32>
    %shift_right_logical3A_429 = arith.constant 8 : i32
    %shift_right_logical3A_430 = vector.broadcast %shift_right_logical3A_429 : i32 to vector<1024x128xi32>
    %shift_right_logical3A_431 = arith.shrui %xor3A_424, %shift_right_logical3A_430 : vector<1024x128xi32>
    %or3A_432 = arith.ori %shift_left3A_428, %shift_right_logical3A_431 : vector<1024x128xi32>
    %xor3A_433 = arith.xori %add3A_425, %or3A_432 : vector<1024x128xi32>
    %add3A_434 = vector.broadcast %get3A_259 : i32 to vector<1024x128xi32>
    %add3A_435 = arith.addi %add3A_425, %add3A_434 : vector<1024x128xi32>
    %add3A_436 = vector.broadcast %xor3A_264 : i32 to vector<1024x128xi32>
    %add3A_437 = arith.addi %xor3A_433, %add3A_436 : vector<1024x128xi32>
    %add3A_438 = arith.constant 4 : i32
    %add3A_439 = vector.broadcast %add3A_438 : i32 to vector<1024x128xi32>
    %add3A_440 = arith.addi %add3A_437, %add3A_439 : vector<1024x128xi32>
    %add3A_441 = arith.addi %add3A_435, %add3A_440 : vector<1024x128xi32>
    %shift_left3A_442 = arith.constant 13 : i32
    %shift_left3A_443 = vector.broadcast %shift_left3A_442 : i32 to vector<1024x128xi32>
    %shift_left3A_444 = arith.shli %add3A_440, %shift_left3A_443 : vector<1024x128xi32>
    %shift_right_logical3A_445 = arith.constant 19 : i32
    %shift_right_logical3A_446 = vector.broadcast %shift_right_logical3A_445 : i32 to vector<1024x128xi32>
    %shift_right_logical3A_447 = arith.shrui %add3A_440, %shift_right_logical3A_446 : vector<1024x128xi32>
    %or3A_448 = arith.ori %shift_left3A_444, %shift_right_logical3A_447 : vector<1024x128xi32>
    %xor3A_449 = arith.xori %add3A_441, %or3A_448 : vector<1024x128xi32>
    %add3A_450 = arith.addi %add3A_441, %xor3A_449 : vector<1024x128xi32>
    %shift_left3A_451 = arith.constant 15 : i32
    %shift_left3A_452 = vector.broadcast %shift_left3A_451 : i32 to vector<1024x128xi32>
    %shift_left3A_453 = arith.shli %xor3A_449, %shift_left3A_452 : vector<1024x128xi32>
    %shift_right_logical3A_454 = arith.constant 17 : i32
    %shift_right_logical3A_455 = vector.broadcast %shift_right_logical3A_454 : i32 to vector<1024x128xi32>
    %shift_right_logical3A_456 = arith.shrui %xor3A_449, %shift_right_logical3A_455 : vector<1024x128xi32>
    %or3A_457 = arith.ori %shift_left3A_453, %shift_right_logical3A_456 : vector<1024x128xi32>
    %xor3A_458 = arith.xori %add3A_450, %or3A_457 : vector<1024x128xi32>
    %add3A_459 = arith.addi %add3A_450, %xor3A_458 : vector<1024x128xi32>
    %shift_left3A_460 = arith.constant 26 : i32
    %shift_left3A_461 = vector.broadcast %shift_left3A_460 : i32 to vector<1024x128xi32>
    %shift_left3A_462 = arith.shli %xor3A_458, %shift_left3A_461 : vector<1024x128xi32>
    %shift_right_logical3A_463 = arith.constant 6 : i32
    %shift_right_logical3A_464 = vector.broadcast %shift_right_logical3A_463 : i32 to vector<1024x128xi32>
    %shift_right_logical3A_465 = arith.shrui %xor3A_458, %shift_right_logical3A_464 : vector<1024x128xi32>
    %or3A_466 = arith.ori %shift_left3A_462, %shift_right_logical3A_465 : vector<1024x128xi32>
    %xor3A_467 = arith.xori %add3A_459, %or3A_466 : vector<1024x128xi32>
    %add3A_468 = arith.addi %add3A_459, %xor3A_467 : vector<1024x128xi32>
    %shift_left3A_469 = arith.constant 6 : i32
    %shift_left3A_470 = vector.broadcast %shift_left3A_469 : i32 to vector<1024x128xi32>
    %shift_left3A_471 = arith.shli %xor3A_467, %shift_left3A_470 : vector<1024x128xi32>
    %shift_right_logical3A_472 = arith.constant 26 : i32
    %shift_right_logical3A_473 = vector.broadcast %shift_right_logical3A_472 : i32 to vector<1024x128xi32>
    %shift_right_logical3A_474 = arith.shrui %xor3A_467, %shift_right_logical3A_473 : vector<1024x128xi32>
    %or3A_475 = arith.ori %shift_left3A_471, %shift_right_logical3A_474 : vector<1024x128xi32>
    %xor3A_476 = arith.xori %add3A_468, %or3A_475 : vector<1024x128xi32>
    %add3A_477 = vector.broadcast %xor3A_264 : i32 to vector<1024x128xi32>
    %add3A_478 = arith.addi %add3A_468, %add3A_477 : vector<1024x128xi32>
    %add3A_479 = vector.broadcast %get3A_256 : i32 to vector<1024x128xi32>
    %add3A_480 = arith.addi %xor3A_476, %add3A_479 : vector<1024x128xi32>
    %add3A_481 = arith.constant 5 : i32
    %add3A_482 = vector.broadcast %add3A_481 : i32 to vector<1024x128xi32>
    %add3A_483 = arith.addi %add3A_480, %add3A_482 : vector<1024x128xi32>
    %xor3A_484 = arith.xori %add3A_478, %add3A_483 : vector<1024x128xi32>
    %shift_right_logical3A_485 = arith.constant 9 : i32
    %shift_right_logical3A_486 = vector.broadcast %shift_right_logical3A_485 : i32 to vector<1024x128xi32>
    %shift_right_logical3A_487 = arith.shrui %xor3A_484, %shift_right_logical3A_486 : vector<1024x128xi32>
    %or3A_488 = arith.constant 1065353216 : i32
    %or3A_489 = vector.broadcast %or3A_488 : i32 to vector<1024x128xi32>
    %or3A_490 = arith.ori %shift_right_logical3A_487, %or3A_489 : vector<1024x128xi32>
    %bitcast_convert_type3A_491 = tpu.bitcast %or3A_490 : vector<1024x128xi32> -> vector<1024x128xf32>
    %sub3A_492 = arith.constant 1.000000e+00 : f32
    %sub3A_493 = vector.broadcast %sub3A_492 : f32 to vector<1024x128xf32>
    %sub3A_494 = arith.subf %bitcast_convert_type3A_491, %sub3A_493 : vector<1024x128xf32>
    %sub3A_495 = arith.constant 1.000000e+00 : f32
    %sub3A_496 = vector.broadcast %sub3A_495 : f32 to vector<1024x128xf32>
    %sub3A_497 = arith.subf %sub3A_496, %sub3A_494 : vector<1024x128xf32>
    %log3A_498 = math.log %sub3A_497 : vector<1024x128xf32>
    %div3A = arith.constant -1.000000e-01 : f32
    %div3A_499 = vector.broadcast %div3A : f32 to vector<1024x128xf32>
    %div3A_500 = arith.divf %log3A_498, %div3A_499 : vector<1024x128xf32>
    %div3A_501 = arith.constant 2.000000e+00 : f32
    %div3A_502 = vector.broadcast %div3A_501 : f32 to vector<1024x128xf32>
    %div3A_503 = arith.divf %div3A_500, %div3A_502 : vector<1024x128xf32>
    %sub3A_504 = arith.subf %get3A_1, %div3A_503 : vector<1024x128xf32>
    %div3A_505 = arith.constant 2.000000e+00 : f32
    %div3A_506 = vector.broadcast %div3A_505 : f32 to vector<1024x128xf32>
    %div3A_507 = arith.divf %div3A_500, %div3A_506 : vector<1024x128xf32>
    %add3A_508 = arith.addf %get3A_1, %div3A_507 : vector<1024x128xf32>
    %get3A_509 = arith.constant 3 : index
    %get3A_510 = arith.constant 0 : index
    %get3A_511 = memref.load %arg1[%get3A_509, %get3A_510] : memref<54x2xi32, #tpu.memory_space<smem>>
    %get3A_512 = arith.constant 3 : index
    %get3A_513 = arith.constant 1 : index
    %get3A_514 = memref.load %arg1[%get3A_512, %get3A_513] : memref<54x2xi32, #tpu.memory_space<smem>>
    %broadcast_in_dim3A_515 = arith.constant 0 : i32
    %broadcast_in_dim3A_516 = vector.broadcast %broadcast_in_dim3A_515 : i32 to vector<1024x128xi32>
    %xor3A_517 = arith.xori %get3A_511, %get3A_514 : i32
    %xor3A_518 = arith.constant 466688986 : i32
    %xor3A_519 = arith.xori %xor3A_517, %xor3A_518 : i32
    %add3A_520 = vector.broadcast %get3A_511 : i32 to vector<1024x128xi32>
    %add3A_521 = arith.addi %broadcast_in_dim3A_516, %add3A_520 : vector<1024x128xi32>
    %add3A_522 = vector.broadcast %get3A_514 : i32 to vector<1024x128xi32>
    %add3A_523 = arith.addi %add3A_9, %add3A_522 : vector<1024x128xi32>
    %add3A_524 = arith.addi %add3A_521, %add3A_523 : vector<1024x128xi32>
    %shift_left3A_525 = arith.constant 13 : i32
    %shift_left3A_526 = vector.broadcast %shift_left3A_525 : i32 to vector<1024x128xi32>
    %shift_left3A_527 = arith.shli %add3A_523, %shift_left3A_526 : vector<1024x128xi32>
    %shift_right_logical3A_528 = arith.constant 19 : i32
    %shift_right_logical3A_529 = vector.broadcast %shift_right_logical3A_528 : i32 to vector<1024x128xi32>
    %shift_right_logical3A_530 = arith.shrui %add3A_523, %shift_right_logical3A_529 : vector<1024x128xi32>
    %or3A_531 = arith.ori %shift_left3A_527, %shift_right_logical3A_530 : vector<1024x128xi32>
    %xor3A_532 = arith.xori %add3A_524, %or3A_531 : vector<1024x128xi32>
    %add3A_533 = arith.addi %add3A_524, %xor3A_532 : vector<1024x128xi32>
    %shift_left3A_534 = arith.constant 15 : i32
    %shift_left3A_535 = vector.broadcast %shift_left3A_534 : i32 to vector<1024x128xi32>
    %shift_left3A_536 = arith.shli %xor3A_532, %shift_left3A_535 : vector<1024x128xi32>
    %shift_right_logical3A_537 = arith.constant 17 : i32
    %shift_right_logical3A_538 = vector.broadcast %shift_right_logical3A_537 : i32 to vector<1024x128xi32>
    %shift_right_logical3A_539 = arith.shrui %xor3A_532, %shift_right_logical3A_538 : vector<1024x128xi32>
    %or3A_540 = arith.ori %shift_left3A_536, %shift_right_logical3A_539 : vector<1024x128xi32>
    %xor3A_541 = arith.xori %add3A_533, %or3A_540 : vector<1024x128xi32>
    %add3A_542 = arith.addi %add3A_533, %xor3A_541 : vector<1024x128xi32>
    %shift_left3A_543 = arith.constant 26 : i32
    %shift_left3A_544 = vector.broadcast %shift_left3A_543 : i32 to vector<1024x128xi32>
    %shift_left3A_545 = arith.shli %xor3A_541, %shift_left3A_544 : vector<1024x128xi32>
    %shift_right_logical3A_546 = arith.constant 6 : i32
    %shift_right_logical3A_547 = vector.broadcast %shift_right_logical3A_546 : i32 to vector<1024x128xi32>
    %shift_right_logical3A_548 = arith.shrui %xor3A_541, %shift_right_logical3A_547 : vector<1024x128xi32>
    %or3A_549 = arith.ori %shift_left3A_545, %shift_right_logical3A_548 : vector<1024x128xi32>
    %xor3A_550 = arith.xori %add3A_542, %or3A_549 : vector<1024x128xi32>
    %add3A_551 = arith.addi %add3A_542, %xor3A_550 : vector<1024x128xi32>
    %shift_left3A_552 = arith.constant 6 : i32
    %shift_left3A_553 = vector.broadcast %shift_left3A_552 : i32 to vector<1024x128xi32>
    %shift_left3A_554 = arith.shli %xor3A_550, %shift_left3A_553 : vector<1024x128xi32>
    %shift_right_logical3A_555 = arith.constant 26 : i32
    %shift_right_logical3A_556 = vector.broadcast %shift_right_logical3A_555 : i32 to vector<1024x128xi32>
    %shift_right_logical3A_557 = arith.shrui %xor3A_550, %shift_right_logical3A_556 : vector<1024x128xi32>
    %or3A_558 = arith.ori %shift_left3A_554, %shift_right_logical3A_557 : vector<1024x128xi32>
    %xor3A_559 = arith.xori %add3A_551, %or3A_558 : vector<1024x128xi32>
    %add3A_560 = vector.broadcast %get3A_514 : i32 to vector<1024x128xi32>
    %add3A_561 = arith.addi %add3A_551, %add3A_560 : vector<1024x128xi32>
    %add3A_562 = vector.broadcast %xor3A_519 : i32 to vector<1024x128xi32>
    %add3A_563 = arith.addi %xor3A_559, %add3A_562 : vector<1024x128xi32>
    %add3A_564 = arith.constant 1 : i32
    %add3A_565 = vector.broadcast %add3A_564 : i32 to vector<1024x128xi32>
    %add3A_566 = arith.addi %add3A_563, %add3A_565 : vector<1024x128xi32>
    %add3A_567 = arith.addi %add3A_561, %add3A_566 : vector<1024x128xi32>
    %shift_left3A_568 = arith.constant 17 : i32
    %shift_left3A_569 = vector.broadcast %shift_left3A_568 : i32 to vector<1024x128xi32>
    %shift_left3A_570 = arith.shli %add3A_566, %shift_left3A_569 : vector<1024x128xi32>
    %shift_right_logical3A_571 = arith.constant 15 : i32
    %shift_right_logical3A_572 = vector.broadcast %shift_right_logical3A_571 : i32 to vector<1024x128xi32>
    %shift_right_logical3A_573 = arith.shrui %add3A_566, %shift_right_logical3A_572 : vector<1024x128xi32>
    %or3A_574 = arith.ori %shift_left3A_570, %shift_right_logical3A_573 : vector<1024x128xi32>
    %xor3A_575 = arith.xori %add3A_567, %or3A_574 : vector<1024x128xi32>
    %add3A_576 = arith.addi %add3A_567, %xor3A_575 : vector<1024x128xi32>
    %shift_left3A_577 = arith.constant 29 : i32
    %shift_left3A_578 = vector.broadcast %shift_left3A_577 : i32 to vector<1024x128xi32>
    %shift_left3A_579 = arith.shli %xor3A_575, %shift_left3A_578 : vector<1024x128xi32>
    %shift_right_logical3A_580 = arith.constant 3 : i32
    %shift_right_logical3A_581 = vector.broadcast %shift_right_logical3A_580 : i32 to vector<1024x128xi32>
    %shift_right_logical3A_582 = arith.shrui %xor3A_575, %shift_right_logical3A_581 : vector<1024x128xi32>
    %or3A_583 = arith.ori %shift_left3A_579, %shift_right_logical3A_582 : vector<1024x128xi32>
    %xor3A_584 = arith.xori %add3A_576, %or3A_583 : vector<1024x128xi32>
    %add3A_585 = arith.addi %add3A_576, %xor3A_584 : vector<1024x128xi32>
    %shift_left3A_586 = arith.constant 16 : i32
    %shift_left3A_587 = vector.broadcast %shift_left3A_586 : i32 to vector<1024x128xi32>
    %shift_left3A_588 = arith.shli %xor3A_584, %shift_left3A_587 : vector<1024x128xi32>
    %shift_right_logical3A_589 = arith.constant 16 : i32
    %shift_right_logical3A_590 = vector.broadcast %shift_right_logical3A_589 : i32 to vector<1024x128xi32>
    %shift_right_logical3A_591 = arith.shrui %xor3A_584, %shift_right_logical3A_590 : vector<1024x128xi32>
    %or3A_592 = arith.ori %shift_left3A_588, %shift_right_logical3A_591 : vector<1024x128xi32>
    %xor3A_593 = arith.xori %add3A_585, %or3A_592 : vector<1024x128xi32>
    %add3A_594 = arith.addi %add3A_585, %xor3A_593 : vector<1024x128xi32>
    %shift_left3A_595 = arith.constant 24 : i32
    %shift_left3A_596 = vector.broadcast %shift_left3A_595 : i32 to vector<1024x128xi32>
    %shift_left3A_597 = arith.shli %xor3A_593, %shift_left3A_596 : vector<1024x128xi32>
    %shift_right_logical3A_598 = arith.constant 8 : i32
    %shift_right_logical3A_599 = vector.broadcast %shift_right_logical3A_598 : i32 to vector<1024x128xi32>
    %shift_right_logical3A_600 = arith.shrui %xor3A_593, %shift_right_logical3A_599 : vector<1024x128xi32>
    %or3A_601 = arith.ori %shift_left3A_597, %shift_right_logical3A_600 : vector<1024x128xi32>
    %xor3A_602 = arith.xori %add3A_594, %or3A_601 : vector<1024x128xi32>
    %add3A_603 = vector.broadcast %xor3A_519 : i32 to vector<1024x128xi32>
    %add3A_604 = arith.addi %add3A_594, %add3A_603 : vector<1024x128xi32>
    %add3A_605 = vector.broadcast %get3A_511 : i32 to vector<1024x128xi32>
    %add3A_606 = arith.addi %xor3A_602, %add3A_605 : vector<1024x128xi32>
    %add3A_607 = arith.constant 2 : i32
    %add3A_608 = vector.broadcast %add3A_607 : i32 to vector<1024x128xi32>
    %add3A_609 = arith.addi %add3A_606, %add3A_608 : vector<1024x128xi32>
    %add3A_610 = arith.addi %add3A_604, %add3A_609 : vector<1024x128xi32>
    %shift_left3A_611 = arith.constant 13 : i32
    %shift_left3A_612 = vector.broadcast %shift_left3A_611 : i32 to vector<1024x128xi32>
    %shift_left3A_613 = arith.shli %add3A_609, %shift_left3A_612 : vector<1024x128xi32>
    %shift_right_logical3A_614 = arith.constant 19 : i32
    %shift_right_logical3A_615 = vector.broadcast %shift_right_logical3A_614 : i32 to vector<1024x128xi32>
    %shift_right_logical3A_616 = arith.shrui %add3A_609, %shift_right_logical3A_615 : vector<1024x128xi32>
    %or3A_617 = arith.ori %shift_left3A_613, %shift_right_logical3A_616 : vector<1024x128xi32>
    %xor3A_618 = arith.xori %add3A_610, %or3A_617 : vector<1024x128xi32>
    %add3A_619 = arith.addi %add3A_610, %xor3A_618 : vector<1024x128xi32>
    %shift_left3A_620 = arith.constant 15 : i32
    %shift_left3A_621 = vector.broadcast %shift_left3A_620 : i32 to vector<1024x128xi32>
    %shift_left3A_622 = arith.shli %xor3A_618, %shift_left3A_621 : vector<1024x128xi32>
    %shift_right_logical3A_623 = arith.constant 17 : i32
    %shift_right_logical3A_624 = vector.broadcast %shift_right_logical3A_623 : i32 to vector<1024x128xi32>
    %shift_right_logical3A_625 = arith.shrui %xor3A_618, %shift_right_logical3A_624 : vector<1024x128xi32>
    %or3A_626 = arith.ori %shift_left3A_622, %shift_right_logical3A_625 : vector<1024x128xi32>
    %xor3A_627 = arith.xori %add3A_619, %or3A_626 : vector<1024x128xi32>
    %add3A_628 = arith.addi %add3A_619, %xor3A_627 : vector<1024x128xi32>
    %shift_left3A_629 = arith.constant 26 : i32
    %shift_left3A_630 = vector.broadcast %shift_left3A_629 : i32 to vector<1024x128xi32>
    %shift_left3A_631 = arith.shli %xor3A_627, %shift_left3A_630 : vector<1024x128xi32>
    %shift_right_logical3A_632 = arith.constant 6 : i32
    %shift_right_logical3A_633 = vector.broadcast %shift_right_logical3A_632 : i32 to vector<1024x128xi32>
    %shift_right_logical3A_634 = arith.shrui %xor3A_627, %shift_right_logical3A_633 : vector<1024x128xi32>
    %or3A_635 = arith.ori %shift_left3A_631, %shift_right_logical3A_634 : vector<1024x128xi32>
    %xor3A_636 = arith.xori %add3A_628, %or3A_635 : vector<1024x128xi32>
    %add3A_637 = arith.addi %add3A_628, %xor3A_636 : vector<1024x128xi32>
    %shift_left3A_638 = arith.constant 6 : i32
    %shift_left3A_639 = vector.broadcast %shift_left3A_638 : i32 to vector<1024x128xi32>
    %shift_left3A_640 = arith.shli %xor3A_636, %shift_left3A_639 : vector<1024x128xi32>
    %shift_right_logical3A_641 = arith.constant 26 : i32
    %shift_right_logical3A_642 = vector.broadcast %shift_right_logical3A_641 : i32 to vector<1024x128xi32>
    %shift_right_logical3A_643 = arith.shrui %xor3A_636, %shift_right_logical3A_642 : vector<1024x128xi32>
    %or3A_644 = arith.ori %shift_left3A_640, %shift_right_logical3A_643 : vector<1024x128xi32>
    %xor3A_645 = arith.xori %add3A_637, %or3A_644 : vector<1024x128xi32>
    %add3A_646 = vector.broadcast %get3A_511 : i32 to vector<1024x128xi32>
    %add3A_647 = arith.addi %add3A_637, %add3A_646 : vector<1024x128xi32>
    %add3A_648 = vector.broadcast %get3A_514 : i32 to vector<1024x128xi32>
    %add3A_649 = arith.addi %xor3A_645, %add3A_648 : vector<1024x128xi32>
    %add3A_650 = arith.constant 3 : i32
    %add3A_651 = vector.broadcast %add3A_650 : i32 to vector<1024x128xi32>
    %add3A_652 = arith.addi %add3A_649, %add3A_651 : vector<1024x128xi32>
    %add3A_653 = arith.addi %add3A_647, %add3A_652 : vector<1024x128xi32>
    %shift_left3A_654 = arith.constant 17 : i32
    %shift_left3A_655 = vector.broadcast %shift_left3A_654 : i32 to vector<1024x128xi32>
    %shift_left3A_656 = arith.shli %add3A_652, %shift_left3A_655 : vector<1024x128xi32>
    %shift_right_logical3A_657 = arith.constant 15 : i32
    %shift_right_logical3A_658 = vector.broadcast %shift_right_logical3A_657 : i32 to vector<1024x128xi32>
    %shift_right_logical3A_659 = arith.shrui %add3A_652, %shift_right_logical3A_658 : vector<1024x128xi32>
    %or3A_660 = arith.ori %shift_left3A_656, %shift_right_logical3A_659 : vector<1024x128xi32>
    %xor3A_661 = arith.xori %add3A_653, %or3A_660 : vector<1024x128xi32>
    %add3A_662 = arith.addi %add3A_653, %xor3A_661 : vector<1024x128xi32>
    %shift_left3A_663 = arith.constant 29 : i32
    %shift_left3A_664 = vector.broadcast %shift_left3A_663 : i32 to vector<1024x128xi32>
    %shift_left3A_665 = arith.shli %xor3A_661, %shift_left3A_664 : vector<1024x128xi32>
    %shift_right_logical3A_666 = arith.constant 3 : i32
    %shift_right_logical3A_667 = vector.broadcast %shift_right_logical3A_666 : i32 to vector<1024x128xi32>
    %shift_right_logical3A_668 = arith.shrui %xor3A_661, %shift_right_logical3A_667 : vector<1024x128xi32>
    %or3A_669 = arith.ori %shift_left3A_665, %shift_right_logical3A_668 : vector<1024x128xi32>
    %xor3A_670 = arith.xori %add3A_662, %or3A_669 : vector<1024x128xi32>
    %add3A_671 = arith.addi %add3A_662, %xor3A_670 : vector<1024x128xi32>
    %shift_left3A_672 = arith.constant 16 : i32
    %shift_left3A_673 = vector.broadcast %shift_left3A_672 : i32 to vector<1024x128xi32>
    %shift_left3A_674 = arith.shli %xor3A_670, %shift_left3A_673 : vector<1024x128xi32>
    %shift_right_logical3A_675 = arith.constant 16 : i32
    %shift_right_logical3A_676 = vector.broadcast %shift_right_logical3A_675 : i32 to vector<1024x128xi32>
    %shift_right_logical3A_677 = arith.shrui %xor3A_670, %shift_right_logical3A_676 : vector<1024x128xi32>
    %or3A_678 = arith.ori %shift_left3A_674, %shift_right_logical3A_677 : vector<1024x128xi32>
    %xor3A_679 = arith.xori %add3A_671, %or3A_678 : vector<1024x128xi32>
    %add3A_680 = arith.addi %add3A_671, %xor3A_679 : vector<1024x128xi32>
    %shift_left3A_681 = arith.constant 24 : i32
    %shift_left3A_682 = vector.broadcast %shift_left3A_681 : i32 to vector<1024x128xi32>
    %shift_left3A_683 = arith.shli %xor3A_679, %shift_left3A_682 : vector<1024x128xi32>
    %shift_right_logical3A_684 = arith.constant 8 : i32
    %shift_right_logical3A_685 = vector.broadcast %shift_right_logical3A_684 : i32 to vector<1024x128xi32>
    %shift_right_logical3A_686 = arith.shrui %xor3A_679, %shift_right_logical3A_685 : vector<1024x128xi32>
    %or3A_687 = arith.ori %shift_left3A_683, %shift_right_logical3A_686 : vector<1024x128xi32>
    %xor3A_688 = arith.xori %add3A_680, %or3A_687 : vector<1024x128xi32>
    %add3A_689 = vector.broadcast %get3A_514 : i32 to vector<1024x128xi32>
    %add3A_690 = arith.addi %add3A_680, %add3A_689 : vector<1024x128xi32>
    %add3A_691 = vector.broadcast %xor3A_519 : i32 to vector<1024x128xi32>
    %add3A_692 = arith.addi %xor3A_688, %add3A_691 : vector<1024x128xi32>
    %add3A_693 = arith.constant 4 : i32
    %add3A_694 = vector.broadcast %add3A_693 : i32 to vector<1024x128xi32>
    %add3A_695 = arith.addi %add3A_692, %add3A_694 : vector<1024x128xi32>
    %add3A_696 = arith.addi %add3A_690, %add3A_695 : vector<1024x128xi32>
    %shift_left3A_697 = arith.constant 13 : i32
    %shift_left3A_698 = vector.broadcast %shift_left3A_697 : i32 to vector<1024x128xi32>
    %shift_left3A_699 = arith.shli %add3A_695, %shift_left3A_698 : vector<1024x128xi32>
    %shift_right_logical3A_700 = arith.constant 19 : i32
    %shift_right_logical3A_701 = vector.broadcast %shift_right_logical3A_700 : i32 to vector<1024x128xi32>
    %shift_right_logical3A_702 = arith.shrui %add3A_695, %shift_right_logical3A_701 : vector<1024x128xi32>
    %or3A_703 = arith.ori %shift_left3A_699, %shift_right_logical3A_702 : vector<1024x128xi32>
    %xor3A_704 = arith.xori %add3A_696, %or3A_703 : vector<1024x128xi32>
    %add3A_705 = arith.addi %add3A_696, %xor3A_704 : vector<1024x128xi32>
    %shift_left3A_706 = arith.constant 15 : i32
    %shift_left3A_707 = vector.broadcast %shift_left3A_706 : i32 to vector<1024x128xi32>
    %shift_left3A_708 = arith.shli %xor3A_704, %shift_left3A_707 : vector<1024x128xi32>
    %shift_right_logical3A_709 = arith.constant 17 : i32
    %shift_right_logical3A_710 = vector.broadcast %shift_right_logical3A_709 : i32 to vector<1024x128xi32>
    %shift_right_logical3A_711 = arith.shrui %xor3A_704, %shift_right_logical3A_710 : vector<1024x128xi32>
    %or3A_712 = arith.ori %shift_left3A_708, %shift_right_logical3A_711 : vector<1024x128xi32>
    %xor3A_713 = arith.xori %add3A_705, %or3A_712 : vector<1024x128xi32>
    %add3A_714 = arith.addi %add3A_705, %xor3A_713 : vector<1024x128xi32>
    %shift_left3A_715 = arith.constant 26 : i32
    %shift_left3A_716 = vector.broadcast %shift_left3A_715 : i32 to vector<1024x128xi32>
    %shift_left3A_717 = arith.shli %xor3A_713, %shift_left3A_716 : vector<1024x128xi32>
    %shift_right_logical3A_718 = arith.constant 6 : i32
    %shift_right_logical3A_719 = vector.broadcast %shift_right_logical3A_718 : i32 to vector<1024x128xi32>
    %shift_right_logical3A_720 = arith.shrui %xor3A_713, %shift_right_logical3A_719 : vector<1024x128xi32>
    %or3A_721 = arith.ori %shift_left3A_717, %shift_right_logical3A_720 : vector<1024x128xi32>
    %xor3A_722 = arith.xori %add3A_714, %or3A_721 : vector<1024x128xi32>
    %add3A_723 = arith.addi %add3A_714, %xor3A_722 : vector<1024x128xi32>
    %shift_left3A_724 = arith.constant 6 : i32
    %shift_left3A_725 = vector.broadcast %shift_left3A_724 : i32 to vector<1024x128xi32>
    %shift_left3A_726 = arith.shli %xor3A_722, %shift_left3A_725 : vector<1024x128xi32>
    %shift_right_logical3A_727 = arith.constant 26 : i32
    %shift_right_logical3A_728 = vector.broadcast %shift_right_logical3A_727 : i32 to vector<1024x128xi32>
    %shift_right_logical3A_729 = arith.shrui %xor3A_722, %shift_right_logical3A_728 : vector<1024x128xi32>
    %or3A_730 = arith.ori %shift_left3A_726, %shift_right_logical3A_729 : vector<1024x128xi32>
    %xor3A_731 = arith.xori %add3A_723, %or3A_730 : vector<1024x128xi32>
    %add3A_732 = vector.broadcast %xor3A_519 : i32 to vector<1024x128xi32>
    %add3A_733 = arith.addi %add3A_723, %add3A_732 : vector<1024x128xi32>
    %add3A_734 = vector.broadcast %get3A_511 : i32 to vector<1024x128xi32>
    %add3A_735 = arith.addi %xor3A_731, %add3A_734 : vector<1024x128xi32>
    %add3A_736 = arith.constant 5 : i32
    %add3A_737 = vector.broadcast %add3A_736 : i32 to vector<1024x128xi32>
    %add3A_738 = arith.addi %add3A_735, %add3A_737 : vector<1024x128xi32>
    %xor3A_739 = arith.xori %add3A_733, %add3A_738 : vector<1024x128xi32>
    %shift_right_logical3A_740 = arith.constant 9 : i32
    %shift_right_logical3A_741 = vector.broadcast %shift_right_logical3A_740 : i32 to vector<1024x128xi32>
    %shift_right_logical3A_742 = arith.shrui %xor3A_739, %shift_right_logical3A_741 : vector<1024x128xi32>
    %or3A_743 = arith.constant 1065353216 : i32
    %or3A_744 = vector.broadcast %or3A_743 : i32 to vector<1024x128xi32>
    %or3A_745 = arith.ori %shift_right_logical3A_742, %or3A_744 : vector<1024x128xi32>
    %bitcast_convert_type3A_746 = tpu.bitcast %or3A_745 : vector<1024x128xi32> -> vector<1024x128xf32>
    %sub3A_747 = arith.constant 1.000000e+00 : f32
    %sub3A_748 = vector.broadcast %sub3A_747 : f32 to vector<1024x128xf32>
    %sub3A_749 = arith.subf %bitcast_convert_type3A_746, %sub3A_748 : vector<1024x128xf32>
    %sub3A_750 = arith.subf %add3A_508, %sub3A_504 : vector<1024x128xf32>
    %mul3A_751 = arith.mulf %sub3A_749, %sub3A_750 : vector<1024x128xf32>
    %add3A_752 = arith.addf %mul3A_751, %sub3A_504 : vector<1024x128xf32>
    %mul3A_753 = arith.mulf %add3A_752, %add3A_752 : vector<1024x128xf32>
    %reduce_sum3A_754 = arith.constant dense<0.000000e+00> : vector<1024xf32>
    %reduce_sum3A_755 = vector.multi_reduction <add>, %mul3A_753, %reduce_sum3A_754 [1] : vector<1024x128xf32> to vector<1024xf32>
    %broadcast_in_dim3A_756 = vector.shape_cast %reduce_sum3A_755 : vector<1024xf32> to vector<1024x1xf32>
    %mul3A_757 = arith.constant -5.000000e-01 : f32
    %mul3A_758 = vector.broadcast %mul3A_757 : f32 to vector<1024x1xf32>
    %mul3A_759 = arith.mulf %mul3A_758, %broadcast_in_dim3A_756 : vector<1024x1xf32>
    %lt3A = arith.cmpf olt, %mul3A_759, %add3A_253 : vector<1024x1xf32>
    %jit3A = arith.constant 1.000000e+00 : f32
    %jit3A_760 = arith.constant 0.000000e+00 : f32
    %broadcast_in_dim3A_761 = vector.broadcast %jit3A : f32 to vector<1024x1xf32>
    %broadcast_in_dim3A_762 = vector.broadcast %jit3A_760 : f32 to vector<1024x1xf32>
    %select_n3A = arith.select %lt3A, %broadcast_in_dim3A_761, %broadcast_in_dim3A_762 : vector<1024x1xi1>, vector<1024x1xf32>
    %gt3A = arith.constant 0.000000e+00 : f32
    %gt3A_763 = vector.broadcast %gt3A : f32 to vector<1024x1xf32>
    %gt3A_764 = arith.cmpf ogt, %select_n3A, %gt3A_763 : vector<1024x1xf32>
    %lt3A_765 = arith.cmpf olt, %add3A_752, %get3A_1 : vector<1024x128xf32>
    %and3A = vector.broadcast %gt3A_764 : vector<1024x1xi1> to vector<1024x128xi1>
    %and3A_766 = arith.andi %and3A, %lt3A_765 : vector<1024x128xi1>
    %select_n3A_767 = arith.select %and3A_766, %add3A_752, %sub3A_504 : vector<1024x128xi1>, vector<1024x128xf32>
    %not3A = arith.constant dense<true> : vector<1024x128xi1>
    %not3A_768 = arith.xori %lt3A_765, %not3A : vector<1024x128xi1>
    %and3A_769 = vector.broadcast %gt3A_764 : vector<1024x1xi1> to vector<1024x128xi1>
    %and3A_770 = arith.andi %and3A_769, %not3A_768 : vector<1024x128xi1>
    %select_n3A_771 = arith.select %and3A_770, %add3A_752, %add3A_508 : vector<1024x128xi1>, vector<1024x128xf32>
    %get3A_772 = arith.constant 4 : index
    %get3A_773 = arith.constant 0 : index
    %get3A_774 = memref.load %arg1[%get3A_772, %get3A_773] : memref<54x2xi32, #tpu.memory_space<smem>>
    %get3A_775 = arith.constant 4 : index
    %get3A_776 = arith.constant 1 : index
    %get3A_777 = memref.load %arg1[%get3A_775, %get3A_776] : memref<54x2xi32, #tpu.memory_space<smem>>
    %broadcast_in_dim3A_778 = arith.constant 0 : i32
    %broadcast_in_dim3A_779 = vector.broadcast %broadcast_in_dim3A_778 : i32 to vector<1024x128xi32>
    %xor3A_780 = arith.xori %get3A_774, %get3A_777 : i32
    %xor3A_781 = arith.constant 466688986 : i32
    %xor3A_782 = arith.xori %xor3A_780, %xor3A_781 : i32
    %add3A_783 = vector.broadcast %get3A_774 : i32 to vector<1024x128xi32>
    %add3A_784 = arith.addi %broadcast_in_dim3A_779, %add3A_783 : vector<1024x128xi32>
    %add3A_785 = vector.broadcast %get3A_777 : i32 to vector<1024x128xi32>
    %add3A_786 = arith.addi %add3A_9, %add3A_785 : vector<1024x128xi32>
    %add3A_787 = arith.addi %add3A_784, %add3A_786 : vector<1024x128xi32>
    %shift_left3A_788 = arith.constant 13 : i32
    %shift_left3A_789 = vector.broadcast %shift_left3A_788 : i32 to vector<1024x128xi32>
    %shift_left3A_790 = arith.shli %add3A_786, %shift_left3A_789 : vector<1024x128xi32>
    %shift_right_logical3A_791 = arith.constant 19 : i32
    %shift_right_logical3A_792 = vector.broadcast %shift_right_logical3A_791 : i32 to vector<1024x128xi32>
    %shift_right_logical3A_793 = arith.shrui %add3A_786, %shift_right_logical3A_792 : vector<1024x128xi32>
    %or3A_794 = arith.ori %shift_left3A_790, %shift_right_logical3A_793 : vector<1024x128xi32>
    %xor3A_795 = arith.xori %add3A_787, %or3A_794 : vector<1024x128xi32>
    %add3A_796 = arith.addi %add3A_787, %xor3A_795 : vector<1024x128xi32>
    %shift_left3A_797 = arith.constant 15 : i32
    %shift_left3A_798 = vector.broadcast %shift_left3A_797 : i32 to vector<1024x128xi32>
    %shift_left3A_799 = arith.shli %xor3A_795, %shift_left3A_798 : vector<1024x128xi32>
    %shift_right_logical3A_800 = arith.constant 17 : i32
    %shift_right_logical3A_801 = vector.broadcast %shift_right_logical3A_800 : i32 to vector<1024x128xi32>
    %shift_right_logical3A_802 = arith.shrui %xor3A_795, %shift_right_logical3A_801 : vector<1024x128xi32>
    %or3A_803 = arith.ori %shift_left3A_799, %shift_right_logical3A_802 : vector<1024x128xi32>
    %xor3A_804 = arith.xori %add3A_796, %or3A_803 : vector<1024x128xi32>
    %add3A_805 = arith.addi %add3A_796, %xor3A_804 : vector<1024x128xi32>
    %shift_left3A_806 = arith.constant 26 : i32
    %shift_left3A_807 = vector.broadcast %shift_left3A_806 : i32 to vector<1024x128xi32>
    %shift_left3A_808 = arith.shli %xor3A_804, %shift_left3A_807 : vector<1024x128xi32>
    %shift_right_logical3A_809 = arith.constant 6 : i32
    %shift_right_logical3A_810 = vector.broadcast %shift_right_logical3A_809 : i32 to vector<1024x128xi32>
    %shift_right_logical3A_811 = arith.shrui %xor3A_804, %shift_right_logical3A_810 : vector<1024x128xi32>
    %or3A_812 = arith.ori %shift_left3A_808, %shift_right_logical3A_811 : vector<1024x128xi32>
    %xor3A_813 = arith.xori %add3A_805, %or3A_812 : vector<1024x128xi32>
    %add3A_814 = arith.addi %add3A_805, %xor3A_813 : vector<1024x128xi32>
    %shift_left3A_815 = arith.constant 6 : i32
    %shift_left3A_816 = vector.broadcast %shift_left3A_815 : i32 to vector<1024x128xi32>
    %shift_left3A_817 = arith.shli %xor3A_813, %shift_left3A_816 : vector<1024x128xi32>
    %shift_right_logical3A_818 = arith.constant 26 : i32
    %shift_right_logical3A_819 = vector.broadcast %shift_right_logical3A_818 : i32 to vector<1024x128xi32>
    %shift_right_logical3A_820 = arith.shrui %xor3A_813, %shift_right_logical3A_819 : vector<1024x128xi32>
    %or3A_821 = arith.ori %shift_left3A_817, %shift_right_logical3A_820 : vector<1024x128xi32>
    %xor3A_822 = arith.xori %add3A_814, %or3A_821 : vector<1024x128xi32>
    %add3A_823 = vector.broadcast %get3A_777 : i32 to vector<1024x128xi32>
    %add3A_824 = arith.addi %add3A_814, %add3A_823 : vector<1024x128xi32>
    %add3A_825 = vector.broadcast %xor3A_782 : i32 to vector<1024x128xi32>
    %add3A_826 = arith.addi %xor3A_822, %add3A_825 : vector<1024x128xi32>
    %add3A_827 = arith.constant 1 : i32
    %add3A_828 = vector.broadcast %add3A_827 : i32 to vector<1024x128xi32>
    %add3A_829 = arith.addi %add3A_826, %add3A_828 : vector<1024x128xi32>
    %add3A_830 = arith.addi %add3A_824, %add3A_829 : vector<1024x128xi32>
    %shift_left3A_831 = arith.constant 17 : i32
    %shift_left3A_832 = vector.broadcast %shift_left3A_831 : i32 to vector<1024x128xi32>
    %shift_left3A_833 = arith.shli %add3A_829, %shift_left3A_832 : vector<1024x128xi32>
    %shift_right_logical3A_834 = arith.constant 15 : i32
    %shift_right_logical3A_835 = vector.broadcast %shift_right_logical3A_834 : i32 to vector<1024x128xi32>
    %shift_right_logical3A_836 = arith.shrui %add3A_829, %shift_right_logical3A_835 : vector<1024x128xi32>
    %or3A_837 = arith.ori %shift_left3A_833, %shift_right_logical3A_836 : vector<1024x128xi32>
    %xor3A_838 = arith.xori %add3A_830, %or3A_837 : vector<1024x128xi32>
    %add3A_839 = arith.addi %add3A_830, %xor3A_838 : vector<1024x128xi32>
    %shift_left3A_840 = arith.constant 29 : i32
    %shift_left3A_841 = vector.broadcast %shift_left3A_840 : i32 to vector<1024x128xi32>
    %shift_left3A_842 = arith.shli %xor3A_838, %shift_left3A_841 : vector<1024x128xi32>
    %shift_right_logical3A_843 = arith.constant 3 : i32
    %shift_right_logical3A_844 = vector.broadcast %shift_right_logical3A_843 : i32 to vector<1024x128xi32>
    %shift_right_logical3A_845 = arith.shrui %xor3A_838, %shift_right_logical3A_844 : vector<1024x128xi32>
    %or3A_846 = arith.ori %shift_left3A_842, %shift_right_logical3A_845 : vector<1024x128xi32>
    %xor3A_847 = arith.xori %add3A_839, %or3A_846 : vector<1024x128xi32>
    %add3A_848 = arith.addi %add3A_839, %xor3A_847 : vector<1024x128xi32>
    %shift_left3A_849 = arith.constant 16 : i32
    %shift_left3A_850 = vector.broadcast %shift_left3A_849 : i32 to vector<1024x128xi32>
    %shift_left3A_851 = arith.shli %xor3A_847, %shift_left3A_850 : vector<1024x128xi32>
    %shift_right_logical3A_852 = arith.constant 16 : i32
    %shift_right_logical3A_853 = vector.broadcast %shift_right_logical3A_852 : i32 to vector<1024x128xi32>
    %shift_right_logical3A_854 = arith.shrui %xor3A_847, %shift_right_logical3A_853 : vector<1024x128xi32>
    %or3A_855 = arith.ori %shift_left3A_851, %shift_right_logical3A_854 : vector<1024x128xi32>
    %xor3A_856 = arith.xori %add3A_848, %or3A_855 : vector<1024x128xi32>
    %add3A_857 = arith.addi %add3A_848, %xor3A_856 : vector<1024x128xi32>
    %shift_left3A_858 = arith.constant 24 : i32
    %shift_left3A_859 = vector.broadcast %shift_left3A_858 : i32 to vector<1024x128xi32>
    %shift_left3A_860 = arith.shli %xor3A_856, %shift_left3A_859 : vector<1024x128xi32>
    %shift_right_logical3A_861 = arith.constant 8 : i32
    %shift_right_logical3A_862 = vector.broadcast %shift_right_logical3A_861 : i32 to vector<1024x128xi32>
    %shift_right_logical3A_863 = arith.shrui %xor3A_856, %shift_right_logical3A_862 : vector<1024x128xi32>
    %or3A_864 = arith.ori %shift_left3A_860, %shift_right_logical3A_863 : vector<1024x128xi32>
    %xor3A_865 = arith.xori %add3A_857, %or3A_864 : vector<1024x128xi32>
    %add3A_866 = vector.broadcast %xor3A_782 : i32 to vector<1024x128xi32>
    %add3A_867 = arith.addi %add3A_857, %add3A_866 : vector<1024x128xi32>
    %add3A_868 = vector.broadcast %get3A_774 : i32 to vector<1024x128xi32>
    %add3A_869 = arith.addi %xor3A_865, %add3A_868 : vector<1024x128xi32>
    %add3A_870 = arith.constant 2 : i32
    %add3A_871 = vector.broadcast %add3A_870 : i32 to vector<1024x128xi32>
    %add3A_872 = arith.addi %add3A_869, %add3A_871 : vector<1024x128xi32>
    %add3A_873 = arith.addi %add3A_867, %add3A_872 : vector<1024x128xi32>
    %shift_left3A_874 = arith.constant 13 : i32
    %shift_left3A_875 = vector.broadcast %shift_left3A_874 : i32 to vector<1024x128xi32>
    %shift_left3A_876 = arith.shli %add3A_872, %shift_left3A_875 : vector<1024x128xi32>
    %shift_right_logical3A_877 = arith.constant 19 : i32
    %shift_right_logical3A_878 = vector.broadcast %shift_right_logical3A_877 : i32 to vector<1024x128xi32>
    %shift_right_logical3A_879 = arith.shrui %add3A_872, %shift_right_logical3A_878 : vector<1024x128xi32>
    %or3A_880 = arith.ori %shift_left3A_876, %shift_right_logical3A_879 : vector<1024x128xi32>
    %xor3A_881 = arith.xori %add3A_873, %or3A_880 : vector<1024x128xi32>
    %add3A_882 = arith.addi %add3A_873, %xor3A_881 : vector<1024x128xi32>
    %shift_left3A_883 = arith.constant 15 : i32
    %shift_left3A_884 = vector.broadcast %shift_left3A_883 : i32 to vector<1024x128xi32>
    %shift_left3A_885 = arith.shli %xor3A_881, %shift_left3A_884 : vector<1024x128xi32>
    %shift_right_logical3A_886 = arith.constant 17 : i32
    %shift_right_logical3A_887 = vector.broadcast %shift_right_logical3A_886 : i32 to vector<1024x128xi32>
    %shift_right_logical3A_888 = arith.shrui %xor3A_881, %shift_right_logical3A_887 : vector<1024x128xi32>
    %or3A_889 = arith.ori %shift_left3A_885, %shift_right_logical3A_888 : vector<1024x128xi32>
    %xor3A_890 = arith.xori %add3A_882, %or3A_889 : vector<1024x128xi32>
    %add3A_891 = arith.addi %add3A_882, %xor3A_890 : vector<1024x128xi32>
    %shift_left3A_892 = arith.constant 26 : i32
    %shift_left3A_893 = vector.broadcast %shift_left3A_892 : i32 to vector<1024x128xi32>
    %shift_left3A_894 = arith.shli %xor3A_890, %shift_left3A_893 : vector<1024x128xi32>
    %shift_right_logical3A_895 = arith.constant 6 : i32
    %shift_right_logical3A_896 = vector.broadcast %shift_right_logical3A_895 : i32 to vector<1024x128xi32>
    %shift_right_logical3A_897 = arith.shrui %xor3A_890, %shift_right_logical3A_896 : vector<1024x128xi32>
    %or3A_898 = arith.ori %shift_left3A_894, %shift_right_logical3A_897 : vector<1024x128xi32>
    %xor3A_899 = arith.xori %add3A_891, %or3A_898 : vector<1024x128xi32>
    %add3A_900 = arith.addi %add3A_891, %xor3A_899 : vector<1024x128xi32>
    %shift_left3A_901 = arith.constant 6 : i32
    %shift_left3A_902 = vector.broadcast %shift_left3A_901 : i32 to vector<1024x128xi32>
    %shift_left3A_903 = arith.shli %xor3A_899, %shift_left3A_902 : vector<1024x128xi32>
    %shift_right_logical3A_904 = arith.constant 26 : i32
    %shift_right_logical3A_905 = vector.broadcast %shift_right_logical3A_904 : i32 to vector<1024x128xi32>
    %shift_right_logical3A_906 = arith.shrui %xor3A_899, %shift_right_logical3A_905 : vector<1024x128xi32>
    %or3A_907 = arith.ori %shift_left3A_903, %shift_right_logical3A_906 : vector<1024x128xi32>
    %xor3A_908 = arith.xori %add3A_900, %or3A_907 : vector<1024x128xi32>
    %add3A_909 = vector.broadcast %get3A_774 : i32 to vector<1024x128xi32>
    %add3A_910 = arith.addi %add3A_900, %add3A_909 : vector<1024x128xi32>
    %add3A_911 = vector.broadcast %get3A_777 : i32 to vector<1024x128xi32>
    %add3A_912 = arith.addi %xor3A_908, %add3A_911 : vector<1024x128xi32>
    %add3A_913 = arith.constant 3 : i32
    %add3A_914 = vector.broadcast %add3A_913 : i32 to vector<1024x128xi32>
    %add3A_915 = arith.addi %add3A_912, %add3A_914 : vector<1024x128xi32>
    %add3A_916 = arith.addi %add3A_910, %add3A_915 : vector<1024x128xi32>
    %shift_left3A_917 = arith.constant 17 : i32
    %shift_left3A_918 = vector.broadcast %shift_left3A_917 : i32 to vector<1024x128xi32>
    %shift_left3A_919 = arith.shli %add3A_915, %shift_left3A_918 : vector<1024x128xi32>
    %shift_right_logical3A_920 = arith.constant 15 : i32
    %shift_right_logical3A_921 = vector.broadcast %shift_right_logical3A_920 : i32 to vector<1024x128xi32>
    %shift_right_logical3A_922 = arith.shrui %add3A_915, %shift_right_logical3A_921 : vector<1024x128xi32>
    %or3A_923 = arith.ori %shift_left3A_919, %shift_right_logical3A_922 : vector<1024x128xi32>
    %xor3A_924 = arith.xori %add3A_916, %or3A_923 : vector<1024x128xi32>
    %add3A_925 = arith.addi %add3A_916, %xor3A_924 : vector<1024x128xi32>
    %shift_left3A_926 = arith.constant 29 : i32
    %shift_left3A_927 = vector.broadcast %shift_left3A_926 : i32 to vector<1024x128xi32>
    %shift_left3A_928 = arith.shli %xor3A_924, %shift_left3A_927 : vector<1024x128xi32>
    %shift_right_logical3A_929 = arith.constant 3 : i32
    %shift_right_logical3A_930 = vector.broadcast %shift_right_logical3A_929 : i32 to vector<1024x128xi32>
    %shift_right_logical3A_931 = arith.shrui %xor3A_924, %shift_right_logical3A_930 : vector<1024x128xi32>
    %or3A_932 = arith.ori %shift_left3A_928, %shift_right_logical3A_931 : vector<1024x128xi32>
    %xor3A_933 = arith.xori %add3A_925, %or3A_932 : vector<1024x128xi32>
    %add3A_934 = arith.addi %add3A_925, %xor3A_933 : vector<1024x128xi32>
    %shift_left3A_935 = arith.constant 16 : i32
    %shift_left3A_936 = vector.broadcast %shift_left3A_935 : i32 to vector<1024x128xi32>
    %shift_left3A_937 = arith.shli %xor3A_933, %shift_left3A_936 : vector<1024x128xi32>
    %shift_right_logical3A_938 = arith.constant 16 : i32
    %shift_right_logical3A_939 = vector.broadcast %shift_right_logical3A_938 : i32 to vector<1024x128xi32>
    %shift_right_logical3A_940 = arith.shrui %xor3A_933, %shift_right_logical3A_939 : vector<1024x128xi32>
    %or3A_941 = arith.ori %shift_left3A_937, %shift_right_logical3A_940 : vector<1024x128xi32>
    %xor3A_942 = arith.xori %add3A_934, %or3A_941 : vector<1024x128xi32>
    %add3A_943 = arith.addi %add3A_934, %xor3A_942 : vector<1024x128xi32>
    %shift_left3A_944 = arith.constant 24 : i32
    %shift_left3A_945 = vector.broadcast %shift_left3A_944 : i32 to vector<1024x128xi32>
    %shift_left3A_946 = arith.shli %xor3A_942, %shift_left3A_945 : vector<1024x128xi32>
    %shift_right_logical3A_947 = arith.constant 8 : i32
    %shift_right_logical3A_948 = vector.broadcast %shift_right_logical3A_947 : i32 to vector<1024x128xi32>
    %shift_right_logical3A_949 = arith.shrui %xor3A_942, %shift_right_logical3A_948 : vector<1024x128xi32>
    %or3A_950 = arith.ori %shift_left3A_946, %shift_right_logical3A_949 : vector<1024x128xi32>
    %xor3A_951 = arith.xori %add3A_943, %or3A_950 : vector<1024x128xi32>
    %add3A_952 = vector.broadcast %get3A_777 : i32 to vector<1024x128xi32>
    %add3A_953 = arith.addi %add3A_943, %add3A_952 : vector<1024x128xi32>
    %add3A_954 = vector.broadcast %xor3A_782 : i32 to vector<1024x128xi32>
    %add3A_955 = arith.addi %xor3A_951, %add3A_954 : vector<1024x128xi32>
    %add3A_956 = arith.constant 4 : i32
    %add3A_957 = vector.broadcast %add3A_956 : i32 to vector<1024x128xi32>
    %add3A_958 = arith.addi %add3A_955, %add3A_957 : vector<1024x128xi32>
    %add3A_959 = arith.addi %add3A_953, %add3A_958 : vector<1024x128xi32>
    %shift_left3A_960 = arith.constant 13 : i32
    %shift_left3A_961 = vector.broadcast %shift_left3A_960 : i32 to vector<1024x128xi32>
    %shift_left3A_962 = arith.shli %add3A_958, %shift_left3A_961 : vector<1024x128xi32>
    %shift_right_logical3A_963 = arith.constant 19 : i32
    %shift_right_logical3A_964 = vector.broadcast %shift_right_logical3A_963 : i32 to vector<1024x128xi32>
    %shift_right_logical3A_965 = arith.shrui %add3A_958, %shift_right_logical3A_964 : vector<1024x128xi32>
    %or3A_966 = arith.ori %shift_left3A_962, %shift_right_logical3A_965 : vector<1024x128xi32>
    %xor3A_967 = arith.xori %add3A_959, %or3A_966 : vector<1024x128xi32>
    %add3A_968 = arith.addi %add3A_959, %xor3A_967 : vector<1024x128xi32>
    %shift_left3A_969 = arith.constant 15 : i32
    %shift_left3A_970 = vector.broadcast %shift_left3A_969 : i32 to vector<1024x128xi32>
    %shift_left3A_971 = arith.shli %xor3A_967, %shift_left3A_970 : vector<1024x128xi32>
    %shift_right_logical3A_972 = arith.constant 17 : i32
    %shift_right_logical3A_973 = vector.broadcast %shift_right_logical3A_972 : i32 to vector<1024x128xi32>
    %shift_right_logical3A_974 = arith.shrui %xor3A_967, %shift_right_logical3A_973 : vector<1024x128xi32>
    %or3A_975 = arith.ori %shift_left3A_971, %shift_right_logical3A_974 : vector<1024x128xi32>
    %xor3A_976 = arith.xori %add3A_968, %or3A_975 : vector<1024x128xi32>
    %add3A_977 = arith.addi %add3A_968, %xor3A_976 : vector<1024x128xi32>
    %shift_left3A_978 = arith.constant 26 : i32
    %shift_left3A_979 = vector.broadcast %shift_left3A_978 : i32 to vector<1024x128xi32>
    %shift_left3A_980 = arith.shli %xor3A_976, %shift_left3A_979 : vector<1024x128xi32>
    %shift_right_logical3A_981 = arith.constant 6 : i32
    %shift_right_logical3A_982 = vector.broadcast %shift_right_logical3A_981 : i32 to vector<1024x128xi32>
    %shift_right_logical3A_983 = arith.shrui %xor3A_976, %shift_right_logical3A_982 : vector<1024x128xi32>
    %or3A_984 = arith.ori %shift_left3A_980, %shift_right_logical3A_983 : vector<1024x128xi32>
    %xor3A_985 = arith.xori %add3A_977, %or3A_984 : vector<1024x128xi32>
    %add3A_986 = arith.addi %add3A_977, %xor3A_985 : vector<1024x128xi32>
    %shift_left3A_987 = arith.constant 6 : i32
    %shift_left3A_988 = vector.broadcast %shift_left3A_987 : i32 to vector<1024x128xi32>
    %shift_left3A_989 = arith.shli %xor3A_985, %shift_left3A_988 : vector<1024x128xi32>
    %shift_right_logical3A_990 = arith.constant 26 : i32
    %shift_right_logical3A_991 = vector.broadcast %shift_right_logical3A_990 : i32 to vector<1024x128xi32>
    %shift_right_logical3A_992 = arith.shrui %xor3A_985, %shift_right_logical3A_991 : vector<1024x128xi32>
    %or3A_993 = arith.ori %shift_left3A_989, %shift_right_logical3A_992 : vector<1024x128xi32>
    %xor3A_994 = arith.xori %add3A_986, %or3A_993 : vector<1024x128xi32>
    %add3A_995 = vector.broadcast %xor3A_782 : i32 to vector<1024x128xi32>
    %add3A_996 = arith.addi %add3A_986, %add3A_995 : vector<1024x128xi32>
    %add3A_997 = vector.broadcast %get3A_774 : i32 to vector<1024x128xi32>
    %add3A_998 = arith.addi %xor3A_994, %add3A_997 : vector<1024x128xi32>
    %add3A_999 = arith.constant 5 : i32
    %add3A_1000 = vector.broadcast %add3A_999 : i32 to vector<1024x128xi32>
    %add3A_1001 = arith.addi %add3A_998, %add3A_1000 : vector<1024x128xi32>
    %xor3A_1002 = arith.xori %add3A_996, %add3A_1001 : vector<1024x128xi32>
    %shift_right_logical3A_1003 = arith.constant 9 : i32
    %shift_right_logical3A_1004 = vector.broadcast %shift_right_logical3A_1003 : i32 to vector<1024x128xi32>
    %shift_right_logical3A_1005 = arith.shrui %xor3A_1002, %shift_right_logical3A_1004 : vector<1024x128xi32>
    %or3A_1006 = arith.constant 1065353216 : i32
    %or3A_1007 = vector.broadcast %or3A_1006 : i32 to vector<1024x128xi32>
    %or3A_1008 = arith.ori %shift_right_logical3A_1005, %or3A_1007 : vector<1024x128xi32>
    %bitcast_convert_type3A_1009 = tpu.bitcast %or3A_1008 : vector<1024x128xi32> -> vector<1024x128xf32>
    %sub3A_1010 = arith.constant 1.000000e+00 : f32
    %sub3A_1011 = vector.broadcast %sub3A_1010 : f32 to vector<1024x128xf32>
    %sub3A_1012 = arith.subf %bitcast_convert_type3A_1009, %sub3A_1011 : vector<1024x128xf32>
    %sub3A_1013 = arith.subf %select_n3A_771, %select_n3A_767 : vector<1024x128xf32>
    %mul3A_1014 = arith.mulf %sub3A_1012, %sub3A_1013 : vector<1024x128xf32>
    %add3A_1015 = arith.addf %mul3A_1014, %select_n3A_767 : vector<1024x128xf32>
    %broadcast_in_dim3A_1016 = vector.shape_cast %gt3A_764 : vector<1024x1xi1> to vector<1024x1xi1>
    %broadcast_in_dim3A_1017 = vector.broadcast %broadcast_in_dim3A_1016 : vector<1024x1xi1> to vector<1024x128xi1>
    %select_n3A_1018 = arith.select %broadcast_in_dim3A_1017, %add3A_1015, %add3A_752 : vector<1024x128xi1>, vector<1024x128xf32>
    %mul3A_1019 = arith.mulf %select_n3A_1018, %select_n3A_1018 : vector<1024x128xf32>
    %reduce_sum3A_1020 = arith.constant dense<0.000000e+00> : vector<1024xf32>
    %reduce_sum3A_1021 = vector.multi_reduction <add>, %mul3A_1019, %reduce_sum3A_1020 [1] : vector<1024x128xf32> to vector<1024xf32>
    %broadcast_in_dim3A_1022 = vector.shape_cast %reduce_sum3A_1021 : vector<1024xf32> to vector<1024x1xf32>
    %mul3A_1023 = arith.constant -5.000000e-01 : f32
    %mul3A_1024 = vector.broadcast %mul3A_1023 : f32 to vector<1024x1xf32>
    %mul3A_1025 = arith.mulf %mul3A_1024, %broadcast_in_dim3A_1022 : vector<1024x1xf32>
    %lt3A_1026 = arith.cmpf olt, %mul3A_1025, %add3A_253 : vector<1024x1xf32>
    %and3A_1027 = arith.andi %gt3A_764, %lt3A_1026 : vector<1024x1xi1>
    %jit3A_1028 = arith.constant 1.000000e+00 : f32
    %jit3A_1029 = arith.constant 0.000000e+00 : f32
    %broadcast_in_dim3A_1030 = vector.broadcast %jit3A_1028 : f32 to vector<1024x1xf32>
    %broadcast_in_dim3A_1031 = vector.broadcast %jit3A_1029 : f32 to vector<1024x1xf32>
    %select_n3A_1032 = arith.select %and3A_1027, %broadcast_in_dim3A_1030, %broadcast_in_dim3A_1031 : vector<1024x1xi1>, vector<1024x1xf32>
    %gt3A_1033 = arith.constant 0.000000e+00 : f32
    %gt3A_1034 = vector.broadcast %gt3A_1033 : f32 to vector<1024x1xf32>
    %gt3A_1035 = arith.cmpf ogt, %select_n3A_1032, %gt3A_1034 : vector<1024x1xf32>
    %lt3A_1036 = arith.cmpf olt, %select_n3A_1018, %get3A_1 : vector<1024x128xf32>
    %and3A_1037 = vector.broadcast %gt3A_1035 : vector<1024x1xi1> to vector<1024x128xi1>
    %and3A_1038 = arith.andi %and3A_1037, %lt3A_1036 : vector<1024x128xi1>
    %select_n3A_1039 = arith.select %and3A_1038, %select_n3A_1018, %select_n3A_767 : vector<1024x128xi1>, vector<1024x128xf32>
    %not3A_1040 = arith.constant dense<true> : vector<1024x128xi1>
    %not3A_1041 = arith.xori %lt3A_1036, %not3A_1040 : vector<1024x128xi1>
    %and3A_1042 = vector.broadcast %gt3A_1035 : vector<1024x1xi1> to vector<1024x128xi1>
    %and3A_1043 = arith.andi %and3A_1042, %not3A_1041 : vector<1024x128xi1>
    %select_n3A_1044 = arith.select %and3A_1043, %select_n3A_1018, %select_n3A_771 : vector<1024x128xi1>, vector<1024x128xf32>
    %get3A_1045 = arith.constant 5 : index
    %get3A_1046 = arith.constant 0 : index
    %get3A_1047 = memref.load %arg1[%get3A_1045, %get3A_1046] : memref<54x2xi32, #tpu.memory_space<smem>>
    %get3A_1048 = arith.constant 5 : index
    %get3A_1049 = arith.constant 1 : index
    %get3A_1050 = memref.load %arg1[%get3A_1048, %get3A_1049] : memref<54x2xi32, #tpu.memory_space<smem>>
    %broadcast_in_dim3A_1051 = arith.constant 0 : i32
    %broadcast_in_dim3A_1052 = vector.broadcast %broadcast_in_dim3A_1051 : i32 to vector<1024x128xi32>
    %xor3A_1053 = arith.xori %get3A_1047, %get3A_1050 : i32
    %xor3A_1054 = arith.constant 466688986 : i32
    %xor3A_1055 = arith.xori %xor3A_1053, %xor3A_1054 : i32
    %add3A_1056 = vector.broadcast %get3A_1047 : i32 to vector<1024x128xi32>
    %add3A_1057 = arith.addi %broadcast_in_dim3A_1052, %add3A_1056 : vector<1024x128xi32>
    %add3A_1058 = vector.broadcast %get3A_1050 : i32 to vector<1024x128xi32>
    %add3A_1059 = arith.addi %add3A_9, %add3A_1058 : vector<1024x128xi32>
    %add3A_1060 = arith.addi %add3A_1057, %add3A_1059 : vector<1024x128xi32>
    %shift_left3A_1061 = arith.constant 13 : i32
    %shift_left3A_1062 = vector.broadcast %shift_left3A_1061 : i32 to vector<1024x128xi32>
    %shift_left3A_1063 = arith.shli %add3A_1059, %shift_left3A_1062 : vector<1024x128xi32>
    %shift_right_logical3A_1064 = arith.constant 19 : i32
    %shift_right_logical3A_1065 = vector.broadcast %shift_right_logical3A_1064 : i32 to vector<1024x128xi32>
    %shift_right_logical3A_1066 = arith.shrui %add3A_1059, %shift_right_logical3A_1065 : vector<1024x128xi32>
    %or3A_1067 = arith.ori %shift_left3A_1063, %shift_right_logical3A_1066 : vector<1024x128xi32>
    %xor3A_1068 = arith.xori %add3A_1060, %or3A_1067 : vector<1024x128xi32>
    %add3A_1069 = arith.addi %add3A_1060, %xor3A_1068 : vector<1024x128xi32>
    %shift_left3A_1070 = arith.constant 15 : i32
    %shift_left3A_1071 = vector.broadcast %shift_left3A_1070 : i32 to vector<1024x128xi32>
    %shift_left3A_1072 = arith.shli %xor3A_1068, %shift_left3A_1071 : vector<1024x128xi32>
    %shift_right_logical3A_1073 = arith.constant 17 : i32
    %shift_right_logical3A_1074 = vector.broadcast %shift_right_logical3A_1073 : i32 to vector<1024x128xi32>
    %shift_right_logical3A_1075 = arith.shrui %xor3A_1068, %shift_right_logical3A_1074 : vector<1024x128xi32>
    %or3A_1076 = arith.ori %shift_left3A_1072, %shift_right_logical3A_1075 : vector<1024x128xi32>
    %xor3A_1077 = arith.xori %add3A_1069, %or3A_1076 : vector<1024x128xi32>
    %add3A_1078 = arith.addi %add3A_1069, %xor3A_1077 : vector<1024x128xi32>
    %shift_left3A_1079 = arith.constant 26 : i32
    %shift_left3A_1080 = vector.broadcast %shift_left3A_1079 : i32 to vector<1024x128xi32>
    %shift_left3A_1081 = arith.shli %xor3A_1077, %shift_left3A_1080 : vector<1024x128xi32>
    %shift_right_logical3A_1082 = arith.constant 6 : i32
    %shift_right_logical3A_1083 = vector.broadcast %shift_right_logical3A_1082 : i32 to vector<1024x128xi32>
    %shift_right_logical3A_1084 = arith.shrui %xor3A_1077, %shift_right_logical3A_1083 : vector<1024x128xi32>
    %or3A_1085 = arith.ori %shift_left3A_1081, %shift_right_logical3A_1084 : vector<1024x128xi32>
    %xor3A_1086 = arith.xori %add3A_1078, %or3A_1085 : vector<1024x128xi32>
    %add3A_1087 = arith.addi %add3A_1078, %xor3A_1086 : vector<1024x128xi32>
    %shift_left3A_1088 = arith.constant 6 : i32
    %shift_left3A_1089 = vector.broadcast %shift_left3A_1088 : i32 to vector<1024x128xi32>
    %shift_left3A_1090 = arith.shli %xor3A_1086, %shift_left3A_1089 : vector<1024x128xi32>
    %shift_right_logical3A_1091 = arith.constant 26 : i32
    %shift_right_logical3A_1092 = vector.broadcast %shift_right_logical3A_1091 : i32 to vector<1024x128xi32>
    %shift_right_logical3A_1093 = arith.shrui %xor3A_1086, %shift_right_logical3A_1092 : vector<1024x128xi32>
    %or3A_1094 = arith.ori %shift_left3A_1090, %shift_right_logical3A_1093 : vector<1024x128xi32>
    %xor3A_1095 = arith.xori %add3A_1087, %or3A_1094 : vector<1024x128xi32>
    %add3A_1096 = vector.broadcast %get3A_1050 : i32 to vector<1024x128xi32>
    %add3A_1097 = arith.addi %add3A_1087, %add3A_1096 : vector<1024x128xi32>
    %add3A_1098 = vector.broadcast %xor3A_1055 : i32 to vector<1024x128xi32>
    %add3A_1099 = arith.addi %xor3A_1095, %add3A_1098 : vector<1024x128xi32>
    %add3A_1100 = arith.constant 1 : i32
    %add3A_1101 = vector.broadcast %add3A_1100 : i32 to vector<1024x128xi32>
    %add3A_1102 = arith.addi %add3A_1099, %add3A_1101 : vector<1024x128xi32>
    %add3A_1103 = arith.addi %add3A_1097, %add3A_1102 : vector<1024x128xi32>
    %shift_left3A_1104 = arith.constant 17 : i32
    %shift_left3A_1105 = vector.broadcast %shift_left3A_1104 : i32 to vector<1024x128xi32>
    %shift_left3A_1106 = arith.shli %add3A_1102, %shift_left3A_1105 : vector<1024x128xi32>
    %shift_right_logical3A_1107 = arith.constant 15 : i32
    %shift_right_logical3A_1108 = vector.broadcast %shift_right_logical3A_1107 : i32 to vector<1024x128xi32>
    %shift_right_logical3A_1109 = arith.shrui %add3A_1102, %shift_right_logical3A_1108 : vector<1024x128xi32>
    %or3A_1110 = arith.ori %shift_left3A_1106, %shift_right_logical3A_1109 : vector<1024x128xi32>
    %xor3A_1111 = arith.xori %add3A_1103, %or3A_1110 : vector<1024x128xi32>
    %add3A_1112 = arith.addi %add3A_1103, %xor3A_1111 : vector<1024x128xi32>
    %shift_left3A_1113 = arith.constant 29 : i32
    %shift_left3A_1114 = vector.broadcast %shift_left3A_1113 : i32 to vector<1024x128xi32>
    %shift_left3A_1115 = arith.shli %xor3A_1111, %shift_left3A_1114 : vector<1024x128xi32>
    %shift_right_logical3A_1116 = arith.constant 3 : i32
    %shift_right_logical3A_1117 = vector.broadcast %shift_right_logical3A_1116 : i32 to vector<1024x128xi32>
    %shift_right_logical3A_1118 = arith.shrui %xor3A_1111, %shift_right_logical3A_1117 : vector<1024x128xi32>
    %or3A_1119 = arith.ori %shift_left3A_1115, %shift_right_logical3A_1118 : vector<1024x128xi32>
    %xor3A_1120 = arith.xori %add3A_1112, %or3A_1119 : vector<1024x128xi32>
    %add3A_1121 = arith.addi %add3A_1112, %xor3A_1120 : vector<1024x128xi32>
    %shift_left3A_1122 = arith.constant 16 : i32
    %shift_left3A_1123 = vector.broadcast %shift_left3A_1122 : i32 to vector<1024x128xi32>
    %shift_left3A_1124 = arith.shli %xor3A_1120, %shift_left3A_1123 : vector<1024x128xi32>
    %shift_right_logical3A_1125 = arith.constant 16 : i32
    %shift_right_logical3A_1126 = vector.broadcast %shift_right_logical3A_1125 : i32 to vector<1024x128xi32>
    %shift_right_logical3A_1127 = arith.shrui %xor3A_1120, %shift_right_logical3A_1126 : vector<1024x128xi32>
    %or3A_1128 = arith.ori %shift_left3A_1124, %shift_right_logical3A_1127 : vector<1024x128xi32>
    %xor3A_1129 = arith.xori %add3A_1121, %or3A_1128 : vector<1024x128xi32>
    %add3A_1130 = arith.addi %add3A_1121, %xor3A_1129 : vector<1024x128xi32>
    %shift_left3A_1131 = arith.constant 24 : i32
    %shift_left3A_1132 = vector.broadcast %shift_left3A_1131 : i32 to vector<1024x128xi32>
    %shift_left3A_1133 = arith.shli %xor3A_1129, %shift_left3A_1132 : vector<1024x128xi32>
    %shift_right_logical3A_1134 = arith.constant 8 : i32
    %shift_right_logical3A_1135 = vector.broadcast %shift_right_logical3A_1134 : i32 to vector<1024x128xi32>
    %shift_right_logical3A_1136 = arith.shrui %xor3A_1129, %shift_right_logical3A_1135 : vector<1024x128xi32>
    %or3A_1137 = arith.ori %shift_left3A_1133, %shift_right_logical3A_1136 : vector<1024x128xi32>
    %xor3A_1138 = arith.xori %add3A_1130, %or3A_1137 : vector<1024x128xi32>
    %add3A_1139 = vector.broadcast %xor3A_1055 : i32 to vector<1024x128xi32>
    %add3A_1140 = arith.addi %add3A_1130, %add3A_1139 : vector<1024x128xi32>
    %add3A_1141 = vector.broadcast %get3A_1047 : i32 to vector<1024x128xi32>
    %add3A_1142 = arith.addi %xor3A_1138, %add3A_1141 : vector<1024x128xi32>
    %add3A_1143 = arith.constant 2 : i32
    %add3A_1144 = vector.broadcast %add3A_1143 : i32 to vector<1024x128xi32>
    %add3A_1145 = arith.addi %add3A_1142, %add3A_1144 : vector<1024x128xi32>
    %add3A_1146 = arith.addi %add3A_1140, %add3A_1145 : vector<1024x128xi32>
    %shift_left3A_1147 = arith.constant 13 : i32
    %shift_left3A_1148 = vector.broadcast %shift_left3A_1147 : i32 to vector<1024x128xi32>
    %shift_left3A_1149 = arith.shli %add3A_1145, %shift_left3A_1148 : vector<1024x128xi32>
    %shift_right_logical3A_1150 = arith.constant 19 : i32
    %shift_right_logical3A_1151 = vector.broadcast %shift_right_logical3A_1150 : i32 to vector<1024x128xi32>
    %shift_right_logical3A_1152 = arith.shrui %add3A_1145, %shift_right_logical3A_1151 : vector<1024x128xi32>
    %or3A_1153 = arith.ori %shift_left3A_1149, %shift_right_logical3A_1152 : vector<1024x128xi32>
    %xor3A_1154 = arith.xori %add3A_1146, %or3A_1153 : vector<1024x128xi32>
    %add3A_1155 = arith.addi %add3A_1146, %xor3A_1154 : vector<1024x128xi32>
    %shift_left3A_1156 = arith.constant 15 : i32
    %shift_left3A_1157 = vector.broadcast %shift_left3A_1156 : i32 to vector<1024x128xi32>
    %shift_left3A_1158 = arith.shli %xor3A_1154, %shift_left3A_1157 : vector<1024x128xi32>
    %shift_right_logical3A_1159 = arith.constant 17 : i32
    %shift_right_logical3A_1160 = vector.broadcast %shift_right_logical3A_1159 : i32 to vector<1024x128xi32>
    %shift_right_logical3A_1161 = arith.shrui %xor3A_1154, %shift_right_logical3A_1160 : vector<1024x128xi32>
    %or3A_1162 = arith.ori %shift_left3A_1158, %shift_right_logical3A_1161 : vector<1024x128xi32>
    %xor3A_1163 = arith.xori %add3A_1155, %or3A_1162 : vector<1024x128xi32>
    %add3A_1164 = arith.addi %add3A_1155, %xor3A_1163 : vector<1024x128xi32>
    %shift_left3A_1165 = arith.constant 26 : i32
    %shift_left3A_1166 = vector.broadcast %shift_left3A_1165 : i32 to vector<1024x128xi32>
    %shift_left3A_1167 = arith.shli %xor3A_1163, %shift_left3A_1166 : vector<1024x128xi32>
    %shift_right_logical3A_1168 = arith.constant 6 : i32
    %shift_right_logical3A_1169 = vector.broadcast %shift_right_logical3A_1168 : i32 to vector<1024x128xi32>
    %shift_right_logical3A_1170 = arith.shrui %xor3A_1163, %shift_right_logical3A_1169 : vector<1024x128xi32>
    %or3A_1171 = arith.ori %shift_left3A_1167, %shift_right_logical3A_1170 : vector<1024x128xi32>
    %xor3A_1172 = arith.xori %add3A_1164, %or3A_1171 : vector<1024x128xi32>
    %add3A_1173 = arith.addi %add3A_1164, %xor3A_1172 : vector<1024x128xi32>
    %shift_left3A_1174 = arith.constant 6 : i32
    %shift_left3A_1175 = vector.broadcast %shift_left3A_1174 : i32 to vector<1024x128xi32>
    %shift_left3A_1176 = arith.shli %xor3A_1172, %shift_left3A_1175 : vector<1024x128xi32>
    %shift_right_logical3A_1177 = arith.constant 26 : i32
    %shift_right_logical3A_1178 = vector.broadcast %shift_right_logical3A_1177 : i32 to vector<1024x128xi32>
    %shift_right_logical3A_1179 = arith.shrui %xor3A_1172, %shift_right_logical3A_1178 : vector<1024x128xi32>
    %or3A_1180 = arith.ori %shift_left3A_1176, %shift_right_logical3A_1179 : vector<1024x128xi32>
    %xor3A_1181 = arith.xori %add3A_1173, %or3A_1180 : vector<1024x128xi32>
    %add3A_1182 = vector.broadcast %get3A_1047 : i32 to vector<1024x128xi32>
    %add3A_1183 = arith.addi %add3A_1173, %add3A_1182 : vector<1024x128xi32>
    %add3A_1184 = vector.broadcast %get3A_1050 : i32 to vector<1024x128xi32>
    %add3A_1185 = arith.addi %xor3A_1181, %add3A_1184 : vector<1024x128xi32>
    %add3A_1186 = arith.constant 3 : i32
    %add3A_1187 = vector.broadcast %add3A_1186 : i32 to vector<1024x128xi32>
    %add3A_1188 = arith.addi %add3A_1185, %add3A_1187 : vector<1024x128xi32>
    %add3A_1189 = arith.addi %add3A_1183, %add3A_1188 : vector<1024x128xi32>
    %shift_left3A_1190 = arith.constant 17 : i32
    %shift_left3A_1191 = vector.broadcast %shift_left3A_1190 : i32 to vector<1024x128xi32>
    %shift_left3A_1192 = arith.shli %add3A_1188, %shift_left3A_1191 : vector<1024x128xi32>
    %shift_right_logical3A_1193 = arith.constant 15 : i32
    %shift_right_logical3A_1194 = vector.broadcast %shift_right_logical3A_1193 : i32 to vector<1024x128xi32>
    %shift_right_logical3A_1195 = arith.shrui %add3A_1188, %shift_right_logical3A_1194 : vector<1024x128xi32>
    %or3A_1196 = arith.ori %shift_left3A_1192, %shift_right_logical3A_1195 : vector<1024x128xi32>
    %xor3A_1197 = arith.xori %add3A_1189, %or3A_1196 : vector<1024x128xi32>
    %add3A_1198 = arith.addi %add3A_1189, %xor3A_1197 : vector<1024x128xi32>
    %shift_left3A_1199 = arith.constant 29 : i32
    %shift_left3A_1200 = vector.broadcast %shift_left3A_1199 : i32 to vector<1024x128xi32>
    %shift_left3A_1201 = arith.shli %xor3A_1197, %shift_left3A_1200 : vector<1024x128xi32>
    %shift_right_logical3A_1202 = arith.constant 3 : i32
    %shift_right_logical3A_1203 = vector.broadcast %shift_right_logical3A_1202 : i32 to vector<1024x128xi32>
    %shift_right_logical3A_1204 = arith.shrui %xor3A_1197, %shift_right_logical3A_1203 : vector<1024x128xi32>
    %or3A_1205 = arith.ori %shift_left3A_1201, %shift_right_logical3A_1204 : vector<1024x128xi32>
    %xor3A_1206 = arith.xori %add3A_1198, %or3A_1205 : vector<1024x128xi32>
    %add3A_1207 = arith.addi %add3A_1198, %xor3A_1206 : vector<1024x128xi32>
    %shift_left3A_1208 = arith.constant 16 : i32
    %shift_left3A_1209 = vector.broadcast %shift_left3A_1208 : i32 to vector<1024x128xi32>
    %shift_left3A_1210 = arith.shli %xor3A_1206, %shift_left3A_1209 : vector<1024x128xi32>
    %shift_right_logical3A_1211 = arith.constant 16 : i32
    %shift_right_logical3A_1212 = vector.broadcast %shift_right_logical3A_1211 : i32 to vector<1024x128xi32>
    %shift_right_logical3A_1213 = arith.shrui %xor3A_1206, %shift_right_logical3A_1212 : vector<1024x128xi32>
    %or3A_1214 = arith.ori %shift_left3A_1210, %shift_right_logical3A_1213 : vector<1024x128xi32>
    %xor3A_1215 = arith.xori %add3A_1207, %or3A_1214 : vector<1024x128xi32>
    %add3A_1216 = arith.addi %add3A_1207, %xor3A_1215 : vector<1024x128xi32>
    %shift_left3A_1217 = arith.constant 24 : i32
    %shift_left3A_1218 = vector.broadcast %shift_left3A_1217 : i32 to vector<1024x128xi32>
    %shift_left3A_1219 = arith.shli %xor3A_1215, %shift_left3A_1218 : vector<1024x128xi32>
    %shift_right_logical3A_1220 = arith.constant 8 : i32
    %shift_right_logical3A_1221 = vector.broadcast %shift_right_logical3A_1220 : i32 to vector<1024x128xi32>
    %shift_right_logical3A_1222 = arith.shrui %xor3A_1215, %shift_right_logical3A_1221 : vector<1024x128xi32>
    %or3A_1223 = arith.ori %shift_left3A_1219, %shift_right_logical3A_1222 : vector<1024x128xi32>
    %xor3A_1224 = arith.xori %add3A_1216, %or3A_1223 : vector<1024x128xi32>
    %add3A_1225 = vector.broadcast %get3A_1050 : i32 to vector<1024x128xi32>
    %add3A_1226 = arith.addi %add3A_1216, %add3A_1225 : vector<1024x128xi32>
    %add3A_1227 = vector.broadcast %xor3A_1055 : i32 to vector<1024x128xi32>
    %add3A_1228 = arith.addi %xor3A_1224, %add3A_1227 : vector<1024x128xi32>
    %add3A_1229 = arith.constant 4 : i32
    %add3A_1230 = vector.broadcast %add3A_1229 : i32 to vector<1024x128xi32>
    %add3A_1231 = arith.addi %add3A_1228, %add3A_1230 : vector<1024x128xi32>
    %add3A_1232 = arith.addi %add3A_1226, %add3A_1231 : vector<1024x128xi32>
    %shift_left3A_1233 = arith.constant 13 : i32
    %shift_left3A_1234 = vector.broadcast %shift_left3A_1233 : i32 to vector<1024x128xi32>
    %shift_left3A_1235 = arith.shli %add3A_1231, %shift_left3A_1234 : vector<1024x128xi32>
    %shift_right_logical3A_1236 = arith.constant 19 : i32
    %shift_right_logical3A_1237 = vector.broadcast %shift_right_logical3A_1236 : i32 to vector<1024x128xi32>
    %shift_right_logical3A_1238 = arith.shrui %add3A_1231, %shift_right_logical3A_1237 : vector<1024x128xi32>
    %or3A_1239 = arith.ori %shift_left3A_1235, %shift_right_logical3A_1238 : vector<1024x128xi32>
    %xor3A_1240 = arith.xori %add3A_1232, %or3A_1239 : vector<1024x128xi32>
    %add3A_1241 = arith.addi %add3A_1232, %xor3A_1240 : vector<1024x128xi32>
    %shift_left3A_1242 = arith.constant 15 : i32
    %shift_left3A_1243 = vector.broadcast %shift_left3A_1242 : i32 to vector<1024x128xi32>
    %shift_left3A_1244 = arith.shli %xor3A_1240, %shift_left3A_1243 : vector<1024x128xi32>
    %shift_right_logical3A_1245 = arith.constant 17 : i32
    %shift_right_logical3A_1246 = vector.broadcast %shift_right_logical3A_1245 : i32 to vector<1024x128xi32>
    %shift_right_logical3A_1247 = arith.shrui %xor3A_1240, %shift_right_logical3A_1246 : vector<1024x128xi32>
    %or3A_1248 = arith.ori %shift_left3A_1244, %shift_right_logical3A_1247 : vector<1024x128xi32>
    %xor3A_1249 = arith.xori %add3A_1241, %or3A_1248 : vector<1024x128xi32>
    %add3A_1250 = arith.addi %add3A_1241, %xor3A_1249 : vector<1024x128xi32>
    %shift_left3A_1251 = arith.constant 26 : i32
    %shift_left3A_1252 = vector.broadcast %shift_left3A_1251 : i32 to vector<1024x128xi32>
    %shift_left3A_1253 = arith.shli %xor3A_1249, %shift_left3A_1252 : vector<1024x128xi32>
    %shift_right_logical3A_1254 = arith.constant 6 : i32
    %shift_right_logical3A_1255 = vector.broadcast %shift_right_logical3A_1254 : i32 to vector<1024x128xi32>
    %shift_right_logical3A_1256 = arith.shrui %xor3A_1249, %shift_right_logical3A_1255 : vector<1024x128xi32>
    %or3A_1257 = arith.ori %shift_left3A_1253, %shift_right_logical3A_1256 : vector<1024x128xi32>
    %xor3A_1258 = arith.xori %add3A_1250, %or3A_1257 : vector<1024x128xi32>
    %add3A_1259 = arith.addi %add3A_1250, %xor3A_1258 : vector<1024x128xi32>
    %shift_left3A_1260 = arith.constant 6 : i32
    %shift_left3A_1261 = vector.broadcast %shift_left3A_1260 : i32 to vector<1024x128xi32>
    %shift_left3A_1262 = arith.shli %xor3A_1258, %shift_left3A_1261 : vector<1024x128xi32>
    %shift_right_logical3A_1263 = arith.constant 26 : i32
    %shift_right_logical3A_1264 = vector.broadcast %shift_right_logical3A_1263 : i32 to vector<1024x128xi32>
    %shift_right_logical3A_1265 = arith.shrui %xor3A_1258, %shift_right_logical3A_1264 : vector<1024x128xi32>
    %or3A_1266 = arith.ori %shift_left3A_1262, %shift_right_logical3A_1265 : vector<1024x128xi32>
    %xor3A_1267 = arith.xori %add3A_1259, %or3A_1266 : vector<1024x128xi32>
    %add3A_1268 = vector.broadcast %xor3A_1055 : i32 to vector<1024x128xi32>
    %add3A_1269 = arith.addi %add3A_1259, %add3A_1268 : vector<1024x128xi32>
    %add3A_1270 = vector.broadcast %get3A_1047 : i32 to vector<1024x128xi32>
    %add3A_1271 = arith.addi %xor3A_1267, %add3A_1270 : vector<1024x128xi32>
    %add3A_1272 = arith.constant 5 : i32
    %add3A_1273 = vector.broadcast %add3A_1272 : i32 to vector<1024x128xi32>
    %add3A_1274 = arith.addi %add3A_1271, %add3A_1273 : vector<1024x128xi32>
    %xor3A_1275 = arith.xori %add3A_1269, %add3A_1274 : vector<1024x128xi32>
    %shift_right_logical3A_1276 = arith.constant 9 : i32
    %shift_right_logical3A_1277 = vector.broadcast %shift_right_logical3A_1276 : i32 to vector<1024x128xi32>
    %shift_right_logical3A_1278 = arith.shrui %xor3A_1275, %shift_right_logical3A_1277 : vector<1024x128xi32>
    %or3A_1279 = arith.constant 1065353216 : i32
    %or3A_1280 = vector.broadcast %or3A_1279 : i32 to vector<1024x128xi32>
    %or3A_1281 = arith.ori %shift_right_logical3A_1278, %or3A_1280 : vector<1024x128xi32>
    %bitcast_convert_type3A_1282 = tpu.bitcast %or3A_1281 : vector<1024x128xi32> -> vector<1024x128xf32>
    %sub3A_1283 = arith.constant 1.000000e+00 : f32
    %sub3A_1284 = vector.broadcast %sub3A_1283 : f32 to vector<1024x128xf32>
    %sub3A_1285 = arith.subf %bitcast_convert_type3A_1282, %sub3A_1284 : vector<1024x128xf32>
    %sub3A_1286 = arith.subf %select_n3A_1044, %select_n3A_1039 : vector<1024x128xf32>
    %mul3A_1287 = arith.mulf %sub3A_1285, %sub3A_1286 : vector<1024x128xf32>
    %add3A_1288 = arith.addf %mul3A_1287, %select_n3A_1039 : vector<1024x128xf32>
    %broadcast_in_dim3A_1289 = vector.shape_cast %gt3A_1035 : vector<1024x1xi1> to vector<1024x1xi1>
    %broadcast_in_dim3A_1290 = vector.broadcast %broadcast_in_dim3A_1289 : vector<1024x1xi1> to vector<1024x128xi1>
    %select_n3A_1291 = arith.select %broadcast_in_dim3A_1290, %add3A_1288, %select_n3A_1018 : vector<1024x128xi1>, vector<1024x128xf32>
    %mul3A_1292 = arith.mulf %select_n3A_1291, %select_n3A_1291 : vector<1024x128xf32>
    %reduce_sum3A_1293 = arith.constant dense<0.000000e+00> : vector<1024xf32>
    %reduce_sum3A_1294 = vector.multi_reduction <add>, %mul3A_1292, %reduce_sum3A_1293 [1] : vector<1024x128xf32> to vector<1024xf32>
    %broadcast_in_dim3A_1295 = vector.shape_cast %reduce_sum3A_1294 : vector<1024xf32> to vector<1024x1xf32>
    %mul3A_1296 = arith.constant -5.000000e-01 : f32
    %mul3A_1297 = vector.broadcast %mul3A_1296 : f32 to vector<1024x1xf32>
    %mul3A_1298 = arith.mulf %mul3A_1297, %broadcast_in_dim3A_1295 : vector<1024x1xf32>
    %lt3A_1299 = arith.cmpf olt, %mul3A_1298, %add3A_253 : vector<1024x1xf32>
    %and3A_1300 = arith.andi %gt3A_1035, %lt3A_1299 : vector<1024x1xi1>
    %jit3A_1301 = arith.constant 1.000000e+00 : f32
    %jit3A_1302 = arith.constant 0.000000e+00 : f32
    %broadcast_in_dim3A_1303 = vector.broadcast %jit3A_1301 : f32 to vector<1024x1xf32>
    %broadcast_in_dim3A_1304 = vector.broadcast %jit3A_1302 : f32 to vector<1024x1xf32>
    %select_n3A_1305 = arith.select %and3A_1300, %broadcast_in_dim3A_1303, %broadcast_in_dim3A_1304 : vector<1024x1xi1>, vector<1024x1xf32>
    %gt3A_1306 = arith.constant 0.000000e+00 : f32
    %gt3A_1307 = vector.broadcast %gt3A_1306 : f32 to vector<1024x1xf32>
    %gt3A_1308 = arith.cmpf ogt, %select_n3A_1305, %gt3A_1307 : vector<1024x1xf32>
    %lt3A_1309 = arith.cmpf olt, %select_n3A_1291, %get3A_1 : vector<1024x128xf32>
    %and3A_1310 = vector.broadcast %gt3A_1308 : vector<1024x1xi1> to vector<1024x128xi1>
    %and3A_1311 = arith.andi %and3A_1310, %lt3A_1309 : vector<1024x128xi1>
    %select_n3A_1312 = arith.select %and3A_1311, %select_n3A_1291, %select_n3A_1039 : vector<1024x128xi1>, vector<1024x128xf32>
    %not3A_1313 = arith.constant dense<true> : vector<1024x128xi1>
    %not3A_1314 = arith.xori %lt3A_1309, %not3A_1313 : vector<1024x128xi1>
    %and3A_1315 = vector.broadcast %gt3A_1308 : vector<1024x1xi1> to vector<1024x128xi1>
    %and3A_1316 = arith.andi %and3A_1315, %not3A_1314 : vector<1024x128xi1>
    %select_n3A_1317 = arith.select %and3A_1316, %select_n3A_1291, %select_n3A_1044 : vector<1024x128xi1>, vector<1024x128xf32>
    %get3A_1318 = arith.constant 6 : index
    %get3A_1319 = arith.constant 0 : index
    %get3A_1320 = memref.load %arg1[%get3A_1318, %get3A_1319] : memref<54x2xi32, #tpu.memory_space<smem>>
    %get3A_1321 = arith.constant 6 : index
    %get3A_1322 = arith.constant 1 : index
    %get3A_1323 = memref.load %arg1[%get3A_1321, %get3A_1322] : memref<54x2xi32, #tpu.memory_space<smem>>
    %broadcast_in_dim3A_1324 = arith.constant 0 : i32
    %broadcast_in_dim3A_1325 = vector.broadcast %broadcast_in_dim3A_1324 : i32 to vector<1024x128xi32>
    %xor3A_1326 = arith.xori %get3A_1320, %get3A_1323 : i32
    %xor3A_1327 = arith.constant 466688986 : i32
    %xor3A_1328 = arith.xori %xor3A_1326, %xor3A_1327 : i32
    %add3A_1329 = vector.broadcast %get3A_1320 : i32 to vector<1024x128xi32>
    %add3A_1330 = arith.addi %broadcast_in_dim3A_1325, %add3A_1329 : vector<1024x128xi32>
    %add3A_1331 = vector.broadcast %get3A_1323 : i32 to vector<1024x128xi32>
    %add3A_1332 = arith.addi %add3A_9, %add3A_1331 : vector<1024x128xi32>
    %add3A_1333 = arith.addi %add3A_1330, %add3A_1332 : vector<1024x128xi32>
    %shift_left3A_1334 = arith.constant 13 : i32
    %shift_left3A_1335 = vector.broadcast %shift_left3A_1334 : i32 to vector<1024x128xi32>
    %shift_left3A_1336 = arith.shli %add3A_1332, %shift_left3A_1335 : vector<1024x128xi32>
    %shift_right_logical3A_1337 = arith.constant 19 : i32
    %shift_right_logical3A_1338 = vector.broadcast %shift_right_logical3A_1337 : i32 to vector<1024x128xi32>
    %shift_right_logical3A_1339 = arith.shrui %add3A_1332, %shift_right_logical3A_1338 : vector<1024x128xi32>
    %or3A_1340 = arith.ori %shift_left3A_1336, %shift_right_logical3A_1339 : vector<1024x128xi32>
    %xor3A_1341 = arith.xori %add3A_1333, %or3A_1340 : vector<1024x128xi32>
    %add3A_1342 = arith.addi %add3A_1333, %xor3A_1341 : vector<1024x128xi32>
    %shift_left3A_1343 = arith.constant 15 : i32
    %shift_left3A_1344 = vector.broadcast %shift_left3A_1343 : i32 to vector<1024x128xi32>
    %shift_left3A_1345 = arith.shli %xor3A_1341, %shift_left3A_1344 : vector<1024x128xi32>
    %shift_right_logical3A_1346 = arith.constant 17 : i32
    %shift_right_logical3A_1347 = vector.broadcast %shift_right_logical3A_1346 : i32 to vector<1024x128xi32>
    %shift_right_logical3A_1348 = arith.shrui %xor3A_1341, %shift_right_logical3A_1347 : vector<1024x128xi32>
    %or3A_1349 = arith.ori %shift_left3A_1345, %shift_right_logical3A_1348 : vector<1024x128xi32>
    %xor3A_1350 = arith.xori %add3A_1342, %or3A_1349 : vector<1024x128xi32>
    %add3A_1351 = arith.addi %add3A_1342, %xor3A_1350 : vector<1024x128xi32>
    %shift_left3A_1352 = arith.constant 26 : i32
    %shift_left3A_1353 = vector.broadcast %shift_left3A_1352 : i32 to vector<1024x128xi32>
    %shift_left3A_1354 = arith.shli %xor3A_1350, %shift_left3A_1353 : vector<1024x128xi32>
    %shift_right_logical3A_1355 = arith.constant 6 : i32
    %shift_right_logical3A_1356 = vector.broadcast %shift_right_logical3A_1355 : i32 to vector<1024x128xi32>
    %shift_right_logical3A_1357 = arith.shrui %xor3A_1350, %shift_right_logical3A_1356 : vector<1024x128xi32>
    %or3A_1358 = arith.ori %shift_left3A_1354, %shift_right_logical3A_1357 : vector<1024x128xi32>
    %xor3A_1359 = arith.xori %add3A_1351, %or3A_1358 : vector<1024x128xi32>
    %add3A_1360 = arith.addi %add3A_1351, %xor3A_1359 : vector<1024x128xi32>
    %shift_left3A_1361 = arith.constant 6 : i32
    %shift_left3A_1362 = vector.broadcast %shift_left3A_1361 : i32 to vector<1024x128xi32>
    %shift_left3A_1363 = arith.shli %xor3A_1359, %shift_left3A_1362 : vector<1024x128xi32>
    %shift_right_logical3A_1364 = arith.constant 26 : i32
    %shift_right_logical3A_1365 = vector.broadcast %shift_right_logical3A_1364 : i32 to vector<1024x128xi32>
    %shift_right_logical3A_1366 = arith.shrui %xor3A_1359, %shift_right_logical3A_1365 : vector<1024x128xi32>
    %or3A_1367 = arith.ori %shift_left3A_1363, %shift_right_logical3A_1366 : vector<1024x128xi32>
    %xor3A_1368 = arith.xori %add3A_1360, %or3A_1367 : vector<1024x128xi32>
    %add3A_1369 = vector.broadcast %get3A_1323 : i32 to vector<1024x128xi32>
    %add3A_1370 = arith.addi %add3A_1360, %add3A_1369 : vector<1024x128xi32>
    %add3A_1371 = vector.broadcast %xor3A_1328 : i32 to vector<1024x128xi32>
    %add3A_1372 = arith.addi %xor3A_1368, %add3A_1371 : vector<1024x128xi32>
    %add3A_1373 = arith.constant 1 : i32
    %add3A_1374 = vector.broadcast %add3A_1373 : i32 to vector<1024x128xi32>
    %add3A_1375 = arith.addi %add3A_1372, %add3A_1374 : vector<1024x128xi32>
    %add3A_1376 = arith.addi %add3A_1370, %add3A_1375 : vector<1024x128xi32>
    %shift_left3A_1377 = arith.constant 17 : i32
    %shift_left3A_1378 = vector.broadcast %shift_left3A_1377 : i32 to vector<1024x128xi32>
    %shift_left3A_1379 = arith.shli %add3A_1375, %shift_left3A_1378 : vector<1024x128xi32>
    %shift_right_logical3A_1380 = arith.constant 15 : i32
    %shift_right_logical3A_1381 = vector.broadcast %shift_right_logical3A_1380 : i32 to vector<1024x128xi32>
    %shift_right_logical3A_1382 = arith.shrui %add3A_1375, %shift_right_logical3A_1381 : vector<1024x128xi32>
    %or3A_1383 = arith.ori %shift_left3A_1379, %shift_right_logical3A_1382 : vector<1024x128xi32>
    %xor3A_1384 = arith.xori %add3A_1376, %or3A_1383 : vector<1024x128xi32>
    %add3A_1385 = arith.addi %add3A_1376, %xor3A_1384 : vector<1024x128xi32>
    %shift_left3A_1386 = arith.constant 29 : i32
    %shift_left3A_1387 = vector.broadcast %shift_left3A_1386 : i32 to vector<1024x128xi32>
    %shift_left3A_1388 = arith.shli %xor3A_1384, %shift_left3A_1387 : vector<1024x128xi32>
    %shift_right_logical3A_1389 = arith.constant 3 : i32
    %shift_right_logical3A_1390 = vector.broadcast %shift_right_logical3A_1389 : i32 to vector<1024x128xi32>
    %shift_right_logical3A_1391 = arith.shrui %xor3A_1384, %shift_right_logical3A_1390 : vector<1024x128xi32>
    %or3A_1392 = arith.ori %shift_left3A_1388, %shift_right_logical3A_1391 : vector<1024x128xi32>
    %xor3A_1393 = arith.xori %add3A_1385, %or3A_1392 : vector<1024x128xi32>
    %add3A_1394 = arith.addi %add3A_1385, %xor3A_1393 : vector<1024x128xi32>
    %shift_left3A_1395 = arith.constant 16 : i32
    %shift_left3A_1396 = vector.broadcast %shift_left3A_1395 : i32 to vector<1024x128xi32>
    %shift_left3A_1397 = arith.shli %xor3A_1393, %shift_left3A_1396 : vector<1024x128xi32>
    %shift_right_logical3A_1398 = arith.constant 16 : i32
    %shift_right_logical3A_1399 = vector.broadcast %shift_right_logical3A_1398 : i32 to vector<1024x128xi32>
    %shift_right_logical3A_1400 = arith.shrui %xor3A_1393, %shift_right_logical3A_1399 : vector<1024x128xi32>
    %or3A_1401 = arith.ori %shift_left3A_1397, %shift_right_logical3A_1400 : vector<1024x128xi32>
    %xor3A_1402 = arith.xori %add3A_1394, %or3A_1401 : vector<1024x128xi32>
    %add3A_1403 = arith.addi %add3A_1394, %xor3A_1402 : vector<1024x128xi32>
    %shift_left3A_1404 = arith.constant 24 : i32
    %shift_left3A_1405 = vector.broadcast %shift_left3A_1404 : i32 to vector<1024x128xi32>
    %shift_left3A_1406 = arith.shli %xor3A_1402, %shift_left3A_1405 : vector<1024x128xi32>
    %shift_right_logical3A_1407 = arith.constant 8 : i32
    %shift_right_logical3A_1408 = vector.broadcast %shift_right_logical3A_1407 : i32 to vector<1024x128xi32>
    %shift_right_logical3A_1409 = arith.shrui %xor3A_1402, %shift_right_logical3A_1408 : vector<1024x128xi32>
    %or3A_1410 = arith.ori %shift_left3A_1406, %shift_right_logical3A_1409 : vector<1024x128xi32>
    %xor3A_1411 = arith.xori %add3A_1403, %or3A_1410 : vector<1024x128xi32>
    %add3A_1412 = vector.broadcast %xor3A_1328 : i32 to vector<1024x128xi32>
    %add3A_1413 = arith.addi %add3A_1403, %add3A_1412 : vector<1024x128xi32>
    %add3A_1414 = vector.broadcast %get3A_1320 : i32 to vector<1024x128xi32>
    %add3A_1415 = arith.addi %xor3A_1411, %add3A_1414 : vector<1024x128xi32>
    %add3A_1416 = arith.constant 2 : i32
    %add3A_1417 = vector.broadcast %add3A_1416 : i32 to vector<1024x128xi32>
    %add3A_1418 = arith.addi %add3A_1415, %add3A_1417 : vector<1024x128xi32>
    %add3A_1419 = arith.addi %add3A_1413, %add3A_1418 : vector<1024x128xi32>
    %shift_left3A_1420 = arith.constant 13 : i32
    %shift_left3A_1421 = vector.broadcast %shift_left3A_1420 : i32 to vector<1024x128xi32>
    %shift_left3A_1422 = arith.shli %add3A_1418, %shift_left3A_1421 : vector<1024x128xi32>
    %shift_right_logical3A_1423 = arith.constant 19 : i32
    %shift_right_logical3A_1424 = vector.broadcast %shift_right_logical3A_1423 : i32 to vector<1024x128xi32>
    %shift_right_logical3A_1425 = arith.shrui %add3A_1418, %shift_right_logical3A_1424 : vector<1024x128xi32>
    %or3A_1426 = arith.ori %shift_left3A_1422, %shift_right_logical3A_1425 : vector<1024x128xi32>
    %xor3A_1427 = arith.xori %add3A_1419, %or3A_1426 : vector<1024x128xi32>
    %add3A_1428 = arith.addi %add3A_1419, %xor3A_1427 : vector<1024x128xi32>
    %shift_left3A_1429 = arith.constant 15 : i32
    %shift_left3A_1430 = vector.broadcast %shift_left3A_1429 : i32 to vector<1024x128xi32>
    %shift_left3A_1431 = arith.shli %xor3A_1427, %shift_left3A_1430 : vector<1024x128xi32>
    %shift_right_logical3A_1432 = arith.constant 17 : i32
    %shift_right_logical3A_1433 = vector.broadcast %shift_right_logical3A_1432 : i32 to vector<1024x128xi32>
    %shift_right_logical3A_1434 = arith.shrui %xor3A_1427, %shift_right_logical3A_1433 : vector<1024x128xi32>
    %or3A_1435 = arith.ori %shift_left3A_1431, %shift_right_logical3A_1434 : vector<1024x128xi32>
    %xor3A_1436 = arith.xori %add3A_1428, %or3A_1435 : vector<1024x128xi32>
    %add3A_1437 = arith.addi %add3A_1428, %xor3A_1436 : vector<1024x128xi32>
    %shift_left3A_1438 = arith.constant 26 : i32
    %shift_left3A_1439 = vector.broadcast %shift_left3A_1438 : i32 to vector<1024x128xi32>
    %shift_left3A_1440 = arith.shli %xor3A_1436, %shift_left3A_1439 : vector<1024x128xi32>
    %shift_right_logical3A_1441 = arith.constant 6 : i32
    %shift_right_logical3A_1442 = vector.broadcast %shift_right_logical3A_1441 : i32 to vector<1024x128xi32>
    %shift_right_logical3A_1443 = arith.shrui %xor3A_1436, %shift_right_logical3A_1442 : vector<1024x128xi32>
    %or3A_1444 = arith.ori %shift_left3A_1440, %shift_right_logical3A_1443 : vector<1024x128xi32>
    %xor3A_1445 = arith.xori %add3A_1437, %or3A_1444 : vector<1024x128xi32>
    %add3A_1446 = arith.addi %add3A_1437, %xor3A_1445 : vector<1024x128xi32>
    %shift_left3A_1447 = arith.constant 6 : i32
    %shift_left3A_1448 = vector.broadcast %shift_left3A_1447 : i32 to vector<1024x128xi32>
    %shift_left3A_1449 = arith.shli %xor3A_1445, %shift_left3A_1448 : vector<1024x128xi32>
    %shift_right_logical3A_1450 = arith.constant 26 : i32
    %shift_right_logical3A_1451 = vector.broadcast %shift_right_logical3A_1450 : i32 to vector<1024x128xi32>
    %shift_right_logical3A_1452 = arith.shrui %xor3A_1445, %shift_right_logical3A_1451 : vector<1024x128xi32>
    %or3A_1453 = arith.ori %shift_left3A_1449, %shift_right_logical3A_1452 : vector<1024x128xi32>
    %xor3A_1454 = arith.xori %add3A_1446, %or3A_1453 : vector<1024x128xi32>
    %add3A_1455 = vector.broadcast %get3A_1320 : i32 to vector<1024x128xi32>
    %add3A_1456 = arith.addi %add3A_1446, %add3A_1455 : vector<1024x128xi32>
    %add3A_1457 = vector.broadcast %get3A_1323 : i32 to vector<1024x128xi32>
    %add3A_1458 = arith.addi %xor3A_1454, %add3A_1457 : vector<1024x128xi32>
    %add3A_1459 = arith.constant 3 : i32
    %add3A_1460 = vector.broadcast %add3A_1459 : i32 to vector<1024x128xi32>
    %add3A_1461 = arith.addi %add3A_1458, %add3A_1460 : vector<1024x128xi32>
    %add3A_1462 = arith.addi %add3A_1456, %add3A_1461 : vector<1024x128xi32>
    %shift_left3A_1463 = arith.constant 17 : i32
    %shift_left3A_1464 = vector.broadcast %shift_left3A_1463 : i32 to vector<1024x128xi32>
    %shift_left3A_1465 = arith.shli %add3A_1461, %shift_left3A_1464 : vector<1024x128xi32>
    %shift_right_logical3A_1466 = arith.constant 15 : i32
    %shift_right_logical3A_1467 = vector.broadcast %shift_right_logical3A_1466 : i32 to vector<1024x128xi32>
    %shift_right_logical3A_1468 = arith.shrui %add3A_1461, %shift_right_logical3A_1467 : vector<1024x128xi32>
    %or3A_1469 = arith.ori %shift_left3A_1465, %shift_right_logical3A_1468 : vector<1024x128xi32>
    %xor3A_1470 = arith.xori %add3A_1462, %or3A_1469 : vector<1024x128xi32>
    %add3A_1471 = arith.addi %add3A_1462, %xor3A_1470 : vector<1024x128xi32>
    %shift_left3A_1472 = arith.constant 29 : i32
    %shift_left3A_1473 = vector.broadcast %shift_left3A_1472 : i32 to vector<1024x128xi32>
    %shift_left3A_1474 = arith.shli %xor3A_1470, %shift_left3A_1473 : vector<1024x128xi32>
    %shift_right_logical3A_1475 = arith.constant 3 : i32
    %shift_right_logical3A_1476 = vector.broadcast %shift_right_logical3A_1475 : i32 to vector<1024x128xi32>
    %shift_right_logical3A_1477 = arith.shrui %xor3A_1470, %shift_right_logical3A_1476 : vector<1024x128xi32>
    %or3A_1478 = arith.ori %shift_left3A_1474, %shift_right_logical3A_1477 : vector<1024x128xi32>
    %xor3A_1479 = arith.xori %add3A_1471, %or3A_1478 : vector<1024x128xi32>
    %add3A_1480 = arith.addi %add3A_1471, %xor3A_1479 : vector<1024x128xi32>
    %shift_left3A_1481 = arith.constant 16 : i32
    %shift_left3A_1482 = vector.broadcast %shift_left3A_1481 : i32 to vector<1024x128xi32>
    %shift_left3A_1483 = arith.shli %xor3A_1479, %shift_left3A_1482 : vector<1024x128xi32>
    %shift_right_logical3A_1484 = arith.constant 16 : i32
    %shift_right_logical3A_1485 = vector.broadcast %shift_right_logical3A_1484 : i32 to vector<1024x128xi32>
    %shift_right_logical3A_1486 = arith.shrui %xor3A_1479, %shift_right_logical3A_1485 : vector<1024x128xi32>
    %or3A_1487 = arith.ori %shift_left3A_1483, %shift_right_logical3A_1486 : vector<1024x128xi32>
    %xor3A_1488 = arith.xori %add3A_1480, %or3A_1487 : vector<1024x128xi32>
    %add3A_1489 = arith.addi %add3A_1480, %xor3A_1488 : vector<1024x128xi32>
    %shift_left3A_1490 = arith.constant 24 : i32
    %shift_left3A_1491 = vector.broadcast %shift_left3A_1490 : i32 to vector<1024x128xi32>
    %shift_left3A_1492 = arith.shli %xor3A_1488, %shift_left3A_1491 : vector<1024x128xi32>
    %shift_right_logical3A_1493 = arith.constant 8 : i32
    %shift_right_logical3A_1494 = vector.broadcast %shift_right_logical3A_1493 : i32 to vector<1024x128xi32>
    %shift_right_logical3A_1495 = arith.shrui %xor3A_1488, %shift_right_logical3A_1494 : vector<1024x128xi32>
    %or3A_1496 = arith.ori %shift_left3A_1492, %shift_right_logical3A_1495 : vector<1024x128xi32>
    %xor3A_1497 = arith.xori %add3A_1489, %or3A_1496 : vector<1024x128xi32>
    %add3A_1498 = vector.broadcast %get3A_1323 : i32 to vector<1024x128xi32>
    %add3A_1499 = arith.addi %add3A_1489, %add3A_1498 : vector<1024x128xi32>
    %add3A_1500 = vector.broadcast %xor3A_1328 : i32 to vector<1024x128xi32>
    %add3A_1501 = arith.addi %xor3A_1497, %add3A_1500 : vector<1024x128xi32>
    %add3A_1502 = arith.constant 4 : i32
    %add3A_1503 = vector.broadcast %add3A_1502 : i32 to vector<1024x128xi32>
    %add3A_1504 = arith.addi %add3A_1501, %add3A_1503 : vector<1024x128xi32>
    %add3A_1505 = arith.addi %add3A_1499, %add3A_1504 : vector<1024x128xi32>
    %shift_left3A_1506 = arith.constant 13 : i32
    %shift_left3A_1507 = vector.broadcast %shift_left3A_1506 : i32 to vector<1024x128xi32>
    %shift_left3A_1508 = arith.shli %add3A_1504, %shift_left3A_1507 : vector<1024x128xi32>
    %shift_right_logical3A_1509 = arith.constant 19 : i32
    %shift_right_logical3A_1510 = vector.broadcast %shift_right_logical3A_1509 : i32 to vector<1024x128xi32>
    %shift_right_logical3A_1511 = arith.shrui %add3A_1504, %shift_right_logical3A_1510 : vector<1024x128xi32>
    %or3A_1512 = arith.ori %shift_left3A_1508, %shift_right_logical3A_1511 : vector<1024x128xi32>
    %xor3A_1513 = arith.xori %add3A_1505, %or3A_1512 : vector<1024x128xi32>
    %add3A_1514 = arith.addi %add3A_1505, %xor3A_1513 : vector<1024x128xi32>
    %shift_left3A_1515 = arith.constant 15 : i32
    %shift_left3A_1516 = vector.broadcast %shift_left3A_1515 : i32 to vector<1024x128xi32>
    %shift_left3A_1517 = arith.shli %xor3A_1513, %shift_left3A_1516 : vector<1024x128xi32>
    %shift_right_logical3A_1518 = arith.constant 17 : i32
    %shift_right_logical3A_1519 = vector.broadcast %shift_right_logical3A_1518 : i32 to vector<1024x128xi32>
    %shift_right_logical3A_1520 = arith.shrui %xor3A_1513, %shift_right_logical3A_1519 : vector<1024x128xi32>
    %or3A_1521 = arith.ori %shift_left3A_1517, %shift_right_logical3A_1520 : vector<1024x128xi32>
    %xor3A_1522 = arith.xori %add3A_1514, %or3A_1521 : vector<1024x128xi32>
    %add3A_1523 = arith.addi %add3A_1514, %xor3A_1522 : vector<1024x128xi32>
    %shift_left3A_1524 = arith.constant 26 : i32
    %shift_left3A_1525 = vector.broadcast %shift_left3A_1524 : i32 to vector<1024x128xi32>
    %shift_left3A_1526 = arith.shli %xor3A_1522, %shift_left3A_1525 : vector<1024x128xi32>
    %shift_right_logical3A_1527 = arith.constant 6 : i32
    %shift_right_logical3A_1528 = vector.broadcast %shift_right_logical3A_1527 : i32 to vector<1024x128xi32>
    %shift_right_logical3A_1529 = arith.shrui %xor3A_1522, %shift_right_logical3A_1528 : vector<1024x128xi32>
    %or3A_1530 = arith.ori %shift_left3A_1526, %shift_right_logical3A_1529 : vector<1024x128xi32>
    %xor3A_1531 = arith.xori %add3A_1523, %or3A_1530 : vector<1024x128xi32>
    %add3A_1532 = arith.addi %add3A_1523, %xor3A_1531 : vector<1024x128xi32>
    %shift_left3A_1533 = arith.constant 6 : i32
    %shift_left3A_1534 = vector.broadcast %shift_left3A_1533 : i32 to vector<1024x128xi32>
    %shift_left3A_1535 = arith.shli %xor3A_1531, %shift_left3A_1534 : vector<1024x128xi32>
    %shift_right_logical3A_1536 = arith.constant 26 : i32
    %shift_right_logical3A_1537 = vector.broadcast %shift_right_logical3A_1536 : i32 to vector<1024x128xi32>
    %shift_right_logical3A_1538 = arith.shrui %xor3A_1531, %shift_right_logical3A_1537 : vector<1024x128xi32>
    %or3A_1539 = arith.ori %shift_left3A_1535, %shift_right_logical3A_1538 : vector<1024x128xi32>
    %xor3A_1540 = arith.xori %add3A_1532, %or3A_1539 : vector<1024x128xi32>
    %add3A_1541 = vector.broadcast %xor3A_1328 : i32 to vector<1024x128xi32>
    %add3A_1542 = arith.addi %add3A_1532, %add3A_1541 : vector<1024x128xi32>
    %add3A_1543 = vector.broadcast %get3A_1320 : i32 to vector<1024x128xi32>
    %add3A_1544 = arith.addi %xor3A_1540, %add3A_1543 : vector<1024x128xi32>
    %add3A_1545 = arith.constant 5 : i32
    %add3A_1546 = vector.broadcast %add3A_1545 : i32 to vector<1024x128xi32>
    %add3A_1547 = arith.addi %add3A_1544, %add3A_1546 : vector<1024x128xi32>
    %xor3A_1548 = arith.xori %add3A_1542, %add3A_1547 : vector<1024x128xi32>
    %shift_right_logical3A_1549 = arith.constant 9 : i32
    %shift_right_logical3A_1550 = vector.broadcast %shift_right_logical3A_1549 : i32 to vector<1024x128xi32>
    %shift_right_logical3A_1551 = arith.shrui %xor3A_1548, %shift_right_logical3A_1550 : vector<1024x128xi32>
    %or3A_1552 = arith.constant 1065353216 : i32
    %or3A_1553 = vector.broadcast %or3A_1552 : i32 to vector<1024x128xi32>
    %or3A_1554 = arith.ori %shift_right_logical3A_1551, %or3A_1553 : vector<1024x128xi32>
    %bitcast_convert_type3A_1555 = tpu.bitcast %or3A_1554 : vector<1024x128xi32> -> vector<1024x128xf32>
    %sub3A_1556 = arith.constant 1.000000e+00 : f32
    %sub3A_1557 = vector.broadcast %sub3A_1556 : f32 to vector<1024x128xf32>
    %sub3A_1558 = arith.subf %bitcast_convert_type3A_1555, %sub3A_1557 : vector<1024x128xf32>
    %sub3A_1559 = arith.subf %select_n3A_1317, %select_n3A_1312 : vector<1024x128xf32>
    %mul3A_1560 = arith.mulf %sub3A_1558, %sub3A_1559 : vector<1024x128xf32>
    %add3A_1561 = arith.addf %mul3A_1560, %select_n3A_1312 : vector<1024x128xf32>
    %broadcast_in_dim3A_1562 = vector.shape_cast %gt3A_1308 : vector<1024x1xi1> to vector<1024x1xi1>
    %broadcast_in_dim3A_1563 = vector.broadcast %broadcast_in_dim3A_1562 : vector<1024x1xi1> to vector<1024x128xi1>
    %select_n3A_1564 = arith.select %broadcast_in_dim3A_1563, %add3A_1561, %select_n3A_1291 : vector<1024x128xi1>, vector<1024x128xf32>
    %mul3A_1565 = arith.mulf %select_n3A_1564, %select_n3A_1564 : vector<1024x128xf32>
    %reduce_sum3A_1566 = arith.constant dense<0.000000e+00> : vector<1024xf32>
    %reduce_sum3A_1567 = vector.multi_reduction <add>, %mul3A_1565, %reduce_sum3A_1566 [1] : vector<1024x128xf32> to vector<1024xf32>
    %broadcast_in_dim3A_1568 = vector.shape_cast %reduce_sum3A_1567 : vector<1024xf32> to vector<1024x1xf32>
    %mul3A_1569 = arith.constant -5.000000e-01 : f32
    %mul3A_1570 = vector.broadcast %mul3A_1569 : f32 to vector<1024x1xf32>
    %mul3A_1571 = arith.mulf %mul3A_1570, %broadcast_in_dim3A_1568 : vector<1024x1xf32>
    %lt3A_1572 = arith.cmpf olt, %mul3A_1571, %add3A_253 : vector<1024x1xf32>
    %and3A_1573 = arith.andi %gt3A_1308, %lt3A_1572 : vector<1024x1xi1>
    %jit3A_1574 = arith.constant 1.000000e+00 : f32
    %jit3A_1575 = arith.constant 0.000000e+00 : f32
    %broadcast_in_dim3A_1576 = vector.broadcast %jit3A_1574 : f32 to vector<1024x1xf32>
    %broadcast_in_dim3A_1577 = vector.broadcast %jit3A_1575 : f32 to vector<1024x1xf32>
    %select_n3A_1578 = arith.select %and3A_1573, %broadcast_in_dim3A_1576, %broadcast_in_dim3A_1577 : vector<1024x1xi1>, vector<1024x1xf32>
    %gt3A_1579 = arith.constant 0.000000e+00 : f32
    %gt3A_1580 = vector.broadcast %gt3A_1579 : f32 to vector<1024x1xf32>
    %gt3A_1581 = arith.cmpf ogt, %select_n3A_1578, %gt3A_1580 : vector<1024x1xf32>
    %lt3A_1582 = arith.cmpf olt, %select_n3A_1564, %get3A_1 : vector<1024x128xf32>
    %and3A_1583 = vector.broadcast %gt3A_1581 : vector<1024x1xi1> to vector<1024x128xi1>
    %and3A_1584 = arith.andi %and3A_1583, %lt3A_1582 : vector<1024x128xi1>
    %select_n3A_1585 = arith.select %and3A_1584, %select_n3A_1564, %select_n3A_1312 : vector<1024x128xi1>, vector<1024x128xf32>
    %not3A_1586 = arith.constant dense<true> : vector<1024x128xi1>
    %not3A_1587 = arith.xori %lt3A_1582, %not3A_1586 : vector<1024x128xi1>
    %and3A_1588 = vector.broadcast %gt3A_1581 : vector<1024x1xi1> to vector<1024x128xi1>
    %and3A_1589 = arith.andi %and3A_1588, %not3A_1587 : vector<1024x128xi1>
    %select_n3A_1590 = arith.select %and3A_1589, %select_n3A_1564, %select_n3A_1317 : vector<1024x128xi1>, vector<1024x128xf32>
    %get3A_1591 = arith.constant 7 : index
    %get3A_1592 = arith.constant 0 : index
    %get3A_1593 = memref.load %arg1[%get3A_1591, %get3A_1592] : memref<54x2xi32, #tpu.memory_space<smem>>
    %get3A_1594 = arith.constant 7 : index
    %get3A_1595 = arith.constant 1 : index
    %get3A_1596 = memref.load %arg1[%get3A_1594, %get3A_1595] : memref<54x2xi32, #tpu.memory_space<smem>>
    %broadcast_in_dim3A_1597 = arith.constant 0 : i32
    %broadcast_in_dim3A_1598 = vector.broadcast %broadcast_in_dim3A_1597 : i32 to vector<1024x128xi32>
    %xor3A_1599 = arith.xori %get3A_1593, %get3A_1596 : i32
    %xor3A_1600 = arith.constant 466688986 : i32
    %xor3A_1601 = arith.xori %xor3A_1599, %xor3A_1600 : i32
    %add3A_1602 = vector.broadcast %get3A_1593 : i32 to vector<1024x128xi32>
    %add3A_1603 = arith.addi %broadcast_in_dim3A_1598, %add3A_1602 : vector<1024x128xi32>
    %add3A_1604 = vector.broadcast %get3A_1596 : i32 to vector<1024x128xi32>
    %add3A_1605 = arith.addi %add3A_9, %add3A_1604 : vector<1024x128xi32>
    %add3A_1606 = arith.addi %add3A_1603, %add3A_1605 : vector<1024x128xi32>
    %shift_left3A_1607 = arith.constant 13 : i32
    %shift_left3A_1608 = vector.broadcast %shift_left3A_1607 : i32 to vector<1024x128xi32>
    %shift_left3A_1609 = arith.shli %add3A_1605, %shift_left3A_1608 : vector<1024x128xi32>
    %shift_right_logical3A_1610 = arith.constant 19 : i32
    %shift_right_logical3A_1611 = vector.broadcast %shift_right_logical3A_1610 : i32 to vector<1024x128xi32>
    %shift_right_logical3A_1612 = arith.shrui %add3A_1605, %shift_right_logical3A_1611 : vector<1024x128xi32>
    %or3A_1613 = arith.ori %shift_left3A_1609, %shift_right_logical3A_1612 : vector<1024x128xi32>
    %xor3A_1614 = arith.xori %add3A_1606, %or3A_1613 : vector<1024x128xi32>
    %add3A_1615 = arith.addi %add3A_1606, %xor3A_1614 : vector<1024x128xi32>
    %shift_left3A_1616 = arith.constant 15 : i32
    %shift_left3A_1617 = vector.broadcast %shift_left3A_1616 : i32 to vector<1024x128xi32>
    %shift_left3A_1618 = arith.shli %xor3A_1614, %shift_left3A_1617 : vector<1024x128xi32>
    %shift_right_logical3A_1619 = arith.constant 17 : i32
    %shift_right_logical3A_1620 = vector.broadcast %shift_right_logical3A_1619 : i32 to vector<1024x128xi32>
    %shift_right_logical3A_1621 = arith.shrui %xor3A_1614, %shift_right_logical3A_1620 : vector<1024x128xi32>
    %or3A_1622 = arith.ori %shift_left3A_1618, %shift_right_logical3A_1621 : vector<1024x128xi32>
    %xor3A_1623 = arith.xori %add3A_1615, %or3A_1622 : vector<1024x128xi32>
    %add3A_1624 = arith.addi %add3A_1615, %xor3A_1623 : vector<1024x128xi32>
    %shift_left3A_1625 = arith.constant 26 : i32
    %shift_left3A_1626 = vector.broadcast %shift_left3A_1625 : i32 to vector<1024x128xi32>
    %shift_left3A_1627 = arith.shli %xor3A_1623, %shift_left3A_1626 : vector<1024x128xi32>
    %shift_right_logical3A_1628 = arith.constant 6 : i32
    %shift_right_logical3A_1629 = vector.broadcast %shift_right_logical3A_1628 : i32 to vector<1024x128xi32>
    %shift_right_logical3A_1630 = arith.shrui %xor3A_1623, %shift_right_logical3A_1629 : vector<1024x128xi32>
    %or3A_1631 = arith.ori %shift_left3A_1627, %shift_right_logical3A_1630 : vector<1024x128xi32>
    %xor3A_1632 = arith.xori %add3A_1624, %or3A_1631 : vector<1024x128xi32>
    %add3A_1633 = arith.addi %add3A_1624, %xor3A_1632 : vector<1024x128xi32>
    %shift_left3A_1634 = arith.constant 6 : i32
    %shift_left3A_1635 = vector.broadcast %shift_left3A_1634 : i32 to vector<1024x128xi32>
    %shift_left3A_1636 = arith.shli %xor3A_1632, %shift_left3A_1635 : vector<1024x128xi32>
    %shift_right_logical3A_1637 = arith.constant 26 : i32
    %shift_right_logical3A_1638 = vector.broadcast %shift_right_logical3A_1637 : i32 to vector<1024x128xi32>
    %shift_right_logical3A_1639 = arith.shrui %xor3A_1632, %shift_right_logical3A_1638 : vector<1024x128xi32>
    %or3A_1640 = arith.ori %shift_left3A_1636, %shift_right_logical3A_1639 : vector<1024x128xi32>
    %xor3A_1641 = arith.xori %add3A_1633, %or3A_1640 : vector<1024x128xi32>
    %add3A_1642 = vector.broadcast %get3A_1596 : i32 to vector<1024x128xi32>
    %add3A_1643 = arith.addi %add3A_1633, %add3A_1642 : vector<1024x128xi32>
    %add3A_1644 = vector.broadcast %xor3A_1601 : i32 to vector<1024x128xi32>
    %add3A_1645 = arith.addi %xor3A_1641, %add3A_1644 : vector<1024x128xi32>
    %add3A_1646 = arith.constant 1 : i32
    %add3A_1647 = vector.broadcast %add3A_1646 : i32 to vector<1024x128xi32>
    %add3A_1648 = arith.addi %add3A_1645, %add3A_1647 : vector<1024x128xi32>
    %add3A_1649 = arith.addi %add3A_1643, %add3A_1648 : vector<1024x128xi32>
    %shift_left3A_1650 = arith.constant 17 : i32
    %shift_left3A_1651 = vector.broadcast %shift_left3A_1650 : i32 to vector<1024x128xi32>
    %shift_left3A_1652 = arith.shli %add3A_1648, %shift_left3A_1651 : vector<1024x128xi32>
    %shift_right_logical3A_1653 = arith.constant 15 : i32
    %shift_right_logical3A_1654 = vector.broadcast %shift_right_logical3A_1653 : i32 to vector<1024x128xi32>
    %shift_right_logical3A_1655 = arith.shrui %add3A_1648, %shift_right_logical3A_1654 : vector<1024x128xi32>
    %or3A_1656 = arith.ori %shift_left3A_1652, %shift_right_logical3A_1655 : vector<1024x128xi32>
    %xor3A_1657 = arith.xori %add3A_1649, %or3A_1656 : vector<1024x128xi32>
    %add3A_1658 = arith.addi %add3A_1649, %xor3A_1657 : vector<1024x128xi32>
    %shift_left3A_1659 = arith.constant 29 : i32
    %shift_left3A_1660 = vector.broadcast %shift_left3A_1659 : i32 to vector<1024x128xi32>
    %shift_left3A_1661 = arith.shli %xor3A_1657, %shift_left3A_1660 : vector<1024x128xi32>
    %shift_right_logical3A_1662 = arith.constant 3 : i32
    %shift_right_logical3A_1663 = vector.broadcast %shift_right_logical3A_1662 : i32 to vector<1024x128xi32>
    %shift_right_logical3A_1664 = arith.shrui %xor3A_1657, %shift_right_logical3A_1663 : vector<1024x128xi32>
    %or3A_1665 = arith.ori %shift_left3A_1661, %shift_right_logical3A_1664 : vector<1024x128xi32>
    %xor3A_1666 = arith.xori %add3A_1658, %or3A_1665 : vector<1024x128xi32>
    %add3A_1667 = arith.addi %add3A_1658, %xor3A_1666 : vector<1024x128xi32>
    %shift_left3A_1668 = arith.constant 16 : i32
    %shift_left3A_1669 = vector.broadcast %shift_left3A_1668 : i32 to vector<1024x128xi32>
    %shift_left3A_1670 = arith.shli %xor3A_1666, %shift_left3A_1669 : vector<1024x128xi32>
    %shift_right_logical3A_1671 = arith.constant 16 : i32
    %shift_right_logical3A_1672 = vector.broadcast %shift_right_logical3A_1671 : i32 to vector<1024x128xi32>
    %shift_right_logical3A_1673 = arith.shrui %xor3A_1666, %shift_right_logical3A_1672 : vector<1024x128xi32>
    %or3A_1674 = arith.ori %shift_left3A_1670, %shift_right_logical3A_1673 : vector<1024x128xi32>
    %xor3A_1675 = arith.xori %add3A_1667, %or3A_1674 : vector<1024x128xi32>
    %add3A_1676 = arith.addi %add3A_1667, %xor3A_1675 : vector<1024x128xi32>
    %shift_left3A_1677 = arith.constant 24 : i32
    %shift_left3A_1678 = vector.broadcast %shift_left3A_1677 : i32 to vector<1024x128xi32>
    %shift_left3A_1679 = arith.shli %xor3A_1675, %shift_left3A_1678 : vector<1024x128xi32>
    %shift_right_logical3A_1680 = arith.constant 8 : i32
    %shift_right_logical3A_1681 = vector.broadcast %shift_right_logical3A_1680 : i32 to vector<1024x128xi32>
    %shift_right_logical3A_1682 = arith.shrui %xor3A_1675, %shift_right_logical3A_1681 : vector<1024x128xi32>
    %or3A_1683 = arith.ori %shift_left3A_1679, %shift_right_logical3A_1682 : vector<1024x128xi32>
    %xor3A_1684 = arith.xori %add3A_1676, %or3A_1683 : vector<1024x128xi32>
    %add3A_1685 = vector.broadcast %xor3A_1601 : i32 to vector<1024x128xi32>
    %add3A_1686 = arith.addi %add3A_1676, %add3A_1685 : vector<1024x128xi32>
    %add3A_1687 = vector.broadcast %get3A_1593 : i32 to vector<1024x128xi32>
    %add3A_1688 = arith.addi %xor3A_1684, %add3A_1687 : vector<1024x128xi32>
    %add3A_1689 = arith.constant 2 : i32
    %add3A_1690 = vector.broadcast %add3A_1689 : i32 to vector<1024x128xi32>
    %add3A_1691 = arith.addi %add3A_1688, %add3A_1690 : vector<1024x128xi32>
    %add3A_1692 = arith.addi %add3A_1686, %add3A_1691 : vector<1024x128xi32>
    %shift_left3A_1693 = arith.constant 13 : i32
    %shift_left3A_1694 = vector.broadcast %shift_left3A_1693 : i32 to vector<1024x128xi32>
    %shift_left3A_1695 = arith.shli %add3A_1691, %shift_left3A_1694 : vector<1024x128xi32>
    %shift_right_logical3A_1696 = arith.constant 19 : i32
    %shift_right_logical3A_1697 = vector.broadcast %shift_right_logical3A_1696 : i32 to vector<1024x128xi32>
    %shift_right_logical3A_1698 = arith.shrui %add3A_1691, %shift_right_logical3A_1697 : vector<1024x128xi32>
    %or3A_1699 = arith.ori %shift_left3A_1695, %shift_right_logical3A_1698 : vector<1024x128xi32>
    %xor3A_1700 = arith.xori %add3A_1692, %or3A_1699 : vector<1024x128xi32>
    %add3A_1701 = arith.addi %add3A_1692, %xor3A_1700 : vector<1024x128xi32>
    %shift_left3A_1702 = arith.constant 15 : i32
    %shift_left3A_1703 = vector.broadcast %shift_left3A_1702 : i32 to vector<1024x128xi32>
    %shift_left3A_1704 = arith.shli %xor3A_1700, %shift_left3A_1703 : vector<1024x128xi32>
    %shift_right_logical3A_1705 = arith.constant 17 : i32
    %shift_right_logical3A_1706 = vector.broadcast %shift_right_logical3A_1705 : i32 to vector<1024x128xi32>
    %shift_right_logical3A_1707 = arith.shrui %xor3A_1700, %shift_right_logical3A_1706 : vector<1024x128xi32>
    %or3A_1708 = arith.ori %shift_left3A_1704, %shift_right_logical3A_1707 : vector<1024x128xi32>
    %xor3A_1709 = arith.xori %add3A_1701, %or3A_1708 : vector<1024x128xi32>
    %add3A_1710 = arith.addi %add3A_1701, %xor3A_1709 : vector<1024x128xi32>
    %shift_left3A_1711 = arith.constant 26 : i32
    %shift_left3A_1712 = vector.broadcast %shift_left3A_1711 : i32 to vector<1024x128xi32>
    %shift_left3A_1713 = arith.shli %xor3A_1709, %shift_left3A_1712 : vector<1024x128xi32>
    %shift_right_logical3A_1714 = arith.constant 6 : i32
    %shift_right_logical3A_1715 = vector.broadcast %shift_right_logical3A_1714 : i32 to vector<1024x128xi32>
    %shift_right_logical3A_1716 = arith.shrui %xor3A_1709, %shift_right_logical3A_1715 : vector<1024x128xi32>
    %or3A_1717 = arith.ori %shift_left3A_1713, %shift_right_logical3A_1716 : vector<1024x128xi32>
    %xor3A_1718 = arith.xori %add3A_1710, %or3A_1717 : vector<1024x128xi32>
    %add3A_1719 = arith.addi %add3A_1710, %xor3A_1718 : vector<1024x128xi32>
    %shift_left3A_1720 = arith.constant 6 : i32
    %shift_left3A_1721 = vector.broadcast %shift_left3A_1720 : i32 to vector<1024x128xi32>
    %shift_left3A_1722 = arith.shli %xor3A_1718, %shift_left3A_1721 : vector<1024x128xi32>
    %shift_right_logical3A_1723 = arith.constant 26 : i32
    %shift_right_logical3A_1724 = vector.broadcast %shift_right_logical3A_1723 : i32 to vector<1024x128xi32>
    %shift_right_logical3A_1725 = arith.shrui %xor3A_1718, %shift_right_logical3A_1724 : vector<1024x128xi32>
    %or3A_1726 = arith.ori %shift_left3A_1722, %shift_right_logical3A_1725 : vector<1024x128xi32>
    %xor3A_1727 = arith.xori %add3A_1719, %or3A_1726 : vector<1024x128xi32>
    %add3A_1728 = vector.broadcast %get3A_1593 : i32 to vector<1024x128xi32>
    %add3A_1729 = arith.addi %add3A_1719, %add3A_1728 : vector<1024x128xi32>
    %add3A_1730 = vector.broadcast %get3A_1596 : i32 to vector<1024x128xi32>
    %add3A_1731 = arith.addi %xor3A_1727, %add3A_1730 : vector<1024x128xi32>
    %add3A_1732 = arith.constant 3 : i32
    %add3A_1733 = vector.broadcast %add3A_1732 : i32 to vector<1024x128xi32>
    %add3A_1734 = arith.addi %add3A_1731, %add3A_1733 : vector<1024x128xi32>
    %add3A_1735 = arith.addi %add3A_1729, %add3A_1734 : vector<1024x128xi32>
    %shift_left3A_1736 = arith.constant 17 : i32
    %shift_left3A_1737 = vector.broadcast %shift_left3A_1736 : i32 to vector<1024x128xi32>
    %shift_left3A_1738 = arith.shli %add3A_1734, %shift_left3A_1737 : vector<1024x128xi32>
    %shift_right_logical3A_1739 = arith.constant 15 : i32
    %shift_right_logical3A_1740 = vector.broadcast %shift_right_logical3A_1739 : i32 to vector<1024x128xi32>
    %shift_right_logical3A_1741 = arith.shrui %add3A_1734, %shift_right_logical3A_1740 : vector<1024x128xi32>
    %or3A_1742 = arith.ori %shift_left3A_1738, %shift_right_logical3A_1741 : vector<1024x128xi32>
    %xor3A_1743 = arith.xori %add3A_1735, %or3A_1742 : vector<1024x128xi32>
    %add3A_1744 = arith.addi %add3A_1735, %xor3A_1743 : vector<1024x128xi32>
    %shift_left3A_1745 = arith.constant 29 : i32
    %shift_left3A_1746 = vector.broadcast %shift_left3A_1745 : i32 to vector<1024x128xi32>
    %shift_left3A_1747 = arith.shli %xor3A_1743, %shift_left3A_1746 : vector<1024x128xi32>
    %shift_right_logical3A_1748 = arith.constant 3 : i32
    %shift_right_logical3A_1749 = vector.broadcast %shift_right_logical3A_1748 : i32 to vector<1024x128xi32>
    %shift_right_logical3A_1750 = arith.shrui %xor3A_1743, %shift_right_logical3A_1749 : vector<1024x128xi32>
    %or3A_1751 = arith.ori %shift_left3A_1747, %shift_right_logical3A_1750 : vector<1024x128xi32>
    %xor3A_1752 = arith.xori %add3A_1744, %or3A_1751 : vector<1024x128xi32>
    %add3A_1753 = arith.addi %add3A_1744, %xor3A_1752 : vector<1024x128xi32>
    %shift_left3A_1754 = arith.constant 16 : i32
    %shift_left3A_1755 = vector.broadcast %shift_left3A_1754 : i32 to vector<1024x128xi32>
    %shift_left3A_1756 = arith.shli %xor3A_1752, %shift_left3A_1755 : vector<1024x128xi32>
    %shift_right_logical3A_1757 = arith.constant 16 : i32
    %shift_right_logical3A_1758 = vector.broadcast %shift_right_logical3A_1757 : i32 to vector<1024x128xi32>
    %shift_right_logical3A_1759 = arith.shrui %xor3A_1752, %shift_right_logical3A_1758 : vector<1024x128xi32>
    %or3A_1760 = arith.ori %shift_left3A_1756, %shift_right_logical3A_1759 : vector<1024x128xi32>
    %xor3A_1761 = arith.xori %add3A_1753, %or3A_1760 : vector<1024x128xi32>
    %add3A_1762 = arith.addi %add3A_1753, %xor3A_1761 : vector<1024x128xi32>
    %shift_left3A_1763 = arith.constant 24 : i32
    %shift_left3A_1764 = vector.broadcast %shift_left3A_1763 : i32 to vector<1024x128xi32>
    %shift_left3A_1765 = arith.shli %xor3A_1761, %shift_left3A_1764 : vector<1024x128xi32>
    %shift_right_logical3A_1766 = arith.constant 8 : i32
    %shift_right_logical3A_1767 = vector.broadcast %shift_right_logical3A_1766 : i32 to vector<1024x128xi32>
    %shift_right_logical3A_1768 = arith.shrui %xor3A_1761, %shift_right_logical3A_1767 : vector<1024x128xi32>
    %or3A_1769 = arith.ori %shift_left3A_1765, %shift_right_logical3A_1768 : vector<1024x128xi32>
    %xor3A_1770 = arith.xori %add3A_1762, %or3A_1769 : vector<1024x128xi32>
    %add3A_1771 = vector.broadcast %get3A_1596 : i32 to vector<1024x128xi32>
    %add3A_1772 = arith.addi %add3A_1762, %add3A_1771 : vector<1024x128xi32>
    %add3A_1773 = vector.broadcast %xor3A_1601 : i32 to vector<1024x128xi32>
    %add3A_1774 = arith.addi %xor3A_1770, %add3A_1773 : vector<1024x128xi32>
    %add3A_1775 = arith.constant 4 : i32
    %add3A_1776 = vector.broadcast %add3A_1775 : i32 to vector<1024x128xi32>
    %add3A_1777 = arith.addi %add3A_1774, %add3A_1776 : vector<1024x128xi32>
    %add3A_1778 = arith.addi %add3A_1772, %add3A_1777 : vector<1024x128xi32>
    %shift_left3A_1779 = arith.constant 13 : i32
    %shift_left3A_1780 = vector.broadcast %shift_left3A_1779 : i32 to vector<1024x128xi32>
    %shift_left3A_1781 = arith.shli %add3A_1777, %shift_left3A_1780 : vector<1024x128xi32>
    %shift_right_logical3A_1782 = arith.constant 19 : i32
    %shift_right_logical3A_1783 = vector.broadcast %shift_right_logical3A_1782 : i32 to vector<1024x128xi32>
    %shift_right_logical3A_1784 = arith.shrui %add3A_1777, %shift_right_logical3A_1783 : vector<1024x128xi32>
    %or3A_1785 = arith.ori %shift_left3A_1781, %shift_right_logical3A_1784 : vector<1024x128xi32>
    %xor3A_1786 = arith.xori %add3A_1778, %or3A_1785 : vector<1024x128xi32>
    %add3A_1787 = arith.addi %add3A_1778, %xor3A_1786 : vector<1024x128xi32>
    %shift_left3A_1788 = arith.constant 15 : i32
    %shift_left3A_1789 = vector.broadcast %shift_left3A_1788 : i32 to vector<1024x128xi32>
    %shift_left3A_1790 = arith.shli %xor3A_1786, %shift_left3A_1789 : vector<1024x128xi32>
    %shift_right_logical3A_1791 = arith.constant 17 : i32
    %shift_right_logical3A_1792 = vector.broadcast %shift_right_logical3A_1791 : i32 to vector<1024x128xi32>
    %shift_right_logical3A_1793 = arith.shrui %xor3A_1786, %shift_right_logical3A_1792 : vector<1024x128xi32>
    %or3A_1794 = arith.ori %shift_left3A_1790, %shift_right_logical3A_1793 : vector<1024x128xi32>
    %xor3A_1795 = arith.xori %add3A_1787, %or3A_1794 : vector<1024x128xi32>
    %add3A_1796 = arith.addi %add3A_1787, %xor3A_1795 : vector<1024x128xi32>
    %shift_left3A_1797 = arith.constant 26 : i32
    %shift_left3A_1798 = vector.broadcast %shift_left3A_1797 : i32 to vector<1024x128xi32>
    %shift_left3A_1799 = arith.shli %xor3A_1795, %shift_left3A_1798 : vector<1024x128xi32>
    %shift_right_logical3A_1800 = arith.constant 6 : i32
    %shift_right_logical3A_1801 = vector.broadcast %shift_right_logical3A_1800 : i32 to vector<1024x128xi32>
    %shift_right_logical3A_1802 = arith.shrui %xor3A_1795, %shift_right_logical3A_1801 : vector<1024x128xi32>
    %or3A_1803 = arith.ori %shift_left3A_1799, %shift_right_logical3A_1802 : vector<1024x128xi32>
    %xor3A_1804 = arith.xori %add3A_1796, %or3A_1803 : vector<1024x128xi32>
    %add3A_1805 = arith.addi %add3A_1796, %xor3A_1804 : vector<1024x128xi32>
    %shift_left3A_1806 = arith.constant 6 : i32
    %shift_left3A_1807 = vector.broadcast %shift_left3A_1806 : i32 to vector<1024x128xi32>
    %shift_left3A_1808 = arith.shli %xor3A_1804, %shift_left3A_1807 : vector<1024x128xi32>
    %shift_right_logical3A_1809 = arith.constant 26 : i32
    %shift_right_logical3A_1810 = vector.broadcast %shift_right_logical3A_1809 : i32 to vector<1024x128xi32>
    %shift_right_logical3A_1811 = arith.shrui %xor3A_1804, %shift_right_logical3A_1810 : vector<1024x128xi32>
    %or3A_1812 = arith.ori %shift_left3A_1808, %shift_right_logical3A_1811 : vector<1024x128xi32>
    %xor3A_1813 = arith.xori %add3A_1805, %or3A_1812 : vector<1024x128xi32>
    %add3A_1814 = vector.broadcast %xor3A_1601 : i32 to vector<1024x128xi32>
    %add3A_1815 = arith.addi %add3A_1805, %add3A_1814 : vector<1024x128xi32>
    %add3A_1816 = vector.broadcast %get3A_1593 : i32 to vector<1024x128xi32>
    %add3A_1817 = arith.addi %xor3A_1813, %add3A_1816 : vector<1024x128xi32>
    %add3A_1818 = arith.constant 5 : i32
    %add3A_1819 = vector.broadcast %add3A_1818 : i32 to vector<1024x128xi32>
    %add3A_1820 = arith.addi %add3A_1817, %add3A_1819 : vector<1024x128xi32>
    %xor3A_1821 = arith.xori %add3A_1815, %add3A_1820 : vector<1024x128xi32>
    %shift_right_logical3A_1822 = arith.constant 9 : i32
    %shift_right_logical3A_1823 = vector.broadcast %shift_right_logical3A_1822 : i32 to vector<1024x128xi32>
    %shift_right_logical3A_1824 = arith.shrui %xor3A_1821, %shift_right_logical3A_1823 : vector<1024x128xi32>
    %or3A_1825 = arith.constant 1065353216 : i32
    %or3A_1826 = vector.broadcast %or3A_1825 : i32 to vector<1024x128xi32>
    %or3A_1827 = arith.ori %shift_right_logical3A_1824, %or3A_1826 : vector<1024x128xi32>
    %bitcast_convert_type3A_1828 = tpu.bitcast %or3A_1827 : vector<1024x128xi32> -> vector<1024x128xf32>
    %sub3A_1829 = arith.constant 1.000000e+00 : f32
    %sub3A_1830 = vector.broadcast %sub3A_1829 : f32 to vector<1024x128xf32>
    %sub3A_1831 = arith.subf %bitcast_convert_type3A_1828, %sub3A_1830 : vector<1024x128xf32>
    %sub3A_1832 = arith.subf %select_n3A_1590, %select_n3A_1585 : vector<1024x128xf32>
    %mul3A_1833 = arith.mulf %sub3A_1831, %sub3A_1832 : vector<1024x128xf32>
    %add3A_1834 = arith.addf %mul3A_1833, %select_n3A_1585 : vector<1024x128xf32>
    %broadcast_in_dim3A_1835 = vector.shape_cast %gt3A_1581 : vector<1024x1xi1> to vector<1024x1xi1>
    %broadcast_in_dim3A_1836 = vector.broadcast %broadcast_in_dim3A_1835 : vector<1024x1xi1> to vector<1024x128xi1>
    %select_n3A_1837 = arith.select %broadcast_in_dim3A_1836, %add3A_1834, %select_n3A_1564 : vector<1024x128xi1>, vector<1024x128xf32>
    %mul3A_1838 = arith.mulf %select_n3A_1837, %select_n3A_1837 : vector<1024x128xf32>
    %reduce_sum3A_1839 = arith.constant dense<0.000000e+00> : vector<1024xf32>
    %reduce_sum3A_1840 = vector.multi_reduction <add>, %mul3A_1838, %reduce_sum3A_1839 [1] : vector<1024x128xf32> to vector<1024xf32>
    %broadcast_in_dim3A_1841 = vector.shape_cast %reduce_sum3A_1840 : vector<1024xf32> to vector<1024x1xf32>
    %mul3A_1842 = arith.constant -5.000000e-01 : f32
    %mul3A_1843 = vector.broadcast %mul3A_1842 : f32 to vector<1024x1xf32>
    %mul3A_1844 = arith.mulf %mul3A_1843, %broadcast_in_dim3A_1841 : vector<1024x1xf32>
    %lt3A_1845 = arith.cmpf olt, %mul3A_1844, %add3A_253 : vector<1024x1xf32>
    %and3A_1846 = arith.andi %gt3A_1581, %lt3A_1845 : vector<1024x1xi1>
    %jit3A_1847 = arith.constant 1.000000e+00 : f32
    %jit3A_1848 = arith.constant 0.000000e+00 : f32
    %broadcast_in_dim3A_1849 = vector.broadcast %jit3A_1847 : f32 to vector<1024x1xf32>
    %broadcast_in_dim3A_1850 = vector.broadcast %jit3A_1848 : f32 to vector<1024x1xf32>
    %select_n3A_1851 = arith.select %and3A_1846, %broadcast_in_dim3A_1849, %broadcast_in_dim3A_1850 : vector<1024x1xi1>, vector<1024x1xf32>
    %gt3A_1852 = arith.constant 0.000000e+00 : f32
    %gt3A_1853 = vector.broadcast %gt3A_1852 : f32 to vector<1024x1xf32>
    %gt3A_1854 = arith.cmpf ogt, %select_n3A_1851, %gt3A_1853 : vector<1024x1xf32>
    %lt3A_1855 = arith.cmpf olt, %select_n3A_1837, %get3A_1 : vector<1024x128xf32>
    %and3A_1856 = vector.broadcast %gt3A_1854 : vector<1024x1xi1> to vector<1024x128xi1>
    %and3A_1857 = arith.andi %and3A_1856, %lt3A_1855 : vector<1024x128xi1>
    %select_n3A_1858 = arith.select %and3A_1857, %select_n3A_1837, %select_n3A_1585 : vector<1024x128xi1>, vector<1024x128xf32>
    %not3A_1859 = arith.constant dense<true> : vector<1024x128xi1>
    %not3A_1860 = arith.xori %lt3A_1855, %not3A_1859 : vector<1024x128xi1>
    %and3A_1861 = vector.broadcast %gt3A_1854 : vector<1024x1xi1> to vector<1024x128xi1>
    %and3A_1862 = arith.andi %and3A_1861, %not3A_1860 : vector<1024x128xi1>
    %select_n3A_1863 = arith.select %and3A_1862, %select_n3A_1837, %select_n3A_1590 : vector<1024x128xi1>, vector<1024x128xf32>
    %get3A_1864 = arith.constant 8 : index
    %get3A_1865 = arith.constant 0 : index
    %get3A_1866 = memref.load %arg1[%get3A_1864, %get3A_1865] : memref<54x2xi32, #tpu.memory_space<smem>>
    %get3A_1867 = arith.constant 8 : index
    %get3A_1868 = arith.constant 1 : index
    %get3A_1869 = memref.load %arg1[%get3A_1867, %get3A_1868] : memref<54x2xi32, #tpu.memory_space<smem>>
    %broadcast_in_dim3A_1870 = arith.constant 0 : i32
    %broadcast_in_dim3A_1871 = vector.broadcast %broadcast_in_dim3A_1870 : i32 to vector<1024x128xi32>
    %xor3A_1872 = arith.xori %get3A_1866, %get3A_1869 : i32
    %xor3A_1873 = arith.constant 466688986 : i32
    %xor3A_1874 = arith.xori %xor3A_1872, %xor3A_1873 : i32
    %add3A_1875 = vector.broadcast %get3A_1866 : i32 to vector<1024x128xi32>
    %add3A_1876 = arith.addi %broadcast_in_dim3A_1871, %add3A_1875 : vector<1024x128xi32>
    %add3A_1877 = vector.broadcast %get3A_1869 : i32 to vector<1024x128xi32>
    %add3A_1878 = arith.addi %add3A_9, %add3A_1877 : vector<1024x128xi32>
    %add3A_1879 = arith.addi %add3A_1876, %add3A_1878 : vector<1024x128xi32>
    %shift_left3A_1880 = arith.constant 13 : i32
    %shift_left3A_1881 = vector.broadcast %shift_left3A_1880 : i32 to vector<1024x128xi32>
    %shift_left3A_1882 = arith.shli %add3A_1878, %shift_left3A_1881 : vector<1024x128xi32>
    %shift_right_logical3A_1883 = arith.constant 19 : i32
    %shift_right_logical3A_1884 = vector.broadcast %shift_right_logical3A_1883 : i32 to vector<1024x128xi32>
    %shift_right_logical3A_1885 = arith.shrui %add3A_1878, %shift_right_logical3A_1884 : vector<1024x128xi32>
    %or3A_1886 = arith.ori %shift_left3A_1882, %shift_right_logical3A_1885 : vector<1024x128xi32>
    %xor3A_1887 = arith.xori %add3A_1879, %or3A_1886 : vector<1024x128xi32>
    %add3A_1888 = arith.addi %add3A_1879, %xor3A_1887 : vector<1024x128xi32>
    %shift_left3A_1889 = arith.constant 15 : i32
    %shift_left3A_1890 = vector.broadcast %shift_left3A_1889 : i32 to vector<1024x128xi32>
    %shift_left3A_1891 = arith.shli %xor3A_1887, %shift_left3A_1890 : vector<1024x128xi32>
    %shift_right_logical3A_1892 = arith.constant 17 : i32
    %shift_right_logical3A_1893 = vector.broadcast %shift_right_logical3A_1892 : i32 to vector<1024x128xi32>
    %shift_right_logical3A_1894 = arith.shrui %xor3A_1887, %shift_right_logical3A_1893 : vector<1024x128xi32>
    %or3A_1895 = arith.ori %shift_left3A_1891, %shift_right_logical3A_1894 : vector<1024x128xi32>
    %xor3A_1896 = arith.xori %add3A_1888, %or3A_1895 : vector<1024x128xi32>
    %add3A_1897 = arith.addi %add3A_1888, %xor3A_1896 : vector<1024x128xi32>
    %shift_left3A_1898 = arith.constant 26 : i32
    %shift_left3A_1899 = vector.broadcast %shift_left3A_1898 : i32 to vector<1024x128xi32>
    %shift_left3A_1900 = arith.shli %xor3A_1896, %shift_left3A_1899 : vector<1024x128xi32>
    %shift_right_logical3A_1901 = arith.constant 6 : i32
    %shift_right_logical3A_1902 = vector.broadcast %shift_right_logical3A_1901 : i32 to vector<1024x128xi32>
    %shift_right_logical3A_1903 = arith.shrui %xor3A_1896, %shift_right_logical3A_1902 : vector<1024x128xi32>
    %or3A_1904 = arith.ori %shift_left3A_1900, %shift_right_logical3A_1903 : vector<1024x128xi32>
    %xor3A_1905 = arith.xori %add3A_1897, %or3A_1904 : vector<1024x128xi32>
    %add3A_1906 = arith.addi %add3A_1897, %xor3A_1905 : vector<1024x128xi32>
    %shift_left3A_1907 = arith.constant 6 : i32
    %shift_left3A_1908 = vector.broadcast %shift_left3A_1907 : i32 to vector<1024x128xi32>
    %shift_left3A_1909 = arith.shli %xor3A_1905, %shift_left3A_1908 : vector<1024x128xi32>
    %shift_right_logical3A_1910 = arith.constant 26 : i32
    %shift_right_logical3A_1911 = vector.broadcast %shift_right_logical3A_1910 : i32 to vector<1024x128xi32>
    %shift_right_logical3A_1912 = arith.shrui %xor3A_1905, %shift_right_logical3A_1911 : vector<1024x128xi32>
    %or3A_1913 = arith.ori %shift_left3A_1909, %shift_right_logical3A_1912 : vector<1024x128xi32>
    %xor3A_1914 = arith.xori %add3A_1906, %or3A_1913 : vector<1024x128xi32>
    %add3A_1915 = vector.broadcast %get3A_1869 : i32 to vector<1024x128xi32>
    %add3A_1916 = arith.addi %add3A_1906, %add3A_1915 : vector<1024x128xi32>
    %add3A_1917 = vector.broadcast %xor3A_1874 : i32 to vector<1024x128xi32>
    %add3A_1918 = arith.addi %xor3A_1914, %add3A_1917 : vector<1024x128xi32>
    %add3A_1919 = arith.constant 1 : i32
    %add3A_1920 = vector.broadcast %add3A_1919 : i32 to vector<1024x128xi32>
    %add3A_1921 = arith.addi %add3A_1918, %add3A_1920 : vector<1024x128xi32>
    %add3A_1922 = arith.addi %add3A_1916, %add3A_1921 : vector<1024x128xi32>
    %shift_left3A_1923 = arith.constant 17 : i32
    %shift_left3A_1924 = vector.broadcast %shift_left3A_1923 : i32 to vector<1024x128xi32>
    %shift_left3A_1925 = arith.shli %add3A_1921, %shift_left3A_1924 : vector<1024x128xi32>
    %shift_right_logical3A_1926 = arith.constant 15 : i32
    %shift_right_logical3A_1927 = vector.broadcast %shift_right_logical3A_1926 : i32 to vector<1024x128xi32>
    %shift_right_logical3A_1928 = arith.shrui %add3A_1921, %shift_right_logical3A_1927 : vector<1024x128xi32>
    %or3A_1929 = arith.ori %shift_left3A_1925, %shift_right_logical3A_1928 : vector<1024x128xi32>
    %xor3A_1930 = arith.xori %add3A_1922, %or3A_1929 : vector<1024x128xi32>
    %add3A_1931 = arith.addi %add3A_1922, %xor3A_1930 : vector<1024x128xi32>
    %shift_left3A_1932 = arith.constant 29 : i32
    %shift_left3A_1933 = vector.broadcast %shift_left3A_1932 : i32 to vector<1024x128xi32>
    %shift_left3A_1934 = arith.shli %xor3A_1930, %shift_left3A_1933 : vector<1024x128xi32>
    %shift_right_logical3A_1935 = arith.constant 3 : i32
    %shift_right_logical3A_1936 = vector.broadcast %shift_right_logical3A_1935 : i32 to vector<1024x128xi32>
    %shift_right_logical3A_1937 = arith.shrui %xor3A_1930, %shift_right_logical3A_1936 : vector<1024x128xi32>
    %or3A_1938 = arith.ori %shift_left3A_1934, %shift_right_logical3A_1937 : vector<1024x128xi32>
    %xor3A_1939 = arith.xori %add3A_1931, %or3A_1938 : vector<1024x128xi32>
    %add3A_1940 = arith.addi %add3A_1931, %xor3A_1939 : vector<1024x128xi32>
    %shift_left3A_1941 = arith.constant 16 : i32
    %shift_left3A_1942 = vector.broadcast %shift_left3A_1941 : i32 to vector<1024x128xi32>
    %shift_left3A_1943 = arith.shli %xor3A_1939, %shift_left3A_1942 : vector<1024x128xi32>
    %shift_right_logical3A_1944 = arith.constant 16 : i32
    %shift_right_logical3A_1945 = vector.broadcast %shift_right_logical3A_1944 : i32 to vector<1024x128xi32>
    %shift_right_logical3A_1946 = arith.shrui %xor3A_1939, %shift_right_logical3A_1945 : vector<1024x128xi32>
    %or3A_1947 = arith.ori %shift_left3A_1943, %shift_right_logical3A_1946 : vector<1024x128xi32>
    %xor3A_1948 = arith.xori %add3A_1940, %or3A_1947 : vector<1024x128xi32>
    %add3A_1949 = arith.addi %add3A_1940, %xor3A_1948 : vector<1024x128xi32>
    %shift_left3A_1950 = arith.constant 24 : i32
    %shift_left3A_1951 = vector.broadcast %shift_left3A_1950 : i32 to vector<1024x128xi32>
    %shift_left3A_1952 = arith.shli %xor3A_1948, %shift_left3A_1951 : vector<1024x128xi32>
    %shift_right_logical3A_1953 = arith.constant 8 : i32
    %shift_right_logical3A_1954 = vector.broadcast %shift_right_logical3A_1953 : i32 to vector<1024x128xi32>
    %shift_right_logical3A_1955 = arith.shrui %xor3A_1948, %shift_right_logical3A_1954 : vector<1024x128xi32>
    %or3A_1956 = arith.ori %shift_left3A_1952, %shift_right_logical3A_1955 : vector<1024x128xi32>
    %xor3A_1957 = arith.xori %add3A_1949, %or3A_1956 : vector<1024x128xi32>
    %add3A_1958 = vector.broadcast %xor3A_1874 : i32 to vector<1024x128xi32>
    %add3A_1959 = arith.addi %add3A_1949, %add3A_1958 : vector<1024x128xi32>
    %add3A_1960 = vector.broadcast %get3A_1866 : i32 to vector<1024x128xi32>
    %add3A_1961 = arith.addi %xor3A_1957, %add3A_1960 : vector<1024x128xi32>
    %add3A_1962 = arith.constant 2 : i32
    %add3A_1963 = vector.broadcast %add3A_1962 : i32 to vector<1024x128xi32>
    %add3A_1964 = arith.addi %add3A_1961, %add3A_1963 : vector<1024x128xi32>
    %add3A_1965 = arith.addi %add3A_1959, %add3A_1964 : vector<1024x128xi32>
    %shift_left3A_1966 = arith.constant 13 : i32
    %shift_left3A_1967 = vector.broadcast %shift_left3A_1966 : i32 to vector<1024x128xi32>
    %shift_left3A_1968 = arith.shli %add3A_1964, %shift_left3A_1967 : vector<1024x128xi32>
    %shift_right_logical3A_1969 = arith.constant 19 : i32
    %shift_right_logical3A_1970 = vector.broadcast %shift_right_logical3A_1969 : i32 to vector<1024x128xi32>
    %shift_right_logical3A_1971 = arith.shrui %add3A_1964, %shift_right_logical3A_1970 : vector<1024x128xi32>
    %or3A_1972 = arith.ori %shift_left3A_1968, %shift_right_logical3A_1971 : vector<1024x128xi32>
    %xor3A_1973 = arith.xori %add3A_1965, %or3A_1972 : vector<1024x128xi32>
    %add3A_1974 = arith.addi %add3A_1965, %xor3A_1973 : vector<1024x128xi32>
    %shift_left3A_1975 = arith.constant 15 : i32
    %shift_left3A_1976 = vector.broadcast %shift_left3A_1975 : i32 to vector<1024x128xi32>
    %shift_left3A_1977 = arith.shli %xor3A_1973, %shift_left3A_1976 : vector<1024x128xi32>
    %shift_right_logical3A_1978 = arith.constant 17 : i32
    %shift_right_logical3A_1979 = vector.broadcast %shift_right_logical3A_1978 : i32 to vector<1024x128xi32>
    %shift_right_logical3A_1980 = arith.shrui %xor3A_1973, %shift_right_logical3A_1979 : vector<1024x128xi32>
    %or3A_1981 = arith.ori %shift_left3A_1977, %shift_right_logical3A_1980 : vector<1024x128xi32>
    %xor3A_1982 = arith.xori %add3A_1974, %or3A_1981 : vector<1024x128xi32>
    %add3A_1983 = arith.addi %add3A_1974, %xor3A_1982 : vector<1024x128xi32>
    %shift_left3A_1984 = arith.constant 26 : i32
    %shift_left3A_1985 = vector.broadcast %shift_left3A_1984 : i32 to vector<1024x128xi32>
    %shift_left3A_1986 = arith.shli %xor3A_1982, %shift_left3A_1985 : vector<1024x128xi32>
    %shift_right_logical3A_1987 = arith.constant 6 : i32
    %shift_right_logical3A_1988 = vector.broadcast %shift_right_logical3A_1987 : i32 to vector<1024x128xi32>
    %shift_right_logical3A_1989 = arith.shrui %xor3A_1982, %shift_right_logical3A_1988 : vector<1024x128xi32>
    %or3A_1990 = arith.ori %shift_left3A_1986, %shift_right_logical3A_1989 : vector<1024x128xi32>
    %xor3A_1991 = arith.xori %add3A_1983, %or3A_1990 : vector<1024x128xi32>
    %add3A_1992 = arith.addi %add3A_1983, %xor3A_1991 : vector<1024x128xi32>
    %shift_left3A_1993 = arith.constant 6 : i32
    %shift_left3A_1994 = vector.broadcast %shift_left3A_1993 : i32 to vector<1024x128xi32>
    %shift_left3A_1995 = arith.shli %xor3A_1991, %shift_left3A_1994 : vector<1024x128xi32>
    %shift_right_logical3A_1996 = arith.constant 26 : i32
    %shift_right_logical3A_1997 = vector.broadcast %shift_right_logical3A_1996 : i32 to vector<1024x128xi32>
    %shift_right_logical3A_1998 = arith.shrui %xor3A_1991, %shift_right_logical3A_1997 : vector<1024x128xi32>
    %or3A_1999 = arith.ori %shift_left3A_1995, %shift_right_logical3A_1998 : vector<1024x128xi32>
    %xor3A_2000 = arith.xori %add3A_1992, %or3A_1999 : vector<1024x128xi32>
    %add3A_2001 = vector.broadcast %get3A_1866 : i32 to vector<1024x128xi32>
    %add3A_2002 = arith.addi %add3A_1992, %add3A_2001 : vector<1024x128xi32>
    %add3A_2003 = vector.broadcast %get3A_1869 : i32 to vector<1024x128xi32>
    %add3A_2004 = arith.addi %xor3A_2000, %add3A_2003 : vector<1024x128xi32>
    %add3A_2005 = arith.constant 3 : i32
    %add3A_2006 = vector.broadcast %add3A_2005 : i32 to vector<1024x128xi32>
    %add3A_2007 = arith.addi %add3A_2004, %add3A_2006 : vector<1024x128xi32>
    %add3A_2008 = arith.addi %add3A_2002, %add3A_2007 : vector<1024x128xi32>
    %shift_left3A_2009 = arith.constant 17 : i32
    %shift_left3A_2010 = vector.broadcast %shift_left3A_2009 : i32 to vector<1024x128xi32>
    %shift_left3A_2011 = arith.shli %add3A_2007, %shift_left3A_2010 : vector<1024x128xi32>
    %shift_right_logical3A_2012 = arith.constant 15 : i32
    %shift_right_logical3A_2013 = vector.broadcast %shift_right_logical3A_2012 : i32 to vector<1024x128xi32>
    %shift_right_logical3A_2014 = arith.shrui %add3A_2007, %shift_right_logical3A_2013 : vector<1024x128xi32>
    %or3A_2015 = arith.ori %shift_left3A_2011, %shift_right_logical3A_2014 : vector<1024x128xi32>
    %xor3A_2016 = arith.xori %add3A_2008, %or3A_2015 : vector<1024x128xi32>
    %add3A_2017 = arith.addi %add3A_2008, %xor3A_2016 : vector<1024x128xi32>
    %shift_left3A_2018 = arith.constant 29 : i32
    %shift_left3A_2019 = vector.broadcast %shift_left3A_2018 : i32 to vector<1024x128xi32>
    %shift_left3A_2020 = arith.shli %xor3A_2016, %shift_left3A_2019 : vector<1024x128xi32>
    %shift_right_logical3A_2021 = arith.constant 3 : i32
    %shift_right_logical3A_2022 = vector.broadcast %shift_right_logical3A_2021 : i32 to vector<1024x128xi32>
    %shift_right_logical3A_2023 = arith.shrui %xor3A_2016, %shift_right_logical3A_2022 : vector<1024x128xi32>
    %or3A_2024 = arith.ori %shift_left3A_2020, %shift_right_logical3A_2023 : vector<1024x128xi32>
    %xor3A_2025 = arith.xori %add3A_2017, %or3A_2024 : vector<1024x128xi32>
    %add3A_2026 = arith.addi %add3A_2017, %xor3A_2025 : vector<1024x128xi32>
    %shift_left3A_2027 = arith.constant 16 : i32
    %shift_left3A_2028 = vector.broadcast %shift_left3A_2027 : i32 to vector<1024x128xi32>
    %shift_left3A_2029 = arith.shli %xor3A_2025, %shift_left3A_2028 : vector<1024x128xi32>
    %shift_right_logical3A_2030 = arith.constant 16 : i32
    %shift_right_logical3A_2031 = vector.broadcast %shift_right_logical3A_2030 : i32 to vector<1024x128xi32>
    %shift_right_logical3A_2032 = arith.shrui %xor3A_2025, %shift_right_logical3A_2031 : vector<1024x128xi32>
    %or3A_2033 = arith.ori %shift_left3A_2029, %shift_right_logical3A_2032 : vector<1024x128xi32>
    %xor3A_2034 = arith.xori %add3A_2026, %or3A_2033 : vector<1024x128xi32>
    %add3A_2035 = arith.addi %add3A_2026, %xor3A_2034 : vector<1024x128xi32>
    %shift_left3A_2036 = arith.constant 24 : i32
    %shift_left3A_2037 = vector.broadcast %shift_left3A_2036 : i32 to vector<1024x128xi32>
    %shift_left3A_2038 = arith.shli %xor3A_2034, %shift_left3A_2037 : vector<1024x128xi32>
    %shift_right_logical3A_2039 = arith.constant 8 : i32
    %shift_right_logical3A_2040 = vector.broadcast %shift_right_logical3A_2039 : i32 to vector<1024x128xi32>
    %shift_right_logical3A_2041 = arith.shrui %xor3A_2034, %shift_right_logical3A_2040 : vector<1024x128xi32>
    %or3A_2042 = arith.ori %shift_left3A_2038, %shift_right_logical3A_2041 : vector<1024x128xi32>
    %xor3A_2043 = arith.xori %add3A_2035, %or3A_2042 : vector<1024x128xi32>
    %add3A_2044 = vector.broadcast %get3A_1869 : i32 to vector<1024x128xi32>
    %add3A_2045 = arith.addi %add3A_2035, %add3A_2044 : vector<1024x128xi32>
    %add3A_2046 = vector.broadcast %xor3A_1874 : i32 to vector<1024x128xi32>
    %add3A_2047 = arith.addi %xor3A_2043, %add3A_2046 : vector<1024x128xi32>
    %add3A_2048 = arith.constant 4 : i32
    %add3A_2049 = vector.broadcast %add3A_2048 : i32 to vector<1024x128xi32>
    %add3A_2050 = arith.addi %add3A_2047, %add3A_2049 : vector<1024x128xi32>
    %add3A_2051 = arith.addi %add3A_2045, %add3A_2050 : vector<1024x128xi32>
    %shift_left3A_2052 = arith.constant 13 : i32
    %shift_left3A_2053 = vector.broadcast %shift_left3A_2052 : i32 to vector<1024x128xi32>
    %shift_left3A_2054 = arith.shli %add3A_2050, %shift_left3A_2053 : vector<1024x128xi32>
    %shift_right_logical3A_2055 = arith.constant 19 : i32
    %shift_right_logical3A_2056 = vector.broadcast %shift_right_logical3A_2055 : i32 to vector<1024x128xi32>
    %shift_right_logical3A_2057 = arith.shrui %add3A_2050, %shift_right_logical3A_2056 : vector<1024x128xi32>
    %or3A_2058 = arith.ori %shift_left3A_2054, %shift_right_logical3A_2057 : vector<1024x128xi32>
    %xor3A_2059 = arith.xori %add3A_2051, %or3A_2058 : vector<1024x128xi32>
    %add3A_2060 = arith.addi %add3A_2051, %xor3A_2059 : vector<1024x128xi32>
    %shift_left3A_2061 = arith.constant 15 : i32
    %shift_left3A_2062 = vector.broadcast %shift_left3A_2061 : i32 to vector<1024x128xi32>
    %shift_left3A_2063 = arith.shli %xor3A_2059, %shift_left3A_2062 : vector<1024x128xi32>
    %shift_right_logical3A_2064 = arith.constant 17 : i32
    %shift_right_logical3A_2065 = vector.broadcast %shift_right_logical3A_2064 : i32 to vector<1024x128xi32>
    %shift_right_logical3A_2066 = arith.shrui %xor3A_2059, %shift_right_logical3A_2065 : vector<1024x128xi32>
    %or3A_2067 = arith.ori %shift_left3A_2063, %shift_right_logical3A_2066 : vector<1024x128xi32>
    %xor3A_2068 = arith.xori %add3A_2060, %or3A_2067 : vector<1024x128xi32>
    %add3A_2069 = arith.addi %add3A_2060, %xor3A_2068 : vector<1024x128xi32>
    %shift_left3A_2070 = arith.constant 26 : i32
    %shift_left3A_2071 = vector.broadcast %shift_left3A_2070 : i32 to vector<1024x128xi32>
    %shift_left3A_2072 = arith.shli %xor3A_2068, %shift_left3A_2071 : vector<1024x128xi32>
    %shift_right_logical3A_2073 = arith.constant 6 : i32
    %shift_right_logical3A_2074 = vector.broadcast %shift_right_logical3A_2073 : i32 to vector<1024x128xi32>
    %shift_right_logical3A_2075 = arith.shrui %xor3A_2068, %shift_right_logical3A_2074 : vector<1024x128xi32>
    %or3A_2076 = arith.ori %shift_left3A_2072, %shift_right_logical3A_2075 : vector<1024x128xi32>
    %xor3A_2077 = arith.xori %add3A_2069, %or3A_2076 : vector<1024x128xi32>
    %add3A_2078 = arith.addi %add3A_2069, %xor3A_2077 : vector<1024x128xi32>
    %shift_left3A_2079 = arith.constant 6 : i32
    %shift_left3A_2080 = vector.broadcast %shift_left3A_2079 : i32 to vector<1024x128xi32>
    %shift_left3A_2081 = arith.shli %xor3A_2077, %shift_left3A_2080 : vector<1024x128xi32>
    %shift_right_logical3A_2082 = arith.constant 26 : i32
    %shift_right_logical3A_2083 = vector.broadcast %shift_right_logical3A_2082 : i32 to vector<1024x128xi32>
    %shift_right_logical3A_2084 = arith.shrui %xor3A_2077, %shift_right_logical3A_2083 : vector<1024x128xi32>
    %or3A_2085 = arith.ori %shift_left3A_2081, %shift_right_logical3A_2084 : vector<1024x128xi32>
    %xor3A_2086 = arith.xori %add3A_2078, %or3A_2085 : vector<1024x128xi32>
    %add3A_2087 = vector.broadcast %xor3A_1874 : i32 to vector<1024x128xi32>
    %add3A_2088 = arith.addi %add3A_2078, %add3A_2087 : vector<1024x128xi32>
    %add3A_2089 = vector.broadcast %get3A_1866 : i32 to vector<1024x128xi32>
    %add3A_2090 = arith.addi %xor3A_2086, %add3A_2089 : vector<1024x128xi32>
    %add3A_2091 = arith.constant 5 : i32
    %add3A_2092 = vector.broadcast %add3A_2091 : i32 to vector<1024x128xi32>
    %add3A_2093 = arith.addi %add3A_2090, %add3A_2092 : vector<1024x128xi32>
    %xor3A_2094 = arith.xori %add3A_2088, %add3A_2093 : vector<1024x128xi32>
    %shift_right_logical3A_2095 = arith.constant 9 : i32
    %shift_right_logical3A_2096 = vector.broadcast %shift_right_logical3A_2095 : i32 to vector<1024x128xi32>
    %shift_right_logical3A_2097 = arith.shrui %xor3A_2094, %shift_right_logical3A_2096 : vector<1024x128xi32>
    %or3A_2098 = arith.constant 1065353216 : i32
    %or3A_2099 = vector.broadcast %or3A_2098 : i32 to vector<1024x128xi32>
    %or3A_2100 = arith.ori %shift_right_logical3A_2097, %or3A_2099 : vector<1024x128xi32>
    %bitcast_convert_type3A_2101 = tpu.bitcast %or3A_2100 : vector<1024x128xi32> -> vector<1024x128xf32>
    %sub3A_2102 = arith.constant 1.000000e+00 : f32
    %sub3A_2103 = vector.broadcast %sub3A_2102 : f32 to vector<1024x128xf32>
    %sub3A_2104 = arith.subf %bitcast_convert_type3A_2101, %sub3A_2103 : vector<1024x128xf32>
    %sub3A_2105 = arith.subf %select_n3A_1863, %select_n3A_1858 : vector<1024x128xf32>
    %mul3A_2106 = arith.mulf %sub3A_2104, %sub3A_2105 : vector<1024x128xf32>
    %add3A_2107 = arith.addf %mul3A_2106, %select_n3A_1858 : vector<1024x128xf32>
    %broadcast_in_dim3A_2108 = vector.shape_cast %gt3A_1854 : vector<1024x1xi1> to vector<1024x1xi1>
    %broadcast_in_dim3A_2109 = vector.broadcast %broadcast_in_dim3A_2108 : vector<1024x1xi1> to vector<1024x128xi1>
    %select_n3A_2110 = arith.select %broadcast_in_dim3A_2109, %add3A_2107, %select_n3A_1837 : vector<1024x128xi1>, vector<1024x128xf32>
    %mul3A_2111 = arith.mulf %select_n3A_2110, %select_n3A_2110 : vector<1024x128xf32>
    %reduce_sum3A_2112 = arith.constant dense<0.000000e+00> : vector<1024xf32>
    %reduce_sum3A_2113 = vector.multi_reduction <add>, %mul3A_2111, %reduce_sum3A_2112 [1] : vector<1024x128xf32> to vector<1024xf32>
    %broadcast_in_dim3A_2114 = vector.shape_cast %reduce_sum3A_2113 : vector<1024xf32> to vector<1024x1xf32>
    %mul3A_2115 = arith.constant -5.000000e-01 : f32
    %mul3A_2116 = vector.broadcast %mul3A_2115 : f32 to vector<1024x1xf32>
    %mul3A_2117 = arith.mulf %mul3A_2116, %broadcast_in_dim3A_2114 : vector<1024x1xf32>
    %lt3A_2118 = arith.cmpf olt, %mul3A_2117, %add3A_253 : vector<1024x1xf32>
    %and3A_2119 = arith.andi %gt3A_1854, %lt3A_2118 : vector<1024x1xi1>
    %jit3A_2120 = arith.constant 1.000000e+00 : f32
    %jit3A_2121 = arith.constant 0.000000e+00 : f32
    %broadcast_in_dim3A_2122 = vector.broadcast %jit3A_2120 : f32 to vector<1024x1xf32>
    %broadcast_in_dim3A_2123 = vector.broadcast %jit3A_2121 : f32 to vector<1024x1xf32>
    %select_n3A_2124 = arith.select %and3A_2119, %broadcast_in_dim3A_2122, %broadcast_in_dim3A_2123 : vector<1024x1xi1>, vector<1024x1xf32>
    %gt3A_2125 = arith.constant 0.000000e+00 : f32
    %gt3A_2126 = vector.broadcast %gt3A_2125 : f32 to vector<1024x1xf32>
    %gt3A_2127 = arith.cmpf ogt, %select_n3A_2124, %gt3A_2126 : vector<1024x1xf32>
    %lt3A_2128 = arith.cmpf olt, %select_n3A_2110, %get3A_1 : vector<1024x128xf32>
    %and3A_2129 = vector.broadcast %gt3A_2127 : vector<1024x1xi1> to vector<1024x128xi1>
    %and3A_2130 = arith.andi %and3A_2129, %lt3A_2128 : vector<1024x128xi1>
    %select_n3A_2131 = arith.select %and3A_2130, %select_n3A_2110, %select_n3A_1858 : vector<1024x128xi1>, vector<1024x128xf32>
    %not3A_2132 = arith.constant dense<true> : vector<1024x128xi1>
    %not3A_2133 = arith.xori %lt3A_2128, %not3A_2132 : vector<1024x128xi1>
    %and3A_2134 = vector.broadcast %gt3A_2127 : vector<1024x1xi1> to vector<1024x128xi1>
    %and3A_2135 = arith.andi %and3A_2134, %not3A_2133 : vector<1024x128xi1>
    %select_n3A_2136 = arith.select %and3A_2135, %select_n3A_2110, %select_n3A_1863 : vector<1024x128xi1>, vector<1024x128xf32>
    %get3A_2137 = arith.constant 9 : index
    %get3A_2138 = arith.constant 0 : index
    %get3A_2139 = memref.load %arg1[%get3A_2137, %get3A_2138] : memref<54x2xi32, #tpu.memory_space<smem>>
    %get3A_2140 = arith.constant 9 : index
    %get3A_2141 = arith.constant 1 : index
    %get3A_2142 = memref.load %arg1[%get3A_2140, %get3A_2141] : memref<54x2xi32, #tpu.memory_space<smem>>
    %broadcast_in_dim3A_2143 = arith.constant 0 : i32
    %broadcast_in_dim3A_2144 = vector.broadcast %broadcast_in_dim3A_2143 : i32 to vector<1024x128xi32>
    %xor3A_2145 = arith.xori %get3A_2139, %get3A_2142 : i32
    %xor3A_2146 = arith.constant 466688986 : i32
    %xor3A_2147 = arith.xori %xor3A_2145, %xor3A_2146 : i32
    %add3A_2148 = vector.broadcast %get3A_2139 : i32 to vector<1024x128xi32>
    %add3A_2149 = arith.addi %broadcast_in_dim3A_2144, %add3A_2148 : vector<1024x128xi32>
    %add3A_2150 = vector.broadcast %get3A_2142 : i32 to vector<1024x128xi32>
    %add3A_2151 = arith.addi %add3A_9, %add3A_2150 : vector<1024x128xi32>
    %add3A_2152 = arith.addi %add3A_2149, %add3A_2151 : vector<1024x128xi32>
    %shift_left3A_2153 = arith.constant 13 : i32
    %shift_left3A_2154 = vector.broadcast %shift_left3A_2153 : i32 to vector<1024x128xi32>
    %shift_left3A_2155 = arith.shli %add3A_2151, %shift_left3A_2154 : vector<1024x128xi32>
    %shift_right_logical3A_2156 = arith.constant 19 : i32
    %shift_right_logical3A_2157 = vector.broadcast %shift_right_logical3A_2156 : i32 to vector<1024x128xi32>
    %shift_right_logical3A_2158 = arith.shrui %add3A_2151, %shift_right_logical3A_2157 : vector<1024x128xi32>
    %or3A_2159 = arith.ori %shift_left3A_2155, %shift_right_logical3A_2158 : vector<1024x128xi32>
    %xor3A_2160 = arith.xori %add3A_2152, %or3A_2159 : vector<1024x128xi32>
    %add3A_2161 = arith.addi %add3A_2152, %xor3A_2160 : vector<1024x128xi32>
    %shift_left3A_2162 = arith.constant 15 : i32
    %shift_left3A_2163 = vector.broadcast %shift_left3A_2162 : i32 to vector<1024x128xi32>
    %shift_left3A_2164 = arith.shli %xor3A_2160, %shift_left3A_2163 : vector<1024x128xi32>
    %shift_right_logical3A_2165 = arith.constant 17 : i32
    %shift_right_logical3A_2166 = vector.broadcast %shift_right_logical3A_2165 : i32 to vector<1024x128xi32>
    %shift_right_logical3A_2167 = arith.shrui %xor3A_2160, %shift_right_logical3A_2166 : vector<1024x128xi32>
    %or3A_2168 = arith.ori %shift_left3A_2164, %shift_right_logical3A_2167 : vector<1024x128xi32>
    %xor3A_2169 = arith.xori %add3A_2161, %or3A_2168 : vector<1024x128xi32>
    %add3A_2170 = arith.addi %add3A_2161, %xor3A_2169 : vector<1024x128xi32>
    %shift_left3A_2171 = arith.constant 26 : i32
    %shift_left3A_2172 = vector.broadcast %shift_left3A_2171 : i32 to vector<1024x128xi32>
    %shift_left3A_2173 = arith.shli %xor3A_2169, %shift_left3A_2172 : vector<1024x128xi32>
    %shift_right_logical3A_2174 = arith.constant 6 : i32
    %shift_right_logical3A_2175 = vector.broadcast %shift_right_logical3A_2174 : i32 to vector<1024x128xi32>
    %shift_right_logical3A_2176 = arith.shrui %xor3A_2169, %shift_right_logical3A_2175 : vector<1024x128xi32>
    %or3A_2177 = arith.ori %shift_left3A_2173, %shift_right_logical3A_2176 : vector<1024x128xi32>
    %xor3A_2178 = arith.xori %add3A_2170, %or3A_2177 : vector<1024x128xi32>
    %add3A_2179 = arith.addi %add3A_2170, %xor3A_2178 : vector<1024x128xi32>
    %shift_left3A_2180 = arith.constant 6 : i32
    %shift_left3A_2181 = vector.broadcast %shift_left3A_2180 : i32 to vector<1024x128xi32>
    %shift_left3A_2182 = arith.shli %xor3A_2178, %shift_left3A_2181 : vector<1024x128xi32>
    %shift_right_logical3A_2183 = arith.constant 26 : i32
    %shift_right_logical3A_2184 = vector.broadcast %shift_right_logical3A_2183 : i32 to vector<1024x128xi32>
    %shift_right_logical3A_2185 = arith.shrui %xor3A_2178, %shift_right_logical3A_2184 : vector<1024x128xi32>
    %or3A_2186 = arith.ori %shift_left3A_2182, %shift_right_logical3A_2185 : vector<1024x128xi32>
    %xor3A_2187 = arith.xori %add3A_2179, %or3A_2186 : vector<1024x128xi32>
    %add3A_2188 = vector.broadcast %get3A_2142 : i32 to vector<1024x128xi32>
    %add3A_2189 = arith.addi %add3A_2179, %add3A_2188 : vector<1024x128xi32>
    %add3A_2190 = vector.broadcast %xor3A_2147 : i32 to vector<1024x128xi32>
    %add3A_2191 = arith.addi %xor3A_2187, %add3A_2190 : vector<1024x128xi32>
    %add3A_2192 = arith.constant 1 : i32
    %add3A_2193 = vector.broadcast %add3A_2192 : i32 to vector<1024x128xi32>
    %add3A_2194 = arith.addi %add3A_2191, %add3A_2193 : vector<1024x128xi32>
    %add3A_2195 = arith.addi %add3A_2189, %add3A_2194 : vector<1024x128xi32>
    %shift_left3A_2196 = arith.constant 17 : i32
    %shift_left3A_2197 = vector.broadcast %shift_left3A_2196 : i32 to vector<1024x128xi32>
    %shift_left3A_2198 = arith.shli %add3A_2194, %shift_left3A_2197 : vector<1024x128xi32>
    %shift_right_logical3A_2199 = arith.constant 15 : i32
    %shift_right_logical3A_2200 = vector.broadcast %shift_right_logical3A_2199 : i32 to vector<1024x128xi32>
    %shift_right_logical3A_2201 = arith.shrui %add3A_2194, %shift_right_logical3A_2200 : vector<1024x128xi32>
    %or3A_2202 = arith.ori %shift_left3A_2198, %shift_right_logical3A_2201 : vector<1024x128xi32>
    %xor3A_2203 = arith.xori %add3A_2195, %or3A_2202 : vector<1024x128xi32>
    %add3A_2204 = arith.addi %add3A_2195, %xor3A_2203 : vector<1024x128xi32>
    %shift_left3A_2205 = arith.constant 29 : i32
    %shift_left3A_2206 = vector.broadcast %shift_left3A_2205 : i32 to vector<1024x128xi32>
    %shift_left3A_2207 = arith.shli %xor3A_2203, %shift_left3A_2206 : vector<1024x128xi32>
    %shift_right_logical3A_2208 = arith.constant 3 : i32
    %shift_right_logical3A_2209 = vector.broadcast %shift_right_logical3A_2208 : i32 to vector<1024x128xi32>
    %shift_right_logical3A_2210 = arith.shrui %xor3A_2203, %shift_right_logical3A_2209 : vector<1024x128xi32>
    %or3A_2211 = arith.ori %shift_left3A_2207, %shift_right_logical3A_2210 : vector<1024x128xi32>
    %xor3A_2212 = arith.xori %add3A_2204, %or3A_2211 : vector<1024x128xi32>
    %add3A_2213 = arith.addi %add3A_2204, %xor3A_2212 : vector<1024x128xi32>
    %shift_left3A_2214 = arith.constant 16 : i32
    %shift_left3A_2215 = vector.broadcast %shift_left3A_2214 : i32 to vector<1024x128xi32>
    %shift_left3A_2216 = arith.shli %xor3A_2212, %shift_left3A_2215 : vector<1024x128xi32>
    %shift_right_logical3A_2217 = arith.constant 16 : i32
    %shift_right_logical3A_2218 = vector.broadcast %shift_right_logical3A_2217 : i32 to vector<1024x128xi32>
    %shift_right_logical3A_2219 = arith.shrui %xor3A_2212, %shift_right_logical3A_2218 : vector<1024x128xi32>
    %or3A_2220 = arith.ori %shift_left3A_2216, %shift_right_logical3A_2219 : vector<1024x128xi32>
    %xor3A_2221 = arith.xori %add3A_2213, %or3A_2220 : vector<1024x128xi32>
    %add3A_2222 = arith.addi %add3A_2213, %xor3A_2221 : vector<1024x128xi32>
    %shift_left3A_2223 = arith.constant 24 : i32
    %shift_left3A_2224 = vector.broadcast %shift_left3A_2223 : i32 to vector<1024x128xi32>
    %shift_left3A_2225 = arith.shli %xor3A_2221, %shift_left3A_2224 : vector<1024x128xi32>
    %shift_right_logical3A_2226 = arith.constant 8 : i32
    %shift_right_logical3A_2227 = vector.broadcast %shift_right_logical3A_2226 : i32 to vector<1024x128xi32>
    %shift_right_logical3A_2228 = arith.shrui %xor3A_2221, %shift_right_logical3A_2227 : vector<1024x128xi32>
    %or3A_2229 = arith.ori %shift_left3A_2225, %shift_right_logical3A_2228 : vector<1024x128xi32>
    %xor3A_2230 = arith.xori %add3A_2222, %or3A_2229 : vector<1024x128xi32>
    %add3A_2231 = vector.broadcast %xor3A_2147 : i32 to vector<1024x128xi32>
    %add3A_2232 = arith.addi %add3A_2222, %add3A_2231 : vector<1024x128xi32>
    %add3A_2233 = vector.broadcast %get3A_2139 : i32 to vector<1024x128xi32>
    %add3A_2234 = arith.addi %xor3A_2230, %add3A_2233 : vector<1024x128xi32>
    %add3A_2235 = arith.constant 2 : i32
    %add3A_2236 = vector.broadcast %add3A_2235 : i32 to vector<1024x128xi32>
    %add3A_2237 = arith.addi %add3A_2234, %add3A_2236 : vector<1024x128xi32>
    %add3A_2238 = arith.addi %add3A_2232, %add3A_2237 : vector<1024x128xi32>
    %shift_left3A_2239 = arith.constant 13 : i32
    %shift_left3A_2240 = vector.broadcast %shift_left3A_2239 : i32 to vector<1024x128xi32>
    %shift_left3A_2241 = arith.shli %add3A_2237, %shift_left3A_2240 : vector<1024x128xi32>
    %shift_right_logical3A_2242 = arith.constant 19 : i32
    %shift_right_logical3A_2243 = vector.broadcast %shift_right_logical3A_2242 : i32 to vector<1024x128xi32>
    %shift_right_logical3A_2244 = arith.shrui %add3A_2237, %shift_right_logical3A_2243 : vector<1024x128xi32>
    %or3A_2245 = arith.ori %shift_left3A_2241, %shift_right_logical3A_2244 : vector<1024x128xi32>
    %xor3A_2246 = arith.xori %add3A_2238, %or3A_2245 : vector<1024x128xi32>
    %add3A_2247 = arith.addi %add3A_2238, %xor3A_2246 : vector<1024x128xi32>
    %shift_left3A_2248 = arith.constant 15 : i32
    %shift_left3A_2249 = vector.broadcast %shift_left3A_2248 : i32 to vector<1024x128xi32>
    %shift_left3A_2250 = arith.shli %xor3A_2246, %shift_left3A_2249 : vector<1024x128xi32>
    %shift_right_logical3A_2251 = arith.constant 17 : i32
    %shift_right_logical3A_2252 = vector.broadcast %shift_right_logical3A_2251 : i32 to vector<1024x128xi32>
    %shift_right_logical3A_2253 = arith.shrui %xor3A_2246, %shift_right_logical3A_2252 : vector<1024x128xi32>
    %or3A_2254 = arith.ori %shift_left3A_2250, %shift_right_logical3A_2253 : vector<1024x128xi32>
    %xor3A_2255 = arith.xori %add3A_2247, %or3A_2254 : vector<1024x128xi32>
    %add3A_2256 = arith.addi %add3A_2247, %xor3A_2255 : vector<1024x128xi32>
    %shift_left3A_2257 = arith.constant 26 : i32
    %shift_left3A_2258 = vector.broadcast %shift_left3A_2257 : i32 to vector<1024x128xi32>
    %shift_left3A_2259 = arith.shli %xor3A_2255, %shift_left3A_2258 : vector<1024x128xi32>
    %shift_right_logical3A_2260 = arith.constant 6 : i32
    %shift_right_logical3A_2261 = vector.broadcast %shift_right_logical3A_2260 : i32 to vector<1024x128xi32>
    %shift_right_logical3A_2262 = arith.shrui %xor3A_2255, %shift_right_logical3A_2261 : vector<1024x128xi32>
    %or3A_2263 = arith.ori %shift_left3A_2259, %shift_right_logical3A_2262 : vector<1024x128xi32>
    %xor3A_2264 = arith.xori %add3A_2256, %or3A_2263 : vector<1024x128xi32>
    %add3A_2265 = arith.addi %add3A_2256, %xor3A_2264 : vector<1024x128xi32>
    %shift_left3A_2266 = arith.constant 6 : i32
    %shift_left3A_2267 = vector.broadcast %shift_left3A_2266 : i32 to vector<1024x128xi32>
    %shift_left3A_2268 = arith.shli %xor3A_2264, %shift_left3A_2267 : vector<1024x128xi32>
    %shift_right_logical3A_2269 = arith.constant 26 : i32
    %shift_right_logical3A_2270 = vector.broadcast %shift_right_logical3A_2269 : i32 to vector<1024x128xi32>
    %shift_right_logical3A_2271 = arith.shrui %xor3A_2264, %shift_right_logical3A_2270 : vector<1024x128xi32>
    %or3A_2272 = arith.ori %shift_left3A_2268, %shift_right_logical3A_2271 : vector<1024x128xi32>
    %xor3A_2273 = arith.xori %add3A_2265, %or3A_2272 : vector<1024x128xi32>
    %add3A_2274 = vector.broadcast %get3A_2139 : i32 to vector<1024x128xi32>
    %add3A_2275 = arith.addi %add3A_2265, %add3A_2274 : vector<1024x128xi32>
    %add3A_2276 = vector.broadcast %get3A_2142 : i32 to vector<1024x128xi32>
    %add3A_2277 = arith.addi %xor3A_2273, %add3A_2276 : vector<1024x128xi32>
    %add3A_2278 = arith.constant 3 : i32
    %add3A_2279 = vector.broadcast %add3A_2278 : i32 to vector<1024x128xi32>
    %add3A_2280 = arith.addi %add3A_2277, %add3A_2279 : vector<1024x128xi32>
    %add3A_2281 = arith.addi %add3A_2275, %add3A_2280 : vector<1024x128xi32>
    %shift_left3A_2282 = arith.constant 17 : i32
    %shift_left3A_2283 = vector.broadcast %shift_left3A_2282 : i32 to vector<1024x128xi32>
    %shift_left3A_2284 = arith.shli %add3A_2280, %shift_left3A_2283 : vector<1024x128xi32>
    %shift_right_logical3A_2285 = arith.constant 15 : i32
    %shift_right_logical3A_2286 = vector.broadcast %shift_right_logical3A_2285 : i32 to vector<1024x128xi32>
    %shift_right_logical3A_2287 = arith.shrui %add3A_2280, %shift_right_logical3A_2286 : vector<1024x128xi32>
    %or3A_2288 = arith.ori %shift_left3A_2284, %shift_right_logical3A_2287 : vector<1024x128xi32>
    %xor3A_2289 = arith.xori %add3A_2281, %or3A_2288 : vector<1024x128xi32>
    %add3A_2290 = arith.addi %add3A_2281, %xor3A_2289 : vector<1024x128xi32>
    %shift_left3A_2291 = arith.constant 29 : i32
    %shift_left3A_2292 = vector.broadcast %shift_left3A_2291 : i32 to vector<1024x128xi32>
    %shift_left3A_2293 = arith.shli %xor3A_2289, %shift_left3A_2292 : vector<1024x128xi32>
    %shift_right_logical3A_2294 = arith.constant 3 : i32
    %shift_right_logical3A_2295 = vector.broadcast %shift_right_logical3A_2294 : i32 to vector<1024x128xi32>
    %shift_right_logical3A_2296 = arith.shrui %xor3A_2289, %shift_right_logical3A_2295 : vector<1024x128xi32>
    %or3A_2297 = arith.ori %shift_left3A_2293, %shift_right_logical3A_2296 : vector<1024x128xi32>
    %xor3A_2298 = arith.xori %add3A_2290, %or3A_2297 : vector<1024x128xi32>
    %add3A_2299 = arith.addi %add3A_2290, %xor3A_2298 : vector<1024x128xi32>
    %shift_left3A_2300 = arith.constant 16 : i32
    %shift_left3A_2301 = vector.broadcast %shift_left3A_2300 : i32 to vector<1024x128xi32>
    %shift_left3A_2302 = arith.shli %xor3A_2298, %shift_left3A_2301 : vector<1024x128xi32>
    %shift_right_logical3A_2303 = arith.constant 16 : i32
    %shift_right_logical3A_2304 = vector.broadcast %shift_right_logical3A_2303 : i32 to vector<1024x128xi32>
    %shift_right_logical3A_2305 = arith.shrui %xor3A_2298, %shift_right_logical3A_2304 : vector<1024x128xi32>
    %or3A_2306 = arith.ori %shift_left3A_2302, %shift_right_logical3A_2305 : vector<1024x128xi32>
    %xor3A_2307 = arith.xori %add3A_2299, %or3A_2306 : vector<1024x128xi32>
    %add3A_2308 = arith.addi %add3A_2299, %xor3A_2307 : vector<1024x128xi32>
    %shift_left3A_2309 = arith.constant 24 : i32
    %shift_left3A_2310 = vector.broadcast %shift_left3A_2309 : i32 to vector<1024x128xi32>
    %shift_left3A_2311 = arith.shli %xor3A_2307, %shift_left3A_2310 : vector<1024x128xi32>
    %shift_right_logical3A_2312 = arith.constant 8 : i32
    %shift_right_logical3A_2313 = vector.broadcast %shift_right_logical3A_2312 : i32 to vector<1024x128xi32>
    %shift_right_logical3A_2314 = arith.shrui %xor3A_2307, %shift_right_logical3A_2313 : vector<1024x128xi32>
    %or3A_2315 = arith.ori %shift_left3A_2311, %shift_right_logical3A_2314 : vector<1024x128xi32>
    %xor3A_2316 = arith.xori %add3A_2308, %or3A_2315 : vector<1024x128xi32>
    %add3A_2317 = vector.broadcast %get3A_2142 : i32 to vector<1024x128xi32>
    %add3A_2318 = arith.addi %add3A_2308, %add3A_2317 : vector<1024x128xi32>
    %add3A_2319 = vector.broadcast %xor3A_2147 : i32 to vector<1024x128xi32>
    %add3A_2320 = arith.addi %xor3A_2316, %add3A_2319 : vector<1024x128xi32>
    %add3A_2321 = arith.constant 4 : i32
    %add3A_2322 = vector.broadcast %add3A_2321 : i32 to vector<1024x128xi32>
    %add3A_2323 = arith.addi %add3A_2320, %add3A_2322 : vector<1024x128xi32>
    %add3A_2324 = arith.addi %add3A_2318, %add3A_2323 : vector<1024x128xi32>
    %shift_left3A_2325 = arith.constant 13 : i32
    %shift_left3A_2326 = vector.broadcast %shift_left3A_2325 : i32 to vector<1024x128xi32>
    %shift_left3A_2327 = arith.shli %add3A_2323, %shift_left3A_2326 : vector<1024x128xi32>
    %shift_right_logical3A_2328 = arith.constant 19 : i32
    %shift_right_logical3A_2329 = vector.broadcast %shift_right_logical3A_2328 : i32 to vector<1024x128xi32>
    %shift_right_logical3A_2330 = arith.shrui %add3A_2323, %shift_right_logical3A_2329 : vector<1024x128xi32>
    %or3A_2331 = arith.ori %shift_left3A_2327, %shift_right_logical3A_2330 : vector<1024x128xi32>
    %xor3A_2332 = arith.xori %add3A_2324, %or3A_2331 : vector<1024x128xi32>
    %add3A_2333 = arith.addi %add3A_2324, %xor3A_2332 : vector<1024x128xi32>
    %shift_left3A_2334 = arith.constant 15 : i32
    %shift_left3A_2335 = vector.broadcast %shift_left3A_2334 : i32 to vector<1024x128xi32>
    %shift_left3A_2336 = arith.shli %xor3A_2332, %shift_left3A_2335 : vector<1024x128xi32>
    %shift_right_logical3A_2337 = arith.constant 17 : i32
    %shift_right_logical3A_2338 = vector.broadcast %shift_right_logical3A_2337 : i32 to vector<1024x128xi32>
    %shift_right_logical3A_2339 = arith.shrui %xor3A_2332, %shift_right_logical3A_2338 : vector<1024x128xi32>
    %or3A_2340 = arith.ori %shift_left3A_2336, %shift_right_logical3A_2339 : vector<1024x128xi32>
    %xor3A_2341 = arith.xori %add3A_2333, %or3A_2340 : vector<1024x128xi32>
    %add3A_2342 = arith.addi %add3A_2333, %xor3A_2341 : vector<1024x128xi32>
    %shift_left3A_2343 = arith.constant 26 : i32
    %shift_left3A_2344 = vector.broadcast %shift_left3A_2343 : i32 to vector<1024x128xi32>
    %shift_left3A_2345 = arith.shli %xor3A_2341, %shift_left3A_2344 : vector<1024x128xi32>
    %shift_right_logical3A_2346 = arith.constant 6 : i32
    %shift_right_logical3A_2347 = vector.broadcast %shift_right_logical3A_2346 : i32 to vector<1024x128xi32>
    %shift_right_logical3A_2348 = arith.shrui %xor3A_2341, %shift_right_logical3A_2347 : vector<1024x128xi32>
    %or3A_2349 = arith.ori %shift_left3A_2345, %shift_right_logical3A_2348 : vector<1024x128xi32>
    %xor3A_2350 = arith.xori %add3A_2342, %or3A_2349 : vector<1024x128xi32>
    %add3A_2351 = arith.addi %add3A_2342, %xor3A_2350 : vector<1024x128xi32>
    %shift_left3A_2352 = arith.constant 6 : i32
    %shift_left3A_2353 = vector.broadcast %shift_left3A_2352 : i32 to vector<1024x128xi32>
    %shift_left3A_2354 = arith.shli %xor3A_2350, %shift_left3A_2353 : vector<1024x128xi32>
    %shift_right_logical3A_2355 = arith.constant 26 : i32
    %shift_right_logical3A_2356 = vector.broadcast %shift_right_logical3A_2355 : i32 to vector<1024x128xi32>
    %shift_right_logical3A_2357 = arith.shrui %xor3A_2350, %shift_right_logical3A_2356 : vector<1024x128xi32>
    %or3A_2358 = arith.ori %shift_left3A_2354, %shift_right_logical3A_2357 : vector<1024x128xi32>
    %xor3A_2359 = arith.xori %add3A_2351, %or3A_2358 : vector<1024x128xi32>
    %add3A_2360 = vector.broadcast %xor3A_2147 : i32 to vector<1024x128xi32>
    %add3A_2361 = arith.addi %add3A_2351, %add3A_2360 : vector<1024x128xi32>
    %add3A_2362 = vector.broadcast %get3A_2139 : i32 to vector<1024x128xi32>
    %add3A_2363 = arith.addi %xor3A_2359, %add3A_2362 : vector<1024x128xi32>
    %add3A_2364 = arith.constant 5 : i32
    %add3A_2365 = vector.broadcast %add3A_2364 : i32 to vector<1024x128xi32>
    %add3A_2366 = arith.addi %add3A_2363, %add3A_2365 : vector<1024x128xi32>
    %xor3A_2367 = arith.xori %add3A_2361, %add3A_2366 : vector<1024x128xi32>
    %shift_right_logical3A_2368 = arith.constant 9 : i32
    %shift_right_logical3A_2369 = vector.broadcast %shift_right_logical3A_2368 : i32 to vector<1024x128xi32>
    %shift_right_logical3A_2370 = arith.shrui %xor3A_2367, %shift_right_logical3A_2369 : vector<1024x128xi32>
    %or3A_2371 = arith.constant 1065353216 : i32
    %or3A_2372 = vector.broadcast %or3A_2371 : i32 to vector<1024x128xi32>
    %or3A_2373 = arith.ori %shift_right_logical3A_2370, %or3A_2372 : vector<1024x128xi32>
    %bitcast_convert_type3A_2374 = tpu.bitcast %or3A_2373 : vector<1024x128xi32> -> vector<1024x128xf32>
    %sub3A_2375 = arith.constant 1.000000e+00 : f32
    %sub3A_2376 = vector.broadcast %sub3A_2375 : f32 to vector<1024x128xf32>
    %sub3A_2377 = arith.subf %bitcast_convert_type3A_2374, %sub3A_2376 : vector<1024x128xf32>
    %sub3A_2378 = arith.subf %select_n3A_2136, %select_n3A_2131 : vector<1024x128xf32>
    %mul3A_2379 = arith.mulf %sub3A_2377, %sub3A_2378 : vector<1024x128xf32>
    %add3A_2380 = arith.addf %mul3A_2379, %select_n3A_2131 : vector<1024x128xf32>
    %broadcast_in_dim3A_2381 = vector.shape_cast %gt3A_2127 : vector<1024x1xi1> to vector<1024x1xi1>
    %broadcast_in_dim3A_2382 = vector.broadcast %broadcast_in_dim3A_2381 : vector<1024x1xi1> to vector<1024x128xi1>
    %select_n3A_2383 = arith.select %broadcast_in_dim3A_2382, %add3A_2380, %select_n3A_2110 : vector<1024x128xi1>, vector<1024x128xf32>
    %mul3A_2384 = arith.mulf %select_n3A_2383, %select_n3A_2383 : vector<1024x128xf32>
    %reduce_sum3A_2385 = arith.constant dense<0.000000e+00> : vector<1024xf32>
    %reduce_sum3A_2386 = vector.multi_reduction <add>, %mul3A_2384, %reduce_sum3A_2385 [1] : vector<1024x128xf32> to vector<1024xf32>
    %broadcast_in_dim3A_2387 = vector.shape_cast %reduce_sum3A_2386 : vector<1024xf32> to vector<1024x1xf32>
    %mul3A_2388 = arith.constant -5.000000e-01 : f32
    %mul3A_2389 = vector.broadcast %mul3A_2388 : f32 to vector<1024x1xf32>
    %mul3A_2390 = arith.mulf %mul3A_2389, %broadcast_in_dim3A_2387 : vector<1024x1xf32>
    %lt3A_2391 = arith.cmpf olt, %mul3A_2390, %add3A_253 : vector<1024x1xf32>
    %and3A_2392 = arith.andi %gt3A_2127, %lt3A_2391 : vector<1024x1xi1>
    %jit3A_2393 = arith.constant 1.000000e+00 : f32
    %jit3A_2394 = arith.constant 0.000000e+00 : f32
    %broadcast_in_dim3A_2395 = vector.broadcast %jit3A_2393 : f32 to vector<1024x1xf32>
    %broadcast_in_dim3A_2396 = vector.broadcast %jit3A_2394 : f32 to vector<1024x1xf32>
    %select_n3A_2397 = arith.select %and3A_2392, %broadcast_in_dim3A_2395, %broadcast_in_dim3A_2396 : vector<1024x1xi1>, vector<1024x1xf32>
    %gt3A_2398 = arith.constant 0.000000e+00 : f32
    %gt3A_2399 = vector.broadcast %gt3A_2398 : f32 to vector<1024x1xf32>
    %gt3A_2400 = arith.cmpf ogt, %select_n3A_2397, %gt3A_2399 : vector<1024x1xf32>
    %lt3A_2401 = arith.cmpf olt, %select_n3A_2383, %get3A_1 : vector<1024x128xf32>
    %and3A_2402 = vector.broadcast %gt3A_2400 : vector<1024x1xi1> to vector<1024x128xi1>
    %and3A_2403 = arith.andi %and3A_2402, %lt3A_2401 : vector<1024x128xi1>
    %select_n3A_2404 = arith.select %and3A_2403, %select_n3A_2383, %select_n3A_2131 : vector<1024x128xi1>, vector<1024x128xf32>
    %not3A_2405 = arith.constant dense<true> : vector<1024x128xi1>
    %not3A_2406 = arith.xori %lt3A_2401, %not3A_2405 : vector<1024x128xi1>
    %and3A_2407 = vector.broadcast %gt3A_2400 : vector<1024x1xi1> to vector<1024x128xi1>
    %and3A_2408 = arith.andi %and3A_2407, %not3A_2406 : vector<1024x128xi1>
    %select_n3A_2409 = arith.select %and3A_2408, %select_n3A_2383, %select_n3A_2136 : vector<1024x128xi1>, vector<1024x128xf32>
    %get3A_2410 = arith.constant 10 : index
    %get3A_2411 = arith.constant 0 : index
    %get3A_2412 = memref.load %arg1[%get3A_2410, %get3A_2411] : memref<54x2xi32, #tpu.memory_space<smem>>
    %get3A_2413 = arith.constant 10 : index
    %get3A_2414 = arith.constant 1 : index
    %get3A_2415 = memref.load %arg1[%get3A_2413, %get3A_2414] : memref<54x2xi32, #tpu.memory_space<smem>>
    %broadcast_in_dim3A_2416 = arith.constant 0 : i32
    %broadcast_in_dim3A_2417 = vector.broadcast %broadcast_in_dim3A_2416 : i32 to vector<1024x128xi32>
    %xor3A_2418 = arith.xori %get3A_2412, %get3A_2415 : i32
    %xor3A_2419 = arith.constant 466688986 : i32
    %xor3A_2420 = arith.xori %xor3A_2418, %xor3A_2419 : i32
    %add3A_2421 = vector.broadcast %get3A_2412 : i32 to vector<1024x128xi32>
    %add3A_2422 = arith.addi %broadcast_in_dim3A_2417, %add3A_2421 : vector<1024x128xi32>
    %add3A_2423 = vector.broadcast %get3A_2415 : i32 to vector<1024x128xi32>
    %add3A_2424 = arith.addi %add3A_9, %add3A_2423 : vector<1024x128xi32>
    %add3A_2425 = arith.addi %add3A_2422, %add3A_2424 : vector<1024x128xi32>
    %shift_left3A_2426 = arith.constant 13 : i32
    %shift_left3A_2427 = vector.broadcast %shift_left3A_2426 : i32 to vector<1024x128xi32>
    %shift_left3A_2428 = arith.shli %add3A_2424, %shift_left3A_2427 : vector<1024x128xi32>
    %shift_right_logical3A_2429 = arith.constant 19 : i32
    %shift_right_logical3A_2430 = vector.broadcast %shift_right_logical3A_2429 : i32 to vector<1024x128xi32>
    %shift_right_logical3A_2431 = arith.shrui %add3A_2424, %shift_right_logical3A_2430 : vector<1024x128xi32>
    %or3A_2432 = arith.ori %shift_left3A_2428, %shift_right_logical3A_2431 : vector<1024x128xi32>
    %xor3A_2433 = arith.xori %add3A_2425, %or3A_2432 : vector<1024x128xi32>
    %add3A_2434 = arith.addi %add3A_2425, %xor3A_2433 : vector<1024x128xi32>
    %shift_left3A_2435 = arith.constant 15 : i32
    %shift_left3A_2436 = vector.broadcast %shift_left3A_2435 : i32 to vector<1024x128xi32>
    %shift_left3A_2437 = arith.shli %xor3A_2433, %shift_left3A_2436 : vector<1024x128xi32>
    %shift_right_logical3A_2438 = arith.constant 17 : i32
    %shift_right_logical3A_2439 = vector.broadcast %shift_right_logical3A_2438 : i32 to vector<1024x128xi32>
    %shift_right_logical3A_2440 = arith.shrui %xor3A_2433, %shift_right_logical3A_2439 : vector<1024x128xi32>
    %or3A_2441 = arith.ori %shift_left3A_2437, %shift_right_logical3A_2440 : vector<1024x128xi32>
    %xor3A_2442 = arith.xori %add3A_2434, %or3A_2441 : vector<1024x128xi32>
    %add3A_2443 = arith.addi %add3A_2434, %xor3A_2442 : vector<1024x128xi32>
    %shift_left3A_2444 = arith.constant 26 : i32
    %shift_left3A_2445 = vector.broadcast %shift_left3A_2444 : i32 to vector<1024x128xi32>
    %shift_left3A_2446 = arith.shli %xor3A_2442, %shift_left3A_2445 : vector<1024x128xi32>
    %shift_right_logical3A_2447 = arith.constant 6 : i32
    %shift_right_logical3A_2448 = vector.broadcast %shift_right_logical3A_2447 : i32 to vector<1024x128xi32>
    %shift_right_logical3A_2449 = arith.shrui %xor3A_2442, %shift_right_logical3A_2448 : vector<1024x128xi32>
    %or3A_2450 = arith.ori %shift_left3A_2446, %shift_right_logical3A_2449 : vector<1024x128xi32>
    %xor3A_2451 = arith.xori %add3A_2443, %or3A_2450 : vector<1024x128xi32>
    %add3A_2452 = arith.addi %add3A_2443, %xor3A_2451 : vector<1024x128xi32>
    %shift_left3A_2453 = arith.constant 6 : i32
    %shift_left3A_2454 = vector.broadcast %shift_left3A_2453 : i32 to vector<1024x128xi32>
    %shift_left3A_2455 = arith.shli %xor3A_2451, %shift_left3A_2454 : vector<1024x128xi32>
    %shift_right_logical3A_2456 = arith.constant 26 : i32
    %shift_right_logical3A_2457 = vector.broadcast %shift_right_logical3A_2456 : i32 to vector<1024x128xi32>
    %shift_right_logical3A_2458 = arith.shrui %xor3A_2451, %shift_right_logical3A_2457 : vector<1024x128xi32>
    %or3A_2459 = arith.ori %shift_left3A_2455, %shift_right_logical3A_2458 : vector<1024x128xi32>
    %xor3A_2460 = arith.xori %add3A_2452, %or3A_2459 : vector<1024x128xi32>
    %add3A_2461 = vector.broadcast %get3A_2415 : i32 to vector<1024x128xi32>
    %add3A_2462 = arith.addi %add3A_2452, %add3A_2461 : vector<1024x128xi32>
    %add3A_2463 = vector.broadcast %xor3A_2420 : i32 to vector<1024x128xi32>
    %add3A_2464 = arith.addi %xor3A_2460, %add3A_2463 : vector<1024x128xi32>
    %add3A_2465 = arith.constant 1 : i32
    %add3A_2466 = vector.broadcast %add3A_2465 : i32 to vector<1024x128xi32>
    %add3A_2467 = arith.addi %add3A_2464, %add3A_2466 : vector<1024x128xi32>
    %add3A_2468 = arith.addi %add3A_2462, %add3A_2467 : vector<1024x128xi32>
    %shift_left3A_2469 = arith.constant 17 : i32
    %shift_left3A_2470 = vector.broadcast %shift_left3A_2469 : i32 to vector<1024x128xi32>
    %shift_left3A_2471 = arith.shli %add3A_2467, %shift_left3A_2470 : vector<1024x128xi32>
    %shift_right_logical3A_2472 = arith.constant 15 : i32
    %shift_right_logical3A_2473 = vector.broadcast %shift_right_logical3A_2472 : i32 to vector<1024x128xi32>
    %shift_right_logical3A_2474 = arith.shrui %add3A_2467, %shift_right_logical3A_2473 : vector<1024x128xi32>
    %or3A_2475 = arith.ori %shift_left3A_2471, %shift_right_logical3A_2474 : vector<1024x128xi32>
    %xor3A_2476 = arith.xori %add3A_2468, %or3A_2475 : vector<1024x128xi32>
    %add3A_2477 = arith.addi %add3A_2468, %xor3A_2476 : vector<1024x128xi32>
    %shift_left3A_2478 = arith.constant 29 : i32
    %shift_left3A_2479 = vector.broadcast %shift_left3A_2478 : i32 to vector<1024x128xi32>
    %shift_left3A_2480 = arith.shli %xor3A_2476, %shift_left3A_2479 : vector<1024x128xi32>
    %shift_right_logical3A_2481 = arith.constant 3 : i32
    %shift_right_logical3A_2482 = vector.broadcast %shift_right_logical3A_2481 : i32 to vector<1024x128xi32>
    %shift_right_logical3A_2483 = arith.shrui %xor3A_2476, %shift_right_logical3A_2482 : vector<1024x128xi32>
    %or3A_2484 = arith.ori %shift_left3A_2480, %shift_right_logical3A_2483 : vector<1024x128xi32>
    %xor3A_2485 = arith.xori %add3A_2477, %or3A_2484 : vector<1024x128xi32>
    %add3A_2486 = arith.addi %add3A_2477, %xor3A_2485 : vector<1024x128xi32>
    %shift_left3A_2487 = arith.constant 16 : i32
    %shift_left3A_2488 = vector.broadcast %shift_left3A_2487 : i32 to vector<1024x128xi32>
    %shift_left3A_2489 = arith.shli %xor3A_2485, %shift_left3A_2488 : vector<1024x128xi32>
    %shift_right_logical3A_2490 = arith.constant 16 : i32
    %shift_right_logical3A_2491 = vector.broadcast %shift_right_logical3A_2490 : i32 to vector<1024x128xi32>
    %shift_right_logical3A_2492 = arith.shrui %xor3A_2485, %shift_right_logical3A_2491 : vector<1024x128xi32>
    %or3A_2493 = arith.ori %shift_left3A_2489, %shift_right_logical3A_2492 : vector<1024x128xi32>
    %xor3A_2494 = arith.xori %add3A_2486, %or3A_2493 : vector<1024x128xi32>
    %add3A_2495 = arith.addi %add3A_2486, %xor3A_2494 : vector<1024x128xi32>
    %shift_left3A_2496 = arith.constant 24 : i32
    %shift_left3A_2497 = vector.broadcast %shift_left3A_2496 : i32 to vector<1024x128xi32>
    %shift_left3A_2498 = arith.shli %xor3A_2494, %shift_left3A_2497 : vector<1024x128xi32>
    %shift_right_logical3A_2499 = arith.constant 8 : i32
    %shift_right_logical3A_2500 = vector.broadcast %shift_right_logical3A_2499 : i32 to vector<1024x128xi32>
    %shift_right_logical3A_2501 = arith.shrui %xor3A_2494, %shift_right_logical3A_2500 : vector<1024x128xi32>
    %or3A_2502 = arith.ori %shift_left3A_2498, %shift_right_logical3A_2501 : vector<1024x128xi32>
    %xor3A_2503 = arith.xori %add3A_2495, %or3A_2502 : vector<1024x128xi32>
    %add3A_2504 = vector.broadcast %xor3A_2420 : i32 to vector<1024x128xi32>
    %add3A_2505 = arith.addi %add3A_2495, %add3A_2504 : vector<1024x128xi32>
    %add3A_2506 = vector.broadcast %get3A_2412 : i32 to vector<1024x128xi32>
    %add3A_2507 = arith.addi %xor3A_2503, %add3A_2506 : vector<1024x128xi32>
    %add3A_2508 = arith.constant 2 : i32
    %add3A_2509 = vector.broadcast %add3A_2508 : i32 to vector<1024x128xi32>
    %add3A_2510 = arith.addi %add3A_2507, %add3A_2509 : vector<1024x128xi32>
    %add3A_2511 = arith.addi %add3A_2505, %add3A_2510 : vector<1024x128xi32>
    %shift_left3A_2512 = arith.constant 13 : i32
    %shift_left3A_2513 = vector.broadcast %shift_left3A_2512 : i32 to vector<1024x128xi32>
    %shift_left3A_2514 = arith.shli %add3A_2510, %shift_left3A_2513 : vector<1024x128xi32>
    %shift_right_logical3A_2515 = arith.constant 19 : i32
    %shift_right_logical3A_2516 = vector.broadcast %shift_right_logical3A_2515 : i32 to vector<1024x128xi32>
    %shift_right_logical3A_2517 = arith.shrui %add3A_2510, %shift_right_logical3A_2516 : vector<1024x128xi32>
    %or3A_2518 = arith.ori %shift_left3A_2514, %shift_right_logical3A_2517 : vector<1024x128xi32>
    %xor3A_2519 = arith.xori %add3A_2511, %or3A_2518 : vector<1024x128xi32>
    %add3A_2520 = arith.addi %add3A_2511, %xor3A_2519 : vector<1024x128xi32>
    %shift_left3A_2521 = arith.constant 15 : i32
    %shift_left3A_2522 = vector.broadcast %shift_left3A_2521 : i32 to vector<1024x128xi32>
    %shift_left3A_2523 = arith.shli %xor3A_2519, %shift_left3A_2522 : vector<1024x128xi32>
    %shift_right_logical3A_2524 = arith.constant 17 : i32
    %shift_right_logical3A_2525 = vector.broadcast %shift_right_logical3A_2524 : i32 to vector<1024x128xi32>
    %shift_right_logical3A_2526 = arith.shrui %xor3A_2519, %shift_right_logical3A_2525 : vector<1024x128xi32>
    %or3A_2527 = arith.ori %shift_left3A_2523, %shift_right_logical3A_2526 : vector<1024x128xi32>
    %xor3A_2528 = arith.xori %add3A_2520, %or3A_2527 : vector<1024x128xi32>
    %add3A_2529 = arith.addi %add3A_2520, %xor3A_2528 : vector<1024x128xi32>
    %shift_left3A_2530 = arith.constant 26 : i32
    %shift_left3A_2531 = vector.broadcast %shift_left3A_2530 : i32 to vector<1024x128xi32>
    %shift_left3A_2532 = arith.shli %xor3A_2528, %shift_left3A_2531 : vector<1024x128xi32>
    %shift_right_logical3A_2533 = arith.constant 6 : i32
    %shift_right_logical3A_2534 = vector.broadcast %shift_right_logical3A_2533 : i32 to vector<1024x128xi32>
    %shift_right_logical3A_2535 = arith.shrui %xor3A_2528, %shift_right_logical3A_2534 : vector<1024x128xi32>
    %or3A_2536 = arith.ori %shift_left3A_2532, %shift_right_logical3A_2535 : vector<1024x128xi32>
    %xor3A_2537 = arith.xori %add3A_2529, %or3A_2536 : vector<1024x128xi32>
    %add3A_2538 = arith.addi %add3A_2529, %xor3A_2537 : vector<1024x128xi32>
    %shift_left3A_2539 = arith.constant 6 : i32
    %shift_left3A_2540 = vector.broadcast %shift_left3A_2539 : i32 to vector<1024x128xi32>
    %shift_left3A_2541 = arith.shli %xor3A_2537, %shift_left3A_2540 : vector<1024x128xi32>
    %shift_right_logical3A_2542 = arith.constant 26 : i32
    %shift_right_logical3A_2543 = vector.broadcast %shift_right_logical3A_2542 : i32 to vector<1024x128xi32>
    %shift_right_logical3A_2544 = arith.shrui %xor3A_2537, %shift_right_logical3A_2543 : vector<1024x128xi32>
    %or3A_2545 = arith.ori %shift_left3A_2541, %shift_right_logical3A_2544 : vector<1024x128xi32>
    %xor3A_2546 = arith.xori %add3A_2538, %or3A_2545 : vector<1024x128xi32>
    %add3A_2547 = vector.broadcast %get3A_2412 : i32 to vector<1024x128xi32>
    %add3A_2548 = arith.addi %add3A_2538, %add3A_2547 : vector<1024x128xi32>
    %add3A_2549 = vector.broadcast %get3A_2415 : i32 to vector<1024x128xi32>
    %add3A_2550 = arith.addi %xor3A_2546, %add3A_2549 : vector<1024x128xi32>
    %add3A_2551 = arith.constant 3 : i32
    %add3A_2552 = vector.broadcast %add3A_2551 : i32 to vector<1024x128xi32>
    %add3A_2553 = arith.addi %add3A_2550, %add3A_2552 : vector<1024x128xi32>
    %add3A_2554 = arith.addi %add3A_2548, %add3A_2553 : vector<1024x128xi32>
    %shift_left3A_2555 = arith.constant 17 : i32
    %shift_left3A_2556 = vector.broadcast %shift_left3A_2555 : i32 to vector<1024x128xi32>
    %shift_left3A_2557 = arith.shli %add3A_2553, %shift_left3A_2556 : vector<1024x128xi32>
    %shift_right_logical3A_2558 = arith.constant 15 : i32
    %shift_right_logical3A_2559 = vector.broadcast %shift_right_logical3A_2558 : i32 to vector<1024x128xi32>
    %shift_right_logical3A_2560 = arith.shrui %add3A_2553, %shift_right_logical3A_2559 : vector<1024x128xi32>
    %or3A_2561 = arith.ori %shift_left3A_2557, %shift_right_logical3A_2560 : vector<1024x128xi32>
    %xor3A_2562 = arith.xori %add3A_2554, %or3A_2561 : vector<1024x128xi32>
    %add3A_2563 = arith.addi %add3A_2554, %xor3A_2562 : vector<1024x128xi32>
    %shift_left3A_2564 = arith.constant 29 : i32
    %shift_left3A_2565 = vector.broadcast %shift_left3A_2564 : i32 to vector<1024x128xi32>
    %shift_left3A_2566 = arith.shli %xor3A_2562, %shift_left3A_2565 : vector<1024x128xi32>
    %shift_right_logical3A_2567 = arith.constant 3 : i32
    %shift_right_logical3A_2568 = vector.broadcast %shift_right_logical3A_2567 : i32 to vector<1024x128xi32>
    %shift_right_logical3A_2569 = arith.shrui %xor3A_2562, %shift_right_logical3A_2568 : vector<1024x128xi32>
    %or3A_2570 = arith.ori %shift_left3A_2566, %shift_right_logical3A_2569 : vector<1024x128xi32>
    %xor3A_2571 = arith.xori %add3A_2563, %or3A_2570 : vector<1024x128xi32>
    %add3A_2572 = arith.addi %add3A_2563, %xor3A_2571 : vector<1024x128xi32>
    %shift_left3A_2573 = arith.constant 16 : i32
    %shift_left3A_2574 = vector.broadcast %shift_left3A_2573 : i32 to vector<1024x128xi32>
    %shift_left3A_2575 = arith.shli %xor3A_2571, %shift_left3A_2574 : vector<1024x128xi32>
    %shift_right_logical3A_2576 = arith.constant 16 : i32
    %shift_right_logical3A_2577 = vector.broadcast %shift_right_logical3A_2576 : i32 to vector<1024x128xi32>
    %shift_right_logical3A_2578 = arith.shrui %xor3A_2571, %shift_right_logical3A_2577 : vector<1024x128xi32>
    %or3A_2579 = arith.ori %shift_left3A_2575, %shift_right_logical3A_2578 : vector<1024x128xi32>
    %xor3A_2580 = arith.xori %add3A_2572, %or3A_2579 : vector<1024x128xi32>
    %add3A_2581 = arith.addi %add3A_2572, %xor3A_2580 : vector<1024x128xi32>
    %shift_left3A_2582 = arith.constant 24 : i32
    %shift_left3A_2583 = vector.broadcast %shift_left3A_2582 : i32 to vector<1024x128xi32>
    %shift_left3A_2584 = arith.shli %xor3A_2580, %shift_left3A_2583 : vector<1024x128xi32>
    %shift_right_logical3A_2585 = arith.constant 8 : i32
    %shift_right_logical3A_2586 = vector.broadcast %shift_right_logical3A_2585 : i32 to vector<1024x128xi32>
    %shift_right_logical3A_2587 = arith.shrui %xor3A_2580, %shift_right_logical3A_2586 : vector<1024x128xi32>
    %or3A_2588 = arith.ori %shift_left3A_2584, %shift_right_logical3A_2587 : vector<1024x128xi32>
    %xor3A_2589 = arith.xori %add3A_2581, %or3A_2588 : vector<1024x128xi32>
    %add3A_2590 = vector.broadcast %get3A_2415 : i32 to vector<1024x128xi32>
    %add3A_2591 = arith.addi %add3A_2581, %add3A_2590 : vector<1024x128xi32>
    %add3A_2592 = vector.broadcast %xor3A_2420 : i32 to vector<1024x128xi32>
    %add3A_2593 = arith.addi %xor3A_2589, %add3A_2592 : vector<1024x128xi32>
    %add3A_2594 = arith.constant 4 : i32
    %add3A_2595 = vector.broadcast %add3A_2594 : i32 to vector<1024x128xi32>
    %add3A_2596 = arith.addi %add3A_2593, %add3A_2595 : vector<1024x128xi32>
    %add3A_2597 = arith.addi %add3A_2591, %add3A_2596 : vector<1024x128xi32>
    %shift_left3A_2598 = arith.constant 13 : i32
    %shift_left3A_2599 = vector.broadcast %shift_left3A_2598 : i32 to vector<1024x128xi32>
    %shift_left3A_2600 = arith.shli %add3A_2596, %shift_left3A_2599 : vector<1024x128xi32>
    %shift_right_logical3A_2601 = arith.constant 19 : i32
    %shift_right_logical3A_2602 = vector.broadcast %shift_right_logical3A_2601 : i32 to vector<1024x128xi32>
    %shift_right_logical3A_2603 = arith.shrui %add3A_2596, %shift_right_logical3A_2602 : vector<1024x128xi32>
    %or3A_2604 = arith.ori %shift_left3A_2600, %shift_right_logical3A_2603 : vector<1024x128xi32>
    %xor3A_2605 = arith.xori %add3A_2597, %or3A_2604 : vector<1024x128xi32>
    %add3A_2606 = arith.addi %add3A_2597, %xor3A_2605 : vector<1024x128xi32>
    %shift_left3A_2607 = arith.constant 15 : i32
    %shift_left3A_2608 = vector.broadcast %shift_left3A_2607 : i32 to vector<1024x128xi32>
    %shift_left3A_2609 = arith.shli %xor3A_2605, %shift_left3A_2608 : vector<1024x128xi32>
    %shift_right_logical3A_2610 = arith.constant 17 : i32
    %shift_right_logical3A_2611 = vector.broadcast %shift_right_logical3A_2610 : i32 to vector<1024x128xi32>
    %shift_right_logical3A_2612 = arith.shrui %xor3A_2605, %shift_right_logical3A_2611 : vector<1024x128xi32>
    %or3A_2613 = arith.ori %shift_left3A_2609, %shift_right_logical3A_2612 : vector<1024x128xi32>
    %xor3A_2614 = arith.xori %add3A_2606, %or3A_2613 : vector<1024x128xi32>
    %add3A_2615 = arith.addi %add3A_2606, %xor3A_2614 : vector<1024x128xi32>
    %shift_left3A_2616 = arith.constant 26 : i32
    %shift_left3A_2617 = vector.broadcast %shift_left3A_2616 : i32 to vector<1024x128xi32>
    %shift_left3A_2618 = arith.shli %xor3A_2614, %shift_left3A_2617 : vector<1024x128xi32>
    %shift_right_logical3A_2619 = arith.constant 6 : i32
    %shift_right_logical3A_2620 = vector.broadcast %shift_right_logical3A_2619 : i32 to vector<1024x128xi32>
    %shift_right_logical3A_2621 = arith.shrui %xor3A_2614, %shift_right_logical3A_2620 : vector<1024x128xi32>
    %or3A_2622 = arith.ori %shift_left3A_2618, %shift_right_logical3A_2621 : vector<1024x128xi32>
    %xor3A_2623 = arith.xori %add3A_2615, %or3A_2622 : vector<1024x128xi32>
    %add3A_2624 = arith.addi %add3A_2615, %xor3A_2623 : vector<1024x128xi32>
    %shift_left3A_2625 = arith.constant 6 : i32
    %shift_left3A_2626 = vector.broadcast %shift_left3A_2625 : i32 to vector<1024x128xi32>
    %shift_left3A_2627 = arith.shli %xor3A_2623, %shift_left3A_2626 : vector<1024x128xi32>
    %shift_right_logical3A_2628 = arith.constant 26 : i32
    %shift_right_logical3A_2629 = vector.broadcast %shift_right_logical3A_2628 : i32 to vector<1024x128xi32>
    %shift_right_logical3A_2630 = arith.shrui %xor3A_2623, %shift_right_logical3A_2629 : vector<1024x128xi32>
    %or3A_2631 = arith.ori %shift_left3A_2627, %shift_right_logical3A_2630 : vector<1024x128xi32>
    %xor3A_2632 = arith.xori %add3A_2624, %or3A_2631 : vector<1024x128xi32>
    %add3A_2633 = vector.broadcast %xor3A_2420 : i32 to vector<1024x128xi32>
    %add3A_2634 = arith.addi %add3A_2624, %add3A_2633 : vector<1024x128xi32>
    %add3A_2635 = vector.broadcast %get3A_2412 : i32 to vector<1024x128xi32>
    %add3A_2636 = arith.addi %xor3A_2632, %add3A_2635 : vector<1024x128xi32>
    %add3A_2637 = arith.constant 5 : i32
    %add3A_2638 = vector.broadcast %add3A_2637 : i32 to vector<1024x128xi32>
    %add3A_2639 = arith.addi %add3A_2636, %add3A_2638 : vector<1024x128xi32>
    %xor3A_2640 = arith.xori %add3A_2634, %add3A_2639 : vector<1024x128xi32>
    %shift_right_logical3A_2641 = arith.constant 9 : i32
    %shift_right_logical3A_2642 = vector.broadcast %shift_right_logical3A_2641 : i32 to vector<1024x128xi32>
    %shift_right_logical3A_2643 = arith.shrui %xor3A_2640, %shift_right_logical3A_2642 : vector<1024x128xi32>
    %or3A_2644 = arith.constant 1065353216 : i32
    %or3A_2645 = vector.broadcast %or3A_2644 : i32 to vector<1024x128xi32>
    %or3A_2646 = arith.ori %shift_right_logical3A_2643, %or3A_2645 : vector<1024x128xi32>
    %bitcast_convert_type3A_2647 = tpu.bitcast %or3A_2646 : vector<1024x128xi32> -> vector<1024x128xf32>
    %sub3A_2648 = arith.constant 1.000000e+00 : f32
    %sub3A_2649 = vector.broadcast %sub3A_2648 : f32 to vector<1024x128xf32>
    %sub3A_2650 = arith.subf %bitcast_convert_type3A_2647, %sub3A_2649 : vector<1024x128xf32>
    %sub3A_2651 = arith.subf %select_n3A_2409, %select_n3A_2404 : vector<1024x128xf32>
    %mul3A_2652 = arith.mulf %sub3A_2650, %sub3A_2651 : vector<1024x128xf32>
    %add3A_2653 = arith.addf %mul3A_2652, %select_n3A_2404 : vector<1024x128xf32>
    %broadcast_in_dim3A_2654 = vector.shape_cast %gt3A_2400 : vector<1024x1xi1> to vector<1024x1xi1>
    %broadcast_in_dim3A_2655 = vector.broadcast %broadcast_in_dim3A_2654 : vector<1024x1xi1> to vector<1024x128xi1>
    %select_n3A_2656 = arith.select %broadcast_in_dim3A_2655, %add3A_2653, %select_n3A_2383 : vector<1024x128xi1>, vector<1024x128xf32>
    %mul3A_2657 = arith.mulf %select_n3A_2656, %select_n3A_2656 : vector<1024x128xf32>
    %reduce_sum3A_2658 = arith.constant dense<0.000000e+00> : vector<1024xf32>
    %reduce_sum3A_2659 = vector.multi_reduction <add>, %mul3A_2657, %reduce_sum3A_2658 [1] : vector<1024x128xf32> to vector<1024xf32>
    %broadcast_in_dim3A_2660 = vector.shape_cast %reduce_sum3A_2659 : vector<1024xf32> to vector<1024x1xf32>
    %mul3A_2661 = arith.constant -5.000000e-01 : f32
    %mul3A_2662 = vector.broadcast %mul3A_2661 : f32 to vector<1024x1xf32>
    %mul3A_2663 = arith.mulf %mul3A_2662, %broadcast_in_dim3A_2660 : vector<1024x1xf32>
    %lt3A_2664 = arith.cmpf olt, %mul3A_2663, %add3A_253 : vector<1024x1xf32>
    %and3A_2665 = arith.andi %gt3A_2400, %lt3A_2664 : vector<1024x1xi1>
    %jit3A_2666 = arith.constant 1.000000e+00 : f32
    %jit3A_2667 = arith.constant 0.000000e+00 : f32
    %broadcast_in_dim3A_2668 = vector.broadcast %jit3A_2666 : f32 to vector<1024x1xf32>
    %broadcast_in_dim3A_2669 = vector.broadcast %jit3A_2667 : f32 to vector<1024x1xf32>
    %select_n3A_2670 = arith.select %and3A_2665, %broadcast_in_dim3A_2668, %broadcast_in_dim3A_2669 : vector<1024x1xi1>, vector<1024x1xf32>
    %gt3A_2671 = arith.constant 0.000000e+00 : f32
    %gt3A_2672 = vector.broadcast %gt3A_2671 : f32 to vector<1024x1xf32>
    %gt3A_2673 = arith.cmpf ogt, %select_n3A_2670, %gt3A_2672 : vector<1024x1xf32>
    %lt3A_2674 = arith.cmpf olt, %select_n3A_2656, %get3A_1 : vector<1024x128xf32>
    %and3A_2675 = vector.broadcast %gt3A_2673 : vector<1024x1xi1> to vector<1024x128xi1>
    %and3A_2676 = arith.andi %and3A_2675, %lt3A_2674 : vector<1024x128xi1>
    %select_n3A_2677 = arith.select %and3A_2676, %select_n3A_2656, %select_n3A_2404 : vector<1024x128xi1>, vector<1024x128xf32>
    %not3A_2678 = arith.constant dense<true> : vector<1024x128xi1>
    %not3A_2679 = arith.xori %lt3A_2674, %not3A_2678 : vector<1024x128xi1>
    %and3A_2680 = vector.broadcast %gt3A_2673 : vector<1024x1xi1> to vector<1024x128xi1>
    %and3A_2681 = arith.andi %and3A_2680, %not3A_2679 : vector<1024x128xi1>
    %select_n3A_2682 = arith.select %and3A_2681, %select_n3A_2656, %select_n3A_2409 : vector<1024x128xi1>, vector<1024x128xf32>
    %get3A_2683 = arith.constant 11 : index
    %get3A_2684 = arith.constant 0 : index
    %get3A_2685 = memref.load %arg1[%get3A_2683, %get3A_2684] : memref<54x2xi32, #tpu.memory_space<smem>>
    %get3A_2686 = arith.constant 11 : index
    %get3A_2687 = arith.constant 1 : index
    %get3A_2688 = memref.load %arg1[%get3A_2686, %get3A_2687] : memref<54x2xi32, #tpu.memory_space<smem>>
    %broadcast_in_dim3A_2689 = arith.constant 0 : i32
    %broadcast_in_dim3A_2690 = vector.broadcast %broadcast_in_dim3A_2689 : i32 to vector<1024x128xi32>
    %xor3A_2691 = arith.xori %get3A_2685, %get3A_2688 : i32
    %xor3A_2692 = arith.constant 466688986 : i32
    %xor3A_2693 = arith.xori %xor3A_2691, %xor3A_2692 : i32
    %add3A_2694 = vector.broadcast %get3A_2685 : i32 to vector<1024x128xi32>
    %add3A_2695 = arith.addi %broadcast_in_dim3A_2690, %add3A_2694 : vector<1024x128xi32>
    %add3A_2696 = vector.broadcast %get3A_2688 : i32 to vector<1024x128xi32>
    %add3A_2697 = arith.addi %add3A_9, %add3A_2696 : vector<1024x128xi32>
    %add3A_2698 = arith.addi %add3A_2695, %add3A_2697 : vector<1024x128xi32>
    %shift_left3A_2699 = arith.constant 13 : i32
    %shift_left3A_2700 = vector.broadcast %shift_left3A_2699 : i32 to vector<1024x128xi32>
    %shift_left3A_2701 = arith.shli %add3A_2697, %shift_left3A_2700 : vector<1024x128xi32>
    %shift_right_logical3A_2702 = arith.constant 19 : i32
    %shift_right_logical3A_2703 = vector.broadcast %shift_right_logical3A_2702 : i32 to vector<1024x128xi32>
    %shift_right_logical3A_2704 = arith.shrui %add3A_2697, %shift_right_logical3A_2703 : vector<1024x128xi32>
    %or3A_2705 = arith.ori %shift_left3A_2701, %shift_right_logical3A_2704 : vector<1024x128xi32>
    %xor3A_2706 = arith.xori %add3A_2698, %or3A_2705 : vector<1024x128xi32>
    %add3A_2707 = arith.addi %add3A_2698, %xor3A_2706 : vector<1024x128xi32>
    %shift_left3A_2708 = arith.constant 15 : i32
    %shift_left3A_2709 = vector.broadcast %shift_left3A_2708 : i32 to vector<1024x128xi32>
    %shift_left3A_2710 = arith.shli %xor3A_2706, %shift_left3A_2709 : vector<1024x128xi32>
    %shift_right_logical3A_2711 = arith.constant 17 : i32
    %shift_right_logical3A_2712 = vector.broadcast %shift_right_logical3A_2711 : i32 to vector<1024x128xi32>
    %shift_right_logical3A_2713 = arith.shrui %xor3A_2706, %shift_right_logical3A_2712 : vector<1024x128xi32>
    %or3A_2714 = arith.ori %shift_left3A_2710, %shift_right_logical3A_2713 : vector<1024x128xi32>
    %xor3A_2715 = arith.xori %add3A_2707, %or3A_2714 : vector<1024x128xi32>
    %add3A_2716 = arith.addi %add3A_2707, %xor3A_2715 : vector<1024x128xi32>
    %shift_left3A_2717 = arith.constant 26 : i32
    %shift_left3A_2718 = vector.broadcast %shift_left3A_2717 : i32 to vector<1024x128xi32>
    %shift_left3A_2719 = arith.shli %xor3A_2715, %shift_left3A_2718 : vector<1024x128xi32>
    %shift_right_logical3A_2720 = arith.constant 6 : i32
    %shift_right_logical3A_2721 = vector.broadcast %shift_right_logical3A_2720 : i32 to vector<1024x128xi32>
    %shift_right_logical3A_2722 = arith.shrui %xor3A_2715, %shift_right_logical3A_2721 : vector<1024x128xi32>
    %or3A_2723 = arith.ori %shift_left3A_2719, %shift_right_logical3A_2722 : vector<1024x128xi32>
    %xor3A_2724 = arith.xori %add3A_2716, %or3A_2723 : vector<1024x128xi32>
    %add3A_2725 = arith.addi %add3A_2716, %xor3A_2724 : vector<1024x128xi32>
    %shift_left3A_2726 = arith.constant 6 : i32
    %shift_left3A_2727 = vector.broadcast %shift_left3A_2726 : i32 to vector<1024x128xi32>
    %shift_left3A_2728 = arith.shli %xor3A_2724, %shift_left3A_2727 : vector<1024x128xi32>
    %shift_right_logical3A_2729 = arith.constant 26 : i32
    %shift_right_logical3A_2730 = vector.broadcast %shift_right_logical3A_2729 : i32 to vector<1024x128xi32>
    %shift_right_logical3A_2731 = arith.shrui %xor3A_2724, %shift_right_logical3A_2730 : vector<1024x128xi32>
    %or3A_2732 = arith.ori %shift_left3A_2728, %shift_right_logical3A_2731 : vector<1024x128xi32>
    %xor3A_2733 = arith.xori %add3A_2725, %or3A_2732 : vector<1024x128xi32>
    %add3A_2734 = vector.broadcast %get3A_2688 : i32 to vector<1024x128xi32>
    %add3A_2735 = arith.addi %add3A_2725, %add3A_2734 : vector<1024x128xi32>
    %add3A_2736 = vector.broadcast %xor3A_2693 : i32 to vector<1024x128xi32>
    %add3A_2737 = arith.addi %xor3A_2733, %add3A_2736 : vector<1024x128xi32>
    %add3A_2738 = arith.constant 1 : i32
    %add3A_2739 = vector.broadcast %add3A_2738 : i32 to vector<1024x128xi32>
    %add3A_2740 = arith.addi %add3A_2737, %add3A_2739 : vector<1024x128xi32>
    %add3A_2741 = arith.addi %add3A_2735, %add3A_2740 : vector<1024x128xi32>
    %shift_left3A_2742 = arith.constant 17 : i32
    %shift_left3A_2743 = vector.broadcast %shift_left3A_2742 : i32 to vector<1024x128xi32>
    %shift_left3A_2744 = arith.shli %add3A_2740, %shift_left3A_2743 : vector<1024x128xi32>
    %shift_right_logical3A_2745 = arith.constant 15 : i32
    %shift_right_logical3A_2746 = vector.broadcast %shift_right_logical3A_2745 : i32 to vector<1024x128xi32>
    %shift_right_logical3A_2747 = arith.shrui %add3A_2740, %shift_right_logical3A_2746 : vector<1024x128xi32>
    %or3A_2748 = arith.ori %shift_left3A_2744, %shift_right_logical3A_2747 : vector<1024x128xi32>
    %xor3A_2749 = arith.xori %add3A_2741, %or3A_2748 : vector<1024x128xi32>
    %add3A_2750 = arith.addi %add3A_2741, %xor3A_2749 : vector<1024x128xi32>
    %shift_left3A_2751 = arith.constant 29 : i32
    %shift_left3A_2752 = vector.broadcast %shift_left3A_2751 : i32 to vector<1024x128xi32>
    %shift_left3A_2753 = arith.shli %xor3A_2749, %shift_left3A_2752 : vector<1024x128xi32>
    %shift_right_logical3A_2754 = arith.constant 3 : i32
    %shift_right_logical3A_2755 = vector.broadcast %shift_right_logical3A_2754 : i32 to vector<1024x128xi32>
    %shift_right_logical3A_2756 = arith.shrui %xor3A_2749, %shift_right_logical3A_2755 : vector<1024x128xi32>
    %or3A_2757 = arith.ori %shift_left3A_2753, %shift_right_logical3A_2756 : vector<1024x128xi32>
    %xor3A_2758 = arith.xori %add3A_2750, %or3A_2757 : vector<1024x128xi32>
    %add3A_2759 = arith.addi %add3A_2750, %xor3A_2758 : vector<1024x128xi32>
    %shift_left3A_2760 = arith.constant 16 : i32
    %shift_left3A_2761 = vector.broadcast %shift_left3A_2760 : i32 to vector<1024x128xi32>
    %shift_left3A_2762 = arith.shli %xor3A_2758, %shift_left3A_2761 : vector<1024x128xi32>
    %shift_right_logical3A_2763 = arith.constant 16 : i32
    %shift_right_logical3A_2764 = vector.broadcast %shift_right_logical3A_2763 : i32 to vector<1024x128xi32>
    %shift_right_logical3A_2765 = arith.shrui %xor3A_2758, %shift_right_logical3A_2764 : vector<1024x128xi32>
    %or3A_2766 = arith.ori %shift_left3A_2762, %shift_right_logical3A_2765 : vector<1024x128xi32>
    %xor3A_2767 = arith.xori %add3A_2759, %or3A_2766 : vector<1024x128xi32>
    %add3A_2768 = arith.addi %add3A_2759, %xor3A_2767 : vector<1024x128xi32>
    %shift_left3A_2769 = arith.constant 24 : i32
    %shift_left3A_2770 = vector.broadcast %shift_left3A_2769 : i32 to vector<1024x128xi32>
    %shift_left3A_2771 = arith.shli %xor3A_2767, %shift_left3A_2770 : vector<1024x128xi32>
    %shift_right_logical3A_2772 = arith.constant 8 : i32
    %shift_right_logical3A_2773 = vector.broadcast %shift_right_logical3A_2772 : i32 to vector<1024x128xi32>
    %shift_right_logical3A_2774 = arith.shrui %xor3A_2767, %shift_right_logical3A_2773 : vector<1024x128xi32>
    %or3A_2775 = arith.ori %shift_left3A_2771, %shift_right_logical3A_2774 : vector<1024x128xi32>
    %xor3A_2776 = arith.xori %add3A_2768, %or3A_2775 : vector<1024x128xi32>
    %add3A_2777 = vector.broadcast %xor3A_2693 : i32 to vector<1024x128xi32>
    %add3A_2778 = arith.addi %add3A_2768, %add3A_2777 : vector<1024x128xi32>
    %add3A_2779 = vector.broadcast %get3A_2685 : i32 to vector<1024x128xi32>
    %add3A_2780 = arith.addi %xor3A_2776, %add3A_2779 : vector<1024x128xi32>
    %add3A_2781 = arith.constant 2 : i32
    %add3A_2782 = vector.broadcast %add3A_2781 : i32 to vector<1024x128xi32>
    %add3A_2783 = arith.addi %add3A_2780, %add3A_2782 : vector<1024x128xi32>
    %add3A_2784 = arith.addi %add3A_2778, %add3A_2783 : vector<1024x128xi32>
    %shift_left3A_2785 = arith.constant 13 : i32
    %shift_left3A_2786 = vector.broadcast %shift_left3A_2785 : i32 to vector<1024x128xi32>
    %shift_left3A_2787 = arith.shli %add3A_2783, %shift_left3A_2786 : vector<1024x128xi32>
    %shift_right_logical3A_2788 = arith.constant 19 : i32
    %shift_right_logical3A_2789 = vector.broadcast %shift_right_logical3A_2788 : i32 to vector<1024x128xi32>
    %shift_right_logical3A_2790 = arith.shrui %add3A_2783, %shift_right_logical3A_2789 : vector<1024x128xi32>
    %or3A_2791 = arith.ori %shift_left3A_2787, %shift_right_logical3A_2790 : vector<1024x128xi32>
    %xor3A_2792 = arith.xori %add3A_2784, %or3A_2791 : vector<1024x128xi32>
    %add3A_2793 = arith.addi %add3A_2784, %xor3A_2792 : vector<1024x128xi32>
    %shift_left3A_2794 = arith.constant 15 : i32
    %shift_left3A_2795 = vector.broadcast %shift_left3A_2794 : i32 to vector<1024x128xi32>
    %shift_left3A_2796 = arith.shli %xor3A_2792, %shift_left3A_2795 : vector<1024x128xi32>
    %shift_right_logical3A_2797 = arith.constant 17 : i32
    %shift_right_logical3A_2798 = vector.broadcast %shift_right_logical3A_2797 : i32 to vector<1024x128xi32>
    %shift_right_logical3A_2799 = arith.shrui %xor3A_2792, %shift_right_logical3A_2798 : vector<1024x128xi32>
    %or3A_2800 = arith.ori %shift_left3A_2796, %shift_right_logical3A_2799 : vector<1024x128xi32>
    %xor3A_2801 = arith.xori %add3A_2793, %or3A_2800 : vector<1024x128xi32>
    %add3A_2802 = arith.addi %add3A_2793, %xor3A_2801 : vector<1024x128xi32>
    %shift_left3A_2803 = arith.constant 26 : i32
    %shift_left3A_2804 = vector.broadcast %shift_left3A_2803 : i32 to vector<1024x128xi32>
    %shift_left3A_2805 = arith.shli %xor3A_2801, %shift_left3A_2804 : vector<1024x128xi32>
    %shift_right_logical3A_2806 = arith.constant 6 : i32
    %shift_right_logical3A_2807 = vector.broadcast %shift_right_logical3A_2806 : i32 to vector<1024x128xi32>
    %shift_right_logical3A_2808 = arith.shrui %xor3A_2801, %shift_right_logical3A_2807 : vector<1024x128xi32>
    %or3A_2809 = arith.ori %shift_left3A_2805, %shift_right_logical3A_2808 : vector<1024x128xi32>
    %xor3A_2810 = arith.xori %add3A_2802, %or3A_2809 : vector<1024x128xi32>
    %add3A_2811 = arith.addi %add3A_2802, %xor3A_2810 : vector<1024x128xi32>
    %shift_left3A_2812 = arith.constant 6 : i32
    %shift_left3A_2813 = vector.broadcast %shift_left3A_2812 : i32 to vector<1024x128xi32>
    %shift_left3A_2814 = arith.shli %xor3A_2810, %shift_left3A_2813 : vector<1024x128xi32>
    %shift_right_logical3A_2815 = arith.constant 26 : i32
    %shift_right_logical3A_2816 = vector.broadcast %shift_right_logical3A_2815 : i32 to vector<1024x128xi32>
    %shift_right_logical3A_2817 = arith.shrui %xor3A_2810, %shift_right_logical3A_2816 : vector<1024x128xi32>
    %or3A_2818 = arith.ori %shift_left3A_2814, %shift_right_logical3A_2817 : vector<1024x128xi32>
    %xor3A_2819 = arith.xori %add3A_2811, %or3A_2818 : vector<1024x128xi32>
    %add3A_2820 = vector.broadcast %get3A_2685 : i32 to vector<1024x128xi32>
    %add3A_2821 = arith.addi %add3A_2811, %add3A_2820 : vector<1024x128xi32>
    %add3A_2822 = vector.broadcast %get3A_2688 : i32 to vector<1024x128xi32>
    %add3A_2823 = arith.addi %xor3A_2819, %add3A_2822 : vector<1024x128xi32>
    %add3A_2824 = arith.constant 3 : i32
    %add3A_2825 = vector.broadcast %add3A_2824 : i32 to vector<1024x128xi32>
    %add3A_2826 = arith.addi %add3A_2823, %add3A_2825 : vector<1024x128xi32>
    %add3A_2827 = arith.addi %add3A_2821, %add3A_2826 : vector<1024x128xi32>
    %shift_left3A_2828 = arith.constant 17 : i32
    %shift_left3A_2829 = vector.broadcast %shift_left3A_2828 : i32 to vector<1024x128xi32>
    %shift_left3A_2830 = arith.shli %add3A_2826, %shift_left3A_2829 : vector<1024x128xi32>
    %shift_right_logical3A_2831 = arith.constant 15 : i32
    %shift_right_logical3A_2832 = vector.broadcast %shift_right_logical3A_2831 : i32 to vector<1024x128xi32>
    %shift_right_logical3A_2833 = arith.shrui %add3A_2826, %shift_right_logical3A_2832 : vector<1024x128xi32>
    %or3A_2834 = arith.ori %shift_left3A_2830, %shift_right_logical3A_2833 : vector<1024x128xi32>
    %xor3A_2835 = arith.xori %add3A_2827, %or3A_2834 : vector<1024x128xi32>
    %add3A_2836 = arith.addi %add3A_2827, %xor3A_2835 : vector<1024x128xi32>
    %shift_left3A_2837 = arith.constant 29 : i32
    %shift_left3A_2838 = vector.broadcast %shift_left3A_2837 : i32 to vector<1024x128xi32>
    %shift_left3A_2839 = arith.shli %xor3A_2835, %shift_left3A_2838 : vector<1024x128xi32>
    %shift_right_logical3A_2840 = arith.constant 3 : i32
    %shift_right_logical3A_2841 = vector.broadcast %shift_right_logical3A_2840 : i32 to vector<1024x128xi32>
    %shift_right_logical3A_2842 = arith.shrui %xor3A_2835, %shift_right_logical3A_2841 : vector<1024x128xi32>
    %or3A_2843 = arith.ori %shift_left3A_2839, %shift_right_logical3A_2842 : vector<1024x128xi32>
    %xor3A_2844 = arith.xori %add3A_2836, %or3A_2843 : vector<1024x128xi32>
    %add3A_2845 = arith.addi %add3A_2836, %xor3A_2844 : vector<1024x128xi32>
    %shift_left3A_2846 = arith.constant 16 : i32
    %shift_left3A_2847 = vector.broadcast %shift_left3A_2846 : i32 to vector<1024x128xi32>
    %shift_left3A_2848 = arith.shli %xor3A_2844, %shift_left3A_2847 : vector<1024x128xi32>
    %shift_right_logical3A_2849 = arith.constant 16 : i32
    %shift_right_logical3A_2850 = vector.broadcast %shift_right_logical3A_2849 : i32 to vector<1024x128xi32>
    %shift_right_logical3A_2851 = arith.shrui %xor3A_2844, %shift_right_logical3A_2850 : vector<1024x128xi32>
    %or3A_2852 = arith.ori %shift_left3A_2848, %shift_right_logical3A_2851 : vector<1024x128xi32>
    %xor3A_2853 = arith.xori %add3A_2845, %or3A_2852 : vector<1024x128xi32>
    %add3A_2854 = arith.addi %add3A_2845, %xor3A_2853 : vector<1024x128xi32>
    %shift_left3A_2855 = arith.constant 24 : i32
    %shift_left3A_2856 = vector.broadcast %shift_left3A_2855 : i32 to vector<1024x128xi32>
    %shift_left3A_2857 = arith.shli %xor3A_2853, %shift_left3A_2856 : vector<1024x128xi32>
    %shift_right_logical3A_2858 = arith.constant 8 : i32
    %shift_right_logical3A_2859 = vector.broadcast %shift_right_logical3A_2858 : i32 to vector<1024x128xi32>
    %shift_right_logical3A_2860 = arith.shrui %xor3A_2853, %shift_right_logical3A_2859 : vector<1024x128xi32>
    %or3A_2861 = arith.ori %shift_left3A_2857, %shift_right_logical3A_2860 : vector<1024x128xi32>
    %xor3A_2862 = arith.xori %add3A_2854, %or3A_2861 : vector<1024x128xi32>
    %add3A_2863 = vector.broadcast %get3A_2688 : i32 to vector<1024x128xi32>
    %add3A_2864 = arith.addi %add3A_2854, %add3A_2863 : vector<1024x128xi32>
    %add3A_2865 = vector.broadcast %xor3A_2693 : i32 to vector<1024x128xi32>
    %add3A_2866 = arith.addi %xor3A_2862, %add3A_2865 : vector<1024x128xi32>
    %add3A_2867 = arith.constant 4 : i32
    %add3A_2868 = vector.broadcast %add3A_2867 : i32 to vector<1024x128xi32>
    %add3A_2869 = arith.addi %add3A_2866, %add3A_2868 : vector<1024x128xi32>
    %add3A_2870 = arith.addi %add3A_2864, %add3A_2869 : vector<1024x128xi32>
    %shift_left3A_2871 = arith.constant 13 : i32
    %shift_left3A_2872 = vector.broadcast %shift_left3A_2871 : i32 to vector<1024x128xi32>
    %shift_left3A_2873 = arith.shli %add3A_2869, %shift_left3A_2872 : vector<1024x128xi32>
    %shift_right_logical3A_2874 = arith.constant 19 : i32
    %shift_right_logical3A_2875 = vector.broadcast %shift_right_logical3A_2874 : i32 to vector<1024x128xi32>
    %shift_right_logical3A_2876 = arith.shrui %add3A_2869, %shift_right_logical3A_2875 : vector<1024x128xi32>
    %or3A_2877 = arith.ori %shift_left3A_2873, %shift_right_logical3A_2876 : vector<1024x128xi32>
    %xor3A_2878 = arith.xori %add3A_2870, %or3A_2877 : vector<1024x128xi32>
    %add3A_2879 = arith.addi %add3A_2870, %xor3A_2878 : vector<1024x128xi32>
    %shift_left3A_2880 = arith.constant 15 : i32
    %shift_left3A_2881 = vector.broadcast %shift_left3A_2880 : i32 to vector<1024x128xi32>
    %shift_left3A_2882 = arith.shli %xor3A_2878, %shift_left3A_2881 : vector<1024x128xi32>
    %shift_right_logical3A_2883 = arith.constant 17 : i32
    %shift_right_logical3A_2884 = vector.broadcast %shift_right_logical3A_2883 : i32 to vector<1024x128xi32>
    %shift_right_logical3A_2885 = arith.shrui %xor3A_2878, %shift_right_logical3A_2884 : vector<1024x128xi32>
    %or3A_2886 = arith.ori %shift_left3A_2882, %shift_right_logical3A_2885 : vector<1024x128xi32>
    %xor3A_2887 = arith.xori %add3A_2879, %or3A_2886 : vector<1024x128xi32>
    %add3A_2888 = arith.addi %add3A_2879, %xor3A_2887 : vector<1024x128xi32>
    %shift_left3A_2889 = arith.constant 26 : i32
    %shift_left3A_2890 = vector.broadcast %shift_left3A_2889 : i32 to vector<1024x128xi32>
    %shift_left3A_2891 = arith.shli %xor3A_2887, %shift_left3A_2890 : vector<1024x128xi32>
    %shift_right_logical3A_2892 = arith.constant 6 : i32
    %shift_right_logical3A_2893 = vector.broadcast %shift_right_logical3A_2892 : i32 to vector<1024x128xi32>
    %shift_right_logical3A_2894 = arith.shrui %xor3A_2887, %shift_right_logical3A_2893 : vector<1024x128xi32>
    %or3A_2895 = arith.ori %shift_left3A_2891, %shift_right_logical3A_2894 : vector<1024x128xi32>
    %xor3A_2896 = arith.xori %add3A_2888, %or3A_2895 : vector<1024x128xi32>
    %add3A_2897 = arith.addi %add3A_2888, %xor3A_2896 : vector<1024x128xi32>
    %shift_left3A_2898 = arith.constant 6 : i32
    %shift_left3A_2899 = vector.broadcast %shift_left3A_2898 : i32 to vector<1024x128xi32>
    %shift_left3A_2900 = arith.shli %xor3A_2896, %shift_left3A_2899 : vector<1024x128xi32>
    %shift_right_logical3A_2901 = arith.constant 26 : i32
    %shift_right_logical3A_2902 = vector.broadcast %shift_right_logical3A_2901 : i32 to vector<1024x128xi32>
    %shift_right_logical3A_2903 = arith.shrui %xor3A_2896, %shift_right_logical3A_2902 : vector<1024x128xi32>
    %or3A_2904 = arith.ori %shift_left3A_2900, %shift_right_logical3A_2903 : vector<1024x128xi32>
    %xor3A_2905 = arith.xori %add3A_2897, %or3A_2904 : vector<1024x128xi32>
    %add3A_2906 = vector.broadcast %xor3A_2693 : i32 to vector<1024x128xi32>
    %add3A_2907 = arith.addi %add3A_2897, %add3A_2906 : vector<1024x128xi32>
    %add3A_2908 = vector.broadcast %get3A_2685 : i32 to vector<1024x128xi32>
    %add3A_2909 = arith.addi %xor3A_2905, %add3A_2908 : vector<1024x128xi32>
    %add3A_2910 = arith.constant 5 : i32
    %add3A_2911 = vector.broadcast %add3A_2910 : i32 to vector<1024x128xi32>
    %add3A_2912 = arith.addi %add3A_2909, %add3A_2911 : vector<1024x128xi32>
    %xor3A_2913 = arith.xori %add3A_2907, %add3A_2912 : vector<1024x128xi32>
    %shift_right_logical3A_2914 = arith.constant 9 : i32
    %shift_right_logical3A_2915 = vector.broadcast %shift_right_logical3A_2914 : i32 to vector<1024x128xi32>
    %shift_right_logical3A_2916 = arith.shrui %xor3A_2913, %shift_right_logical3A_2915 : vector<1024x128xi32>
    %or3A_2917 = arith.constant 1065353216 : i32
    %or3A_2918 = vector.broadcast %or3A_2917 : i32 to vector<1024x128xi32>
    %or3A_2919 = arith.ori %shift_right_logical3A_2916, %or3A_2918 : vector<1024x128xi32>
    %bitcast_convert_type3A_2920 = tpu.bitcast %or3A_2919 : vector<1024x128xi32> -> vector<1024x128xf32>
    %sub3A_2921 = arith.constant 1.000000e+00 : f32
    %sub3A_2922 = vector.broadcast %sub3A_2921 : f32 to vector<1024x128xf32>
    %sub3A_2923 = arith.subf %bitcast_convert_type3A_2920, %sub3A_2922 : vector<1024x128xf32>
    %sub3A_2924 = arith.subf %select_n3A_2682, %select_n3A_2677 : vector<1024x128xf32>
    %mul3A_2925 = arith.mulf %sub3A_2923, %sub3A_2924 : vector<1024x128xf32>
    %add3A_2926 = arith.addf %mul3A_2925, %select_n3A_2677 : vector<1024x128xf32>
    %broadcast_in_dim3A_2927 = vector.shape_cast %gt3A_2673 : vector<1024x1xi1> to vector<1024x1xi1>
    %broadcast_in_dim3A_2928 = vector.broadcast %broadcast_in_dim3A_2927 : vector<1024x1xi1> to vector<1024x128xi1>
    %select_n3A_2929 = arith.select %broadcast_in_dim3A_2928, %add3A_2926, %select_n3A_2656 : vector<1024x128xi1>, vector<1024x128xf32>
    %mul3A_2930 = arith.mulf %select_n3A_2929, %select_n3A_2929 : vector<1024x128xf32>
    %reduce_sum3A_2931 = arith.constant dense<0.000000e+00> : vector<1024xf32>
    %reduce_sum3A_2932 = vector.multi_reduction <add>, %mul3A_2930, %reduce_sum3A_2931 [1] : vector<1024x128xf32> to vector<1024xf32>
    %broadcast_in_dim3A_2933 = vector.shape_cast %reduce_sum3A_2932 : vector<1024xf32> to vector<1024x1xf32>
    %mul3A_2934 = arith.constant -5.000000e-01 : f32
    %mul3A_2935 = vector.broadcast %mul3A_2934 : f32 to vector<1024x1xf32>
    %mul3A_2936 = arith.mulf %mul3A_2935, %broadcast_in_dim3A_2933 : vector<1024x1xf32>
    %lt3A_2937 = arith.cmpf olt, %mul3A_2936, %add3A_253 : vector<1024x1xf32>
    %and3A_2938 = arith.andi %gt3A_2673, %lt3A_2937 : vector<1024x1xi1>
    %jit3A_2939 = arith.constant 1.000000e+00 : f32
    %jit3A_2940 = arith.constant 0.000000e+00 : f32
    %broadcast_in_dim3A_2941 = vector.broadcast %jit3A_2939 : f32 to vector<1024x1xf32>
    %broadcast_in_dim3A_2942 = vector.broadcast %jit3A_2940 : f32 to vector<1024x1xf32>
    %select_n3A_2943 = arith.select %and3A_2938, %broadcast_in_dim3A_2941, %broadcast_in_dim3A_2942 : vector<1024x1xi1>, vector<1024x1xf32>
    %gt3A_2944 = arith.constant 0.000000e+00 : f32
    %gt3A_2945 = vector.broadcast %gt3A_2944 : f32 to vector<1024x1xf32>
    %gt3A_2946 = arith.cmpf ogt, %select_n3A_2943, %gt3A_2945 : vector<1024x1xf32>
    %lt3A_2947 = arith.cmpf olt, %select_n3A_2929, %get3A_1 : vector<1024x128xf32>
    %and3A_2948 = vector.broadcast %gt3A_2946 : vector<1024x1xi1> to vector<1024x128xi1>
    %and3A_2949 = arith.andi %and3A_2948, %lt3A_2947 : vector<1024x128xi1>
    %select_n3A_2950 = arith.select %and3A_2949, %select_n3A_2929, %select_n3A_2677 : vector<1024x128xi1>, vector<1024x128xf32>
    %not3A_2951 = arith.constant dense<true> : vector<1024x128xi1>
    %not3A_2952 = arith.xori %lt3A_2947, %not3A_2951 : vector<1024x128xi1>
    %and3A_2953 = vector.broadcast %gt3A_2946 : vector<1024x1xi1> to vector<1024x128xi1>
    %and3A_2954 = arith.andi %and3A_2953, %not3A_2952 : vector<1024x128xi1>
    %select_n3A_2955 = arith.select %and3A_2954, %select_n3A_2929, %select_n3A_2682 : vector<1024x128xi1>, vector<1024x128xf32>
    %get3A_2956 = arith.constant 12 : index
    %get3A_2957 = arith.constant 0 : index
    %get3A_2958 = memref.load %arg1[%get3A_2956, %get3A_2957] : memref<54x2xi32, #tpu.memory_space<smem>>
    %get3A_2959 = arith.constant 12 : index
    %get3A_2960 = arith.constant 1 : index
    %get3A_2961 = memref.load %arg1[%get3A_2959, %get3A_2960] : memref<54x2xi32, #tpu.memory_space<smem>>
    %broadcast_in_dim3A_2962 = arith.constant 0 : i32
    %broadcast_in_dim3A_2963 = vector.broadcast %broadcast_in_dim3A_2962 : i32 to vector<1024x128xi32>
    %xor3A_2964 = arith.xori %get3A_2958, %get3A_2961 : i32
    %xor3A_2965 = arith.constant 466688986 : i32
    %xor3A_2966 = arith.xori %xor3A_2964, %xor3A_2965 : i32
    %add3A_2967 = vector.broadcast %get3A_2958 : i32 to vector<1024x128xi32>
    %add3A_2968 = arith.addi %broadcast_in_dim3A_2963, %add3A_2967 : vector<1024x128xi32>
    %add3A_2969 = vector.broadcast %get3A_2961 : i32 to vector<1024x128xi32>
    %add3A_2970 = arith.addi %add3A_9, %add3A_2969 : vector<1024x128xi32>
    %add3A_2971 = arith.addi %add3A_2968, %add3A_2970 : vector<1024x128xi32>
    %shift_left3A_2972 = arith.constant 13 : i32
    %shift_left3A_2973 = vector.broadcast %shift_left3A_2972 : i32 to vector<1024x128xi32>
    %shift_left3A_2974 = arith.shli %add3A_2970, %shift_left3A_2973 : vector<1024x128xi32>
    %shift_right_logical3A_2975 = arith.constant 19 : i32
    %shift_right_logical3A_2976 = vector.broadcast %shift_right_logical3A_2975 : i32 to vector<1024x128xi32>
    %shift_right_logical3A_2977 = arith.shrui %add3A_2970, %shift_right_logical3A_2976 : vector<1024x128xi32>
    %or3A_2978 = arith.ori %shift_left3A_2974, %shift_right_logical3A_2977 : vector<1024x128xi32>
    %xor3A_2979 = arith.xori %add3A_2971, %or3A_2978 : vector<1024x128xi32>
    %add3A_2980 = arith.addi %add3A_2971, %xor3A_2979 : vector<1024x128xi32>
    %shift_left3A_2981 = arith.constant 15 : i32
    %shift_left3A_2982 = vector.broadcast %shift_left3A_2981 : i32 to vector<1024x128xi32>
    %shift_left3A_2983 = arith.shli %xor3A_2979, %shift_left3A_2982 : vector<1024x128xi32>
    %shift_right_logical3A_2984 = arith.constant 17 : i32
    %shift_right_logical3A_2985 = vector.broadcast %shift_right_logical3A_2984 : i32 to vector<1024x128xi32>
    %shift_right_logical3A_2986 = arith.shrui %xor3A_2979, %shift_right_logical3A_2985 : vector<1024x128xi32>
    %or3A_2987 = arith.ori %shift_left3A_2983, %shift_right_logical3A_2986 : vector<1024x128xi32>
    %xor3A_2988 = arith.xori %add3A_2980, %or3A_2987 : vector<1024x128xi32>
    %add3A_2989 = arith.addi %add3A_2980, %xor3A_2988 : vector<1024x128xi32>
    %shift_left3A_2990 = arith.constant 26 : i32
    %shift_left3A_2991 = vector.broadcast %shift_left3A_2990 : i32 to vector<1024x128xi32>
    %shift_left3A_2992 = arith.shli %xor3A_2988, %shift_left3A_2991 : vector<1024x128xi32>
    %shift_right_logical3A_2993 = arith.constant 6 : i32
    %shift_right_logical3A_2994 = vector.broadcast %shift_right_logical3A_2993 : i32 to vector<1024x128xi32>
    %shift_right_logical3A_2995 = arith.shrui %xor3A_2988, %shift_right_logical3A_2994 : vector<1024x128xi32>
    %or3A_2996 = arith.ori %shift_left3A_2992, %shift_right_logical3A_2995 : vector<1024x128xi32>
    %xor3A_2997 = arith.xori %add3A_2989, %or3A_2996 : vector<1024x128xi32>
    %add3A_2998 = arith.addi %add3A_2989, %xor3A_2997 : vector<1024x128xi32>
    %shift_left3A_2999 = arith.constant 6 : i32
    %shift_left3A_3000 = vector.broadcast %shift_left3A_2999 : i32 to vector<1024x128xi32>
    %shift_left3A_3001 = arith.shli %xor3A_2997, %shift_left3A_3000 : vector<1024x128xi32>
    %shift_right_logical3A_3002 = arith.constant 26 : i32
    %shift_right_logical3A_3003 = vector.broadcast %shift_right_logical3A_3002 : i32 to vector<1024x128xi32>
    %shift_right_logical3A_3004 = arith.shrui %xor3A_2997, %shift_right_logical3A_3003 : vector<1024x128xi32>
    %or3A_3005 = arith.ori %shift_left3A_3001, %shift_right_logical3A_3004 : vector<1024x128xi32>
    %xor3A_3006 = arith.xori %add3A_2998, %or3A_3005 : vector<1024x128xi32>
    %add3A_3007 = vector.broadcast %get3A_2961 : i32 to vector<1024x128xi32>
    %add3A_3008 = arith.addi %add3A_2998, %add3A_3007 : vector<1024x128xi32>
    %add3A_3009 = vector.broadcast %xor3A_2966 : i32 to vector<1024x128xi32>
    %add3A_3010 = arith.addi %xor3A_3006, %add3A_3009 : vector<1024x128xi32>
    %add3A_3011 = arith.constant 1 : i32
    %add3A_3012 = vector.broadcast %add3A_3011 : i32 to vector<1024x128xi32>
    %add3A_3013 = arith.addi %add3A_3010, %add3A_3012 : vector<1024x128xi32>
    %add3A_3014 = arith.addi %add3A_3008, %add3A_3013 : vector<1024x128xi32>
    %shift_left3A_3015 = arith.constant 17 : i32
    %shift_left3A_3016 = vector.broadcast %shift_left3A_3015 : i32 to vector<1024x128xi32>
    %shift_left3A_3017 = arith.shli %add3A_3013, %shift_left3A_3016 : vector<1024x128xi32>
    %shift_right_logical3A_3018 = arith.constant 15 : i32
    %shift_right_logical3A_3019 = vector.broadcast %shift_right_logical3A_3018 : i32 to vector<1024x128xi32>
    %shift_right_logical3A_3020 = arith.shrui %add3A_3013, %shift_right_logical3A_3019 : vector<1024x128xi32>
    %or3A_3021 = arith.ori %shift_left3A_3017, %shift_right_logical3A_3020 : vector<1024x128xi32>
    %xor3A_3022 = arith.xori %add3A_3014, %or3A_3021 : vector<1024x128xi32>
    %add3A_3023 = arith.addi %add3A_3014, %xor3A_3022 : vector<1024x128xi32>
    %shift_left3A_3024 = arith.constant 29 : i32
    %shift_left3A_3025 = vector.broadcast %shift_left3A_3024 : i32 to vector<1024x128xi32>
    %shift_left3A_3026 = arith.shli %xor3A_3022, %shift_left3A_3025 : vector<1024x128xi32>
    %shift_right_logical3A_3027 = arith.constant 3 : i32
    %shift_right_logical3A_3028 = vector.broadcast %shift_right_logical3A_3027 : i32 to vector<1024x128xi32>
    %shift_right_logical3A_3029 = arith.shrui %xor3A_3022, %shift_right_logical3A_3028 : vector<1024x128xi32>
    %or3A_3030 = arith.ori %shift_left3A_3026, %shift_right_logical3A_3029 : vector<1024x128xi32>
    %xor3A_3031 = arith.xori %add3A_3023, %or3A_3030 : vector<1024x128xi32>
    %add3A_3032 = arith.addi %add3A_3023, %xor3A_3031 : vector<1024x128xi32>
    %shift_left3A_3033 = arith.constant 16 : i32
    %shift_left3A_3034 = vector.broadcast %shift_left3A_3033 : i32 to vector<1024x128xi32>
    %shift_left3A_3035 = arith.shli %xor3A_3031, %shift_left3A_3034 : vector<1024x128xi32>
    %shift_right_logical3A_3036 = arith.constant 16 : i32
    %shift_right_logical3A_3037 = vector.broadcast %shift_right_logical3A_3036 : i32 to vector<1024x128xi32>
    %shift_right_logical3A_3038 = arith.shrui %xor3A_3031, %shift_right_logical3A_3037 : vector<1024x128xi32>
    %or3A_3039 = arith.ori %shift_left3A_3035, %shift_right_logical3A_3038 : vector<1024x128xi32>
    %xor3A_3040 = arith.xori %add3A_3032, %or3A_3039 : vector<1024x128xi32>
    %add3A_3041 = arith.addi %add3A_3032, %xor3A_3040 : vector<1024x128xi32>
    %shift_left3A_3042 = arith.constant 24 : i32
    %shift_left3A_3043 = vector.broadcast %shift_left3A_3042 : i32 to vector<1024x128xi32>
    %shift_left3A_3044 = arith.shli %xor3A_3040, %shift_left3A_3043 : vector<1024x128xi32>
    %shift_right_logical3A_3045 = arith.constant 8 : i32
    %shift_right_logical3A_3046 = vector.broadcast %shift_right_logical3A_3045 : i32 to vector<1024x128xi32>
    %shift_right_logical3A_3047 = arith.shrui %xor3A_3040, %shift_right_logical3A_3046 : vector<1024x128xi32>
    %or3A_3048 = arith.ori %shift_left3A_3044, %shift_right_logical3A_3047 : vector<1024x128xi32>
    %xor3A_3049 = arith.xori %add3A_3041, %or3A_3048 : vector<1024x128xi32>
    %add3A_3050 = vector.broadcast %xor3A_2966 : i32 to vector<1024x128xi32>
    %add3A_3051 = arith.addi %add3A_3041, %add3A_3050 : vector<1024x128xi32>
    %add3A_3052 = vector.broadcast %get3A_2958 : i32 to vector<1024x128xi32>
    %add3A_3053 = arith.addi %xor3A_3049, %add3A_3052 : vector<1024x128xi32>
    %add3A_3054 = arith.constant 2 : i32
    %add3A_3055 = vector.broadcast %add3A_3054 : i32 to vector<1024x128xi32>
    %add3A_3056 = arith.addi %add3A_3053, %add3A_3055 : vector<1024x128xi32>
    %add3A_3057 = arith.addi %add3A_3051, %add3A_3056 : vector<1024x128xi32>
    %shift_left3A_3058 = arith.constant 13 : i32
    %shift_left3A_3059 = vector.broadcast %shift_left3A_3058 : i32 to vector<1024x128xi32>
    %shift_left3A_3060 = arith.shli %add3A_3056, %shift_left3A_3059 : vector<1024x128xi32>
    %shift_right_logical3A_3061 = arith.constant 19 : i32
    %shift_right_logical3A_3062 = vector.broadcast %shift_right_logical3A_3061 : i32 to vector<1024x128xi32>
    %shift_right_logical3A_3063 = arith.shrui %add3A_3056, %shift_right_logical3A_3062 : vector<1024x128xi32>
    %or3A_3064 = arith.ori %shift_left3A_3060, %shift_right_logical3A_3063 : vector<1024x128xi32>
    %xor3A_3065 = arith.xori %add3A_3057, %or3A_3064 : vector<1024x128xi32>
    %add3A_3066 = arith.addi %add3A_3057, %xor3A_3065 : vector<1024x128xi32>
    %shift_left3A_3067 = arith.constant 15 : i32
    %shift_left3A_3068 = vector.broadcast %shift_left3A_3067 : i32 to vector<1024x128xi32>
    %shift_left3A_3069 = arith.shli %xor3A_3065, %shift_left3A_3068 : vector<1024x128xi32>
    %shift_right_logical3A_3070 = arith.constant 17 : i32
    %shift_right_logical3A_3071 = vector.broadcast %shift_right_logical3A_3070 : i32 to vector<1024x128xi32>
    %shift_right_logical3A_3072 = arith.shrui %xor3A_3065, %shift_right_logical3A_3071 : vector<1024x128xi32>
    %or3A_3073 = arith.ori %shift_left3A_3069, %shift_right_logical3A_3072 : vector<1024x128xi32>
    %xor3A_3074 = arith.xori %add3A_3066, %or3A_3073 : vector<1024x128xi32>
    %add3A_3075 = arith.addi %add3A_3066, %xor3A_3074 : vector<1024x128xi32>
    %shift_left3A_3076 = arith.constant 26 : i32
    %shift_left3A_3077 = vector.broadcast %shift_left3A_3076 : i32 to vector<1024x128xi32>
    %shift_left3A_3078 = arith.shli %xor3A_3074, %shift_left3A_3077 : vector<1024x128xi32>
    %shift_right_logical3A_3079 = arith.constant 6 : i32
    %shift_right_logical3A_3080 = vector.broadcast %shift_right_logical3A_3079 : i32 to vector<1024x128xi32>
    %shift_right_logical3A_3081 = arith.shrui %xor3A_3074, %shift_right_logical3A_3080 : vector<1024x128xi32>
    %or3A_3082 = arith.ori %shift_left3A_3078, %shift_right_logical3A_3081 : vector<1024x128xi32>
    %xor3A_3083 = arith.xori %add3A_3075, %or3A_3082 : vector<1024x128xi32>
    %add3A_3084 = arith.addi %add3A_3075, %xor3A_3083 : vector<1024x128xi32>
    %shift_left3A_3085 = arith.constant 6 : i32
    %shift_left3A_3086 = vector.broadcast %shift_left3A_3085 : i32 to vector<1024x128xi32>
    %shift_left3A_3087 = arith.shli %xor3A_3083, %shift_left3A_3086 : vector<1024x128xi32>
    %shift_right_logical3A_3088 = arith.constant 26 : i32
    %shift_right_logical3A_3089 = vector.broadcast %shift_right_logical3A_3088 : i32 to vector<1024x128xi32>
    %shift_right_logical3A_3090 = arith.shrui %xor3A_3083, %shift_right_logical3A_3089 : vector<1024x128xi32>
    %or3A_3091 = arith.ori %shift_left3A_3087, %shift_right_logical3A_3090 : vector<1024x128xi32>
    %xor3A_3092 = arith.xori %add3A_3084, %or3A_3091 : vector<1024x128xi32>
    %add3A_3093 = vector.broadcast %get3A_2958 : i32 to vector<1024x128xi32>
    %add3A_3094 = arith.addi %add3A_3084, %add3A_3093 : vector<1024x128xi32>
    %add3A_3095 = vector.broadcast %get3A_2961 : i32 to vector<1024x128xi32>
    %add3A_3096 = arith.addi %xor3A_3092, %add3A_3095 : vector<1024x128xi32>
    %add3A_3097 = arith.constant 3 : i32
    %add3A_3098 = vector.broadcast %add3A_3097 : i32 to vector<1024x128xi32>
    %add3A_3099 = arith.addi %add3A_3096, %add3A_3098 : vector<1024x128xi32>
    %add3A_3100 = arith.addi %add3A_3094, %add3A_3099 : vector<1024x128xi32>
    %shift_left3A_3101 = arith.constant 17 : i32
    %shift_left3A_3102 = vector.broadcast %shift_left3A_3101 : i32 to vector<1024x128xi32>
    %shift_left3A_3103 = arith.shli %add3A_3099, %shift_left3A_3102 : vector<1024x128xi32>
    %shift_right_logical3A_3104 = arith.constant 15 : i32
    %shift_right_logical3A_3105 = vector.broadcast %shift_right_logical3A_3104 : i32 to vector<1024x128xi32>
    %shift_right_logical3A_3106 = arith.shrui %add3A_3099, %shift_right_logical3A_3105 : vector<1024x128xi32>
    %or3A_3107 = arith.ori %shift_left3A_3103, %shift_right_logical3A_3106 : vector<1024x128xi32>
    %xor3A_3108 = arith.xori %add3A_3100, %or3A_3107 : vector<1024x128xi32>
    %add3A_3109 = arith.addi %add3A_3100, %xor3A_3108 : vector<1024x128xi32>
    %shift_left3A_3110 = arith.constant 29 : i32
    %shift_left3A_3111 = vector.broadcast %shift_left3A_3110 : i32 to vector<1024x128xi32>
    %shift_left3A_3112 = arith.shli %xor3A_3108, %shift_left3A_3111 : vector<1024x128xi32>
    %shift_right_logical3A_3113 = arith.constant 3 : i32
    %shift_right_logical3A_3114 = vector.broadcast %shift_right_logical3A_3113 : i32 to vector<1024x128xi32>
    %shift_right_logical3A_3115 = arith.shrui %xor3A_3108, %shift_right_logical3A_3114 : vector<1024x128xi32>
    %or3A_3116 = arith.ori %shift_left3A_3112, %shift_right_logical3A_3115 : vector<1024x128xi32>
    %xor3A_3117 = arith.xori %add3A_3109, %or3A_3116 : vector<1024x128xi32>
    %add3A_3118 = arith.addi %add3A_3109, %xor3A_3117 : vector<1024x128xi32>
    %shift_left3A_3119 = arith.constant 16 : i32
    %shift_left3A_3120 = vector.broadcast %shift_left3A_3119 : i32 to vector<1024x128xi32>
    %shift_left3A_3121 = arith.shli %xor3A_3117, %shift_left3A_3120 : vector<1024x128xi32>
    %shift_right_logical3A_3122 = arith.constant 16 : i32
    %shift_right_logical3A_3123 = vector.broadcast %shift_right_logical3A_3122 : i32 to vector<1024x128xi32>
    %shift_right_logical3A_3124 = arith.shrui %xor3A_3117, %shift_right_logical3A_3123 : vector<1024x128xi32>
    %or3A_3125 = arith.ori %shift_left3A_3121, %shift_right_logical3A_3124 : vector<1024x128xi32>
    %xor3A_3126 = arith.xori %add3A_3118, %or3A_3125 : vector<1024x128xi32>
    %add3A_3127 = arith.addi %add3A_3118, %xor3A_3126 : vector<1024x128xi32>
    %shift_left3A_3128 = arith.constant 24 : i32
    %shift_left3A_3129 = vector.broadcast %shift_left3A_3128 : i32 to vector<1024x128xi32>
    %shift_left3A_3130 = arith.shli %xor3A_3126, %shift_left3A_3129 : vector<1024x128xi32>
    %shift_right_logical3A_3131 = arith.constant 8 : i32
    %shift_right_logical3A_3132 = vector.broadcast %shift_right_logical3A_3131 : i32 to vector<1024x128xi32>
    %shift_right_logical3A_3133 = arith.shrui %xor3A_3126, %shift_right_logical3A_3132 : vector<1024x128xi32>
    %or3A_3134 = arith.ori %shift_left3A_3130, %shift_right_logical3A_3133 : vector<1024x128xi32>
    %xor3A_3135 = arith.xori %add3A_3127, %or3A_3134 : vector<1024x128xi32>
    %add3A_3136 = vector.broadcast %get3A_2961 : i32 to vector<1024x128xi32>
    %add3A_3137 = arith.addi %add3A_3127, %add3A_3136 : vector<1024x128xi32>
    %add3A_3138 = vector.broadcast %xor3A_2966 : i32 to vector<1024x128xi32>
    %add3A_3139 = arith.addi %xor3A_3135, %add3A_3138 : vector<1024x128xi32>
    %add3A_3140 = arith.constant 4 : i32
    %add3A_3141 = vector.broadcast %add3A_3140 : i32 to vector<1024x128xi32>
    %add3A_3142 = arith.addi %add3A_3139, %add3A_3141 : vector<1024x128xi32>
    %add3A_3143 = arith.addi %add3A_3137, %add3A_3142 : vector<1024x128xi32>
    %shift_left3A_3144 = arith.constant 13 : i32
    %shift_left3A_3145 = vector.broadcast %shift_left3A_3144 : i32 to vector<1024x128xi32>
    %shift_left3A_3146 = arith.shli %add3A_3142, %shift_left3A_3145 : vector<1024x128xi32>
    %shift_right_logical3A_3147 = arith.constant 19 : i32
    %shift_right_logical3A_3148 = vector.broadcast %shift_right_logical3A_3147 : i32 to vector<1024x128xi32>
    %shift_right_logical3A_3149 = arith.shrui %add3A_3142, %shift_right_logical3A_3148 : vector<1024x128xi32>
    %or3A_3150 = arith.ori %shift_left3A_3146, %shift_right_logical3A_3149 : vector<1024x128xi32>
    %xor3A_3151 = arith.xori %add3A_3143, %or3A_3150 : vector<1024x128xi32>
    %add3A_3152 = arith.addi %add3A_3143, %xor3A_3151 : vector<1024x128xi32>
    %shift_left3A_3153 = arith.constant 15 : i32
    %shift_left3A_3154 = vector.broadcast %shift_left3A_3153 : i32 to vector<1024x128xi32>
    %shift_left3A_3155 = arith.shli %xor3A_3151, %shift_left3A_3154 : vector<1024x128xi32>
    %shift_right_logical3A_3156 = arith.constant 17 : i32
    %shift_right_logical3A_3157 = vector.broadcast %shift_right_logical3A_3156 : i32 to vector<1024x128xi32>
    %shift_right_logical3A_3158 = arith.shrui %xor3A_3151, %shift_right_logical3A_3157 : vector<1024x128xi32>
    %or3A_3159 = arith.ori %shift_left3A_3155, %shift_right_logical3A_3158 : vector<1024x128xi32>
    %xor3A_3160 = arith.xori %add3A_3152, %or3A_3159 : vector<1024x128xi32>
    %add3A_3161 = arith.addi %add3A_3152, %xor3A_3160 : vector<1024x128xi32>
    %shift_left3A_3162 = arith.constant 26 : i32
    %shift_left3A_3163 = vector.broadcast %shift_left3A_3162 : i32 to vector<1024x128xi32>
    %shift_left3A_3164 = arith.shli %xor3A_3160, %shift_left3A_3163 : vector<1024x128xi32>
    %shift_right_logical3A_3165 = arith.constant 6 : i32
    %shift_right_logical3A_3166 = vector.broadcast %shift_right_logical3A_3165 : i32 to vector<1024x128xi32>
    %shift_right_logical3A_3167 = arith.shrui %xor3A_3160, %shift_right_logical3A_3166 : vector<1024x128xi32>
    %or3A_3168 = arith.ori %shift_left3A_3164, %shift_right_logical3A_3167 : vector<1024x128xi32>
    %xor3A_3169 = arith.xori %add3A_3161, %or3A_3168 : vector<1024x128xi32>
    %add3A_3170 = arith.addi %add3A_3161, %xor3A_3169 : vector<1024x128xi32>
    %shift_left3A_3171 = arith.constant 6 : i32
    %shift_left3A_3172 = vector.broadcast %shift_left3A_3171 : i32 to vector<1024x128xi32>
    %shift_left3A_3173 = arith.shli %xor3A_3169, %shift_left3A_3172 : vector<1024x128xi32>
    %shift_right_logical3A_3174 = arith.constant 26 : i32
    %shift_right_logical3A_3175 = vector.broadcast %shift_right_logical3A_3174 : i32 to vector<1024x128xi32>
    %shift_right_logical3A_3176 = arith.shrui %xor3A_3169, %shift_right_logical3A_3175 : vector<1024x128xi32>
    %or3A_3177 = arith.ori %shift_left3A_3173, %shift_right_logical3A_3176 : vector<1024x128xi32>
    %xor3A_3178 = arith.xori %add3A_3170, %or3A_3177 : vector<1024x128xi32>
    %add3A_3179 = vector.broadcast %xor3A_2966 : i32 to vector<1024x128xi32>
    %add3A_3180 = arith.addi %add3A_3170, %add3A_3179 : vector<1024x128xi32>
    %add3A_3181 = vector.broadcast %get3A_2958 : i32 to vector<1024x128xi32>
    %add3A_3182 = arith.addi %xor3A_3178, %add3A_3181 : vector<1024x128xi32>
    %add3A_3183 = arith.constant 5 : i32
    %add3A_3184 = vector.broadcast %add3A_3183 : i32 to vector<1024x128xi32>
    %add3A_3185 = arith.addi %add3A_3182, %add3A_3184 : vector<1024x128xi32>
    %xor3A_3186 = arith.xori %add3A_3180, %add3A_3185 : vector<1024x128xi32>
    %shift_right_logical3A_3187 = arith.constant 9 : i32
    %shift_right_logical3A_3188 = vector.broadcast %shift_right_logical3A_3187 : i32 to vector<1024x128xi32>
    %shift_right_logical3A_3189 = arith.shrui %xor3A_3186, %shift_right_logical3A_3188 : vector<1024x128xi32>
    %or3A_3190 = arith.constant 1065353216 : i32
    %or3A_3191 = vector.broadcast %or3A_3190 : i32 to vector<1024x128xi32>
    %or3A_3192 = arith.ori %shift_right_logical3A_3189, %or3A_3191 : vector<1024x128xi32>
    %bitcast_convert_type3A_3193 = tpu.bitcast %or3A_3192 : vector<1024x128xi32> -> vector<1024x128xf32>
    %sub3A_3194 = arith.constant 1.000000e+00 : f32
    %sub3A_3195 = vector.broadcast %sub3A_3194 : f32 to vector<1024x128xf32>
    %sub3A_3196 = arith.subf %bitcast_convert_type3A_3193, %sub3A_3195 : vector<1024x128xf32>
    %sub3A_3197 = arith.subf %select_n3A_2955, %select_n3A_2950 : vector<1024x128xf32>
    %mul3A_3198 = arith.mulf %sub3A_3196, %sub3A_3197 : vector<1024x128xf32>
    %add3A_3199 = arith.addf %mul3A_3198, %select_n3A_2950 : vector<1024x128xf32>
    %broadcast_in_dim3A_3200 = vector.shape_cast %gt3A_2946 : vector<1024x1xi1> to vector<1024x1xi1>
    %broadcast_in_dim3A_3201 = vector.broadcast %broadcast_in_dim3A_3200 : vector<1024x1xi1> to vector<1024x128xi1>
    %select_n3A_3202 = arith.select %broadcast_in_dim3A_3201, %add3A_3199, %select_n3A_2929 : vector<1024x128xi1>, vector<1024x128xf32>
    %mul3A_3203 = arith.mulf %select_n3A_3202, %select_n3A_3202 : vector<1024x128xf32>
    %reduce_sum3A_3204 = arith.constant dense<0.000000e+00> : vector<1024xf32>
    %reduce_sum3A_3205 = vector.multi_reduction <add>, %mul3A_3203, %reduce_sum3A_3204 [1] : vector<1024x128xf32> to vector<1024xf32>
    %broadcast_in_dim3A_3206 = vector.shape_cast %reduce_sum3A_3205 : vector<1024xf32> to vector<1024x1xf32>
    %mul3A_3207 = arith.constant -5.000000e-01 : f32
    %mul3A_3208 = vector.broadcast %mul3A_3207 : f32 to vector<1024x1xf32>
    %mul3A_3209 = arith.mulf %mul3A_3208, %broadcast_in_dim3A_3206 : vector<1024x1xf32>
    %lt3A_3210 = arith.cmpf olt, %mul3A_3209, %add3A_253 : vector<1024x1xf32>
    %and3A_3211 = arith.andi %gt3A_2946, %lt3A_3210 : vector<1024x1xi1>
    %jit3A_3212 = arith.constant 1.000000e+00 : f32
    %jit3A_3213 = arith.constant 0.000000e+00 : f32
    %broadcast_in_dim3A_3214 = vector.broadcast %jit3A_3212 : f32 to vector<1024x1xf32>
    %broadcast_in_dim3A_3215 = vector.broadcast %jit3A_3213 : f32 to vector<1024x1xf32>
    %select_n3A_3216 = arith.select %and3A_3211, %broadcast_in_dim3A_3214, %broadcast_in_dim3A_3215 : vector<1024x1xi1>, vector<1024x1xf32>
    %gt3A_3217 = arith.constant 0.000000e+00 : f32
    %gt3A_3218 = vector.broadcast %gt3A_3217 : f32 to vector<1024x1xf32>
    %gt3A_3219 = arith.cmpf ogt, %select_n3A_3216, %gt3A_3218 : vector<1024x1xf32>
    %lt3A_3220 = arith.cmpf olt, %select_n3A_3202, %get3A_1 : vector<1024x128xf32>
    %and3A_3221 = vector.broadcast %gt3A_3219 : vector<1024x1xi1> to vector<1024x128xi1>
    %and3A_3222 = arith.andi %and3A_3221, %lt3A_3220 : vector<1024x128xi1>
    %select_n3A_3223 = arith.select %and3A_3222, %select_n3A_3202, %select_n3A_2950 : vector<1024x128xi1>, vector<1024x128xf32>
    %not3A_3224 = arith.constant dense<true> : vector<1024x128xi1>
    %not3A_3225 = arith.xori %lt3A_3220, %not3A_3224 : vector<1024x128xi1>
    %and3A_3226 = vector.broadcast %gt3A_3219 : vector<1024x1xi1> to vector<1024x128xi1>
    %and3A_3227 = arith.andi %and3A_3226, %not3A_3225 : vector<1024x128xi1>
    %select_n3A_3228 = arith.select %and3A_3227, %select_n3A_3202, %select_n3A_2955 : vector<1024x128xi1>, vector<1024x128xf32>
    %get3A_3229 = arith.constant 13 : index
    %get3A_3230 = arith.constant 0 : index
    %get3A_3231 = memref.load %arg1[%get3A_3229, %get3A_3230] : memref<54x2xi32, #tpu.memory_space<smem>>
    %get3A_3232 = arith.constant 13 : index
    %get3A_3233 = arith.constant 1 : index
    %get3A_3234 = memref.load %arg1[%get3A_3232, %get3A_3233] : memref<54x2xi32, #tpu.memory_space<smem>>
    %broadcast_in_dim3A_3235 = arith.constant 0 : i32
    %broadcast_in_dim3A_3236 = vector.broadcast %broadcast_in_dim3A_3235 : i32 to vector<1024x128xi32>
    %xor3A_3237 = arith.xori %get3A_3231, %get3A_3234 : i32
    %xor3A_3238 = arith.constant 466688986 : i32
    %xor3A_3239 = arith.xori %xor3A_3237, %xor3A_3238 : i32
    %add3A_3240 = vector.broadcast %get3A_3231 : i32 to vector<1024x128xi32>
    %add3A_3241 = arith.addi %broadcast_in_dim3A_3236, %add3A_3240 : vector<1024x128xi32>
    %add3A_3242 = vector.broadcast %get3A_3234 : i32 to vector<1024x128xi32>
    %add3A_3243 = arith.addi %add3A_9, %add3A_3242 : vector<1024x128xi32>
    %add3A_3244 = arith.addi %add3A_3241, %add3A_3243 : vector<1024x128xi32>
    %shift_left3A_3245 = arith.constant 13 : i32
    %shift_left3A_3246 = vector.broadcast %shift_left3A_3245 : i32 to vector<1024x128xi32>
    %shift_left3A_3247 = arith.shli %add3A_3243, %shift_left3A_3246 : vector<1024x128xi32>
    %shift_right_logical3A_3248 = arith.constant 19 : i32
    %shift_right_logical3A_3249 = vector.broadcast %shift_right_logical3A_3248 : i32 to vector<1024x128xi32>
    %shift_right_logical3A_3250 = arith.shrui %add3A_3243, %shift_right_logical3A_3249 : vector<1024x128xi32>
    %or3A_3251 = arith.ori %shift_left3A_3247, %shift_right_logical3A_3250 : vector<1024x128xi32>
    %xor3A_3252 = arith.xori %add3A_3244, %or3A_3251 : vector<1024x128xi32>
    %add3A_3253 = arith.addi %add3A_3244, %xor3A_3252 : vector<1024x128xi32>
    %shift_left3A_3254 = arith.constant 15 : i32
    %shift_left3A_3255 = vector.broadcast %shift_left3A_3254 : i32 to vector<1024x128xi32>
    %shift_left3A_3256 = arith.shli %xor3A_3252, %shift_left3A_3255 : vector<1024x128xi32>
    %shift_right_logical3A_3257 = arith.constant 17 : i32
    %shift_right_logical3A_3258 = vector.broadcast %shift_right_logical3A_3257 : i32 to vector<1024x128xi32>
    %shift_right_logical3A_3259 = arith.shrui %xor3A_3252, %shift_right_logical3A_3258 : vector<1024x128xi32>
    %or3A_3260 = arith.ori %shift_left3A_3256, %shift_right_logical3A_3259 : vector<1024x128xi32>
    %xor3A_3261 = arith.xori %add3A_3253, %or3A_3260 : vector<1024x128xi32>
    %add3A_3262 = arith.addi %add3A_3253, %xor3A_3261 : vector<1024x128xi32>
    %shift_left3A_3263 = arith.constant 26 : i32
    %shift_left3A_3264 = vector.broadcast %shift_left3A_3263 : i32 to vector<1024x128xi32>
    %shift_left3A_3265 = arith.shli %xor3A_3261, %shift_left3A_3264 : vector<1024x128xi32>
    %shift_right_logical3A_3266 = arith.constant 6 : i32
    %shift_right_logical3A_3267 = vector.broadcast %shift_right_logical3A_3266 : i32 to vector<1024x128xi32>
    %shift_right_logical3A_3268 = arith.shrui %xor3A_3261, %shift_right_logical3A_3267 : vector<1024x128xi32>
    %or3A_3269 = arith.ori %shift_left3A_3265, %shift_right_logical3A_3268 : vector<1024x128xi32>
    %xor3A_3270 = arith.xori %add3A_3262, %or3A_3269 : vector<1024x128xi32>
    %add3A_3271 = arith.addi %add3A_3262, %xor3A_3270 : vector<1024x128xi32>
    %shift_left3A_3272 = arith.constant 6 : i32
    %shift_left3A_3273 = vector.broadcast %shift_left3A_3272 : i32 to vector<1024x128xi32>
    %shift_left3A_3274 = arith.shli %xor3A_3270, %shift_left3A_3273 : vector<1024x128xi32>
    %shift_right_logical3A_3275 = arith.constant 26 : i32
    %shift_right_logical3A_3276 = vector.broadcast %shift_right_logical3A_3275 : i32 to vector<1024x128xi32>
    %shift_right_logical3A_3277 = arith.shrui %xor3A_3270, %shift_right_logical3A_3276 : vector<1024x128xi32>
    %or3A_3278 = arith.ori %shift_left3A_3274, %shift_right_logical3A_3277 : vector<1024x128xi32>
    %xor3A_3279 = arith.xori %add3A_3271, %or3A_3278 : vector<1024x128xi32>
    %add3A_3280 = vector.broadcast %get3A_3234 : i32 to vector<1024x128xi32>
    %add3A_3281 = arith.addi %add3A_3271, %add3A_3280 : vector<1024x128xi32>
    %add3A_3282 = vector.broadcast %xor3A_3239 : i32 to vector<1024x128xi32>
    %add3A_3283 = arith.addi %xor3A_3279, %add3A_3282 : vector<1024x128xi32>
    %add3A_3284 = arith.constant 1 : i32
    %add3A_3285 = vector.broadcast %add3A_3284 : i32 to vector<1024x128xi32>
    %add3A_3286 = arith.addi %add3A_3283, %add3A_3285 : vector<1024x128xi32>
    %add3A_3287 = arith.addi %add3A_3281, %add3A_3286 : vector<1024x128xi32>
    %shift_left3A_3288 = arith.constant 17 : i32
    %shift_left3A_3289 = vector.broadcast %shift_left3A_3288 : i32 to vector<1024x128xi32>
    %shift_left3A_3290 = arith.shli %add3A_3286, %shift_left3A_3289 : vector<1024x128xi32>
    %shift_right_logical3A_3291 = arith.constant 15 : i32
    %shift_right_logical3A_3292 = vector.broadcast %shift_right_logical3A_3291 : i32 to vector<1024x128xi32>
    %shift_right_logical3A_3293 = arith.shrui %add3A_3286, %shift_right_logical3A_3292 : vector<1024x128xi32>
    %or3A_3294 = arith.ori %shift_left3A_3290, %shift_right_logical3A_3293 : vector<1024x128xi32>
    %xor3A_3295 = arith.xori %add3A_3287, %or3A_3294 : vector<1024x128xi32>
    %add3A_3296 = arith.addi %add3A_3287, %xor3A_3295 : vector<1024x128xi32>
    %shift_left3A_3297 = arith.constant 29 : i32
    %shift_left3A_3298 = vector.broadcast %shift_left3A_3297 : i32 to vector<1024x128xi32>
    %shift_left3A_3299 = arith.shli %xor3A_3295, %shift_left3A_3298 : vector<1024x128xi32>
    %shift_right_logical3A_3300 = arith.constant 3 : i32
    %shift_right_logical3A_3301 = vector.broadcast %shift_right_logical3A_3300 : i32 to vector<1024x128xi32>
    %shift_right_logical3A_3302 = arith.shrui %xor3A_3295, %shift_right_logical3A_3301 : vector<1024x128xi32>
    %or3A_3303 = arith.ori %shift_left3A_3299, %shift_right_logical3A_3302 : vector<1024x128xi32>
    %xor3A_3304 = arith.xori %add3A_3296, %or3A_3303 : vector<1024x128xi32>
    %add3A_3305 = arith.addi %add3A_3296, %xor3A_3304 : vector<1024x128xi32>
    %shift_left3A_3306 = arith.constant 16 : i32
    %shift_left3A_3307 = vector.broadcast %shift_left3A_3306 : i32 to vector<1024x128xi32>
    %shift_left3A_3308 = arith.shli %xor3A_3304, %shift_left3A_3307 : vector<1024x128xi32>
    %shift_right_logical3A_3309 = arith.constant 16 : i32
    %shift_right_logical3A_3310 = vector.broadcast %shift_right_logical3A_3309 : i32 to vector<1024x128xi32>
    %shift_right_logical3A_3311 = arith.shrui %xor3A_3304, %shift_right_logical3A_3310 : vector<1024x128xi32>
    %or3A_3312 = arith.ori %shift_left3A_3308, %shift_right_logical3A_3311 : vector<1024x128xi32>
    %xor3A_3313 = arith.xori %add3A_3305, %or3A_3312 : vector<1024x128xi32>
    %add3A_3314 = arith.addi %add3A_3305, %xor3A_3313 : vector<1024x128xi32>
    %shift_left3A_3315 = arith.constant 24 : i32
    %shift_left3A_3316 = vector.broadcast %shift_left3A_3315 : i32 to vector<1024x128xi32>
    %shift_left3A_3317 = arith.shli %xor3A_3313, %shift_left3A_3316 : vector<1024x128xi32>
    %shift_right_logical3A_3318 = arith.constant 8 : i32
    %shift_right_logical3A_3319 = vector.broadcast %shift_right_logical3A_3318 : i32 to vector<1024x128xi32>
    %shift_right_logical3A_3320 = arith.shrui %xor3A_3313, %shift_right_logical3A_3319 : vector<1024x128xi32>
    %or3A_3321 = arith.ori %shift_left3A_3317, %shift_right_logical3A_3320 : vector<1024x128xi32>
    %xor3A_3322 = arith.xori %add3A_3314, %or3A_3321 : vector<1024x128xi32>
    %add3A_3323 = vector.broadcast %xor3A_3239 : i32 to vector<1024x128xi32>
    %add3A_3324 = arith.addi %add3A_3314, %add3A_3323 : vector<1024x128xi32>
    %add3A_3325 = vector.broadcast %get3A_3231 : i32 to vector<1024x128xi32>
    %add3A_3326 = arith.addi %xor3A_3322, %add3A_3325 : vector<1024x128xi32>
    %add3A_3327 = arith.constant 2 : i32
    %add3A_3328 = vector.broadcast %add3A_3327 : i32 to vector<1024x128xi32>
    %add3A_3329 = arith.addi %add3A_3326, %add3A_3328 : vector<1024x128xi32>
    %add3A_3330 = arith.addi %add3A_3324, %add3A_3329 : vector<1024x128xi32>
    %shift_left3A_3331 = arith.constant 13 : i32
    %shift_left3A_3332 = vector.broadcast %shift_left3A_3331 : i32 to vector<1024x128xi32>
    %shift_left3A_3333 = arith.shli %add3A_3329, %shift_left3A_3332 : vector<1024x128xi32>
    %shift_right_logical3A_3334 = arith.constant 19 : i32
    %shift_right_logical3A_3335 = vector.broadcast %shift_right_logical3A_3334 : i32 to vector<1024x128xi32>
    %shift_right_logical3A_3336 = arith.shrui %add3A_3329, %shift_right_logical3A_3335 : vector<1024x128xi32>
    %or3A_3337 = arith.ori %shift_left3A_3333, %shift_right_logical3A_3336 : vector<1024x128xi32>
    %xor3A_3338 = arith.xori %add3A_3330, %or3A_3337 : vector<1024x128xi32>
    %add3A_3339 = arith.addi %add3A_3330, %xor3A_3338 : vector<1024x128xi32>
    %shift_left3A_3340 = arith.constant 15 : i32
    %shift_left3A_3341 = vector.broadcast %shift_left3A_3340 : i32 to vector<1024x128xi32>
    %shift_left3A_3342 = arith.shli %xor3A_3338, %shift_left3A_3341 : vector<1024x128xi32>
    %shift_right_logical3A_3343 = arith.constant 17 : i32
    %shift_right_logical3A_3344 = vector.broadcast %shift_right_logical3A_3343 : i32 to vector<1024x128xi32>
    %shift_right_logical3A_3345 = arith.shrui %xor3A_3338, %shift_right_logical3A_3344 : vector<1024x128xi32>
    %or3A_3346 = arith.ori %shift_left3A_3342, %shift_right_logical3A_3345 : vector<1024x128xi32>
    %xor3A_3347 = arith.xori %add3A_3339, %or3A_3346 : vector<1024x128xi32>
    %add3A_3348 = arith.addi %add3A_3339, %xor3A_3347 : vector<1024x128xi32>
    %shift_left3A_3349 = arith.constant 26 : i32
    %shift_left3A_3350 = vector.broadcast %shift_left3A_3349 : i32 to vector<1024x128xi32>
    %shift_left3A_3351 = arith.shli %xor3A_3347, %shift_left3A_3350 : vector<1024x128xi32>
    %shift_right_logical3A_3352 = arith.constant 6 : i32
    %shift_right_logical3A_3353 = vector.broadcast %shift_right_logical3A_3352 : i32 to vector<1024x128xi32>
    %shift_right_logical3A_3354 = arith.shrui %xor3A_3347, %shift_right_logical3A_3353 : vector<1024x128xi32>
    %or3A_3355 = arith.ori %shift_left3A_3351, %shift_right_logical3A_3354 : vector<1024x128xi32>
    %xor3A_3356 = arith.xori %add3A_3348, %or3A_3355 : vector<1024x128xi32>
    %add3A_3357 = arith.addi %add3A_3348, %xor3A_3356 : vector<1024x128xi32>
    %shift_left3A_3358 = arith.constant 6 : i32
    %shift_left3A_3359 = vector.broadcast %shift_left3A_3358 : i32 to vector<1024x128xi32>
    %shift_left3A_3360 = arith.shli %xor3A_3356, %shift_left3A_3359 : vector<1024x128xi32>
    %shift_right_logical3A_3361 = arith.constant 26 : i32
    %shift_right_logical3A_3362 = vector.broadcast %shift_right_logical3A_3361 : i32 to vector<1024x128xi32>
    %shift_right_logical3A_3363 = arith.shrui %xor3A_3356, %shift_right_logical3A_3362 : vector<1024x128xi32>
    %or3A_3364 = arith.ori %shift_left3A_3360, %shift_right_logical3A_3363 : vector<1024x128xi32>
    %xor3A_3365 = arith.xori %add3A_3357, %or3A_3364 : vector<1024x128xi32>
    %add3A_3366 = vector.broadcast %get3A_3231 : i32 to vector<1024x128xi32>
    %add3A_3367 = arith.addi %add3A_3357, %add3A_3366 : vector<1024x128xi32>
    %add3A_3368 = vector.broadcast %get3A_3234 : i32 to vector<1024x128xi32>
    %add3A_3369 = arith.addi %xor3A_3365, %add3A_3368 : vector<1024x128xi32>
    %add3A_3370 = arith.constant 3 : i32
    %add3A_3371 = vector.broadcast %add3A_3370 : i32 to vector<1024x128xi32>
    %add3A_3372 = arith.addi %add3A_3369, %add3A_3371 : vector<1024x128xi32>
    %add3A_3373 = arith.addi %add3A_3367, %add3A_3372 : vector<1024x128xi32>
    %shift_left3A_3374 = arith.constant 17 : i32
    %shift_left3A_3375 = vector.broadcast %shift_left3A_3374 : i32 to vector<1024x128xi32>
    %shift_left3A_3376 = arith.shli %add3A_3372, %shift_left3A_3375 : vector<1024x128xi32>
    %shift_right_logical3A_3377 = arith.constant 15 : i32
    %shift_right_logical3A_3378 = vector.broadcast %shift_right_logical3A_3377 : i32 to vector<1024x128xi32>
    %shift_right_logical3A_3379 = arith.shrui %add3A_3372, %shift_right_logical3A_3378 : vector<1024x128xi32>
    %or3A_3380 = arith.ori %shift_left3A_3376, %shift_right_logical3A_3379 : vector<1024x128xi32>
    %xor3A_3381 = arith.xori %add3A_3373, %or3A_3380 : vector<1024x128xi32>
    %add3A_3382 = arith.addi %add3A_3373, %xor3A_3381 : vector<1024x128xi32>
    %shift_left3A_3383 = arith.constant 29 : i32
    %shift_left3A_3384 = vector.broadcast %shift_left3A_3383 : i32 to vector<1024x128xi32>
    %shift_left3A_3385 = arith.shli %xor3A_3381, %shift_left3A_3384 : vector<1024x128xi32>
    %shift_right_logical3A_3386 = arith.constant 3 : i32
    %shift_right_logical3A_3387 = vector.broadcast %shift_right_logical3A_3386 : i32 to vector<1024x128xi32>
    %shift_right_logical3A_3388 = arith.shrui %xor3A_3381, %shift_right_logical3A_3387 : vector<1024x128xi32>
    %or3A_3389 = arith.ori %shift_left3A_3385, %shift_right_logical3A_3388 : vector<1024x128xi32>
    %xor3A_3390 = arith.xori %add3A_3382, %or3A_3389 : vector<1024x128xi32>
    %add3A_3391 = arith.addi %add3A_3382, %xor3A_3390 : vector<1024x128xi32>
    %shift_left3A_3392 = arith.constant 16 : i32
    %shift_left3A_3393 = vector.broadcast %shift_left3A_3392 : i32 to vector<1024x128xi32>
    %shift_left3A_3394 = arith.shli %xor3A_3390, %shift_left3A_3393 : vector<1024x128xi32>
    %shift_right_logical3A_3395 = arith.constant 16 : i32
    %shift_right_logical3A_3396 = vector.broadcast %shift_right_logical3A_3395 : i32 to vector<1024x128xi32>
    %shift_right_logical3A_3397 = arith.shrui %xor3A_3390, %shift_right_logical3A_3396 : vector<1024x128xi32>
    %or3A_3398 = arith.ori %shift_left3A_3394, %shift_right_logical3A_3397 : vector<1024x128xi32>
    %xor3A_3399 = arith.xori %add3A_3391, %or3A_3398 : vector<1024x128xi32>
    %add3A_3400 = arith.addi %add3A_3391, %xor3A_3399 : vector<1024x128xi32>
    %shift_left3A_3401 = arith.constant 24 : i32
    %shift_left3A_3402 = vector.broadcast %shift_left3A_3401 : i32 to vector<1024x128xi32>
    %shift_left3A_3403 = arith.shli %xor3A_3399, %shift_left3A_3402 : vector<1024x128xi32>
    %shift_right_logical3A_3404 = arith.constant 8 : i32
    %shift_right_logical3A_3405 = vector.broadcast %shift_right_logical3A_3404 : i32 to vector<1024x128xi32>
    %shift_right_logical3A_3406 = arith.shrui %xor3A_3399, %shift_right_logical3A_3405 : vector<1024x128xi32>
    %or3A_3407 = arith.ori %shift_left3A_3403, %shift_right_logical3A_3406 : vector<1024x128xi32>
    %xor3A_3408 = arith.xori %add3A_3400, %or3A_3407 : vector<1024x128xi32>
    %add3A_3409 = vector.broadcast %get3A_3234 : i32 to vector<1024x128xi32>
    %add3A_3410 = arith.addi %add3A_3400, %add3A_3409 : vector<1024x128xi32>
    %add3A_3411 = vector.broadcast %xor3A_3239 : i32 to vector<1024x128xi32>
    %add3A_3412 = arith.addi %xor3A_3408, %add3A_3411 : vector<1024x128xi32>
    %add3A_3413 = arith.constant 4 : i32
    %add3A_3414 = vector.broadcast %add3A_3413 : i32 to vector<1024x128xi32>
    %add3A_3415 = arith.addi %add3A_3412, %add3A_3414 : vector<1024x128xi32>
    %add3A_3416 = arith.addi %add3A_3410, %add3A_3415 : vector<1024x128xi32>
    %shift_left3A_3417 = arith.constant 13 : i32
    %shift_left3A_3418 = vector.broadcast %shift_left3A_3417 : i32 to vector<1024x128xi32>
    %shift_left3A_3419 = arith.shli %add3A_3415, %shift_left3A_3418 : vector<1024x128xi32>
    %shift_right_logical3A_3420 = arith.constant 19 : i32
    %shift_right_logical3A_3421 = vector.broadcast %shift_right_logical3A_3420 : i32 to vector<1024x128xi32>
    %shift_right_logical3A_3422 = arith.shrui %add3A_3415, %shift_right_logical3A_3421 : vector<1024x128xi32>
    %or3A_3423 = arith.ori %shift_left3A_3419, %shift_right_logical3A_3422 : vector<1024x128xi32>
    %xor3A_3424 = arith.xori %add3A_3416, %or3A_3423 : vector<1024x128xi32>
    %add3A_3425 = arith.addi %add3A_3416, %xor3A_3424 : vector<1024x128xi32>
    %shift_left3A_3426 = arith.constant 15 : i32
    %shift_left3A_3427 = vector.broadcast %shift_left3A_3426 : i32 to vector<1024x128xi32>
    %shift_left3A_3428 = arith.shli %xor3A_3424, %shift_left3A_3427 : vector<1024x128xi32>
    %shift_right_logical3A_3429 = arith.constant 17 : i32
    %shift_right_logical3A_3430 = vector.broadcast %shift_right_logical3A_3429 : i32 to vector<1024x128xi32>
    %shift_right_logical3A_3431 = arith.shrui %xor3A_3424, %shift_right_logical3A_3430 : vector<1024x128xi32>
    %or3A_3432 = arith.ori %shift_left3A_3428, %shift_right_logical3A_3431 : vector<1024x128xi32>
    %xor3A_3433 = arith.xori %add3A_3425, %or3A_3432 : vector<1024x128xi32>
    %add3A_3434 = arith.addi %add3A_3425, %xor3A_3433 : vector<1024x128xi32>
    %shift_left3A_3435 = arith.constant 26 : i32
    %shift_left3A_3436 = vector.broadcast %shift_left3A_3435 : i32 to vector<1024x128xi32>
    %shift_left3A_3437 = arith.shli %xor3A_3433, %shift_left3A_3436 : vector<1024x128xi32>
    %shift_right_logical3A_3438 = arith.constant 6 : i32
    %shift_right_logical3A_3439 = vector.broadcast %shift_right_logical3A_3438 : i32 to vector<1024x128xi32>
    %shift_right_logical3A_3440 = arith.shrui %xor3A_3433, %shift_right_logical3A_3439 : vector<1024x128xi32>
    %or3A_3441 = arith.ori %shift_left3A_3437, %shift_right_logical3A_3440 : vector<1024x128xi32>
    %xor3A_3442 = arith.xori %add3A_3434, %or3A_3441 : vector<1024x128xi32>
    %add3A_3443 = arith.addi %add3A_3434, %xor3A_3442 : vector<1024x128xi32>
    %shift_left3A_3444 = arith.constant 6 : i32
    %shift_left3A_3445 = vector.broadcast %shift_left3A_3444 : i32 to vector<1024x128xi32>
    %shift_left3A_3446 = arith.shli %xor3A_3442, %shift_left3A_3445 : vector<1024x128xi32>
    %shift_right_logical3A_3447 = arith.constant 26 : i32
    %shift_right_logical3A_3448 = vector.broadcast %shift_right_logical3A_3447 : i32 to vector<1024x128xi32>
    %shift_right_logical3A_3449 = arith.shrui %xor3A_3442, %shift_right_logical3A_3448 : vector<1024x128xi32>
    %or3A_3450 = arith.ori %shift_left3A_3446, %shift_right_logical3A_3449 : vector<1024x128xi32>
    %xor3A_3451 = arith.xori %add3A_3443, %or3A_3450 : vector<1024x128xi32>
    %add3A_3452 = vector.broadcast %xor3A_3239 : i32 to vector<1024x128xi32>
    %add3A_3453 = arith.addi %add3A_3443, %add3A_3452 : vector<1024x128xi32>
    %add3A_3454 = vector.broadcast %get3A_3231 : i32 to vector<1024x128xi32>
    %add3A_3455 = arith.addi %xor3A_3451, %add3A_3454 : vector<1024x128xi32>
    %add3A_3456 = arith.constant 5 : i32
    %add3A_3457 = vector.broadcast %add3A_3456 : i32 to vector<1024x128xi32>
    %add3A_3458 = arith.addi %add3A_3455, %add3A_3457 : vector<1024x128xi32>
    %xor3A_3459 = arith.xori %add3A_3453, %add3A_3458 : vector<1024x128xi32>
    %shift_right_logical3A_3460 = arith.constant 9 : i32
    %shift_right_logical3A_3461 = vector.broadcast %shift_right_logical3A_3460 : i32 to vector<1024x128xi32>
    %shift_right_logical3A_3462 = arith.shrui %xor3A_3459, %shift_right_logical3A_3461 : vector<1024x128xi32>
    %or3A_3463 = arith.constant 1065353216 : i32
    %or3A_3464 = vector.broadcast %or3A_3463 : i32 to vector<1024x128xi32>
    %or3A_3465 = arith.ori %shift_right_logical3A_3462, %or3A_3464 : vector<1024x128xi32>
    %bitcast_convert_type3A_3466 = tpu.bitcast %or3A_3465 : vector<1024x128xi32> -> vector<1024x128xf32>
    %sub3A_3467 = arith.constant 1.000000e+00 : f32
    %sub3A_3468 = vector.broadcast %sub3A_3467 : f32 to vector<1024x128xf32>
    %sub3A_3469 = arith.subf %bitcast_convert_type3A_3466, %sub3A_3468 : vector<1024x128xf32>
    %sub3A_3470 = arith.subf %select_n3A_3228, %select_n3A_3223 : vector<1024x128xf32>
    %mul3A_3471 = arith.mulf %sub3A_3469, %sub3A_3470 : vector<1024x128xf32>
    %add3A_3472 = arith.addf %mul3A_3471, %select_n3A_3223 : vector<1024x128xf32>
    %broadcast_in_dim3A_3473 = vector.shape_cast %gt3A_3219 : vector<1024x1xi1> to vector<1024x1xi1>
    %broadcast_in_dim3A_3474 = vector.broadcast %broadcast_in_dim3A_3473 : vector<1024x1xi1> to vector<1024x128xi1>
    %select_n3A_3475 = arith.select %broadcast_in_dim3A_3474, %add3A_3472, %select_n3A_3202 : vector<1024x128xi1>, vector<1024x128xf32>
    %mul3A_3476 = arith.mulf %select_n3A_3475, %select_n3A_3475 : vector<1024x128xf32>
    %reduce_sum3A_3477 = arith.constant dense<0.000000e+00> : vector<1024xf32>
    %reduce_sum3A_3478 = vector.multi_reduction <add>, %mul3A_3476, %reduce_sum3A_3477 [1] : vector<1024x128xf32> to vector<1024xf32>
    %broadcast_in_dim3A_3479 = vector.shape_cast %reduce_sum3A_3478 : vector<1024xf32> to vector<1024x1xf32>
    %mul3A_3480 = arith.constant -5.000000e-01 : f32
    %mul3A_3481 = vector.broadcast %mul3A_3480 : f32 to vector<1024x1xf32>
    %mul3A_3482 = arith.mulf %mul3A_3481, %broadcast_in_dim3A_3479 : vector<1024x1xf32>
    %lt3A_3483 = arith.cmpf olt, %mul3A_3482, %add3A_253 : vector<1024x1xf32>
    %and3A_3484 = arith.andi %gt3A_3219, %lt3A_3483 : vector<1024x1xi1>
    %jit3A_3485 = arith.constant 1.000000e+00 : f32
    %jit3A_3486 = arith.constant 0.000000e+00 : f32
    %broadcast_in_dim3A_3487 = vector.broadcast %jit3A_3485 : f32 to vector<1024x1xf32>
    %broadcast_in_dim3A_3488 = vector.broadcast %jit3A_3486 : f32 to vector<1024x1xf32>
    %select_n3A_3489 = arith.select %and3A_3484, %broadcast_in_dim3A_3487, %broadcast_in_dim3A_3488 : vector<1024x1xi1>, vector<1024x1xf32>
    %gt3A_3490 = arith.constant 0.000000e+00 : f32
    %gt3A_3491 = vector.broadcast %gt3A_3490 : f32 to vector<1024x1xf32>
    %gt3A_3492 = arith.cmpf ogt, %select_n3A_3489, %gt3A_3491 : vector<1024x1xf32>
    %lt3A_3493 = arith.cmpf olt, %select_n3A_3475, %get3A_1 : vector<1024x128xf32>
    %and3A_3494 = vector.broadcast %gt3A_3492 : vector<1024x1xi1> to vector<1024x128xi1>
    %and3A_3495 = arith.andi %and3A_3494, %lt3A_3493 : vector<1024x128xi1>
    %select_n3A_3496 = arith.select %and3A_3495, %select_n3A_3475, %select_n3A_3223 : vector<1024x128xi1>, vector<1024x128xf32>
    %not3A_3497 = arith.constant dense<true> : vector<1024x128xi1>
    %not3A_3498 = arith.xori %lt3A_3493, %not3A_3497 : vector<1024x128xi1>
    %and3A_3499 = vector.broadcast %gt3A_3492 : vector<1024x1xi1> to vector<1024x128xi1>
    %and3A_3500 = arith.andi %and3A_3499, %not3A_3498 : vector<1024x128xi1>
    %select_n3A_3501 = arith.select %and3A_3500, %select_n3A_3475, %select_n3A_3228 : vector<1024x128xi1>, vector<1024x128xf32>
    %get3A_3502 = arith.constant 14 : index
    %get3A_3503 = arith.constant 0 : index
    %get3A_3504 = memref.load %arg1[%get3A_3502, %get3A_3503] : memref<54x2xi32, #tpu.memory_space<smem>>
    %get3A_3505 = arith.constant 14 : index
    %get3A_3506 = arith.constant 1 : index
    %get3A_3507 = memref.load %arg1[%get3A_3505, %get3A_3506] : memref<54x2xi32, #tpu.memory_space<smem>>
    %broadcast_in_dim3A_3508 = arith.constant 0 : i32
    %broadcast_in_dim3A_3509 = vector.broadcast %broadcast_in_dim3A_3508 : i32 to vector<1024x128xi32>
    %xor3A_3510 = arith.xori %get3A_3504, %get3A_3507 : i32
    %xor3A_3511 = arith.constant 466688986 : i32
    %xor3A_3512 = arith.xori %xor3A_3510, %xor3A_3511 : i32
    %add3A_3513 = vector.broadcast %get3A_3504 : i32 to vector<1024x128xi32>
    %add3A_3514 = arith.addi %broadcast_in_dim3A_3509, %add3A_3513 : vector<1024x128xi32>
    %add3A_3515 = vector.broadcast %get3A_3507 : i32 to vector<1024x128xi32>
    %add3A_3516 = arith.addi %add3A_9, %add3A_3515 : vector<1024x128xi32>
    %add3A_3517 = arith.addi %add3A_3514, %add3A_3516 : vector<1024x128xi32>
    %shift_left3A_3518 = arith.constant 13 : i32
    %shift_left3A_3519 = vector.broadcast %shift_left3A_3518 : i32 to vector<1024x128xi32>
    %shift_left3A_3520 = arith.shli %add3A_3516, %shift_left3A_3519 : vector<1024x128xi32>
    %shift_right_logical3A_3521 = arith.constant 19 : i32
    %shift_right_logical3A_3522 = vector.broadcast %shift_right_logical3A_3521 : i32 to vector<1024x128xi32>
    %shift_right_logical3A_3523 = arith.shrui %add3A_3516, %shift_right_logical3A_3522 : vector<1024x128xi32>
    %or3A_3524 = arith.ori %shift_left3A_3520, %shift_right_logical3A_3523 : vector<1024x128xi32>
    %xor3A_3525 = arith.xori %add3A_3517, %or3A_3524 : vector<1024x128xi32>
    %add3A_3526 = arith.addi %add3A_3517, %xor3A_3525 : vector<1024x128xi32>
    %shift_left3A_3527 = arith.constant 15 : i32
    %shift_left3A_3528 = vector.broadcast %shift_left3A_3527 : i32 to vector<1024x128xi32>
    %shift_left3A_3529 = arith.shli %xor3A_3525, %shift_left3A_3528 : vector<1024x128xi32>
    %shift_right_logical3A_3530 = arith.constant 17 : i32
    %shift_right_logical3A_3531 = vector.broadcast %shift_right_logical3A_3530 : i32 to vector<1024x128xi32>
    %shift_right_logical3A_3532 = arith.shrui %xor3A_3525, %shift_right_logical3A_3531 : vector<1024x128xi32>
    %or3A_3533 = arith.ori %shift_left3A_3529, %shift_right_logical3A_3532 : vector<1024x128xi32>
    %xor3A_3534 = arith.xori %add3A_3526, %or3A_3533 : vector<1024x128xi32>
    %add3A_3535 = arith.addi %add3A_3526, %xor3A_3534 : vector<1024x128xi32>
    %shift_left3A_3536 = arith.constant 26 : i32
    %shift_left3A_3537 = vector.broadcast %shift_left3A_3536 : i32 to vector<1024x128xi32>
    %shift_left3A_3538 = arith.shli %xor3A_3534, %shift_left3A_3537 : vector<1024x128xi32>
    %shift_right_logical3A_3539 = arith.constant 6 : i32
    %shift_right_logical3A_3540 = vector.broadcast %shift_right_logical3A_3539 : i32 to vector<1024x128xi32>
    %shift_right_logical3A_3541 = arith.shrui %xor3A_3534, %shift_right_logical3A_3540 : vector<1024x128xi32>
    %or3A_3542 = arith.ori %shift_left3A_3538, %shift_right_logical3A_3541 : vector<1024x128xi32>
    %xor3A_3543 = arith.xori %add3A_3535, %or3A_3542 : vector<1024x128xi32>
    %add3A_3544 = arith.addi %add3A_3535, %xor3A_3543 : vector<1024x128xi32>
    %shift_left3A_3545 = arith.constant 6 : i32
    %shift_left3A_3546 = vector.broadcast %shift_left3A_3545 : i32 to vector<1024x128xi32>
    %shift_left3A_3547 = arith.shli %xor3A_3543, %shift_left3A_3546 : vector<1024x128xi32>
    %shift_right_logical3A_3548 = arith.constant 26 : i32
    %shift_right_logical3A_3549 = vector.broadcast %shift_right_logical3A_3548 : i32 to vector<1024x128xi32>
    %shift_right_logical3A_3550 = arith.shrui %xor3A_3543, %shift_right_logical3A_3549 : vector<1024x128xi32>
    %or3A_3551 = arith.ori %shift_left3A_3547, %shift_right_logical3A_3550 : vector<1024x128xi32>
    %xor3A_3552 = arith.xori %add3A_3544, %or3A_3551 : vector<1024x128xi32>
    %add3A_3553 = vector.broadcast %get3A_3507 : i32 to vector<1024x128xi32>
    %add3A_3554 = arith.addi %add3A_3544, %add3A_3553 : vector<1024x128xi32>
    %add3A_3555 = vector.broadcast %xor3A_3512 : i32 to vector<1024x128xi32>
    %add3A_3556 = arith.addi %xor3A_3552, %add3A_3555 : vector<1024x128xi32>
    %add3A_3557 = arith.constant 1 : i32
    %add3A_3558 = vector.broadcast %add3A_3557 : i32 to vector<1024x128xi32>
    %add3A_3559 = arith.addi %add3A_3556, %add3A_3558 : vector<1024x128xi32>
    %add3A_3560 = arith.addi %add3A_3554, %add3A_3559 : vector<1024x128xi32>
    %shift_left3A_3561 = arith.constant 17 : i32
    %shift_left3A_3562 = vector.broadcast %shift_left3A_3561 : i32 to vector<1024x128xi32>
    %shift_left3A_3563 = arith.shli %add3A_3559, %shift_left3A_3562 : vector<1024x128xi32>
    %shift_right_logical3A_3564 = arith.constant 15 : i32
    %shift_right_logical3A_3565 = vector.broadcast %shift_right_logical3A_3564 : i32 to vector<1024x128xi32>
    %shift_right_logical3A_3566 = arith.shrui %add3A_3559, %shift_right_logical3A_3565 : vector<1024x128xi32>
    %or3A_3567 = arith.ori %shift_left3A_3563, %shift_right_logical3A_3566 : vector<1024x128xi32>
    %xor3A_3568 = arith.xori %add3A_3560, %or3A_3567 : vector<1024x128xi32>
    %add3A_3569 = arith.addi %add3A_3560, %xor3A_3568 : vector<1024x128xi32>
    %shift_left3A_3570 = arith.constant 29 : i32
    %shift_left3A_3571 = vector.broadcast %shift_left3A_3570 : i32 to vector<1024x128xi32>
    %shift_left3A_3572 = arith.shli %xor3A_3568, %shift_left3A_3571 : vector<1024x128xi32>
    %shift_right_logical3A_3573 = arith.constant 3 : i32
    %shift_right_logical3A_3574 = vector.broadcast %shift_right_logical3A_3573 : i32 to vector<1024x128xi32>
    %shift_right_logical3A_3575 = arith.shrui %xor3A_3568, %shift_right_logical3A_3574 : vector<1024x128xi32>
    %or3A_3576 = arith.ori %shift_left3A_3572, %shift_right_logical3A_3575 : vector<1024x128xi32>
    %xor3A_3577 = arith.xori %add3A_3569, %or3A_3576 : vector<1024x128xi32>
    %add3A_3578 = arith.addi %add3A_3569, %xor3A_3577 : vector<1024x128xi32>
    %shift_left3A_3579 = arith.constant 16 : i32
    %shift_left3A_3580 = vector.broadcast %shift_left3A_3579 : i32 to vector<1024x128xi32>
    %shift_left3A_3581 = arith.shli %xor3A_3577, %shift_left3A_3580 : vector<1024x128xi32>
    %shift_right_logical3A_3582 = arith.constant 16 : i32
    %shift_right_logical3A_3583 = vector.broadcast %shift_right_logical3A_3582 : i32 to vector<1024x128xi32>
    %shift_right_logical3A_3584 = arith.shrui %xor3A_3577, %shift_right_logical3A_3583 : vector<1024x128xi32>
    %or3A_3585 = arith.ori %shift_left3A_3581, %shift_right_logical3A_3584 : vector<1024x128xi32>
    %xor3A_3586 = arith.xori %add3A_3578, %or3A_3585 : vector<1024x128xi32>
    %add3A_3587 = arith.addi %add3A_3578, %xor3A_3586 : vector<1024x128xi32>
    %shift_left3A_3588 = arith.constant 24 : i32
    %shift_left3A_3589 = vector.broadcast %shift_left3A_3588 : i32 to vector<1024x128xi32>
    %shift_left3A_3590 = arith.shli %xor3A_3586, %shift_left3A_3589 : vector<1024x128xi32>
    %shift_right_logical3A_3591 = arith.constant 8 : i32
    %shift_right_logical3A_3592 = vector.broadcast %shift_right_logical3A_3591 : i32 to vector<1024x128xi32>
    %shift_right_logical3A_3593 = arith.shrui %xor3A_3586, %shift_right_logical3A_3592 : vector<1024x128xi32>
    %or3A_3594 = arith.ori %shift_left3A_3590, %shift_right_logical3A_3593 : vector<1024x128xi32>
    %xor3A_3595 = arith.xori %add3A_3587, %or3A_3594 : vector<1024x128xi32>
    %add3A_3596 = vector.broadcast %xor3A_3512 : i32 to vector<1024x128xi32>
    %add3A_3597 = arith.addi %add3A_3587, %add3A_3596 : vector<1024x128xi32>
    %add3A_3598 = vector.broadcast %get3A_3504 : i32 to vector<1024x128xi32>
    %add3A_3599 = arith.addi %xor3A_3595, %add3A_3598 : vector<1024x128xi32>
    %add3A_3600 = arith.constant 2 : i32
    %add3A_3601 = vector.broadcast %add3A_3600 : i32 to vector<1024x128xi32>
    %add3A_3602 = arith.addi %add3A_3599, %add3A_3601 : vector<1024x128xi32>
    %add3A_3603 = arith.addi %add3A_3597, %add3A_3602 : vector<1024x128xi32>
    %shift_left3A_3604 = arith.constant 13 : i32
    %shift_left3A_3605 = vector.broadcast %shift_left3A_3604 : i32 to vector<1024x128xi32>
    %shift_left3A_3606 = arith.shli %add3A_3602, %shift_left3A_3605 : vector<1024x128xi32>
    %shift_right_logical3A_3607 = arith.constant 19 : i32
    %shift_right_logical3A_3608 = vector.broadcast %shift_right_logical3A_3607 : i32 to vector<1024x128xi32>
    %shift_right_logical3A_3609 = arith.shrui %add3A_3602, %shift_right_logical3A_3608 : vector<1024x128xi32>
    %or3A_3610 = arith.ori %shift_left3A_3606, %shift_right_logical3A_3609 : vector<1024x128xi32>
    %xor3A_3611 = arith.xori %add3A_3603, %or3A_3610 : vector<1024x128xi32>
    %add3A_3612 = arith.addi %add3A_3603, %xor3A_3611 : vector<1024x128xi32>
    %shift_left3A_3613 = arith.constant 15 : i32
    %shift_left3A_3614 = vector.broadcast %shift_left3A_3613 : i32 to vector<1024x128xi32>
    %shift_left3A_3615 = arith.shli %xor3A_3611, %shift_left3A_3614 : vector<1024x128xi32>
    %shift_right_logical3A_3616 = arith.constant 17 : i32
    %shift_right_logical3A_3617 = vector.broadcast %shift_right_logical3A_3616 : i32 to vector<1024x128xi32>
    %shift_right_logical3A_3618 = arith.shrui %xor3A_3611, %shift_right_logical3A_3617 : vector<1024x128xi32>
    %or3A_3619 = arith.ori %shift_left3A_3615, %shift_right_logical3A_3618 : vector<1024x128xi32>
    %xor3A_3620 = arith.xori %add3A_3612, %or3A_3619 : vector<1024x128xi32>
    %add3A_3621 = arith.addi %add3A_3612, %xor3A_3620 : vector<1024x128xi32>
    %shift_left3A_3622 = arith.constant 26 : i32
    %shift_left3A_3623 = vector.broadcast %shift_left3A_3622 : i32 to vector<1024x128xi32>
    %shift_left3A_3624 = arith.shli %xor3A_3620, %shift_left3A_3623 : vector<1024x128xi32>
    %shift_right_logical3A_3625 = arith.constant 6 : i32
    %shift_right_logical3A_3626 = vector.broadcast %shift_right_logical3A_3625 : i32 to vector<1024x128xi32>
    %shift_right_logical3A_3627 = arith.shrui %xor3A_3620, %shift_right_logical3A_3626 : vector<1024x128xi32>
    %or3A_3628 = arith.ori %shift_left3A_3624, %shift_right_logical3A_3627 : vector<1024x128xi32>
    %xor3A_3629 = arith.xori %add3A_3621, %or3A_3628 : vector<1024x128xi32>
    %add3A_3630 = arith.addi %add3A_3621, %xor3A_3629 : vector<1024x128xi32>
    %shift_left3A_3631 = arith.constant 6 : i32
    %shift_left3A_3632 = vector.broadcast %shift_left3A_3631 : i32 to vector<1024x128xi32>
    %shift_left3A_3633 = arith.shli %xor3A_3629, %shift_left3A_3632 : vector<1024x128xi32>
    %shift_right_logical3A_3634 = arith.constant 26 : i32
    %shift_right_logical3A_3635 = vector.broadcast %shift_right_logical3A_3634 : i32 to vector<1024x128xi32>
    %shift_right_logical3A_3636 = arith.shrui %xor3A_3629, %shift_right_logical3A_3635 : vector<1024x128xi32>
    %or3A_3637 = arith.ori %shift_left3A_3633, %shift_right_logical3A_3636 : vector<1024x128xi32>
    %xor3A_3638 = arith.xori %add3A_3630, %or3A_3637 : vector<1024x128xi32>
    %add3A_3639 = vector.broadcast %get3A_3504 : i32 to vector<1024x128xi32>
    %add3A_3640 = arith.addi %add3A_3630, %add3A_3639 : vector<1024x128xi32>
    %add3A_3641 = vector.broadcast %get3A_3507 : i32 to vector<1024x128xi32>
    %add3A_3642 = arith.addi %xor3A_3638, %add3A_3641 : vector<1024x128xi32>
    %add3A_3643 = arith.constant 3 : i32
    %add3A_3644 = vector.broadcast %add3A_3643 : i32 to vector<1024x128xi32>
    %add3A_3645 = arith.addi %add3A_3642, %add3A_3644 : vector<1024x128xi32>
    %add3A_3646 = arith.addi %add3A_3640, %add3A_3645 : vector<1024x128xi32>
    %shift_left3A_3647 = arith.constant 17 : i32
    %shift_left3A_3648 = vector.broadcast %shift_left3A_3647 : i32 to vector<1024x128xi32>
    %shift_left3A_3649 = arith.shli %add3A_3645, %shift_left3A_3648 : vector<1024x128xi32>
    %shift_right_logical3A_3650 = arith.constant 15 : i32
    %shift_right_logical3A_3651 = vector.broadcast %shift_right_logical3A_3650 : i32 to vector<1024x128xi32>
    %shift_right_logical3A_3652 = arith.shrui %add3A_3645, %shift_right_logical3A_3651 : vector<1024x128xi32>
    %or3A_3653 = arith.ori %shift_left3A_3649, %shift_right_logical3A_3652 : vector<1024x128xi32>
    %xor3A_3654 = arith.xori %add3A_3646, %or3A_3653 : vector<1024x128xi32>
    %add3A_3655 = arith.addi %add3A_3646, %xor3A_3654 : vector<1024x128xi32>
    %shift_left3A_3656 = arith.constant 29 : i32
    %shift_left3A_3657 = vector.broadcast %shift_left3A_3656 : i32 to vector<1024x128xi32>
    %shift_left3A_3658 = arith.shli %xor3A_3654, %shift_left3A_3657 : vector<1024x128xi32>
    %shift_right_logical3A_3659 = arith.constant 3 : i32
    %shift_right_logical3A_3660 = vector.broadcast %shift_right_logical3A_3659 : i32 to vector<1024x128xi32>
    %shift_right_logical3A_3661 = arith.shrui %xor3A_3654, %shift_right_logical3A_3660 : vector<1024x128xi32>
    %or3A_3662 = arith.ori %shift_left3A_3658, %shift_right_logical3A_3661 : vector<1024x128xi32>
    %xor3A_3663 = arith.xori %add3A_3655, %or3A_3662 : vector<1024x128xi32>
    %add3A_3664 = arith.addi %add3A_3655, %xor3A_3663 : vector<1024x128xi32>
    %shift_left3A_3665 = arith.constant 16 : i32
    %shift_left3A_3666 = vector.broadcast %shift_left3A_3665 : i32 to vector<1024x128xi32>
    %shift_left3A_3667 = arith.shli %xor3A_3663, %shift_left3A_3666 : vector<1024x128xi32>
    %shift_right_logical3A_3668 = arith.constant 16 : i32
    %shift_right_logical3A_3669 = vector.broadcast %shift_right_logical3A_3668 : i32 to vector<1024x128xi32>
    %shift_right_logical3A_3670 = arith.shrui %xor3A_3663, %shift_right_logical3A_3669 : vector<1024x128xi32>
    %or3A_3671 = arith.ori %shift_left3A_3667, %shift_right_logical3A_3670 : vector<1024x128xi32>
    %xor3A_3672 = arith.xori %add3A_3664, %or3A_3671 : vector<1024x128xi32>
    %add3A_3673 = arith.addi %add3A_3664, %xor3A_3672 : vector<1024x128xi32>
    %shift_left3A_3674 = arith.constant 24 : i32
    %shift_left3A_3675 = vector.broadcast %shift_left3A_3674 : i32 to vector<1024x128xi32>
    %shift_left3A_3676 = arith.shli %xor3A_3672, %shift_left3A_3675 : vector<1024x128xi32>
    %shift_right_logical3A_3677 = arith.constant 8 : i32
    %shift_right_logical3A_3678 = vector.broadcast %shift_right_logical3A_3677 : i32 to vector<1024x128xi32>
    %shift_right_logical3A_3679 = arith.shrui %xor3A_3672, %shift_right_logical3A_3678 : vector<1024x128xi32>
    %or3A_3680 = arith.ori %shift_left3A_3676, %shift_right_logical3A_3679 : vector<1024x128xi32>
    %xor3A_3681 = arith.xori %add3A_3673, %or3A_3680 : vector<1024x128xi32>
    %add3A_3682 = vector.broadcast %get3A_3507 : i32 to vector<1024x128xi32>
    %add3A_3683 = arith.addi %add3A_3673, %add3A_3682 : vector<1024x128xi32>
    %add3A_3684 = vector.broadcast %xor3A_3512 : i32 to vector<1024x128xi32>
    %add3A_3685 = arith.addi %xor3A_3681, %add3A_3684 : vector<1024x128xi32>
    %add3A_3686 = arith.constant 4 : i32
    %add3A_3687 = vector.broadcast %add3A_3686 : i32 to vector<1024x128xi32>
    %add3A_3688 = arith.addi %add3A_3685, %add3A_3687 : vector<1024x128xi32>
    %add3A_3689 = arith.addi %add3A_3683, %add3A_3688 : vector<1024x128xi32>
    %shift_left3A_3690 = arith.constant 13 : i32
    %shift_left3A_3691 = vector.broadcast %shift_left3A_3690 : i32 to vector<1024x128xi32>
    %shift_left3A_3692 = arith.shli %add3A_3688, %shift_left3A_3691 : vector<1024x128xi32>
    %shift_right_logical3A_3693 = arith.constant 19 : i32
    %shift_right_logical3A_3694 = vector.broadcast %shift_right_logical3A_3693 : i32 to vector<1024x128xi32>
    %shift_right_logical3A_3695 = arith.shrui %add3A_3688, %shift_right_logical3A_3694 : vector<1024x128xi32>
    %or3A_3696 = arith.ori %shift_left3A_3692, %shift_right_logical3A_3695 : vector<1024x128xi32>
    %xor3A_3697 = arith.xori %add3A_3689, %or3A_3696 : vector<1024x128xi32>
    %add3A_3698 = arith.addi %add3A_3689, %xor3A_3697 : vector<1024x128xi32>
    %shift_left3A_3699 = arith.constant 15 : i32
    %shift_left3A_3700 = vector.broadcast %shift_left3A_3699 : i32 to vector<1024x128xi32>
    %shift_left3A_3701 = arith.shli %xor3A_3697, %shift_left3A_3700 : vector<1024x128xi32>
    %shift_right_logical3A_3702 = arith.constant 17 : i32
    %shift_right_logical3A_3703 = vector.broadcast %shift_right_logical3A_3702 : i32 to vector<1024x128xi32>
    %shift_right_logical3A_3704 = arith.shrui %xor3A_3697, %shift_right_logical3A_3703 : vector<1024x128xi32>
    %or3A_3705 = arith.ori %shift_left3A_3701, %shift_right_logical3A_3704 : vector<1024x128xi32>
    %xor3A_3706 = arith.xori %add3A_3698, %or3A_3705 : vector<1024x128xi32>
    %add3A_3707 = arith.addi %add3A_3698, %xor3A_3706 : vector<1024x128xi32>
    %shift_left3A_3708 = arith.constant 26 : i32
    %shift_left3A_3709 = vector.broadcast %shift_left3A_3708 : i32 to vector<1024x128xi32>
    %shift_left3A_3710 = arith.shli %xor3A_3706, %shift_left3A_3709 : vector<1024x128xi32>
    %shift_right_logical3A_3711 = arith.constant 6 : i32
    %shift_right_logical3A_3712 = vector.broadcast %shift_right_logical3A_3711 : i32 to vector<1024x128xi32>
    %shift_right_logical3A_3713 = arith.shrui %xor3A_3706, %shift_right_logical3A_3712 : vector<1024x128xi32>
    %or3A_3714 = arith.ori %shift_left3A_3710, %shift_right_logical3A_3713 : vector<1024x128xi32>
    %xor3A_3715 = arith.xori %add3A_3707, %or3A_3714 : vector<1024x128xi32>
    %add3A_3716 = arith.addi %add3A_3707, %xor3A_3715 : vector<1024x128xi32>
    %shift_left3A_3717 = arith.constant 6 : i32
    %shift_left3A_3718 = vector.broadcast %shift_left3A_3717 : i32 to vector<1024x128xi32>
    %shift_left3A_3719 = arith.shli %xor3A_3715, %shift_left3A_3718 : vector<1024x128xi32>
    %shift_right_logical3A_3720 = arith.constant 26 : i32
    %shift_right_logical3A_3721 = vector.broadcast %shift_right_logical3A_3720 : i32 to vector<1024x128xi32>
    %shift_right_logical3A_3722 = arith.shrui %xor3A_3715, %shift_right_logical3A_3721 : vector<1024x128xi32>
    %or3A_3723 = arith.ori %shift_left3A_3719, %shift_right_logical3A_3722 : vector<1024x128xi32>
    %xor3A_3724 = arith.xori %add3A_3716, %or3A_3723 : vector<1024x128xi32>
    %add3A_3725 = vector.broadcast %xor3A_3512 : i32 to vector<1024x128xi32>
    %add3A_3726 = arith.addi %add3A_3716, %add3A_3725 : vector<1024x128xi32>
    %add3A_3727 = vector.broadcast %get3A_3504 : i32 to vector<1024x128xi32>
    %add3A_3728 = arith.addi %xor3A_3724, %add3A_3727 : vector<1024x128xi32>
    %add3A_3729 = arith.constant 5 : i32
    %add3A_3730 = vector.broadcast %add3A_3729 : i32 to vector<1024x128xi32>
    %add3A_3731 = arith.addi %add3A_3728, %add3A_3730 : vector<1024x128xi32>
    %xor3A_3732 = arith.xori %add3A_3726, %add3A_3731 : vector<1024x128xi32>
    %shift_right_logical3A_3733 = arith.constant 9 : i32
    %shift_right_logical3A_3734 = vector.broadcast %shift_right_logical3A_3733 : i32 to vector<1024x128xi32>
    %shift_right_logical3A_3735 = arith.shrui %xor3A_3732, %shift_right_logical3A_3734 : vector<1024x128xi32>
    %or3A_3736 = arith.constant 1065353216 : i32
    %or3A_3737 = vector.broadcast %or3A_3736 : i32 to vector<1024x128xi32>
    %or3A_3738 = arith.ori %shift_right_logical3A_3735, %or3A_3737 : vector<1024x128xi32>
    %bitcast_convert_type3A_3739 = tpu.bitcast %or3A_3738 : vector<1024x128xi32> -> vector<1024x128xf32>
    %sub3A_3740 = arith.constant 1.000000e+00 : f32
    %sub3A_3741 = vector.broadcast %sub3A_3740 : f32 to vector<1024x128xf32>
    %sub3A_3742 = arith.subf %bitcast_convert_type3A_3739, %sub3A_3741 : vector<1024x128xf32>
    %sub3A_3743 = arith.subf %select_n3A_3501, %select_n3A_3496 : vector<1024x128xf32>
    %mul3A_3744 = arith.mulf %sub3A_3742, %sub3A_3743 : vector<1024x128xf32>
    %add3A_3745 = arith.addf %mul3A_3744, %select_n3A_3496 : vector<1024x128xf32>
    %broadcast_in_dim3A_3746 = vector.shape_cast %gt3A_3492 : vector<1024x1xi1> to vector<1024x1xi1>
    %broadcast_in_dim3A_3747 = vector.broadcast %broadcast_in_dim3A_3746 : vector<1024x1xi1> to vector<1024x128xi1>
    %select_n3A_3748 = arith.select %broadcast_in_dim3A_3747, %add3A_3745, %select_n3A_3475 : vector<1024x128xi1>, vector<1024x128xf32>
    %mul3A_3749 = arith.mulf %select_n3A_3748, %select_n3A_3748 : vector<1024x128xf32>
    %reduce_sum3A_3750 = arith.constant dense<0.000000e+00> : vector<1024xf32>
    %reduce_sum3A_3751 = vector.multi_reduction <add>, %mul3A_3749, %reduce_sum3A_3750 [1] : vector<1024x128xf32> to vector<1024xf32>
    %broadcast_in_dim3A_3752 = vector.shape_cast %reduce_sum3A_3751 : vector<1024xf32> to vector<1024x1xf32>
    %mul3A_3753 = arith.constant -5.000000e-01 : f32
    %mul3A_3754 = vector.broadcast %mul3A_3753 : f32 to vector<1024x1xf32>
    %mul3A_3755 = arith.mulf %mul3A_3754, %broadcast_in_dim3A_3752 : vector<1024x1xf32>
    %lt3A_3756 = arith.cmpf olt, %mul3A_3755, %add3A_253 : vector<1024x1xf32>
    %and3A_3757 = arith.andi %gt3A_3492, %lt3A_3756 : vector<1024x1xi1>
    %jit3A_3758 = arith.constant 1.000000e+00 : f32
    %jit3A_3759 = arith.constant 0.000000e+00 : f32
    %broadcast_in_dim3A_3760 = vector.broadcast %jit3A_3758 : f32 to vector<1024x1xf32>
    %broadcast_in_dim3A_3761 = vector.broadcast %jit3A_3759 : f32 to vector<1024x1xf32>
    %select_n3A_3762 = arith.select %and3A_3757, %broadcast_in_dim3A_3760, %broadcast_in_dim3A_3761 : vector<1024x1xi1>, vector<1024x1xf32>
    %gt3A_3763 = arith.constant 0.000000e+00 : f32
    %gt3A_3764 = vector.broadcast %gt3A_3763 : f32 to vector<1024x1xf32>
    %gt3A_3765 = arith.cmpf ogt, %select_n3A_3762, %gt3A_3764 : vector<1024x1xf32>
    %lt3A_3766 = arith.cmpf olt, %select_n3A_3748, %get3A_1 : vector<1024x128xf32>
    %and3A_3767 = vector.broadcast %gt3A_3765 : vector<1024x1xi1> to vector<1024x128xi1>
    %and3A_3768 = arith.andi %and3A_3767, %lt3A_3766 : vector<1024x128xi1>
    %select_n3A_3769 = arith.select %and3A_3768, %select_n3A_3748, %select_n3A_3496 : vector<1024x128xi1>, vector<1024x128xf32>
    %not3A_3770 = arith.constant dense<true> : vector<1024x128xi1>
    %not3A_3771 = arith.xori %lt3A_3766, %not3A_3770 : vector<1024x128xi1>
    %and3A_3772 = vector.broadcast %gt3A_3765 : vector<1024x1xi1> to vector<1024x128xi1>
    %and3A_3773 = arith.andi %and3A_3772, %not3A_3771 : vector<1024x128xi1>
    %select_n3A_3774 = arith.select %and3A_3773, %select_n3A_3748, %select_n3A_3501 : vector<1024x128xi1>, vector<1024x128xf32>
    %get3A_3775 = arith.constant 15 : index
    %get3A_3776 = arith.constant 0 : index
    %get3A_3777 = memref.load %arg1[%get3A_3775, %get3A_3776] : memref<54x2xi32, #tpu.memory_space<smem>>
    %get3A_3778 = arith.constant 15 : index
    %get3A_3779 = arith.constant 1 : index
    %get3A_3780 = memref.load %arg1[%get3A_3778, %get3A_3779] : memref<54x2xi32, #tpu.memory_space<smem>>
    %broadcast_in_dim3A_3781 = arith.constant 0 : i32
    %broadcast_in_dim3A_3782 = vector.broadcast %broadcast_in_dim3A_3781 : i32 to vector<1024x128xi32>
    %xor3A_3783 = arith.xori %get3A_3777, %get3A_3780 : i32
    %xor3A_3784 = arith.constant 466688986 : i32
    %xor3A_3785 = arith.xori %xor3A_3783, %xor3A_3784 : i32
    %add3A_3786 = vector.broadcast %get3A_3777 : i32 to vector<1024x128xi32>
    %add3A_3787 = arith.addi %broadcast_in_dim3A_3782, %add3A_3786 : vector<1024x128xi32>
    %add3A_3788 = vector.broadcast %get3A_3780 : i32 to vector<1024x128xi32>
    %add3A_3789 = arith.addi %add3A_9, %add3A_3788 : vector<1024x128xi32>
    %add3A_3790 = arith.addi %add3A_3787, %add3A_3789 : vector<1024x128xi32>
    %shift_left3A_3791 = arith.constant 13 : i32
    %shift_left3A_3792 = vector.broadcast %shift_left3A_3791 : i32 to vector<1024x128xi32>
    %shift_left3A_3793 = arith.shli %add3A_3789, %shift_left3A_3792 : vector<1024x128xi32>
    %shift_right_logical3A_3794 = arith.constant 19 : i32
    %shift_right_logical3A_3795 = vector.broadcast %shift_right_logical3A_3794 : i32 to vector<1024x128xi32>
    %shift_right_logical3A_3796 = arith.shrui %add3A_3789, %shift_right_logical3A_3795 : vector<1024x128xi32>
    %or3A_3797 = arith.ori %shift_left3A_3793, %shift_right_logical3A_3796 : vector<1024x128xi32>
    %xor3A_3798 = arith.xori %add3A_3790, %or3A_3797 : vector<1024x128xi32>
    %add3A_3799 = arith.addi %add3A_3790, %xor3A_3798 : vector<1024x128xi32>
    %shift_left3A_3800 = arith.constant 15 : i32
    %shift_left3A_3801 = vector.broadcast %shift_left3A_3800 : i32 to vector<1024x128xi32>
    %shift_left3A_3802 = arith.shli %xor3A_3798, %shift_left3A_3801 : vector<1024x128xi32>
    %shift_right_logical3A_3803 = arith.constant 17 : i32
    %shift_right_logical3A_3804 = vector.broadcast %shift_right_logical3A_3803 : i32 to vector<1024x128xi32>
    %shift_right_logical3A_3805 = arith.shrui %xor3A_3798, %shift_right_logical3A_3804 : vector<1024x128xi32>
    %or3A_3806 = arith.ori %shift_left3A_3802, %shift_right_logical3A_3805 : vector<1024x128xi32>
    %xor3A_3807 = arith.xori %add3A_3799, %or3A_3806 : vector<1024x128xi32>
    %add3A_3808 = arith.addi %add3A_3799, %xor3A_3807 : vector<1024x128xi32>
    %shift_left3A_3809 = arith.constant 26 : i32
    %shift_left3A_3810 = vector.broadcast %shift_left3A_3809 : i32 to vector<1024x128xi32>
    %shift_left3A_3811 = arith.shli %xor3A_3807, %shift_left3A_3810 : vector<1024x128xi32>
    %shift_right_logical3A_3812 = arith.constant 6 : i32
    %shift_right_logical3A_3813 = vector.broadcast %shift_right_logical3A_3812 : i32 to vector<1024x128xi32>
    %shift_right_logical3A_3814 = arith.shrui %xor3A_3807, %shift_right_logical3A_3813 : vector<1024x128xi32>
    %or3A_3815 = arith.ori %shift_left3A_3811, %shift_right_logical3A_3814 : vector<1024x128xi32>
    %xor3A_3816 = arith.xori %add3A_3808, %or3A_3815 : vector<1024x128xi32>
    %add3A_3817 = arith.addi %add3A_3808, %xor3A_3816 : vector<1024x128xi32>
    %shift_left3A_3818 = arith.constant 6 : i32
    %shift_left3A_3819 = vector.broadcast %shift_left3A_3818 : i32 to vector<1024x128xi32>
    %shift_left3A_3820 = arith.shli %xor3A_3816, %shift_left3A_3819 : vector<1024x128xi32>
    %shift_right_logical3A_3821 = arith.constant 26 : i32
    %shift_right_logical3A_3822 = vector.broadcast %shift_right_logical3A_3821 : i32 to vector<1024x128xi32>
    %shift_right_logical3A_3823 = arith.shrui %xor3A_3816, %shift_right_logical3A_3822 : vector<1024x128xi32>
    %or3A_3824 = arith.ori %shift_left3A_3820, %shift_right_logical3A_3823 : vector<1024x128xi32>
    %xor3A_3825 = arith.xori %add3A_3817, %or3A_3824 : vector<1024x128xi32>
    %add3A_3826 = vector.broadcast %get3A_3780 : i32 to vector<1024x128xi32>
    %add3A_3827 = arith.addi %add3A_3817, %add3A_3826 : vector<1024x128xi32>
    %add3A_3828 = vector.broadcast %xor3A_3785 : i32 to vector<1024x128xi32>
    %add3A_3829 = arith.addi %xor3A_3825, %add3A_3828 : vector<1024x128xi32>
    %add3A_3830 = arith.constant 1 : i32
    %add3A_3831 = vector.broadcast %add3A_3830 : i32 to vector<1024x128xi32>
    %add3A_3832 = arith.addi %add3A_3829, %add3A_3831 : vector<1024x128xi32>
    %add3A_3833 = arith.addi %add3A_3827, %add3A_3832 : vector<1024x128xi32>
    %shift_left3A_3834 = arith.constant 17 : i32
    %shift_left3A_3835 = vector.broadcast %shift_left3A_3834 : i32 to vector<1024x128xi32>
    %shift_left3A_3836 = arith.shli %add3A_3832, %shift_left3A_3835 : vector<1024x128xi32>
    %shift_right_logical3A_3837 = arith.constant 15 : i32
    %shift_right_logical3A_3838 = vector.broadcast %shift_right_logical3A_3837 : i32 to vector<1024x128xi32>
    %shift_right_logical3A_3839 = arith.shrui %add3A_3832, %shift_right_logical3A_3838 : vector<1024x128xi32>
    %or3A_3840 = arith.ori %shift_left3A_3836, %shift_right_logical3A_3839 : vector<1024x128xi32>
    %xor3A_3841 = arith.xori %add3A_3833, %or3A_3840 : vector<1024x128xi32>
    %add3A_3842 = arith.addi %add3A_3833, %xor3A_3841 : vector<1024x128xi32>
    %shift_left3A_3843 = arith.constant 29 : i32
    %shift_left3A_3844 = vector.broadcast %shift_left3A_3843 : i32 to vector<1024x128xi32>
    %shift_left3A_3845 = arith.shli %xor3A_3841, %shift_left3A_3844 : vector<1024x128xi32>
    %shift_right_logical3A_3846 = arith.constant 3 : i32
    %shift_right_logical3A_3847 = vector.broadcast %shift_right_logical3A_3846 : i32 to vector<1024x128xi32>
    %shift_right_logical3A_3848 = arith.shrui %xor3A_3841, %shift_right_logical3A_3847 : vector<1024x128xi32>
    %or3A_3849 = arith.ori %shift_left3A_3845, %shift_right_logical3A_3848 : vector<1024x128xi32>
    %xor3A_3850 = arith.xori %add3A_3842, %or3A_3849 : vector<1024x128xi32>
    %add3A_3851 = arith.addi %add3A_3842, %xor3A_3850 : vector<1024x128xi32>
    %shift_left3A_3852 = arith.constant 16 : i32
    %shift_left3A_3853 = vector.broadcast %shift_left3A_3852 : i32 to vector<1024x128xi32>
    %shift_left3A_3854 = arith.shli %xor3A_3850, %shift_left3A_3853 : vector<1024x128xi32>
    %shift_right_logical3A_3855 = arith.constant 16 : i32
    %shift_right_logical3A_3856 = vector.broadcast %shift_right_logical3A_3855 : i32 to vector<1024x128xi32>
    %shift_right_logical3A_3857 = arith.shrui %xor3A_3850, %shift_right_logical3A_3856 : vector<1024x128xi32>
    %or3A_3858 = arith.ori %shift_left3A_3854, %shift_right_logical3A_3857 : vector<1024x128xi32>
    %xor3A_3859 = arith.xori %add3A_3851, %or3A_3858 : vector<1024x128xi32>
    %add3A_3860 = arith.addi %add3A_3851, %xor3A_3859 : vector<1024x128xi32>
    %shift_left3A_3861 = arith.constant 24 : i32
    %shift_left3A_3862 = vector.broadcast %shift_left3A_3861 : i32 to vector<1024x128xi32>
    %shift_left3A_3863 = arith.shli %xor3A_3859, %shift_left3A_3862 : vector<1024x128xi32>
    %shift_right_logical3A_3864 = arith.constant 8 : i32
    %shift_right_logical3A_3865 = vector.broadcast %shift_right_logical3A_3864 : i32 to vector<1024x128xi32>
    %shift_right_logical3A_3866 = arith.shrui %xor3A_3859, %shift_right_logical3A_3865 : vector<1024x128xi32>
    %or3A_3867 = arith.ori %shift_left3A_3863, %shift_right_logical3A_3866 : vector<1024x128xi32>
    %xor3A_3868 = arith.xori %add3A_3860, %or3A_3867 : vector<1024x128xi32>
    %add3A_3869 = vector.broadcast %xor3A_3785 : i32 to vector<1024x128xi32>
    %add3A_3870 = arith.addi %add3A_3860, %add3A_3869 : vector<1024x128xi32>
    %add3A_3871 = vector.broadcast %get3A_3777 : i32 to vector<1024x128xi32>
    %add3A_3872 = arith.addi %xor3A_3868, %add3A_3871 : vector<1024x128xi32>
    %add3A_3873 = arith.constant 2 : i32
    %add3A_3874 = vector.broadcast %add3A_3873 : i32 to vector<1024x128xi32>
    %add3A_3875 = arith.addi %add3A_3872, %add3A_3874 : vector<1024x128xi32>
    %add3A_3876 = arith.addi %add3A_3870, %add3A_3875 : vector<1024x128xi32>
    %shift_left3A_3877 = arith.constant 13 : i32
    %shift_left3A_3878 = vector.broadcast %shift_left3A_3877 : i32 to vector<1024x128xi32>
    %shift_left3A_3879 = arith.shli %add3A_3875, %shift_left3A_3878 : vector<1024x128xi32>
    %shift_right_logical3A_3880 = arith.constant 19 : i32
    %shift_right_logical3A_3881 = vector.broadcast %shift_right_logical3A_3880 : i32 to vector<1024x128xi32>
    %shift_right_logical3A_3882 = arith.shrui %add3A_3875, %shift_right_logical3A_3881 : vector<1024x128xi32>
    %or3A_3883 = arith.ori %shift_left3A_3879, %shift_right_logical3A_3882 : vector<1024x128xi32>
    %xor3A_3884 = arith.xori %add3A_3876, %or3A_3883 : vector<1024x128xi32>
    %add3A_3885 = arith.addi %add3A_3876, %xor3A_3884 : vector<1024x128xi32>
    %shift_left3A_3886 = arith.constant 15 : i32
    %shift_left3A_3887 = vector.broadcast %shift_left3A_3886 : i32 to vector<1024x128xi32>
    %shift_left3A_3888 = arith.shli %xor3A_3884, %shift_left3A_3887 : vector<1024x128xi32>
    %shift_right_logical3A_3889 = arith.constant 17 : i32
    %shift_right_logical3A_3890 = vector.broadcast %shift_right_logical3A_3889 : i32 to vector<1024x128xi32>
    %shift_right_logical3A_3891 = arith.shrui %xor3A_3884, %shift_right_logical3A_3890 : vector<1024x128xi32>
    %or3A_3892 = arith.ori %shift_left3A_3888, %shift_right_logical3A_3891 : vector<1024x128xi32>
    %xor3A_3893 = arith.xori %add3A_3885, %or3A_3892 : vector<1024x128xi32>
    %add3A_3894 = arith.addi %add3A_3885, %xor3A_3893 : vector<1024x128xi32>
    %shift_left3A_3895 = arith.constant 26 : i32
    %shift_left3A_3896 = vector.broadcast %shift_left3A_3895 : i32 to vector<1024x128xi32>
    %shift_left3A_3897 = arith.shli %xor3A_3893, %shift_left3A_3896 : vector<1024x128xi32>
    %shift_right_logical3A_3898 = arith.constant 6 : i32
    %shift_right_logical3A_3899 = vector.broadcast %shift_right_logical3A_3898 : i32 to vector<1024x128xi32>
    %shift_right_logical3A_3900 = arith.shrui %xor3A_3893, %shift_right_logical3A_3899 : vector<1024x128xi32>
    %or3A_3901 = arith.ori %shift_left3A_3897, %shift_right_logical3A_3900 : vector<1024x128xi32>
    %xor3A_3902 = arith.xori %add3A_3894, %or3A_3901 : vector<1024x128xi32>
    %add3A_3903 = arith.addi %add3A_3894, %xor3A_3902 : vector<1024x128xi32>
    %shift_left3A_3904 = arith.constant 6 : i32
    %shift_left3A_3905 = vector.broadcast %shift_left3A_3904 : i32 to vector<1024x128xi32>
    %shift_left3A_3906 = arith.shli %xor3A_3902, %shift_left3A_3905 : vector<1024x128xi32>
    %shift_right_logical3A_3907 = arith.constant 26 : i32
    %shift_right_logical3A_3908 = vector.broadcast %shift_right_logical3A_3907 : i32 to vector<1024x128xi32>
    %shift_right_logical3A_3909 = arith.shrui %xor3A_3902, %shift_right_logical3A_3908 : vector<1024x128xi32>
    %or3A_3910 = arith.ori %shift_left3A_3906, %shift_right_logical3A_3909 : vector<1024x128xi32>
    %xor3A_3911 = arith.xori %add3A_3903, %or3A_3910 : vector<1024x128xi32>
    %add3A_3912 = vector.broadcast %get3A_3777 : i32 to vector<1024x128xi32>
    %add3A_3913 = arith.addi %add3A_3903, %add3A_3912 : vector<1024x128xi32>
    %add3A_3914 = vector.broadcast %get3A_3780 : i32 to vector<1024x128xi32>
    %add3A_3915 = arith.addi %xor3A_3911, %add3A_3914 : vector<1024x128xi32>
    %add3A_3916 = arith.constant 3 : i32
    %add3A_3917 = vector.broadcast %add3A_3916 : i32 to vector<1024x128xi32>
    %add3A_3918 = arith.addi %add3A_3915, %add3A_3917 : vector<1024x128xi32>
    %add3A_3919 = arith.addi %add3A_3913, %add3A_3918 : vector<1024x128xi32>
    %shift_left3A_3920 = arith.constant 17 : i32
    %shift_left3A_3921 = vector.broadcast %shift_left3A_3920 : i32 to vector<1024x128xi32>
    %shift_left3A_3922 = arith.shli %add3A_3918, %shift_left3A_3921 : vector<1024x128xi32>
    %shift_right_logical3A_3923 = arith.constant 15 : i32
    %shift_right_logical3A_3924 = vector.broadcast %shift_right_logical3A_3923 : i32 to vector<1024x128xi32>
    %shift_right_logical3A_3925 = arith.shrui %add3A_3918, %shift_right_logical3A_3924 : vector<1024x128xi32>
    %or3A_3926 = arith.ori %shift_left3A_3922, %shift_right_logical3A_3925 : vector<1024x128xi32>
    %xor3A_3927 = arith.xori %add3A_3919, %or3A_3926 : vector<1024x128xi32>
    %add3A_3928 = arith.addi %add3A_3919, %xor3A_3927 : vector<1024x128xi32>
    %shift_left3A_3929 = arith.constant 29 : i32
    %shift_left3A_3930 = vector.broadcast %shift_left3A_3929 : i32 to vector<1024x128xi32>
    %shift_left3A_3931 = arith.shli %xor3A_3927, %shift_left3A_3930 : vector<1024x128xi32>
    %shift_right_logical3A_3932 = arith.constant 3 : i32
    %shift_right_logical3A_3933 = vector.broadcast %shift_right_logical3A_3932 : i32 to vector<1024x128xi32>
    %shift_right_logical3A_3934 = arith.shrui %xor3A_3927, %shift_right_logical3A_3933 : vector<1024x128xi32>
    %or3A_3935 = arith.ori %shift_left3A_3931, %shift_right_logical3A_3934 : vector<1024x128xi32>
    %xor3A_3936 = arith.xori %add3A_3928, %or3A_3935 : vector<1024x128xi32>
    %add3A_3937 = arith.addi %add3A_3928, %xor3A_3936 : vector<1024x128xi32>
    %shift_left3A_3938 = arith.constant 16 : i32
    %shift_left3A_3939 = vector.broadcast %shift_left3A_3938 : i32 to vector<1024x128xi32>
    %shift_left3A_3940 = arith.shli %xor3A_3936, %shift_left3A_3939 : vector<1024x128xi32>
    %shift_right_logical3A_3941 = arith.constant 16 : i32
    %shift_right_logical3A_3942 = vector.broadcast %shift_right_logical3A_3941 : i32 to vector<1024x128xi32>
    %shift_right_logical3A_3943 = arith.shrui %xor3A_3936, %shift_right_logical3A_3942 : vector<1024x128xi32>
    %or3A_3944 = arith.ori %shift_left3A_3940, %shift_right_logical3A_3943 : vector<1024x128xi32>
    %xor3A_3945 = arith.xori %add3A_3937, %or3A_3944 : vector<1024x128xi32>
    %add3A_3946 = arith.addi %add3A_3937, %xor3A_3945 : vector<1024x128xi32>
    %shift_left3A_3947 = arith.constant 24 : i32
    %shift_left3A_3948 = vector.broadcast %shift_left3A_3947 : i32 to vector<1024x128xi32>
    %shift_left3A_3949 = arith.shli %xor3A_3945, %shift_left3A_3948 : vector<1024x128xi32>
    %shift_right_logical3A_3950 = arith.constant 8 : i32
    %shift_right_logical3A_3951 = vector.broadcast %shift_right_logical3A_3950 : i32 to vector<1024x128xi32>
    %shift_right_logical3A_3952 = arith.shrui %xor3A_3945, %shift_right_logical3A_3951 : vector<1024x128xi32>
    %or3A_3953 = arith.ori %shift_left3A_3949, %shift_right_logical3A_3952 : vector<1024x128xi32>
    %xor3A_3954 = arith.xori %add3A_3946, %or3A_3953 : vector<1024x128xi32>
    %add3A_3955 = vector.broadcast %get3A_3780 : i32 to vector<1024x128xi32>
    %add3A_3956 = arith.addi %add3A_3946, %add3A_3955 : vector<1024x128xi32>
    %add3A_3957 = vector.broadcast %xor3A_3785 : i32 to vector<1024x128xi32>
    %add3A_3958 = arith.addi %xor3A_3954, %add3A_3957 : vector<1024x128xi32>
    %add3A_3959 = arith.constant 4 : i32
    %add3A_3960 = vector.broadcast %add3A_3959 : i32 to vector<1024x128xi32>
    %add3A_3961 = arith.addi %add3A_3958, %add3A_3960 : vector<1024x128xi32>
    %add3A_3962 = arith.addi %add3A_3956, %add3A_3961 : vector<1024x128xi32>
    %shift_left3A_3963 = arith.constant 13 : i32
    %shift_left3A_3964 = vector.broadcast %shift_left3A_3963 : i32 to vector<1024x128xi32>
    %shift_left3A_3965 = arith.shli %add3A_3961, %shift_left3A_3964 : vector<1024x128xi32>
    %shift_right_logical3A_3966 = arith.constant 19 : i32
    %shift_right_logical3A_3967 = vector.broadcast %shift_right_logical3A_3966 : i32 to vector<1024x128xi32>
    %shift_right_logical3A_3968 = arith.shrui %add3A_3961, %shift_right_logical3A_3967 : vector<1024x128xi32>
    %or3A_3969 = arith.ori %shift_left3A_3965, %shift_right_logical3A_3968 : vector<1024x128xi32>
    %xor3A_3970 = arith.xori %add3A_3962, %or3A_3969 : vector<1024x128xi32>
    %add3A_3971 = arith.addi %add3A_3962, %xor3A_3970 : vector<1024x128xi32>
    %shift_left3A_3972 = arith.constant 15 : i32
    %shift_left3A_3973 = vector.broadcast %shift_left3A_3972 : i32 to vector<1024x128xi32>
    %shift_left3A_3974 = arith.shli %xor3A_3970, %shift_left3A_3973 : vector<1024x128xi32>
    %shift_right_logical3A_3975 = arith.constant 17 : i32
    %shift_right_logical3A_3976 = vector.broadcast %shift_right_logical3A_3975 : i32 to vector<1024x128xi32>
    %shift_right_logical3A_3977 = arith.shrui %xor3A_3970, %shift_right_logical3A_3976 : vector<1024x128xi32>
    %or3A_3978 = arith.ori %shift_left3A_3974, %shift_right_logical3A_3977 : vector<1024x128xi32>
    %xor3A_3979 = arith.xori %add3A_3971, %or3A_3978 : vector<1024x128xi32>
    %add3A_3980 = arith.addi %add3A_3971, %xor3A_3979 : vector<1024x128xi32>
    %shift_left3A_3981 = arith.constant 26 : i32
    %shift_left3A_3982 = vector.broadcast %shift_left3A_3981 : i32 to vector<1024x128xi32>
    %shift_left3A_3983 = arith.shli %xor3A_3979, %shift_left3A_3982 : vector<1024x128xi32>
    %shift_right_logical3A_3984 = arith.constant 6 : i32
    %shift_right_logical3A_3985 = vector.broadcast %shift_right_logical3A_3984 : i32 to vector<1024x128xi32>
    %shift_right_logical3A_3986 = arith.shrui %xor3A_3979, %shift_right_logical3A_3985 : vector<1024x128xi32>
    %or3A_3987 = arith.ori %shift_left3A_3983, %shift_right_logical3A_3986 : vector<1024x128xi32>
    %xor3A_3988 = arith.xori %add3A_3980, %or3A_3987 : vector<1024x128xi32>
    %add3A_3989 = arith.addi %add3A_3980, %xor3A_3988 : vector<1024x128xi32>
    %shift_left3A_3990 = arith.constant 6 : i32
    %shift_left3A_3991 = vector.broadcast %shift_left3A_3990 : i32 to vector<1024x128xi32>
    %shift_left3A_3992 = arith.shli %xor3A_3988, %shift_left3A_3991 : vector<1024x128xi32>
    %shift_right_logical3A_3993 = arith.constant 26 : i32
    %shift_right_logical3A_3994 = vector.broadcast %shift_right_logical3A_3993 : i32 to vector<1024x128xi32>
    %shift_right_logical3A_3995 = arith.shrui %xor3A_3988, %shift_right_logical3A_3994 : vector<1024x128xi32>
    %or3A_3996 = arith.ori %shift_left3A_3992, %shift_right_logical3A_3995 : vector<1024x128xi32>
    %xor3A_3997 = arith.xori %add3A_3989, %or3A_3996 : vector<1024x128xi32>
    %add3A_3998 = vector.broadcast %xor3A_3785 : i32 to vector<1024x128xi32>
    %add3A_3999 = arith.addi %add3A_3989, %add3A_3998 : vector<1024x128xi32>
    %add3A_4000 = vector.broadcast %get3A_3777 : i32 to vector<1024x128xi32>
    %add3A_4001 = arith.addi %xor3A_3997, %add3A_4000 : vector<1024x128xi32>
    %add3A_4002 = arith.constant 5 : i32
    %add3A_4003 = vector.broadcast %add3A_4002 : i32 to vector<1024x128xi32>
    %add3A_4004 = arith.addi %add3A_4001, %add3A_4003 : vector<1024x128xi32>
    %xor3A_4005 = arith.xori %add3A_3999, %add3A_4004 : vector<1024x128xi32>
    %shift_right_logical3A_4006 = arith.constant 9 : i32
    %shift_right_logical3A_4007 = vector.broadcast %shift_right_logical3A_4006 : i32 to vector<1024x128xi32>
    %shift_right_logical3A_4008 = arith.shrui %xor3A_4005, %shift_right_logical3A_4007 : vector<1024x128xi32>
    %or3A_4009 = arith.constant 1065353216 : i32
    %or3A_4010 = vector.broadcast %or3A_4009 : i32 to vector<1024x128xi32>
    %or3A_4011 = arith.ori %shift_right_logical3A_4008, %or3A_4010 : vector<1024x128xi32>
    %bitcast_convert_type3A_4012 = tpu.bitcast %or3A_4011 : vector<1024x128xi32> -> vector<1024x128xf32>
    %sub3A_4013 = arith.constant 1.000000e+00 : f32
    %sub3A_4014 = vector.broadcast %sub3A_4013 : f32 to vector<1024x128xf32>
    %sub3A_4015 = arith.subf %bitcast_convert_type3A_4012, %sub3A_4014 : vector<1024x128xf32>
    %sub3A_4016 = arith.subf %select_n3A_3774, %select_n3A_3769 : vector<1024x128xf32>
    %mul3A_4017 = arith.mulf %sub3A_4015, %sub3A_4016 : vector<1024x128xf32>
    %add3A_4018 = arith.addf %mul3A_4017, %select_n3A_3769 : vector<1024x128xf32>
    %broadcast_in_dim3A_4019 = vector.shape_cast %gt3A_3765 : vector<1024x1xi1> to vector<1024x1xi1>
    %broadcast_in_dim3A_4020 = vector.broadcast %broadcast_in_dim3A_4019 : vector<1024x1xi1> to vector<1024x128xi1>
    %select_n3A_4021 = arith.select %broadcast_in_dim3A_4020, %add3A_4018, %select_n3A_3748 : vector<1024x128xi1>, vector<1024x128xf32>
    %mul3A_4022 = arith.mulf %select_n3A_4021, %select_n3A_4021 : vector<1024x128xf32>
    %reduce_sum3A_4023 = arith.constant dense<0.000000e+00> : vector<1024xf32>
    %reduce_sum3A_4024 = vector.multi_reduction <add>, %mul3A_4022, %reduce_sum3A_4023 [1] : vector<1024x128xf32> to vector<1024xf32>
    %broadcast_in_dim3A_4025 = vector.shape_cast %reduce_sum3A_4024 : vector<1024xf32> to vector<1024x1xf32>
    %mul3A_4026 = arith.constant -5.000000e-01 : f32
    %mul3A_4027 = vector.broadcast %mul3A_4026 : f32 to vector<1024x1xf32>
    %mul3A_4028 = arith.mulf %mul3A_4027, %broadcast_in_dim3A_4025 : vector<1024x1xf32>
    %lt3A_4029 = arith.cmpf olt, %mul3A_4028, %add3A_253 : vector<1024x1xf32>
    %and3A_4030 = arith.andi %gt3A_3765, %lt3A_4029 : vector<1024x1xi1>
    %jit3A_4031 = arith.constant 1.000000e+00 : f32
    %jit3A_4032 = arith.constant 0.000000e+00 : f32
    %broadcast_in_dim3A_4033 = vector.broadcast %jit3A_4031 : f32 to vector<1024x1xf32>
    %broadcast_in_dim3A_4034 = vector.broadcast %jit3A_4032 : f32 to vector<1024x1xf32>
    %select_n3A_4035 = arith.select %and3A_4030, %broadcast_in_dim3A_4033, %broadcast_in_dim3A_4034 : vector<1024x1xi1>, vector<1024x1xf32>
    %swap3A = arith.constant 0 : index
    %swap3A_4036 = arith.constant 0 : index
    %swap3A_4037 = vector.load %arg3[%swap3A, %swap3A_4036] : memref<1024x512xf32, #tpu.memory_space<vmem>>, vector<1024x128xf32>
    tpu.vector_store %arg3[%swap3A, %swap3A_4036], %select_n3A_4021 {strides = array<i32>} : memref<1024x512xf32, #tpu.memory_space<vmem>>, vector<1024x128xf32>,
    %swap3A_4038 = arith.constant 0 : index
    %swap3A_4039 = arith.constant 128 : index
    %swap3A_4040 = vector.load %arg3[%swap3A_4038, %swap3A_4039] : memref<1024x512xf32, #tpu.memory_space<vmem>>, vector<1024x128xf32>
    tpu.vector_store %arg3[%swap3A_4038, %swap3A_4039], %select_n3A_3769 {strides = array<i32>} : memref<1024x512xf32, #tpu.memory_space<vmem>>, vector<1024x128xf32>,
    %swap3A_4041 = arith.constant 0 : index
    %swap3A_4042 = arith.constant 256 : index
    %swap3A_4043 = vector.load %arg3[%swap3A_4041, %swap3A_4042] : memref<1024x512xf32, #tpu.memory_space<vmem>>, vector<1024x128xf32>
    tpu.vector_store %arg3[%swap3A_4041, %swap3A_4042], %select_n3A_3774 {strides = array<i32>} : memref<1024x512xf32, #tpu.memory_space<vmem>>, vector<1024x128xf32>,
    %swap3A_4044 = arith.constant 0 : index
    %swap3A_4045 = arith.constant 384 : index
    %swap3A_4046 = vector.load %arg3[%swap3A_4044, %swap3A_4045] : memref<1024x512xf32, #tpu.memory_space<vmem>>, vector<1024x128xf32>
    tpu.vector_store %arg3[%swap3A_4044, %swap3A_4045], %get3A_1 {strides = array<i32>} : memref<1024x512xf32, #tpu.memory_space<vmem>>, vector<1024x128xf32>,
    %swap3A_4047 = arith.constant 0 : index
    %swap3A_4048 = arith.constant 0 : index
    %swap3A_4049 = vector.load %arg4[%swap3A_4047, %swap3A_4048] : memref<1024x1xf32, #tpu.memory_space<vmem>>, vector<1024x1xf32>
    tpu.vector_store %arg4[%swap3A_4047, %swap3A_4048], %select_n3A_4035 {strides = array<i32>} : memref<1024x1xf32, #tpu.memory_space<vmem>>, vector<1024x1xf32>,
    return
  }
  func.func @transform_0(%arg0: i32) -> (i32, i32) {
    %c0_i32 = arith.constant 0 : i32
    %c0_i32_0 = arith.constant 0 : i32
    %c0_i32_1 = arith.constant 0 : i32
    return %c0_i32, %c0_i32_0 : i32, i32
  }
  func.func @transform_1(%arg0: i32) -> (i32, i32) {
    %c0_i32 = arith.constant 0 : i32
    %c0_i32_0 = arith.constant 0 : i32
    return %arg0, %c0_i32 : i32, i32
  }
  func.func @transform_2(%arg0: i32) -> (i32, i32) {
    %c0_i32 = arith.constant 0 : i32
    %c0_i32_0 = arith.constant 0 : i32
    return %arg0, %c0_i32 : i32, i32
  }
  func.func @transform_3(%arg0: i32) -> (i32, i32) {
    %c0_i32 = arith.constant 0 : i32
    %c0_i32_0 = arith.constant 0 : i32
    return %arg0, %c0_i32 : i32, i32
  }
}

module attributes {stable_mosaic.version = 14 : i64} {
  func.func @_phase_b(%arg0: i32, %arg1: memref<54x2xi32, #tpu.memory_space<smem>>, %arg2: memref<1024x512xf32, #tpu.memory_space<vmem>>, %arg3: memref<1024x1xf32, #tpu.memory_space<vmem>>, %arg4: memref<1024x1xi32, #tpu.memory_space<vmem>>, %arg5: memref<1024x128xf32, #tpu.memory_space<vmem>>) attributes {dimension_semantics = [#tpu.dimension_semantics<arbitrary>], iteration_bounds = array<i64: 16>, scalar_prefetch = 0 : i64, scratch_operands = 0 : i64, tpu.core_type = #tpu.core_type<tc>, window_params = [{transform_indices = @transform_0, window_bounds = array<i64: 54, 2>}, {transform_indices = @transform_1, window_bounds = array<i64: 1024, 512>}, {transform_indices = @transform_2, window_bounds = array<i64: 1024, 1>}, {transform_indices = @transform_3, window_bounds = array<i64: 1024, 1>}, {transform_indices = @transform_4, window_bounds = array<i64: 1024, 128>}]} {
    %get3A = arith.constant 0 : index
    %get3A_0 = arith.constant 0 : index
    %get3A_1 = vector.load %arg2[%get3A, %get3A_0] : memref<1024x512xf32, #tpu.memory_space<vmem>>, vector<1024x128xf32>
    %get3A_2 = arith.constant 0 : index
    %get3A_3 = arith.constant 128 : index
    %get3A_4 = vector.load %arg2[%get3A_2, %get3A_3] : memref<1024x512xf32, #tpu.memory_space<vmem>>, vector<1024x128xf32>
    %get3A_5 = arith.constant 0 : index
    %get3A_6 = arith.constant 256 : index
    %get3A_7 = vector.load %arg2[%get3A_5, %get3A_6] : memref<1024x512xf32, #tpu.memory_space<vmem>>, vector<1024x128xf32>
    %get3A_8 = arith.constant 0 : index
    %get3A_9 = arith.constant 384 : index
    %get3A_10 = vector.load %arg2[%get3A_8, %get3A_9] : memref<1024x512xf32, #tpu.memory_space<vmem>>, vector<1024x128xf32>
    %get3A_11 = arith.constant 0 : index
    %get3A_12 = arith.constant 0 : index
    %get3A_13 = vector.load %arg4[%get3A_11, %get3A_12] : memref<1024x1xi32, #tpu.memory_space<vmem>>, vector<1024x1xi32>
    %iota3A = tpu.iota {dimensions = array<i32: 1>} : vector<1024x128xi32>
    %mul3A = arith.constant 128 : i32
    %mul3A_14 = vector.broadcast %mul3A : i32 to vector<1024x1xi32>
    %mul3A_15 = arith.muli %get3A_13, %mul3A_14 : vector<1024x1xi32>
    %add3A = vector.broadcast %mul3A_15 : vector<1024x1xi32> to vector<1024x128xi32>
    %add3A_16 = arith.addi %add3A, %iota3A : vector<1024x128xi32>
    %mul3A_17 = arith.mulf %get3A_10, %get3A_10 : vector<1024x128xf32>
    %reduce_sum3A = arith.constant dense<0.000000e+00> : vector<1024xf32>
    %reduce_sum3A_18 = vector.multi_reduction <add>, %mul3A_17, %reduce_sum3A [1] : vector<1024x128xf32> to vector<1024xf32>
    %broadcast_in_dim3A = vector.shape_cast %reduce_sum3A_18 : vector<1024xf32> to vector<1024x1xf32>
    %mul3A_19 = arith.constant -5.000000e-01 : f32
    %mul3A_20 = vector.broadcast %mul3A_19 : f32 to vector<1024x1xf32>
    %mul3A_21 = arith.mulf %mul3A_20, %broadcast_in_dim3A : vector<1024x1xf32>
    %get3A_22 = arith.constant 0 : index
    %get3A_23 = arith.constant 0 : index
    %get3A_24 = memref.load %arg1[%get3A_22, %get3A_23] : memref<54x2xi32, #tpu.memory_space<smem>>
    %get3A_25 = arith.constant 0 : index
    %get3A_26 = arith.constant 1 : index
    %get3A_27 = memref.load %arg1[%get3A_25, %get3A_26] : memref<54x2xi32, #tpu.memory_space<smem>>
    %broadcast_in_dim3A_28 = arith.constant 0 : i32
    %broadcast_in_dim3A_29 = vector.broadcast %broadcast_in_dim3A_28 : i32 to vector<1024x1xi32>
    %xor3A = arith.xori %get3A_24, %get3A_27 : i32
    %xor3A_30 = arith.constant 466688986 : i32
    %xor3A_31 = arith.xori %xor3A, %xor3A_30 : i32
    %add3A_32 = vector.broadcast %get3A_24 : i32 to vector<1024x1xi32>
    %add3A_33 = arith.addi %broadcast_in_dim3A_29, %add3A_32 : vector<1024x1xi32>
    %add3A_34 = vector.broadcast %get3A_27 : i32 to vector<1024x1xi32>
    %add3A_35 = arith.addi %get3A_13, %add3A_34 : vector<1024x1xi32>
    %add3A_36 = arith.addi %add3A_33, %add3A_35 : vector<1024x1xi32>
    %shift_left3A = arith.constant 13 : i32
    %shift_left3A_37 = vector.broadcast %shift_left3A : i32 to vector<1024x1xi32>
    %shift_left3A_38 = arith.shli %add3A_35, %shift_left3A_37 : vector<1024x1xi32>
    %shift_right_logical3A = arith.constant 19 : i32
    %shift_right_logical3A_39 = vector.broadcast %shift_right_logical3A : i32 to vector<1024x1xi32>
    %shift_right_logical3A_40 = arith.shrui %add3A_35, %shift_right_logical3A_39 : vector<1024x1xi32>
    %or3A = arith.ori %shift_left3A_38, %shift_right_logical3A_40 : vector<1024x1xi32>
    %xor3A_41 = arith.xori %add3A_36, %or3A : vector<1024x1xi32>
    %add3A_42 = arith.addi %add3A_36, %xor3A_41 : vector<1024x1xi32>
    %shift_left3A_43 = arith.constant 15 : i32
    %shift_left3A_44 = vector.broadcast %shift_left3A_43 : i32 to vector<1024x1xi32>
    %shift_left3A_45 = arith.shli %xor3A_41, %shift_left3A_44 : vector<1024x1xi32>
    %shift_right_logical3A_46 = arith.constant 17 : i32
    %shift_right_logical3A_47 = vector.broadcast %shift_right_logical3A_46 : i32 to vector<1024x1xi32>
    %shift_right_logical3A_48 = arith.shrui %xor3A_41, %shift_right_logical3A_47 : vector<1024x1xi32>
    %or3A_49 = arith.ori %shift_left3A_45, %shift_right_logical3A_48 : vector<1024x1xi32>
    %xor3A_50 = arith.xori %add3A_42, %or3A_49 : vector<1024x1xi32>
    %add3A_51 = arith.addi %add3A_42, %xor3A_50 : vector<1024x1xi32>
    %shift_left3A_52 = arith.constant 26 : i32
    %shift_left3A_53 = vector.broadcast %shift_left3A_52 : i32 to vector<1024x1xi32>
    %shift_left3A_54 = arith.shli %xor3A_50, %shift_left3A_53 : vector<1024x1xi32>
    %shift_right_logical3A_55 = arith.constant 6 : i32
    %shift_right_logical3A_56 = vector.broadcast %shift_right_logical3A_55 : i32 to vector<1024x1xi32>
    %shift_right_logical3A_57 = arith.shrui %xor3A_50, %shift_right_logical3A_56 : vector<1024x1xi32>
    %or3A_58 = arith.ori %shift_left3A_54, %shift_right_logical3A_57 : vector<1024x1xi32>
    %xor3A_59 = arith.xori %add3A_51, %or3A_58 : vector<1024x1xi32>
    %add3A_60 = arith.addi %add3A_51, %xor3A_59 : vector<1024x1xi32>
    %shift_left3A_61 = arith.constant 6 : i32
    %shift_left3A_62 = vector.broadcast %shift_left3A_61 : i32 to vector<1024x1xi32>
    %shift_left3A_63 = arith.shli %xor3A_59, %shift_left3A_62 : vector<1024x1xi32>
    %shift_right_logical3A_64 = arith.constant 26 : i32
    %shift_right_logical3A_65 = vector.broadcast %shift_right_logical3A_64 : i32 to vector<1024x1xi32>
    %shift_right_logical3A_66 = arith.shrui %xor3A_59, %shift_right_logical3A_65 : vector<1024x1xi32>
    %or3A_67 = arith.ori %shift_left3A_63, %shift_right_logical3A_66 : vector<1024x1xi32>
    %xor3A_68 = arith.xori %add3A_60, %or3A_67 : vector<1024x1xi32>
    %add3A_69 = vector.broadcast %get3A_27 : i32 to vector<1024x1xi32>
    %add3A_70 = arith.addi %add3A_60, %add3A_69 : vector<1024x1xi32>
    %add3A_71 = vector.broadcast %xor3A_31 : i32 to vector<1024x1xi32>
    %add3A_72 = arith.addi %xor3A_68, %add3A_71 : vector<1024x1xi32>
    %add3A_73 = arith.constant 1 : i32
    %add3A_74 = vector.broadcast %add3A_73 : i32 to vector<1024x1xi32>
    %add3A_75 = arith.addi %add3A_72, %add3A_74 : vector<1024x1xi32>
    %add3A_76 = arith.addi %add3A_70, %add3A_75 : vector<1024x1xi32>
    %shift_left3A_77 = arith.constant 17 : i32
    %shift_left3A_78 = vector.broadcast %shift_left3A_77 : i32 to vector<1024x1xi32>
    %shift_left3A_79 = arith.shli %add3A_75, %shift_left3A_78 : vector<1024x1xi32>
    %shift_right_logical3A_80 = arith.constant 15 : i32
    %shift_right_logical3A_81 = vector.broadcast %shift_right_logical3A_80 : i32 to vector<1024x1xi32>
    %shift_right_logical3A_82 = arith.shrui %add3A_75, %shift_right_logical3A_81 : vector<1024x1xi32>
    %or3A_83 = arith.ori %shift_left3A_79, %shift_right_logical3A_82 : vector<1024x1xi32>
    %xor3A_84 = arith.xori %add3A_76, %or3A_83 : vector<1024x1xi32>
    %add3A_85 = arith.addi %add3A_76, %xor3A_84 : vector<1024x1xi32>
    %shift_left3A_86 = arith.constant 29 : i32
    %shift_left3A_87 = vector.broadcast %shift_left3A_86 : i32 to vector<1024x1xi32>
    %shift_left3A_88 = arith.shli %xor3A_84, %shift_left3A_87 : vector<1024x1xi32>
    %shift_right_logical3A_89 = arith.constant 3 : i32
    %shift_right_logical3A_90 = vector.broadcast %shift_right_logical3A_89 : i32 to vector<1024x1xi32>
    %shift_right_logical3A_91 = arith.shrui %xor3A_84, %shift_right_logical3A_90 : vector<1024x1xi32>
    %or3A_92 = arith.ori %shift_left3A_88, %shift_right_logical3A_91 : vector<1024x1xi32>
    %xor3A_93 = arith.xori %add3A_85, %or3A_92 : vector<1024x1xi32>
    %add3A_94 = arith.addi %add3A_85, %xor3A_93 : vector<1024x1xi32>
    %shift_left3A_95 = arith.constant 16 : i32
    %shift_left3A_96 = vector.broadcast %shift_left3A_95 : i32 to vector<1024x1xi32>
    %shift_left3A_97 = arith.shli %xor3A_93, %shift_left3A_96 : vector<1024x1xi32>
    %shift_right_logical3A_98 = arith.constant 16 : i32
    %shift_right_logical3A_99 = vector.broadcast %shift_right_logical3A_98 : i32 to vector<1024x1xi32>
    %shift_right_logical3A_100 = arith.shrui %xor3A_93, %shift_right_logical3A_99 : vector<1024x1xi32>
    %or3A_101 = arith.ori %shift_left3A_97, %shift_right_logical3A_100 : vector<1024x1xi32>
    %xor3A_102 = arith.xori %add3A_94, %or3A_101 : vector<1024x1xi32>
    %add3A_103 = arith.addi %add3A_94, %xor3A_102 : vector<1024x1xi32>
    %shift_left3A_104 = arith.constant 24 : i32
    %shift_left3A_105 = vector.broadcast %shift_left3A_104 : i32 to vector<1024x1xi32>
    %shift_left3A_106 = arith.shli %xor3A_102, %shift_left3A_105 : vector<1024x1xi32>
    %shift_right_logical3A_107 = arith.constant 8 : i32
    %shift_right_logical3A_108 = vector.broadcast %shift_right_logical3A_107 : i32 to vector<1024x1xi32>
    %shift_right_logical3A_109 = arith.shrui %xor3A_102, %shift_right_logical3A_108 : vector<1024x1xi32>
    %or3A_110 = arith.ori %shift_left3A_106, %shift_right_logical3A_109 : vector<1024x1xi32>
    %xor3A_111 = arith.xori %add3A_103, %or3A_110 : vector<1024x1xi32>
    %add3A_112 = vector.broadcast %xor3A_31 : i32 to vector<1024x1xi32>
    %add3A_113 = arith.addi %add3A_103, %add3A_112 : vector<1024x1xi32>
    %add3A_114 = vector.broadcast %get3A_24 : i32 to vector<1024x1xi32>
    %add3A_115 = arith.addi %xor3A_111, %add3A_114 : vector<1024x1xi32>
    %add3A_116 = arith.constant 2 : i32
    %add3A_117 = vector.broadcast %add3A_116 : i32 to vector<1024x1xi32>
    %add3A_118 = arith.addi %add3A_115, %add3A_117 : vector<1024x1xi32>
    %add3A_119 = arith.addi %add3A_113, %add3A_118 : vector<1024x1xi32>
    %shift_left3A_120 = arith.constant 13 : i32
    %shift_left3A_121 = vector.broadcast %shift_left3A_120 : i32 to vector<1024x1xi32>
    %shift_left3A_122 = arith.shli %add3A_118, %shift_left3A_121 : vector<1024x1xi32>
    %shift_right_logical3A_123 = arith.constant 19 : i32
    %shift_right_logical3A_124 = vector.broadcast %shift_right_logical3A_123 : i32 to vector<1024x1xi32>
    %shift_right_logical3A_125 = arith.shrui %add3A_118, %shift_right_logical3A_124 : vector<1024x1xi32>
    %or3A_126 = arith.ori %shift_left3A_122, %shift_right_logical3A_125 : vector<1024x1xi32>
    %xor3A_127 = arith.xori %add3A_119, %or3A_126 : vector<1024x1xi32>
    %add3A_128 = arith.addi %add3A_119, %xor3A_127 : vector<1024x1xi32>
    %shift_left3A_129 = arith.constant 15 : i32
    %shift_left3A_130 = vector.broadcast %shift_left3A_129 : i32 to vector<1024x1xi32>
    %shift_left3A_131 = arith.shli %xor3A_127, %shift_left3A_130 : vector<1024x1xi32>
    %shift_right_logical3A_132 = arith.constant 17 : i32
    %shift_right_logical3A_133 = vector.broadcast %shift_right_logical3A_132 : i32 to vector<1024x1xi32>
    %shift_right_logical3A_134 = arith.shrui %xor3A_127, %shift_right_logical3A_133 : vector<1024x1xi32>
    %or3A_135 = arith.ori %shift_left3A_131, %shift_right_logical3A_134 : vector<1024x1xi32>
    %xor3A_136 = arith.xori %add3A_128, %or3A_135 : vector<1024x1xi32>
    %add3A_137 = arith.addi %add3A_128, %xor3A_136 : vector<1024x1xi32>
    %shift_left3A_138 = arith.constant 26 : i32
    %shift_left3A_139 = vector.broadcast %shift_left3A_138 : i32 to vector<1024x1xi32>
    %shift_left3A_140 = arith.shli %xor3A_136, %shift_left3A_139 : vector<1024x1xi32>
    %shift_right_logical3A_141 = arith.constant 6 : i32
    %shift_right_logical3A_142 = vector.broadcast %shift_right_logical3A_141 : i32 to vector<1024x1xi32>
    %shift_right_logical3A_143 = arith.shrui %xor3A_136, %shift_right_logical3A_142 : vector<1024x1xi32>
    %or3A_144 = arith.ori %shift_left3A_140, %shift_right_logical3A_143 : vector<1024x1xi32>
    %xor3A_145 = arith.xori %add3A_137, %or3A_144 : vector<1024x1xi32>
    %add3A_146 = arith.addi %add3A_137, %xor3A_145 : vector<1024x1xi32>
    %shift_left3A_147 = arith.constant 6 : i32
    %shift_left3A_148 = vector.broadcast %shift_left3A_147 : i32 to vector<1024x1xi32>
    %shift_left3A_149 = arith.shli %xor3A_145, %shift_left3A_148 : vector<1024x1xi32>
    %shift_right_logical3A_150 = arith.constant 26 : i32
    %shift_right_logical3A_151 = vector.broadcast %shift_right_logical3A_150 : i32 to vector<1024x1xi32>
    %shift_right_logical3A_152 = arith.shrui %xor3A_145, %shift_right_logical3A_151 : vector<1024x1xi32>
    %or3A_153 = arith.ori %shift_left3A_149, %shift_right_logical3A_152 : vector<1024x1xi32>
    %xor3A_154 = arith.xori %add3A_146, %or3A_153 : vector<1024x1xi32>
    %add3A_155 = vector.broadcast %get3A_24 : i32 to vector<1024x1xi32>
    %add3A_156 = arith.addi %add3A_146, %add3A_155 : vector<1024x1xi32>
    %add3A_157 = vector.broadcast %get3A_27 : i32 to vector<1024x1xi32>
    %add3A_158 = arith.addi %xor3A_154, %add3A_157 : vector<1024x1xi32>
    %add3A_159 = arith.constant 3 : i32
    %add3A_160 = vector.broadcast %add3A_159 : i32 to vector<1024x1xi32>
    %add3A_161 = arith.addi %add3A_158, %add3A_160 : vector<1024x1xi32>
    %add3A_162 = arith.addi %add3A_156, %add3A_161 : vector<1024x1xi32>
    %shift_left3A_163 = arith.constant 17 : i32
    %shift_left3A_164 = vector.broadcast %shift_left3A_163 : i32 to vector<1024x1xi32>
    %shift_left3A_165 = arith.shli %add3A_161, %shift_left3A_164 : vector<1024x1xi32>
    %shift_right_logical3A_166 = arith.constant 15 : i32
    %shift_right_logical3A_167 = vector.broadcast %shift_right_logical3A_166 : i32 to vector<1024x1xi32>
    %shift_right_logical3A_168 = arith.shrui %add3A_161, %shift_right_logical3A_167 : vector<1024x1xi32>
    %or3A_169 = arith.ori %shift_left3A_165, %shift_right_logical3A_168 : vector<1024x1xi32>
    %xor3A_170 = arith.xori %add3A_162, %or3A_169 : vector<1024x1xi32>
    %add3A_171 = arith.addi %add3A_162, %xor3A_170 : vector<1024x1xi32>
    %shift_left3A_172 = arith.constant 29 : i32
    %shift_left3A_173 = vector.broadcast %shift_left3A_172 : i32 to vector<1024x1xi32>
    %shift_left3A_174 = arith.shli %xor3A_170, %shift_left3A_173 : vector<1024x1xi32>
    %shift_right_logical3A_175 = arith.constant 3 : i32
    %shift_right_logical3A_176 = vector.broadcast %shift_right_logical3A_175 : i32 to vector<1024x1xi32>
    %shift_right_logical3A_177 = arith.shrui %xor3A_170, %shift_right_logical3A_176 : vector<1024x1xi32>
    %or3A_178 = arith.ori %shift_left3A_174, %shift_right_logical3A_177 : vector<1024x1xi32>
    %xor3A_179 = arith.xori %add3A_171, %or3A_178 : vector<1024x1xi32>
    %add3A_180 = arith.addi %add3A_171, %xor3A_179 : vector<1024x1xi32>
    %shift_left3A_181 = arith.constant 16 : i32
    %shift_left3A_182 = vector.broadcast %shift_left3A_181 : i32 to vector<1024x1xi32>
    %shift_left3A_183 = arith.shli %xor3A_179, %shift_left3A_182 : vector<1024x1xi32>
    %shift_right_logical3A_184 = arith.constant 16 : i32
    %shift_right_logical3A_185 = vector.broadcast %shift_right_logical3A_184 : i32 to vector<1024x1xi32>
    %shift_right_logical3A_186 = arith.shrui %xor3A_179, %shift_right_logical3A_185 : vector<1024x1xi32>
    %or3A_187 = arith.ori %shift_left3A_183, %shift_right_logical3A_186 : vector<1024x1xi32>
    %xor3A_188 = arith.xori %add3A_180, %or3A_187 : vector<1024x1xi32>
    %add3A_189 = arith.addi %add3A_180, %xor3A_188 : vector<1024x1xi32>
    %shift_left3A_190 = arith.constant 24 : i32
    %shift_left3A_191 = vector.broadcast %shift_left3A_190 : i32 to vector<1024x1xi32>
    %shift_left3A_192 = arith.shli %xor3A_188, %shift_left3A_191 : vector<1024x1xi32>
    %shift_right_logical3A_193 = arith.constant 8 : i32
    %shift_right_logical3A_194 = vector.broadcast %shift_right_logical3A_193 : i32 to vector<1024x1xi32>
    %shift_right_logical3A_195 = arith.shrui %xor3A_188, %shift_right_logical3A_194 : vector<1024x1xi32>
    %or3A_196 = arith.ori %shift_left3A_192, %shift_right_logical3A_195 : vector<1024x1xi32>
    %xor3A_197 = arith.xori %add3A_189, %or3A_196 : vector<1024x1xi32>
    %add3A_198 = vector.broadcast %get3A_27 : i32 to vector<1024x1xi32>
    %add3A_199 = arith.addi %add3A_189, %add3A_198 : vector<1024x1xi32>
    %add3A_200 = vector.broadcast %xor3A_31 : i32 to vector<1024x1xi32>
    %add3A_201 = arith.addi %xor3A_197, %add3A_200 : vector<1024x1xi32>
    %add3A_202 = arith.constant 4 : i32
    %add3A_203 = vector.broadcast %add3A_202 : i32 to vector<1024x1xi32>
    %add3A_204 = arith.addi %add3A_201, %add3A_203 : vector<1024x1xi32>
    %add3A_205 = arith.addi %add3A_199, %add3A_204 : vector<1024x1xi32>
    %shift_left3A_206 = arith.constant 13 : i32
    %shift_left3A_207 = vector.broadcast %shift_left3A_206 : i32 to vector<1024x1xi32>
    %shift_left3A_208 = arith.shli %add3A_204, %shift_left3A_207 : vector<1024x1xi32>
    %shift_right_logical3A_209 = arith.constant 19 : i32
    %shift_right_logical3A_210 = vector.broadcast %shift_right_logical3A_209 : i32 to vector<1024x1xi32>
    %shift_right_logical3A_211 = arith.shrui %add3A_204, %shift_right_logical3A_210 : vector<1024x1xi32>
    %or3A_212 = arith.ori %shift_left3A_208, %shift_right_logical3A_211 : vector<1024x1xi32>
    %xor3A_213 = arith.xori %add3A_205, %or3A_212 : vector<1024x1xi32>
    %add3A_214 = arith.addi %add3A_205, %xor3A_213 : vector<1024x1xi32>
    %shift_left3A_215 = arith.constant 15 : i32
    %shift_left3A_216 = vector.broadcast %shift_left3A_215 : i32 to vector<1024x1xi32>
    %shift_left3A_217 = arith.shli %xor3A_213, %shift_left3A_216 : vector<1024x1xi32>
    %shift_right_logical3A_218 = arith.constant 17 : i32
    %shift_right_logical3A_219 = vector.broadcast %shift_right_logical3A_218 : i32 to vector<1024x1xi32>
    %shift_right_logical3A_220 = arith.shrui %xor3A_213, %shift_right_logical3A_219 : vector<1024x1xi32>
    %or3A_221 = arith.ori %shift_left3A_217, %shift_right_logical3A_220 : vector<1024x1xi32>
    %xor3A_222 = arith.xori %add3A_214, %or3A_221 : vector<1024x1xi32>
    %add3A_223 = arith.addi %add3A_214, %xor3A_222 : vector<1024x1xi32>
    %shift_left3A_224 = arith.constant 26 : i32
    %shift_left3A_225 = vector.broadcast %shift_left3A_224 : i32 to vector<1024x1xi32>
    %shift_left3A_226 = arith.shli %xor3A_222, %shift_left3A_225 : vector<1024x1xi32>
    %shift_right_logical3A_227 = arith.constant 6 : i32
    %shift_right_logical3A_228 = vector.broadcast %shift_right_logical3A_227 : i32 to vector<1024x1xi32>
    %shift_right_logical3A_229 = arith.shrui %xor3A_222, %shift_right_logical3A_228 : vector<1024x1xi32>
    %or3A_230 = arith.ori %shift_left3A_226, %shift_right_logical3A_229 : vector<1024x1xi32>
    %xor3A_231 = arith.xori %add3A_223, %or3A_230 : vector<1024x1xi32>
    %add3A_232 = arith.addi %add3A_223, %xor3A_231 : vector<1024x1xi32>
    %shift_left3A_233 = arith.constant 6 : i32
    %shift_left3A_234 = vector.broadcast %shift_left3A_233 : i32 to vector<1024x1xi32>
    %shift_left3A_235 = arith.shli %xor3A_231, %shift_left3A_234 : vector<1024x1xi32>
    %shift_right_logical3A_236 = arith.constant 26 : i32
    %shift_right_logical3A_237 = vector.broadcast %shift_right_logical3A_236 : i32 to vector<1024x1xi32>
    %shift_right_logical3A_238 = arith.shrui %xor3A_231, %shift_right_logical3A_237 : vector<1024x1xi32>
    %or3A_239 = arith.ori %shift_left3A_235, %shift_right_logical3A_238 : vector<1024x1xi32>
    %xor3A_240 = arith.xori %add3A_232, %or3A_239 : vector<1024x1xi32>
    %add3A_241 = vector.broadcast %xor3A_31 : i32 to vector<1024x1xi32>
    %add3A_242 = arith.addi %add3A_232, %add3A_241 : vector<1024x1xi32>
    %add3A_243 = vector.broadcast %get3A_24 : i32 to vector<1024x1xi32>
    %add3A_244 = arith.addi %xor3A_240, %add3A_243 : vector<1024x1xi32>
    %add3A_245 = arith.constant 5 : i32
    %add3A_246 = vector.broadcast %add3A_245 : i32 to vector<1024x1xi32>
    %add3A_247 = arith.addi %add3A_244, %add3A_246 : vector<1024x1xi32>
    %xor3A_248 = arith.xori %add3A_242, %add3A_247 : vector<1024x1xi32>
    %shift_right_logical3A_249 = arith.constant 9 : i32
    %shift_right_logical3A_250 = vector.broadcast %shift_right_logical3A_249 : i32 to vector<1024x1xi32>
    %shift_right_logical3A_251 = arith.shrui %xor3A_248, %shift_right_logical3A_250 : vector<1024x1xi32>
    %or3A_252 = arith.constant 1065353216 : i32
    %or3A_253 = vector.broadcast %or3A_252 : i32 to vector<1024x1xi32>
    %or3A_254 = arith.ori %shift_right_logical3A_251, %or3A_253 : vector<1024x1xi32>
    %bitcast_convert_type3A = tpu.bitcast %or3A_254 : vector<1024x1xi32> -> vector<1024x1xf32>
    %sub3A = arith.constant 1.000000e+00 : f32
    %sub3A_255 = vector.broadcast %sub3A : f32 to vector<1024x1xf32>
    %sub3A_256 = arith.subf %bitcast_convert_type3A, %sub3A_255 : vector<1024x1xf32>
    %sub3A_257 = arith.constant 1.000000e+00 : f32
    %sub3A_258 = vector.broadcast %sub3A_257 : f32 to vector<1024x1xf32>
    %sub3A_259 = arith.subf %sub3A_258, %sub3A_256 : vector<1024x1xf32>
    %log3A = math.log %sub3A_259 : vector<1024x1xf32>
    %add3A_260 = arith.addf %log3A, %mul3A_21 : vector<1024x1xf32>
    %get3A_261 = arith.constant 0 : index
    %get3A_262 = arith.constant 0 : index
    %get3A_263 = vector.load %arg3[%get3A_261, %get3A_262] : memref<1024x1xf32, #tpu.memory_space<vmem>>, vector<1024x1xf32>
    %while3A = arith.constant 12 : i32
    %while3A_264:5 = scf.while (%while3A_267 = %while3A, %while3A_268 = %get3A_4, %while3A_269 = %get3A_7, %while3A_270 = %get3A_1, %while3A_271 = %get3A_263) : (i32, vector<1024x128xf32>, vector<1024x128xf32>, vector<1024x128xf32>, vector<1024x1xf32>) -> (i32, vector<1024x128xf32>, vector<1024x128xf32>, vector<1024x128xf32>, vector<1024x1xf32>) {
      %lt3A = arith.constant 50 : i32
      %lt3A_272 = arith.cmpi slt, %while3A_267, %lt3A : i32
      %reduce_sum3A_273 = vector.shape_cast %while3A_271 : vector<1024x1xf32> to vector<1x1024x1xf32>
      %reduce_sum3A_274 = arith.constant dense<0.000000e+00> : vector<1xf32>
      %reduce_sum3A_275 = vector.multi_reduction <add>, %reduce_sum3A_273, %reduce_sum3A_274 [1, 2] : vector<1x1024x1xf32> to vector<1xf32>
      %reduce_sum3A_276 = vector.shape_cast %reduce_sum3A_275 : vector<1xf32> to vector<1x1x1xf32>
      %reduce_sum3A_277 = vector.extract %reduce_sum3A_276[0, 0, 0] : f32 from vector<1x1x1xf32>
      %gt3A = arith.constant 0.000000e+00 : f32
      %gt3A_278 = arith.cmpf ogt, %reduce_sum3A_277, %gt3A : f32
      %and3A = arith.andi %lt3A_272, %gt3A_278 : i1
      scf.condition(%and3A) %while3A_267, %while3A_268, %while3A_269, %while3A_270, %while3A_271 : i32, vector<1024x128xf32>, vector<1024x128xf32>, vector<1024x128xf32>, vector<1024x1xf32>
    } do {
    ^bb0(%while3A_267: i32, %while3A_268: vector<1024x128xf32>, %while3A_269: vector<1024x128xf32>, %while3A_270: vector<1024x128xf32>, %while3A_271: vector<1024x1xf32>):
      %gt3A = arith.constant 0.000000e+00 : f32
      %gt3A_272 = vector.broadcast %gt3A : f32 to vector<1024x1xf32>
      %gt3A_273 = arith.cmpf ogt, %while3A_271, %gt3A_272 : vector<1024x1xf32>
      %lt3A = arith.cmpf olt, %while3A_270, %get3A_10 : vector<1024x128xf32>
      %and3A = vector.broadcast %gt3A_273 : vector<1024x1xi1> to vector<1024x128xi1>
      %and3A_274 = arith.andi %and3A, %lt3A : vector<1024x128xi1>
      %select_n3A = arith.select %and3A_274, %while3A_270, %while3A_268 : vector<1024x128xi1>, vector<1024x128xf32>
      %not3A = arith.constant dense<true> : vector<1024x128xi1>
      %not3A_275 = arith.xori %lt3A, %not3A : vector<1024x128xi1>
      %and3A_276 = vector.broadcast %gt3A_273 : vector<1024x1xi1> to vector<1024x128xi1>
      %and3A_277 = arith.andi %and3A_276, %not3A_275 : vector<1024x128xi1>
      %select_n3A_278 = arith.select %and3A_277, %while3A_270, %while3A_269 : vector<1024x128xi1>, vector<1024x128xf32>
      %add3A_279 = arith.constant 4 : i32
      %add3A_280 = arith.addi %add3A_279, %while3A_267 : i32
      %get3A_281 = arith.index_cast %add3A_280 : i32 to index
      %get3A_282 = arith.constant 0 : index
      %get3A_283 = memref.load %arg1[%get3A_281, %get3A_282] : memref<54x2xi32, #tpu.memory_space<smem>>
      %add3A_284 = arith.constant 4 : i32
      %add3A_285 = arith.addi %add3A_284, %while3A_267 : i32
      %get3A_286 = arith.index_cast %add3A_285 : i32 to index
      %get3A_287 = arith.constant 1 : index
      %get3A_288 = memref.load %arg1[%get3A_286, %get3A_287] : memref<54x2xi32, #tpu.memory_space<smem>>
      %broadcast_in_dim3A_289 = arith.constant 0 : i32
      %broadcast_in_dim3A_290 = vector.broadcast %broadcast_in_dim3A_289 : i32 to vector<1024x128xi32>
      %xor3A_291 = arith.xori %get3A_283, %get3A_288 : i32
      %xor3A_292 = arith.constant 466688986 : i32
      %xor3A_293 = arith.xori %xor3A_291, %xor3A_292 : i32
      %add3A_294 = vector.broadcast %get3A_283 : i32 to vector<1024x128xi32>
      %add3A_295 = arith.addi %broadcast_in_dim3A_290, %add3A_294 : vector<1024x128xi32>
      %add3A_296 = vector.broadcast %get3A_288 : i32 to vector<1024x128xi32>
      %add3A_297 = arith.addi %add3A_16, %add3A_296 : vector<1024x128xi32>
      %add3A_298 = arith.addi %add3A_295, %add3A_297 : vector<1024x128xi32>
      %shift_left3A_299 = arith.constant 13 : i32
      %shift_left3A_300 = vector.broadcast %shift_left3A_299 : i32 to vector<1024x128xi32>
      %shift_left3A_301 = arith.shli %add3A_297, %shift_left3A_300 : vector<1024x128xi32>
      %shift_right_logical3A_302 = arith.constant 19 : i32
      %shift_right_logical3A_303 = vector.broadcast %shift_right_logical3A_302 : i32 to vector<1024x128xi32>
      %shift_right_logical3A_304 = arith.shrui %add3A_297, %shift_right_logical3A_303 : vector<1024x128xi32>
      %or3A_305 = arith.ori %shift_left3A_301, %shift_right_logical3A_304 : vector<1024x128xi32>
      %xor3A_306 = arith.xori %add3A_298, %or3A_305 : vector<1024x128xi32>
      %add3A_307 = arith.addi %add3A_298, %xor3A_306 : vector<1024x128xi32>
      %shift_left3A_308 = arith.constant 15 : i32
      %shift_left3A_309 = vector.broadcast %shift_left3A_308 : i32 to vector<1024x128xi32>
      %shift_left3A_310 = arith.shli %xor3A_306, %shift_left3A_309 : vector<1024x128xi32>
      %shift_right_logical3A_311 = arith.constant 17 : i32
      %shift_right_logical3A_312 = vector.broadcast %shift_right_logical3A_311 : i32 to vector<1024x128xi32>
      %shift_right_logical3A_313 = arith.shrui %xor3A_306, %shift_right_logical3A_312 : vector<1024x128xi32>
      %or3A_314 = arith.ori %shift_left3A_310, %shift_right_logical3A_313 : vector<1024x128xi32>
      %xor3A_315 = arith.xori %add3A_307, %or3A_314 : vector<1024x128xi32>
      %add3A_316 = arith.addi %add3A_307, %xor3A_315 : vector<1024x128xi32>
      %shift_left3A_317 = arith.constant 26 : i32
      %shift_left3A_318 = vector.broadcast %shift_left3A_317 : i32 to vector<1024x128xi32>
      %shift_left3A_319 = arith.shli %xor3A_315, %shift_left3A_318 : vector<1024x128xi32>
      %shift_right_logical3A_320 = arith.constant 6 : i32
      %shift_right_logical3A_321 = vector.broadcast %shift_right_logical3A_320 : i32 to vector<1024x128xi32>
      %shift_right_logical3A_322 = arith.shrui %xor3A_315, %shift_right_logical3A_321 : vector<1024x128xi32>
      %or3A_323 = arith.ori %shift_left3A_319, %shift_right_logical3A_322 : vector<1024x128xi32>
      %xor3A_324 = arith.xori %add3A_316, %or3A_323 : vector<1024x128xi32>
      %add3A_325 = arith.addi %add3A_316, %xor3A_324 : vector<1024x128xi32>
      %shift_left3A_326 = arith.constant 6 : i32
      %shift_left3A_327 = vector.broadcast %shift_left3A_326 : i32 to vector<1024x128xi32>
      %shift_left3A_328 = arith.shli %xor3A_324, %shift_left3A_327 : vector<1024x128xi32>
      %shift_right_logical3A_329 = arith.constant 26 : i32
      %shift_right_logical3A_330 = vector.broadcast %shift_right_logical3A_329 : i32 to vector<1024x128xi32>
      %shift_right_logical3A_331 = arith.shrui %xor3A_324, %shift_right_logical3A_330 : vector<1024x128xi32>
      %or3A_332 = arith.ori %shift_left3A_328, %shift_right_logical3A_331 : vector<1024x128xi32>
      %xor3A_333 = arith.xori %add3A_325, %or3A_332 : vector<1024x128xi32>
      %add3A_334 = vector.broadcast %get3A_288 : i32 to vector<1024x128xi32>
      %add3A_335 = arith.addi %add3A_325, %add3A_334 : vector<1024x128xi32>
      %add3A_336 = vector.broadcast %xor3A_293 : i32 to vector<1024x128xi32>
      %add3A_337 = arith.addi %xor3A_333, %add3A_336 : vector<1024x128xi32>
      %add3A_338 = arith.constant 1 : i32
      %add3A_339 = vector.broadcast %add3A_338 : i32 to vector<1024x128xi32>
      %add3A_340 = arith.addi %add3A_337, %add3A_339 : vector<1024x128xi32>
      %add3A_341 = arith.addi %add3A_335, %add3A_340 : vector<1024x128xi32>
      %shift_left3A_342 = arith.constant 17 : i32
      %shift_left3A_343 = vector.broadcast %shift_left3A_342 : i32 to vector<1024x128xi32>
      %shift_left3A_344 = arith.shli %add3A_340, %shift_left3A_343 : vector<1024x128xi32>
      %shift_right_logical3A_345 = arith.constant 15 : i32
      %shift_right_logical3A_346 = vector.broadcast %shift_right_logical3A_345 : i32 to vector<1024x128xi32>
      %shift_right_logical3A_347 = arith.shrui %add3A_340, %shift_right_logical3A_346 : vector<1024x128xi32>
      %or3A_348 = arith.ori %shift_left3A_344, %shift_right_logical3A_347 : vector<1024x128xi32>
      %xor3A_349 = arith.xori %add3A_341, %or3A_348 : vector<1024x128xi32>
      %add3A_350 = arith.addi %add3A_341, %xor3A_349 : vector<1024x128xi32>
      %shift_left3A_351 = arith.constant 29 : i32
      %shift_left3A_352 = vector.broadcast %shift_left3A_351 : i32 to vector<1024x128xi32>
      %shift_left3A_353 = arith.shli %xor3A_349, %shift_left3A_352 : vector<1024x128xi32>
      %shift_right_logical3A_354 = arith.constant 3 : i32
      %shift_right_logical3A_355 = vector.broadcast %shift_right_logical3A_354 : i32 to vector<1024x128xi32>
      %shift_right_logical3A_356 = arith.shrui %xor3A_349, %shift_right_logical3A_355 : vector<1024x128xi32>
      %or3A_357 = arith.ori %shift_left3A_353, %shift_right_logical3A_356 : vector<1024x128xi32>
      %xor3A_358 = arith.xori %add3A_350, %or3A_357 : vector<1024x128xi32>
      %add3A_359 = arith.addi %add3A_350, %xor3A_358 : vector<1024x128xi32>
      %shift_left3A_360 = arith.constant 16 : i32
      %shift_left3A_361 = vector.broadcast %shift_left3A_360 : i32 to vector<1024x128xi32>
      %shift_left3A_362 = arith.shli %xor3A_358, %shift_left3A_361 : vector<1024x128xi32>
      %shift_right_logical3A_363 = arith.constant 16 : i32
      %shift_right_logical3A_364 = vector.broadcast %shift_right_logical3A_363 : i32 to vector<1024x128xi32>
      %shift_right_logical3A_365 = arith.shrui %xor3A_358, %shift_right_logical3A_364 : vector<1024x128xi32>
      %or3A_366 = arith.ori %shift_left3A_362, %shift_right_logical3A_365 : vector<1024x128xi32>
      %xor3A_367 = arith.xori %add3A_359, %or3A_366 : vector<1024x128xi32>
      %add3A_368 = arith.addi %add3A_359, %xor3A_367 : vector<1024x128xi32>
      %shift_left3A_369 = arith.constant 24 : i32
      %shift_left3A_370 = vector.broadcast %shift_left3A_369 : i32 to vector<1024x128xi32>
      %shift_left3A_371 = arith.shli %xor3A_367, %shift_left3A_370 : vector<1024x128xi32>
      %shift_right_logical3A_372 = arith.constant 8 : i32
      %shift_right_logical3A_373 = vector.broadcast %shift_right_logical3A_372 : i32 to vector<1024x128xi32>
      %shift_right_logical3A_374 = arith.shrui %xor3A_367, %shift_right_logical3A_373 : vector<1024x128xi32>
      %or3A_375 = arith.ori %shift_left3A_371, %shift_right_logical3A_374 : vector<1024x128xi32>
      %xor3A_376 = arith.xori %add3A_368, %or3A_375 : vector<1024x128xi32>
      %add3A_377 = vector.broadcast %xor3A_293 : i32 to vector<1024x128xi32>
      %add3A_378 = arith.addi %add3A_368, %add3A_377 : vector<1024x128xi32>
      %add3A_379 = vector.broadcast %get3A_283 : i32 to vector<1024x128xi32>
      %add3A_380 = arith.addi %xor3A_376, %add3A_379 : vector<1024x128xi32>
      %add3A_381 = arith.constant 2 : i32
      %add3A_382 = vector.broadcast %add3A_381 : i32 to vector<1024x128xi32>
      %add3A_383 = arith.addi %add3A_380, %add3A_382 : vector<1024x128xi32>
      %add3A_384 = arith.addi %add3A_378, %add3A_383 : vector<1024x128xi32>
      %shift_left3A_385 = arith.constant 13 : i32
      %shift_left3A_386 = vector.broadcast %shift_left3A_385 : i32 to vector<1024x128xi32>
      %shift_left3A_387 = arith.shli %add3A_383, %shift_left3A_386 : vector<1024x128xi32>
      %shift_right_logical3A_388 = arith.constant 19 : i32
      %shift_right_logical3A_389 = vector.broadcast %shift_right_logical3A_388 : i32 to vector<1024x128xi32>
      %shift_right_logical3A_390 = arith.shrui %add3A_383, %shift_right_logical3A_389 : vector<1024x128xi32>
      %or3A_391 = arith.ori %shift_left3A_387, %shift_right_logical3A_390 : vector<1024x128xi32>
      %xor3A_392 = arith.xori %add3A_384, %or3A_391 : vector<1024x128xi32>
      %add3A_393 = arith.addi %add3A_384, %xor3A_392 : vector<1024x128xi32>
      %shift_left3A_394 = arith.constant 15 : i32
      %shift_left3A_395 = vector.broadcast %shift_left3A_394 : i32 to vector<1024x128xi32>
      %shift_left3A_396 = arith.shli %xor3A_392, %shift_left3A_395 : vector<1024x128xi32>
      %shift_right_logical3A_397 = arith.constant 17 : i32
      %shift_right_logical3A_398 = vector.broadcast %shift_right_logical3A_397 : i32 to vector<1024x128xi32>
      %shift_right_logical3A_399 = arith.shrui %xor3A_392, %shift_right_logical3A_398 : vector<1024x128xi32>
      %or3A_400 = arith.ori %shift_left3A_396, %shift_right_logical3A_399 : vector<1024x128xi32>
      %xor3A_401 = arith.xori %add3A_393, %or3A_400 : vector<1024x128xi32>
      %add3A_402 = arith.addi %add3A_393, %xor3A_401 : vector<1024x128xi32>
      %shift_left3A_403 = arith.constant 26 : i32
      %shift_left3A_404 = vector.broadcast %shift_left3A_403 : i32 to vector<1024x128xi32>
      %shift_left3A_405 = arith.shli %xor3A_401, %shift_left3A_404 : vector<1024x128xi32>
      %shift_right_logical3A_406 = arith.constant 6 : i32
      %shift_right_logical3A_407 = vector.broadcast %shift_right_logical3A_406 : i32 to vector<1024x128xi32>
      %shift_right_logical3A_408 = arith.shrui %xor3A_401, %shift_right_logical3A_407 : vector<1024x128xi32>
      %or3A_409 = arith.ori %shift_left3A_405, %shift_right_logical3A_408 : vector<1024x128xi32>
      %xor3A_410 = arith.xori %add3A_402, %or3A_409 : vector<1024x128xi32>
      %add3A_411 = arith.addi %add3A_402, %xor3A_410 : vector<1024x128xi32>
      %shift_left3A_412 = arith.constant 6 : i32
      %shift_left3A_413 = vector.broadcast %shift_left3A_412 : i32 to vector<1024x128xi32>
      %shift_left3A_414 = arith.shli %xor3A_410, %shift_left3A_413 : vector<1024x128xi32>
      %shift_right_logical3A_415 = arith.constant 26 : i32
      %shift_right_logical3A_416 = vector.broadcast %shift_right_logical3A_415 : i32 to vector<1024x128xi32>
      %shift_right_logical3A_417 = arith.shrui %xor3A_410, %shift_right_logical3A_416 : vector<1024x128xi32>
      %or3A_418 = arith.ori %shift_left3A_414, %shift_right_logical3A_417 : vector<1024x128xi32>
      %xor3A_419 = arith.xori %add3A_411, %or3A_418 : vector<1024x128xi32>
      %add3A_420 = vector.broadcast %get3A_283 : i32 to vector<1024x128xi32>
      %add3A_421 = arith.addi %add3A_411, %add3A_420 : vector<1024x128xi32>
      %add3A_422 = vector.broadcast %get3A_288 : i32 to vector<1024x128xi32>
      %add3A_423 = arith.addi %xor3A_419, %add3A_422 : vector<1024x128xi32>
      %add3A_424 = arith.constant 3 : i32
      %add3A_425 = vector.broadcast %add3A_424 : i32 to vector<1024x128xi32>
      %add3A_426 = arith.addi %add3A_423, %add3A_425 : vector<1024x128xi32>
      %add3A_427 = arith.addi %add3A_421, %add3A_426 : vector<1024x128xi32>
      %shift_left3A_428 = arith.constant 17 : i32
      %shift_left3A_429 = vector.broadcast %shift_left3A_428 : i32 to vector<1024x128xi32>
      %shift_left3A_430 = arith.shli %add3A_426, %shift_left3A_429 : vector<1024x128xi32>
      %shift_right_logical3A_431 = arith.constant 15 : i32
      %shift_right_logical3A_432 = vector.broadcast %shift_right_logical3A_431 : i32 to vector<1024x128xi32>
      %shift_right_logical3A_433 = arith.shrui %add3A_426, %shift_right_logical3A_432 : vector<1024x128xi32>
      %or3A_434 = arith.ori %shift_left3A_430, %shift_right_logical3A_433 : vector<1024x128xi32>
      %xor3A_435 = arith.xori %add3A_427, %or3A_434 : vector<1024x128xi32>
      %add3A_436 = arith.addi %add3A_427, %xor3A_435 : vector<1024x128xi32>
      %shift_left3A_437 = arith.constant 29 : i32
      %shift_left3A_438 = vector.broadcast %shift_left3A_437 : i32 to vector<1024x128xi32>
      %shift_left3A_439 = arith.shli %xor3A_435, %shift_left3A_438 : vector<1024x128xi32>
      %shift_right_logical3A_440 = arith.constant 3 : i32
      %shift_right_logical3A_441 = vector.broadcast %shift_right_logical3A_440 : i32 to vector<1024x128xi32>
      %shift_right_logical3A_442 = arith.shrui %xor3A_435, %shift_right_logical3A_441 : vector<1024x128xi32>
      %or3A_443 = arith.ori %shift_left3A_439, %shift_right_logical3A_442 : vector<1024x128xi32>
      %xor3A_444 = arith.xori %add3A_436, %or3A_443 : vector<1024x128xi32>
      %add3A_445 = arith.addi %add3A_436, %xor3A_444 : vector<1024x128xi32>
      %shift_left3A_446 = arith.constant 16 : i32
      %shift_left3A_447 = vector.broadcast %shift_left3A_446 : i32 to vector<1024x128xi32>
      %shift_left3A_448 = arith.shli %xor3A_444, %shift_left3A_447 : vector<1024x128xi32>
      %shift_right_logical3A_449 = arith.constant 16 : i32
      %shift_right_logical3A_450 = vector.broadcast %shift_right_logical3A_449 : i32 to vector<1024x128xi32>
      %shift_right_logical3A_451 = arith.shrui %xor3A_444, %shift_right_logical3A_450 : vector<1024x128xi32>
      %or3A_452 = arith.ori %shift_left3A_448, %shift_right_logical3A_451 : vector<1024x128xi32>
      %xor3A_453 = arith.xori %add3A_445, %or3A_452 : vector<1024x128xi32>
      %add3A_454 = arith.addi %add3A_445, %xor3A_453 : vector<1024x128xi32>
      %shift_left3A_455 = arith.constant 24 : i32
      %shift_left3A_456 = vector.broadcast %shift_left3A_455 : i32 to vector<1024x128xi32>
      %shift_left3A_457 = arith.shli %xor3A_453, %shift_left3A_456 : vector<1024x128xi32>
      %shift_right_logical3A_458 = arith.constant 8 : i32
      %shift_right_logical3A_459 = vector.broadcast %shift_right_logical3A_458 : i32 to vector<1024x128xi32>
      %shift_right_logical3A_460 = arith.shrui %xor3A_453, %shift_right_logical3A_459 : vector<1024x128xi32>
      %or3A_461 = arith.ori %shift_left3A_457, %shift_right_logical3A_460 : vector<1024x128xi32>
      %xor3A_462 = arith.xori %add3A_454, %or3A_461 : vector<1024x128xi32>
      %add3A_463 = vector.broadcast %get3A_288 : i32 to vector<1024x128xi32>
      %add3A_464 = arith.addi %add3A_454, %add3A_463 : vector<1024x128xi32>
      %add3A_465 = vector.broadcast %xor3A_293 : i32 to vector<1024x128xi32>
      %add3A_466 = arith.addi %xor3A_462, %add3A_465 : vector<1024x128xi32>
      %add3A_467 = arith.constant 4 : i32
      %add3A_468 = vector.broadcast %add3A_467 : i32 to vector<1024x128xi32>
      %add3A_469 = arith.addi %add3A_466, %add3A_468 : vector<1024x128xi32>
      %add3A_470 = arith.addi %add3A_464, %add3A_469 : vector<1024x128xi32>
      %shift_left3A_471 = arith.constant 13 : i32
      %shift_left3A_472 = vector.broadcast %shift_left3A_471 : i32 to vector<1024x128xi32>
      %shift_left3A_473 = arith.shli %add3A_469, %shift_left3A_472 : vector<1024x128xi32>
      %shift_right_logical3A_474 = arith.constant 19 : i32
      %shift_right_logical3A_475 = vector.broadcast %shift_right_logical3A_474 : i32 to vector<1024x128xi32>
      %shift_right_logical3A_476 = arith.shrui %add3A_469, %shift_right_logical3A_475 : vector<1024x128xi32>
      %or3A_477 = arith.ori %shift_left3A_473, %shift_right_logical3A_476 : vector<1024x128xi32>
      %xor3A_478 = arith.xori %add3A_470, %or3A_477 : vector<1024x128xi32>
      %add3A_479 = arith.addi %add3A_470, %xor3A_478 : vector<1024x128xi32>
      %shift_left3A_480 = arith.constant 15 : i32
      %shift_left3A_481 = vector.broadcast %shift_left3A_480 : i32 to vector<1024x128xi32>
      %shift_left3A_482 = arith.shli %xor3A_478, %shift_left3A_481 : vector<1024x128xi32>
      %shift_right_logical3A_483 = arith.constant 17 : i32
      %shift_right_logical3A_484 = vector.broadcast %shift_right_logical3A_483 : i32 to vector<1024x128xi32>
      %shift_right_logical3A_485 = arith.shrui %xor3A_478, %shift_right_logical3A_484 : vector<1024x128xi32>
      %or3A_486 = arith.ori %shift_left3A_482, %shift_right_logical3A_485 : vector<1024x128xi32>
      %xor3A_487 = arith.xori %add3A_479, %or3A_486 : vector<1024x128xi32>
      %add3A_488 = arith.addi %add3A_479, %xor3A_487 : vector<1024x128xi32>
      %shift_left3A_489 = arith.constant 26 : i32
      %shift_left3A_490 = vector.broadcast %shift_left3A_489 : i32 to vector<1024x128xi32>
      %shift_left3A_491 = arith.shli %xor3A_487, %shift_left3A_490 : vector<1024x128xi32>
      %shift_right_logical3A_492 = arith.constant 6 : i32
      %shift_right_logical3A_493 = vector.broadcast %shift_right_logical3A_492 : i32 to vector<1024x128xi32>
      %shift_right_logical3A_494 = arith.shrui %xor3A_487, %shift_right_logical3A_493 : vector<1024x128xi32>
      %or3A_495 = arith.ori %shift_left3A_491, %shift_right_logical3A_494 : vector<1024x128xi32>
      %xor3A_496 = arith.xori %add3A_488, %or3A_495 : vector<1024x128xi32>
      %add3A_497 = arith.addi %add3A_488, %xor3A_496 : vector<1024x128xi32>
      %shift_left3A_498 = arith.constant 6 : i32
      %shift_left3A_499 = vector.broadcast %shift_left3A_498 : i32 to vector<1024x128xi32>
      %shift_left3A_500 = arith.shli %xor3A_496, %shift_left3A_499 : vector<1024x128xi32>
      %shift_right_logical3A_501 = arith.constant 26 : i32
      %shift_right_logical3A_502 = vector.broadcast %shift_right_logical3A_501 : i32 to vector<1024x128xi32>
      %shift_right_logical3A_503 = arith.shrui %xor3A_496, %shift_right_logical3A_502 : vector<1024x128xi32>
      %or3A_504 = arith.ori %shift_left3A_500, %shift_right_logical3A_503 : vector<1024x128xi32>
      %xor3A_505 = arith.xori %add3A_497, %or3A_504 : vector<1024x128xi32>
      %add3A_506 = vector.broadcast %xor3A_293 : i32 to vector<1024x128xi32>
      %add3A_507 = arith.addi %add3A_497, %add3A_506 : vector<1024x128xi32>
      %add3A_508 = vector.broadcast %get3A_283 : i32 to vector<1024x128xi32>
      %add3A_509 = arith.addi %xor3A_505, %add3A_508 : vector<1024x128xi32>
      %add3A_510 = arith.constant 5 : i32
      %add3A_511 = vector.broadcast %add3A_510 : i32 to vector<1024x128xi32>
      %add3A_512 = arith.addi %add3A_509, %add3A_511 : vector<1024x128xi32>
      %xor3A_513 = arith.xori %add3A_507, %add3A_512 : vector<1024x128xi32>
      %shift_right_logical3A_514 = arith.constant 9 : i32
      %shift_right_logical3A_515 = vector.broadcast %shift_right_logical3A_514 : i32 to vector<1024x128xi32>
      %shift_right_logical3A_516 = arith.shrui %xor3A_513, %shift_right_logical3A_515 : vector<1024x128xi32>
      %or3A_517 = arith.constant 1065353216 : i32
      %or3A_518 = vector.broadcast %or3A_517 : i32 to vector<1024x128xi32>
      %or3A_519 = arith.ori %shift_right_logical3A_516, %or3A_518 : vector<1024x128xi32>
      %bitcast_convert_type3A_520 = tpu.bitcast %or3A_519 : vector<1024x128xi32> -> vector<1024x128xf32>
      %sub3A_521 = arith.constant 1.000000e+00 : f32
      %sub3A_522 = vector.broadcast %sub3A_521 : f32 to vector<1024x128xf32>
      %sub3A_523 = arith.subf %bitcast_convert_type3A_520, %sub3A_522 : vector<1024x128xf32>
      %sub3A_524 = arith.subf %select_n3A_278, %select_n3A : vector<1024x128xf32>
      %mul3A_525 = arith.mulf %sub3A_523, %sub3A_524 : vector<1024x128xf32>
      %add3A_526 = arith.addf %mul3A_525, %select_n3A : vector<1024x128xf32>
      %broadcast_in_dim3A_527 = vector.shape_cast %gt3A_273 : vector<1024x1xi1> to vector<1024x1xi1>
      %broadcast_in_dim3A_528 = vector.broadcast %broadcast_in_dim3A_527 : vector<1024x1xi1> to vector<1024x128xi1>
      %select_n3A_529 = arith.select %broadcast_in_dim3A_528, %add3A_526, %while3A_270 : vector<1024x128xi1>, vector<1024x128xf32>
      %mul3A_530 = arith.mulf %select_n3A_529, %select_n3A_529 : vector<1024x128xf32>
      %reduce_sum3A_531 = arith.constant dense<0.000000e+00> : vector<1024xf32>
      %reduce_sum3A_532 = vector.multi_reduction <add>, %mul3A_530, %reduce_sum3A_531 [1] : vector<1024x128xf32> to vector<1024xf32>
      %broadcast_in_dim3A_533 = vector.shape_cast %reduce_sum3A_532 : vector<1024xf32> to vector<1024x1xf32>
      %mul3A_534 = arith.constant -5.000000e-01 : f32
      %mul3A_535 = vector.broadcast %mul3A_534 : f32 to vector<1024x1xf32>
      %mul3A_536 = arith.mulf %mul3A_535, %broadcast_in_dim3A_533 : vector<1024x1xf32>
      %lt3A_537 = arith.cmpf olt, %mul3A_536, %add3A_260 : vector<1024x1xf32>
      %and3A_538 = arith.andi %gt3A_273, %lt3A_537 : vector<1024x1xi1>
      %jit3A = arith.constant 1.000000e+00 : f32
      %jit3A_539 = arith.constant 0.000000e+00 : f32
      %broadcast_in_dim3A_540 = vector.broadcast %jit3A : f32 to vector<1024x1xf32>
      %broadcast_in_dim3A_541 = vector.broadcast %jit3A_539 : f32 to vector<1024x1xf32>
      %select_n3A_542 = arith.select %and3A_538, %broadcast_in_dim3A_540, %broadcast_in_dim3A_541 : vector<1024x1xi1>, vector<1024x1xf32>
      %add3A_543 = arith.constant 1 : i32
      %add3A_544 = arith.addi %while3A_267, %add3A_543 : i32
      %gt3A_545 = arith.constant 0.000000e+00 : f32
      %gt3A_546 = vector.broadcast %gt3A_545 : f32 to vector<1024x1xf32>
      %gt3A_547 = arith.cmpf ogt, %select_n3A_542, %gt3A_546 : vector<1024x1xf32>
      %lt3A_548 = arith.cmpf olt, %select_n3A_529, %get3A_10 : vector<1024x128xf32>
      %and3A_549 = vector.broadcast %gt3A_547 : vector<1024x1xi1> to vector<1024x128xi1>
      %and3A_550 = arith.andi %and3A_549, %lt3A_548 : vector<1024x128xi1>
      %select_n3A_551 = arith.select %and3A_550, %select_n3A_529, %select_n3A : vector<1024x128xi1>, vector<1024x128xf32>
      %not3A_552 = arith.constant dense<true> : vector<1024x128xi1>
      %not3A_553 = arith.xori %lt3A_548, %not3A_552 : vector<1024x128xi1>
      %and3A_554 = vector.broadcast %gt3A_547 : vector<1024x1xi1> to vector<1024x128xi1>
      %and3A_555 = arith.andi %and3A_554, %not3A_553 : vector<1024x128xi1>
      %select_n3A_556 = arith.select %and3A_555, %select_n3A_529, %select_n3A_278 : vector<1024x128xi1>, vector<1024x128xf32>
      %add3A_557 = arith.constant 4 : i32
      %add3A_558 = arith.addi %add3A_557, %add3A_544 : i32
      %get3A_559 = arith.index_cast %add3A_558 : i32 to index
      %get3A_560 = arith.constant 0 : index
      %get3A_561 = memref.load %arg1[%get3A_559, %get3A_560] : memref<54x2xi32, #tpu.memory_space<smem>>
      %add3A_562 = arith.constant 4 : i32
      %add3A_563 = arith.addi %add3A_562, %add3A_544 : i32
      %get3A_564 = arith.index_cast %add3A_563 : i32 to index
      %get3A_565 = arith.constant 1 : index
      %get3A_566 = memref.load %arg1[%get3A_564, %get3A_565] : memref<54x2xi32, #tpu.memory_space<smem>>
      %broadcast_in_dim3A_567 = arith.constant 0 : i32
      %broadcast_in_dim3A_568 = vector.broadcast %broadcast_in_dim3A_567 : i32 to vector<1024x128xi32>
      %xor3A_569 = arith.xori %get3A_561, %get3A_566 : i32
      %xor3A_570 = arith.constant 466688986 : i32
      %xor3A_571 = arith.xori %xor3A_569, %xor3A_570 : i32
      %add3A_572 = vector.broadcast %get3A_561 : i32 to vector<1024x128xi32>
      %add3A_573 = arith.addi %broadcast_in_dim3A_568, %add3A_572 : vector<1024x128xi32>
      %add3A_574 = vector.broadcast %get3A_566 : i32 to vector<1024x128xi32>
      %add3A_575 = arith.addi %add3A_16, %add3A_574 : vector<1024x128xi32>
      %add3A_576 = arith.addi %add3A_573, %add3A_575 : vector<1024x128xi32>
      %shift_left3A_577 = arith.constant 13 : i32
      %shift_left3A_578 = vector.broadcast %shift_left3A_577 : i32 to vector<1024x128xi32>
      %shift_left3A_579 = arith.shli %add3A_575, %shift_left3A_578 : vector<1024x128xi32>
      %shift_right_logical3A_580 = arith.constant 19 : i32
      %shift_right_logical3A_581 = vector.broadcast %shift_right_logical3A_580 : i32 to vector<1024x128xi32>
      %shift_right_logical3A_582 = arith.shrui %add3A_575, %shift_right_logical3A_581 : vector<1024x128xi32>
      %or3A_583 = arith.ori %shift_left3A_579, %shift_right_logical3A_582 : vector<1024x128xi32>
      %xor3A_584 = arith.xori %add3A_576, %or3A_583 : vector<1024x128xi32>
      %add3A_585 = arith.addi %add3A_576, %xor3A_584 : vector<1024x128xi32>
      %shift_left3A_586 = arith.constant 15 : i32
      %shift_left3A_587 = vector.broadcast %shift_left3A_586 : i32 to vector<1024x128xi32>
      %shift_left3A_588 = arith.shli %xor3A_584, %shift_left3A_587 : vector<1024x128xi32>
      %shift_right_logical3A_589 = arith.constant 17 : i32
      %shift_right_logical3A_590 = vector.broadcast %shift_right_logical3A_589 : i32 to vector<1024x128xi32>
      %shift_right_logical3A_591 = arith.shrui %xor3A_584, %shift_right_logical3A_590 : vector<1024x128xi32>
      %or3A_592 = arith.ori %shift_left3A_588, %shift_right_logical3A_591 : vector<1024x128xi32>
      %xor3A_593 = arith.xori %add3A_585, %or3A_592 : vector<1024x128xi32>
      %add3A_594 = arith.addi %add3A_585, %xor3A_593 : vector<1024x128xi32>
      %shift_left3A_595 = arith.constant 26 : i32
      %shift_left3A_596 = vector.broadcast %shift_left3A_595 : i32 to vector<1024x128xi32>
      %shift_left3A_597 = arith.shli %xor3A_593, %shift_left3A_596 : vector<1024x128xi32>
      %shift_right_logical3A_598 = arith.constant 6 : i32
      %shift_right_logical3A_599 = vector.broadcast %shift_right_logical3A_598 : i32 to vector<1024x128xi32>
      %shift_right_logical3A_600 = arith.shrui %xor3A_593, %shift_right_logical3A_599 : vector<1024x128xi32>
      %or3A_601 = arith.ori %shift_left3A_597, %shift_right_logical3A_600 : vector<1024x128xi32>
      %xor3A_602 = arith.xori %add3A_594, %or3A_601 : vector<1024x128xi32>
      %add3A_603 = arith.addi %add3A_594, %xor3A_602 : vector<1024x128xi32>
      %shift_left3A_604 = arith.constant 6 : i32
      %shift_left3A_605 = vector.broadcast %shift_left3A_604 : i32 to vector<1024x128xi32>
      %shift_left3A_606 = arith.shli %xor3A_602, %shift_left3A_605 : vector<1024x128xi32>
      %shift_right_logical3A_607 = arith.constant 26 : i32
      %shift_right_logical3A_608 = vector.broadcast %shift_right_logical3A_607 : i32 to vector<1024x128xi32>
      %shift_right_logical3A_609 = arith.shrui %xor3A_602, %shift_right_logical3A_608 : vector<1024x128xi32>
      %or3A_610 = arith.ori %shift_left3A_606, %shift_right_logical3A_609 : vector<1024x128xi32>
      %xor3A_611 = arith.xori %add3A_603, %or3A_610 : vector<1024x128xi32>
      %add3A_612 = vector.broadcast %get3A_566 : i32 to vector<1024x128xi32>
      %add3A_613 = arith.addi %add3A_603, %add3A_612 : vector<1024x128xi32>
      %add3A_614 = vector.broadcast %xor3A_571 : i32 to vector<1024x128xi32>
      %add3A_615 = arith.addi %xor3A_611, %add3A_614 : vector<1024x128xi32>
      %add3A_616 = arith.constant 1 : i32
      %add3A_617 = vector.broadcast %add3A_616 : i32 to vector<1024x128xi32>
      %add3A_618 = arith.addi %add3A_615, %add3A_617 : vector<1024x128xi32>
      %add3A_619 = arith.addi %add3A_613, %add3A_618 : vector<1024x128xi32>
      %shift_left3A_620 = arith.constant 17 : i32
      %shift_left3A_621 = vector.broadcast %shift_left3A_620 : i32 to vector<1024x128xi32>
      %shift_left3A_622 = arith.shli %add3A_618, %shift_left3A_621 : vector<1024x128xi32>
      %shift_right_logical3A_623 = arith.constant 15 : i32
      %shift_right_logical3A_624 = vector.broadcast %shift_right_logical3A_623 : i32 to vector<1024x128xi32>
      %shift_right_logical3A_625 = arith.shrui %add3A_618, %shift_right_logical3A_624 : vector<1024x128xi32>
      %or3A_626 = arith.ori %shift_left3A_622, %shift_right_logical3A_625 : vector<1024x128xi32>
      %xor3A_627 = arith.xori %add3A_619, %or3A_626 : vector<1024x128xi32>
      %add3A_628 = arith.addi %add3A_619, %xor3A_627 : vector<1024x128xi32>
      %shift_left3A_629 = arith.constant 29 : i32
      %shift_left3A_630 = vector.broadcast %shift_left3A_629 : i32 to vector<1024x128xi32>
      %shift_left3A_631 = arith.shli %xor3A_627, %shift_left3A_630 : vector<1024x128xi32>
      %shift_right_logical3A_632 = arith.constant 3 : i32
      %shift_right_logical3A_633 = vector.broadcast %shift_right_logical3A_632 : i32 to vector<1024x128xi32>
      %shift_right_logical3A_634 = arith.shrui %xor3A_627, %shift_right_logical3A_633 : vector<1024x128xi32>
      %or3A_635 = arith.ori %shift_left3A_631, %shift_right_logical3A_634 : vector<1024x128xi32>
      %xor3A_636 = arith.xori %add3A_628, %or3A_635 : vector<1024x128xi32>
      %add3A_637 = arith.addi %add3A_628, %xor3A_636 : vector<1024x128xi32>
      %shift_left3A_638 = arith.constant 16 : i32
      %shift_left3A_639 = vector.broadcast %shift_left3A_638 : i32 to vector<1024x128xi32>
      %shift_left3A_640 = arith.shli %xor3A_636, %shift_left3A_639 : vector<1024x128xi32>
      %shift_right_logical3A_641 = arith.constant 16 : i32
      %shift_right_logical3A_642 = vector.broadcast %shift_right_logical3A_641 : i32 to vector<1024x128xi32>
      %shift_right_logical3A_643 = arith.shrui %xor3A_636, %shift_right_logical3A_642 : vector<1024x128xi32>
      %or3A_644 = arith.ori %shift_left3A_640, %shift_right_logical3A_643 : vector<1024x128xi32>
      %xor3A_645 = arith.xori %add3A_637, %or3A_644 : vector<1024x128xi32>
      %add3A_646 = arith.addi %add3A_637, %xor3A_645 : vector<1024x128xi32>
      %shift_left3A_647 = arith.constant 24 : i32
      %shift_left3A_648 = vector.broadcast %shift_left3A_647 : i32 to vector<1024x128xi32>
      %shift_left3A_649 = arith.shli %xor3A_645, %shift_left3A_648 : vector<1024x128xi32>
      %shift_right_logical3A_650 = arith.constant 8 : i32
      %shift_right_logical3A_651 = vector.broadcast %shift_right_logical3A_650 : i32 to vector<1024x128xi32>
      %shift_right_logical3A_652 = arith.shrui %xor3A_645, %shift_right_logical3A_651 : vector<1024x128xi32>
      %or3A_653 = arith.ori %shift_left3A_649, %shift_right_logical3A_652 : vector<1024x128xi32>
      %xor3A_654 = arith.xori %add3A_646, %or3A_653 : vector<1024x128xi32>
      %add3A_655 = vector.broadcast %xor3A_571 : i32 to vector<1024x128xi32>
      %add3A_656 = arith.addi %add3A_646, %add3A_655 : vector<1024x128xi32>
      %add3A_657 = vector.broadcast %get3A_561 : i32 to vector<1024x128xi32>
      %add3A_658 = arith.addi %xor3A_654, %add3A_657 : vector<1024x128xi32>
      %add3A_659 = arith.constant 2 : i32
      %add3A_660 = vector.broadcast %add3A_659 : i32 to vector<1024x128xi32>
      %add3A_661 = arith.addi %add3A_658, %add3A_660 : vector<1024x128xi32>
      %add3A_662 = arith.addi %add3A_656, %add3A_661 : vector<1024x128xi32>
      %shift_left3A_663 = arith.constant 13 : i32
      %shift_left3A_664 = vector.broadcast %shift_left3A_663 : i32 to vector<1024x128xi32>
      %shift_left3A_665 = arith.shli %add3A_661, %shift_left3A_664 : vector<1024x128xi32>
      %shift_right_logical3A_666 = arith.constant 19 : i32
      %shift_right_logical3A_667 = vector.broadcast %shift_right_logical3A_666 : i32 to vector<1024x128xi32>
      %shift_right_logical3A_668 = arith.shrui %add3A_661, %shift_right_logical3A_667 : vector<1024x128xi32>
      %or3A_669 = arith.ori %shift_left3A_665, %shift_right_logical3A_668 : vector<1024x128xi32>
      %xor3A_670 = arith.xori %add3A_662, %or3A_669 : vector<1024x128xi32>
      %add3A_671 = arith.addi %add3A_662, %xor3A_670 : vector<1024x128xi32>
      %shift_left3A_672 = arith.constant 15 : i32
      %shift_left3A_673 = vector.broadcast %shift_left3A_672 : i32 to vector<1024x128xi32>
      %shift_left3A_674 = arith.shli %xor3A_670, %shift_left3A_673 : vector<1024x128xi32>
      %shift_right_logical3A_675 = arith.constant 17 : i32
      %shift_right_logical3A_676 = vector.broadcast %shift_right_logical3A_675 : i32 to vector<1024x128xi32>
      %shift_right_logical3A_677 = arith.shrui %xor3A_670, %shift_right_logical3A_676 : vector<1024x128xi32>
      %or3A_678 = arith.ori %shift_left3A_674, %shift_right_logical3A_677 : vector<1024x128xi32>
      %xor3A_679 = arith.xori %add3A_671, %or3A_678 : vector<1024x128xi32>
      %add3A_680 = arith.addi %add3A_671, %xor3A_679 : vector<1024x128xi32>
      %shift_left3A_681 = arith.constant 26 : i32
      %shift_left3A_682 = vector.broadcast %shift_left3A_681 : i32 to vector<1024x128xi32>
      %shift_left3A_683 = arith.shli %xor3A_679, %shift_left3A_682 : vector<1024x128xi32>
      %shift_right_logical3A_684 = arith.constant 6 : i32
      %shift_right_logical3A_685 = vector.broadcast %shift_right_logical3A_684 : i32 to vector<1024x128xi32>
      %shift_right_logical3A_686 = arith.shrui %xor3A_679, %shift_right_logical3A_685 : vector<1024x128xi32>
      %or3A_687 = arith.ori %shift_left3A_683, %shift_right_logical3A_686 : vector<1024x128xi32>
      %xor3A_688 = arith.xori %add3A_680, %or3A_687 : vector<1024x128xi32>
      %add3A_689 = arith.addi %add3A_680, %xor3A_688 : vector<1024x128xi32>
      %shift_left3A_690 = arith.constant 6 : i32
      %shift_left3A_691 = vector.broadcast %shift_left3A_690 : i32 to vector<1024x128xi32>
      %shift_left3A_692 = arith.shli %xor3A_688, %shift_left3A_691 : vector<1024x128xi32>
      %shift_right_logical3A_693 = arith.constant 26 : i32
      %shift_right_logical3A_694 = vector.broadcast %shift_right_logical3A_693 : i32 to vector<1024x128xi32>
      %shift_right_logical3A_695 = arith.shrui %xor3A_688, %shift_right_logical3A_694 : vector<1024x128xi32>
      %or3A_696 = arith.ori %shift_left3A_692, %shift_right_logical3A_695 : vector<1024x128xi32>
      %xor3A_697 = arith.xori %add3A_689, %or3A_696 : vector<1024x128xi32>
      %add3A_698 = vector.broadcast %get3A_561 : i32 to vector<1024x128xi32>
      %add3A_699 = arith.addi %add3A_689, %add3A_698 : vector<1024x128xi32>
      %add3A_700 = vector.broadcast %get3A_566 : i32 to vector<1024x128xi32>
      %add3A_701 = arith.addi %xor3A_697, %add3A_700 : vector<1024x128xi32>
      %add3A_702 = arith.constant 3 : i32
      %add3A_703 = vector.broadcast %add3A_702 : i32 to vector<1024x128xi32>
      %add3A_704 = arith.addi %add3A_701, %add3A_703 : vector<1024x128xi32>
      %add3A_705 = arith.addi %add3A_699, %add3A_704 : vector<1024x128xi32>
      %shift_left3A_706 = arith.constant 17 : i32
      %shift_left3A_707 = vector.broadcast %shift_left3A_706 : i32 to vector<1024x128xi32>
      %shift_left3A_708 = arith.shli %add3A_704, %shift_left3A_707 : vector<1024x128xi32>
      %shift_right_logical3A_709 = arith.constant 15 : i32
      %shift_right_logical3A_710 = vector.broadcast %shift_right_logical3A_709 : i32 to vector<1024x128xi32>
      %shift_right_logical3A_711 = arith.shrui %add3A_704, %shift_right_logical3A_710 : vector<1024x128xi32>
      %or3A_712 = arith.ori %shift_left3A_708, %shift_right_logical3A_711 : vector<1024x128xi32>
      %xor3A_713 = arith.xori %add3A_705, %or3A_712 : vector<1024x128xi32>
      %add3A_714 = arith.addi %add3A_705, %xor3A_713 : vector<1024x128xi32>
      %shift_left3A_715 = arith.constant 29 : i32
      %shift_left3A_716 = vector.broadcast %shift_left3A_715 : i32 to vector<1024x128xi32>
      %shift_left3A_717 = arith.shli %xor3A_713, %shift_left3A_716 : vector<1024x128xi32>
      %shift_right_logical3A_718 = arith.constant 3 : i32
      %shift_right_logical3A_719 = vector.broadcast %shift_right_logical3A_718 : i32 to vector<1024x128xi32>
      %shift_right_logical3A_720 = arith.shrui %xor3A_713, %shift_right_logical3A_719 : vector<1024x128xi32>
      %or3A_721 = arith.ori %shift_left3A_717, %shift_right_logical3A_720 : vector<1024x128xi32>
      %xor3A_722 = arith.xori %add3A_714, %or3A_721 : vector<1024x128xi32>
      %add3A_723 = arith.addi %add3A_714, %xor3A_722 : vector<1024x128xi32>
      %shift_left3A_724 = arith.constant 16 : i32
      %shift_left3A_725 = vector.broadcast %shift_left3A_724 : i32 to vector<1024x128xi32>
      %shift_left3A_726 = arith.shli %xor3A_722, %shift_left3A_725 : vector<1024x128xi32>
      %shift_right_logical3A_727 = arith.constant 16 : i32
      %shift_right_logical3A_728 = vector.broadcast %shift_right_logical3A_727 : i32 to vector<1024x128xi32>
      %shift_right_logical3A_729 = arith.shrui %xor3A_722, %shift_right_logical3A_728 : vector<1024x128xi32>
      %or3A_730 = arith.ori %shift_left3A_726, %shift_right_logical3A_729 : vector<1024x128xi32>
      %xor3A_731 = arith.xori %add3A_723, %or3A_730 : vector<1024x128xi32>
      %add3A_732 = arith.addi %add3A_723, %xor3A_731 : vector<1024x128xi32>
      %shift_left3A_733 = arith.constant 24 : i32
      %shift_left3A_734 = vector.broadcast %shift_left3A_733 : i32 to vector<1024x128xi32>
      %shift_left3A_735 = arith.shli %xor3A_731, %shift_left3A_734 : vector<1024x128xi32>
      %shift_right_logical3A_736 = arith.constant 8 : i32
      %shift_right_logical3A_737 = vector.broadcast %shift_right_logical3A_736 : i32 to vector<1024x128xi32>
      %shift_right_logical3A_738 = arith.shrui %xor3A_731, %shift_right_logical3A_737 : vector<1024x128xi32>
      %or3A_739 = arith.ori %shift_left3A_735, %shift_right_logical3A_738 : vector<1024x128xi32>
      %xor3A_740 = arith.xori %add3A_732, %or3A_739 : vector<1024x128xi32>
      %add3A_741 = vector.broadcast %get3A_566 : i32 to vector<1024x128xi32>
      %add3A_742 = arith.addi %add3A_732, %add3A_741 : vector<1024x128xi32>
      %add3A_743 = vector.broadcast %xor3A_571 : i32 to vector<1024x128xi32>
      %add3A_744 = arith.addi %xor3A_740, %add3A_743 : vector<1024x128xi32>
      %add3A_745 = arith.constant 4 : i32
      %add3A_746 = vector.broadcast %add3A_745 : i32 to vector<1024x128xi32>
      %add3A_747 = arith.addi %add3A_744, %add3A_746 : vector<1024x128xi32>
      %add3A_748 = arith.addi %add3A_742, %add3A_747 : vector<1024x128xi32>
      %shift_left3A_749 = arith.constant 13 : i32
      %shift_left3A_750 = vector.broadcast %shift_left3A_749 : i32 to vector<1024x128xi32>
      %shift_left3A_751 = arith.shli %add3A_747, %shift_left3A_750 : vector<1024x128xi32>
      %shift_right_logical3A_752 = arith.constant 19 : i32
      %shift_right_logical3A_753 = vector.broadcast %shift_right_logical3A_752 : i32 to vector<1024x128xi32>
      %shift_right_logical3A_754 = arith.shrui %add3A_747, %shift_right_logical3A_753 : vector<1024x128xi32>
      %or3A_755 = arith.ori %shift_left3A_751, %shift_right_logical3A_754 : vector<1024x128xi32>
      %xor3A_756 = arith.xori %add3A_748, %or3A_755 : vector<1024x128xi32>
      %add3A_757 = arith.addi %add3A_748, %xor3A_756 : vector<1024x128xi32>
      %shift_left3A_758 = arith.constant 15 : i32
      %shift_left3A_759 = vector.broadcast %shift_left3A_758 : i32 to vector<1024x128xi32>
      %shift_left3A_760 = arith.shli %xor3A_756, %shift_left3A_759 : vector<1024x128xi32>
      %shift_right_logical3A_761 = arith.constant 17 : i32
      %shift_right_logical3A_762 = vector.broadcast %shift_right_logical3A_761 : i32 to vector<1024x128xi32>
      %shift_right_logical3A_763 = arith.shrui %xor3A_756, %shift_right_logical3A_762 : vector<1024x128xi32>
      %or3A_764 = arith.ori %shift_left3A_760, %shift_right_logical3A_763 : vector<1024x128xi32>
      %xor3A_765 = arith.xori %add3A_757, %or3A_764 : vector<1024x128xi32>
      %add3A_766 = arith.addi %add3A_757, %xor3A_765 : vector<1024x128xi32>
      %shift_left3A_767 = arith.constant 26 : i32
      %shift_left3A_768 = vector.broadcast %shift_left3A_767 : i32 to vector<1024x128xi32>
      %shift_left3A_769 = arith.shli %xor3A_765, %shift_left3A_768 : vector<1024x128xi32>
      %shift_right_logical3A_770 = arith.constant 6 : i32
      %shift_right_logical3A_771 = vector.broadcast %shift_right_logical3A_770 : i32 to vector<1024x128xi32>
      %shift_right_logical3A_772 = arith.shrui %xor3A_765, %shift_right_logical3A_771 : vector<1024x128xi32>
      %or3A_773 = arith.ori %shift_left3A_769, %shift_right_logical3A_772 : vector<1024x128xi32>
      %xor3A_774 = arith.xori %add3A_766, %or3A_773 : vector<1024x128xi32>
      %add3A_775 = arith.addi %add3A_766, %xor3A_774 : vector<1024x128xi32>
      %shift_left3A_776 = arith.constant 6 : i32
      %shift_left3A_777 = vector.broadcast %shift_left3A_776 : i32 to vector<1024x128xi32>
      %shift_left3A_778 = arith.shli %xor3A_774, %shift_left3A_777 : vector<1024x128xi32>
      %shift_right_logical3A_779 = arith.constant 26 : i32
      %shift_right_logical3A_780 = vector.broadcast %shift_right_logical3A_779 : i32 to vector<1024x128xi32>
      %shift_right_logical3A_781 = arith.shrui %xor3A_774, %shift_right_logical3A_780 : vector<1024x128xi32>
      %or3A_782 = arith.ori %shift_left3A_778, %shift_right_logical3A_781 : vector<1024x128xi32>
      %xor3A_783 = arith.xori %add3A_775, %or3A_782 : vector<1024x128xi32>
      %add3A_784 = vector.broadcast %xor3A_571 : i32 to vector<1024x128xi32>
      %add3A_785 = arith.addi %add3A_775, %add3A_784 : vector<1024x128xi32>
      %add3A_786 = vector.broadcast %get3A_561 : i32 to vector<1024x128xi32>
      %add3A_787 = arith.addi %xor3A_783, %add3A_786 : vector<1024x128xi32>
      %add3A_788 = arith.constant 5 : i32
      %add3A_789 = vector.broadcast %add3A_788 : i32 to vector<1024x128xi32>
      %add3A_790 = arith.addi %add3A_787, %add3A_789 : vector<1024x128xi32>
      %xor3A_791 = arith.xori %add3A_785, %add3A_790 : vector<1024x128xi32>
      %shift_right_logical3A_792 = arith.constant 9 : i32
      %shift_right_logical3A_793 = vector.broadcast %shift_right_logical3A_792 : i32 to vector<1024x128xi32>
      %shift_right_logical3A_794 = arith.shrui %xor3A_791, %shift_right_logical3A_793 : vector<1024x128xi32>
      %or3A_795 = arith.constant 1065353216 : i32
      %or3A_796 = vector.broadcast %or3A_795 : i32 to vector<1024x128xi32>
      %or3A_797 = arith.ori %shift_right_logical3A_794, %or3A_796 : vector<1024x128xi32>
      %bitcast_convert_type3A_798 = tpu.bitcast %or3A_797 : vector<1024x128xi32> -> vector<1024x128xf32>
      %sub3A_799 = arith.constant 1.000000e+00 : f32
      %sub3A_800 = vector.broadcast %sub3A_799 : f32 to vector<1024x128xf32>
      %sub3A_801 = arith.subf %bitcast_convert_type3A_798, %sub3A_800 : vector<1024x128xf32>
      %sub3A_802 = arith.subf %select_n3A_556, %select_n3A_551 : vector<1024x128xf32>
      %mul3A_803 = arith.mulf %sub3A_801, %sub3A_802 : vector<1024x128xf32>
      %add3A_804 = arith.addf %mul3A_803, %select_n3A_551 : vector<1024x128xf32>
      %broadcast_in_dim3A_805 = vector.shape_cast %gt3A_547 : vector<1024x1xi1> to vector<1024x1xi1>
      %broadcast_in_dim3A_806 = vector.broadcast %broadcast_in_dim3A_805 : vector<1024x1xi1> to vector<1024x128xi1>
      %select_n3A_807 = arith.select %broadcast_in_dim3A_806, %add3A_804, %select_n3A_529 : vector<1024x128xi1>, vector<1024x128xf32>
      %mul3A_808 = arith.mulf %select_n3A_807, %select_n3A_807 : vector<1024x128xf32>
      %reduce_sum3A_809 = arith.constant dense<0.000000e+00> : vector<1024xf32>
      %reduce_sum3A_810 = vector.multi_reduction <add>, %mul3A_808, %reduce_sum3A_809 [1] : vector<1024x128xf32> to vector<1024xf32>
      %broadcast_in_dim3A_811 = vector.shape_cast %reduce_sum3A_810 : vector<1024xf32> to vector<1024x1xf32>
      %mul3A_812 = arith.constant -5.000000e-01 : f32
      %mul3A_813 = vector.broadcast %mul3A_812 : f32 to vector<1024x1xf32>
      %mul3A_814 = arith.mulf %mul3A_813, %broadcast_in_dim3A_811 : vector<1024x1xf32>
      %lt3A_815 = arith.cmpf olt, %mul3A_814, %add3A_260 : vector<1024x1xf32>
      %and3A_816 = arith.andi %gt3A_547, %lt3A_815 : vector<1024x1xi1>
      %jit3A_817 = arith.constant 1.000000e+00 : f32
      %jit3A_818 = arith.constant 0.000000e+00 : f32
      %broadcast_in_dim3A_819 = vector.broadcast %jit3A_817 : f32 to vector<1024x1xf32>
      %broadcast_in_dim3A_820 = vector.broadcast %jit3A_818 : f32 to vector<1024x1xf32>
      %select_n3A_821 = arith.select %and3A_816, %broadcast_in_dim3A_819, %broadcast_in_dim3A_820 : vector<1024x1xi1>, vector<1024x1xf32>
      %add3A_822 = arith.constant 2 : i32
      %add3A_823 = arith.addi %while3A_267, %add3A_822 : i32
      scf.yield %add3A_823, %select_n3A_551, %select_n3A_556, %select_n3A_807, %select_n3A_821 : i32, vector<1024x128xf32>, vector<1024x128xf32>, vector<1024x128xf32>, vector<1024x1xf32>
    }
    %swap3A = arith.constant 0 : index
    %swap3A_265 = arith.constant 0 : index
    %swap3A_266 = vector.load %arg5[%swap3A, %swap3A_265] : memref<1024x128xf32, #tpu.memory_space<vmem>>, vector<1024x128xf32>
    tpu.vector_store %arg5[%swap3A, %swap3A_265], %while3A_264#3 {strides = array<i32>} : memref<1024x128xf32, #tpu.memory_space<vmem>>, vector<1024x128xf32>,
    return
  }
  func.func @transform_0(%arg0: i32) -> (i32, i32) {
    %c0_i32 = arith.constant 0 : i32
    %c0_i32_0 = arith.constant 0 : i32
    %c0_i32_1 = arith.constant 0 : i32
    return %c0_i32, %c0_i32_0 : i32, i32
  }
  func.func @transform_1(%arg0: i32) -> (i32, i32) {
    %c0_i32 = arith.constant 0 : i32
    %c0_i32_0 = arith.constant 0 : i32
    return %arg0, %c0_i32 : i32, i32
  }
  func.func @transform_2(%arg0: i32) -> (i32, i32) {
    %c0_i32 = arith.constant 0 : i32
    %c0_i32_0 = arith.constant 0 : i32
    return %arg0, %c0_i32 : i32, i32
  }
  func.func @transform_3(%arg0: i32) -> (i32, i32) {
    %c0_i32 = arith.constant 0 : i32
    %c0_i32_0 = arith.constant 0 : i32
    return %arg0, %c0_i32 : i32, i32
  }
  func.func @transform_4(%arg0: i32) -> (i32, i32) {
    %c0_i32 = arith.constant 0 : i32
    %c0_i32_0 = arith.constant 0 : i32
    return %arg0, %c0_i32 : i32, i32
  }
}

</mosaic_0001>

<sc_bundles>
// kernel: gather_offload_async_start.1
scs
__scs_entry_jumppad:
0x0: {  	(pc) =	sbr.rel $0x88, $3  }
0x1: {  	(tag) =	ssettag $0x0;
	lr =	simm.s32 $0x1  }
0x2: {  	[smem:$0x3FA0] =	sst lr;
	_ =	strace $0xD0000000  }
0x3: {  	_ = 	snop  }
0x4: {  	_ = 	snop  }
0x5: {  	_ = 	snop  }
0x6: {  	_ = 	snop  }
0x7: {  	_ = 	snop  }
__scs_overlays_trampoline_lowered:
0x8: {  	[smem:$0x3FAF] =	sst s0  }
0x9: {  	[smem:$0x3FB0] =	sst s1  }
0xa: {  	[smem:$0x3FB1] =	sst s2  }
0xb: {  	[smem:$0x3FB2] =	sst s3  }
0xc: {  	[smem:$0x3FB3] =	sst s4  }
0xd: {  	[smem:$0x3FB4] =	sst s5  }
0xe: {  	[smem:$0x3FB5] =	sst s6  }
0xf: {  	[smem:$0x3FB6] =	sst s7  }
0x10: {  	[smem:$0x3FB7] =	sst s8  }
0x11: {  	[smem:$0x3FB8] =	sst s9;
	s0 =	simm.s32 @!p0 $0x0  }
0x12: {  	s1 =	sld [smem:$0x3F9E];
	s0 =	simm.s32 @p0 $0x1  }
0x13: {  	[smem:$0x3FB9] =	sst s0;
	s0 =	simm.s32 @!p1 $0x0  }
0x14: {  	s2 =	sld [smem:$0x3F9D];
	s0 =	simm.s32 @p1 $0x1  }
0x15: {  	[smem:$0x3FBA] =	sst s0;
	s0 =	simm.s32 @!p2 $0x0  }
0x16: {  	s3 =	sld [smem:$0x3FDB];
	s0 =	simm.s32 @p2 $0x1  }
0x17: {  	s4 =	simm.s32 $0x1BF5;
	[smem:$0x3FBC] =	sst s0  }
0x18: {  	s0 =	sld [smem:$0x3F9F];
	_ =	swait.ge [sflag:s4], $0x0  }
0x19: {  	s7 =	sld [smem:$0x3FA0]  }
0x1a: {  	s8 =	sadd.s32 $0xFFFFE003, lr  }
0x1b: {  	s9 =	sadd.s32 $0xFFFFFEF7, lr;
	s5 =	simm.s32 $0xFFFFFFFF;
	p2 =	slt.u32 s8, $0xFFFFF086  }
0x1c: {  	p1 =	slt.u32 s9, $0xF7A;
	s5 =	simm.s32 @!p2 $0x0  }
0x1d: {  	s5 =	simm.s32 @p1 $0x1;
	p0 =	seq.s32 s7, s2  }
0x1e: {  	s7 =	smul.u32 @!p0 $0xF7A, s2;
	p2 =	seq.s32 @!p0 s5, $0x0  }
0x1f: {  	s9 =	smul.u32 $0xF7A, s1;
	s8 =	simm.s32 @!p0 $0x1BF5;
	p2 =	por !p2, p0  }
0x20: {  	[sflag:s8] =	ssyncset.s32 @!p0 $0xFFFFF086;
	s6 =	sadd.s32 @!p0 s3, s7;
	s7 =	simm.s32 @!p0 $0x108  }
0x21: {  	s3 =	sadd.s32 s3, s9;
	s6 =	sadd.s32 @!p0 $0x88, s6;
	s7 =	simm.s32 @p2 $0x1082  }
0x22: {  	[simem:s7], [sflag:s8] =	dma.local @!p0 [hbm:s6], $0xF7A  }
0x23: {  	s9 =	sor.u32 $0xD0000000, s2;
	s6 =	simm.s32 $0x108;
	_ =	swait.ge @!p0 [sflag:s8], $0x0  }
0x24: {  	s3 =	sadd.s32 $0x88, s3;
	s6 =	simm.s32 @!p1 $0x1082;
	[sflag:s4] =	ssyncset.s32 $0xFFFFF086  }
0x25: {  	[simem:s6], [sflag:s4] =	dma.local [hbm:s3], $0xF7A  }
0x26: {  	[smem:$0x3FA0] =	sst s1;
	(tag) =	ssettag s2;
	_ =	strace s9  }
0x27: {  	s1 =	sld [smem:$0x3FB0]  }
0x28: {  	s2 =	sld [smem:$0x3FB1]  }
0x29: {  	s4 =	sld [smem:$0x3FB3]  }
0x2a: {  	p0 =	seq.s32 s5, $0x0;
	s5 =	sld [smem:$0x3FB4]  }
0x2b: {  	s6 =	sld [smem:$0x3FB5]  }
0x2c: {  	s7 =	sld [smem:$0x3FB6]  }
0x2d: {  	s3 =	simm.s32 $0x108;
	s8 =	sld [smem:$0x3FB7]  }
0x2e: {  	s3 =	simm.s32 @!p0 $0x1082;
	s9 =	sld [smem:$0x3FB8]  }
0x2f: {  	lr =	sadd.s32 s0, s3;
	s0 =	sld [smem:$0x3FAF]  }
0x30: {  	s3 =	sld [smem:$0x3FB2]  }
0x31: {  	[smem:$0x3FBB] =	sst s10  }
0x32: {  	s10 =	sld [smem:$0x3FB9];
	_ =	sdelay $0x3  }
0x33: {  	p0 =	seq.s32 s10, $0x1;
	s10 =	sld [smem:$0x3FBB];
	_ =	sdelay $0x3  }
0x34: {  	[smem:$0x3FBB] =	sst s10  }
0x35: {  	s10 =	sld [smem:$0x3FBA];
	_ =	sdelay $0x3  }
0x36: {  	p1 =	seq.s32 s10, $0x1;
	s10 =	sld [smem:$0x3FBB];
	_ =	sdelay $0x3  }
0x37: {  	[smem:$0x3FBB] =	sst s10  }
0x38: {  	s10 =	sld [smem:$0x3FBC]  }
0x39: {  	_ = 	snop;
	(pc) =	sbr.ind lr, $3  }
0x3a: {  	_ = 	snop  }
0x3b: {  	_ = 	snop  }
0x3c: {  	p2 =	seq.s32 s10, $0x1;
	s10 =	sld [smem:$0x3FBB]  }
0x3d: {  	_ =	shalt  }
0x3e: {  	_ =	shalt  }
0x3f: {  	_ =	shalt  }
0x40: {  	_ =	shalt  }
0x41: {  	_ =	shalt  }
0x42: {  	_ =	shalt  }
0x43: {  	_ =	shalt  }
0x44: {  	_ =	shalt  }
0x45: {  	_ =	shalt  }
0x46: {  	_ =	shalt  }
0x47: {  	_ =	shalt  }
0x48: {  	_ =	shalt  }
0x49: {  	_ =	shalt  }
0x4a: {  	_ =	shalt  }
0x4b: {  	_ =	shalt  }
0x4c: {  	_ =	shalt  }
0x4d: {  	_ =	shalt  }
0x4e: {  	_ =	shalt  }
0x4f: {  	_ =	shalt  }
0x50: {  	_ =	shalt  }
0x51: {  	_ =	shalt  }
0x52: {  	_ =	shalt  }
0x53: {  	_ =	shalt  }
0x54: {  	_ =	shalt  }
0x55: {  	_ =	shalt  }
0x56: {  	_ =	shalt  }
0x57: {  	_ =	shalt  }
0x58: {  	_ =	shalt  }
0x59: {  	_ =	shalt  }
0x5a: {  	_ =	shalt  }
0x5b: {  	_ =	shalt  }
0x5c: {  	_ =	shalt  }
0x5d: {  	_ =	shalt  }
0x5e: {  	_ =	shalt  }
0x5f: {  	_ =	shalt  }
0x60: {  	_ =	shalt  }
0x61: {  	_ =	shalt  }
0x62: {  	_ =	shalt  }
0x63: {  	_ =	shalt  }
0x64: {  	_ =	shalt  }
0x65: {  	_ =	shalt  }
0x66: {  	_ =	shalt  }
0x67: {  	_ =	shalt  }
0x68: {  	_ =	shalt  }
0x69: {  	_ =	shalt  }
0x6a: {  	_ =	shalt  }
0x6b: {  	_ =	shalt  }
0x6c: {  	_ =	shalt  }
0x6d: {  	_ =	shalt  }
0x6e: {  	_ =	shalt  }
0x6f: {  	_ =	shalt  }
0x70: {  	_ =	shalt  }
0x71: {  	_ =	shalt  }
0x72: {  	_ =	shalt  }
0x73: {  	_ =	shalt  }
0x74: {  	_ =	shalt  }
0x75: {  	_ =	shalt  }
0x76: {  	_ =	shalt  }
0x77: {  	_ =	shalt  }
0x78: {  	_ =	shalt  }
0x79: {  	_ =	shalt  }
0x7a: {  	_ =	shalt  }
0x7b: {  	_ =	shalt  }
0x7c: {  	_ =	shalt  }
0x7d: {  	_ =	shalt  }
0x7e: {  	_ =	shalt  }
0x7f: {  	_ =	shalt  }
0x80: {  	_ =	shalt  }
0x81: {  	_ =	shalt  }
0x82: {  	_ =	shalt  }
0x83: {  	_ =	shalt  }
0x84: {  	_ =	shalt  }
0x85: {  	_ =	shalt  }
0x86: {  	_ =	shalt  }
0x87: {  	_ =	shalt  }
.Lfunc_end0:
.L_simem_size_0:
called_computation.1_lowered:
.L_overlay_start_0:
0x88: {  	s2 =	sld [smem:$0x3FD9]  }
0x89: {  	s3 =	sld [smem:$0x3FFE];
	_ =	sdelay $0x1  }
0x8a: {  	s1 =	srdreg.scid  }
0x8b: {  	s0 =	sand.u32 $0x1, s1  }
0x8c: {  	s16 =	sshll.u32 s0, $0xA;
	s2 =	sadd.s32 s3, s2  }
0x8d: {  	s2 =	sadd.s32 s2, s16  }
0x8e: {  	[smem:$0x3FC7] =	sst s2  }
0x8f: {  	_ = 	snop  }
0x90: {  	(tm) =	ssettm $0x1  }
0x91: {  	s17 =	sld [smem:$0x3FFB];
	_ =	sdelay $0x3  }
0x92: {  	_ =	strace s17  }
0x93: {  	s2 =	sld [smem:$0x3FFC];
	_ =	sdelay $0x3  }
0x94: {  	_ =	strace s2  }
0x95: {  	s2 =	sld [smem:$0x3FFD];
	_ =	sdelay $0x3  }
0x96: {  	_ =	strace s2  }
0x97: {  	_ =	strace $0x8FFFFFFF  }
0x98: {  	s18 =	sld [smem:$0x3FDB];
	_ =	sdelay $0x1  }
0x99: {  	s19 =	simm.s32 $_scs_section_size  }
0x9a: {  	s4 =	simm.s32 $_size__tile_overlayer_lowered;
	s5 =	simm.s32 $_tile_overlayer_lowered  }
0x9b: {  	s22 =	simm.s32 $0x1BFF;
	s21 =	sshll.u32 s5, $0x1;
	s2 =	sadd.s32 s19, s18  }
0x9c: {  	s6 =	simm.s32 $0x0;
	s20 =	sshll.u32 s4, $0x1;
	s4 =	sadd.s32 s21, s2  }
0x9d: {  	[timem:s6], [sflag:s22] =	dma.local [hbm:s4], s20  }
0x9e: {  	_ =	swait.ge [sflag:s22], s20  }
0x9f: {  	s3 =	ssub.s32 $0x0, s20;
	[sflag:s22] =	ssyncset.done $0x0  }
0xa0: {  	[sflag:s22] =	ssyncadd.s32 s3;
	_ =	sdelay $0x1  }
0xa1: {  	s23 =	simm.s32 $0x1B8B  }
0xa2: {  	_ =	swait.ge [sflag:s23], $0x1  }
0xa3: {  	[sflag:s23] =	ssyncset.done $0x0  }
0xa4: {  	s25 =	simm.s32 $0x1B8E;
	s24 =	sld [smem:$0x3FFE];
	[sflag:s23] =	ssyncadd.s32 $0xFFFFFFFF  }
0xa5: {  	s26 =	simm.s32 $execute0_lowered;
	[smem:$0x3FD2] =	sst s25  }
0xa6: {  	s4 =	sshll.u32 s26, $0x1;
	_ =	strace $0x80000046;
	[dreg:$0x1] =	wrdreg $0xFFFFFFFF  }
0xa7: {  	s28 =	simm.s32 $_size_execute0_lowered;
	s2 =	sadd.s32 s2, s4;
	[dreg:$0x0] =	wrdreg $0x0  }
0xa8: {  	s4 =	sshll.u32 s28, $0x1;
	[dreg:$0x2] =	wrdreg s2  }
0xa9: {  	[dreg:$0x3] =	wrdreg s4  }
0xaa: {  	[dreg:$0x4] =	wrdreg $0xC0  }
0xab: {  	_ =	task [dreg:s6], $0x5FFFF  }
0xac: {  	[dreg:$0x1] =	wrdreg $0xFFFFFFFF  }
0xad: {  	[dreg:$0x0] =	wrdreg $0x60  }
0xae: {  	[dreg:$0x2] =	wrdreg s24  }
0xaf: {  	[dreg:$0x3] =	wrdreg $0xA  }
0xb0: {  	_ =	task.clear_ibuf [dreg:s6], $0x4FFFF;
	_ =	strace $0x90000046  }
0xb1: {  	s29 =	simm.s32 $0xA;
	_ =	strace $0x80000048  }
0xb2: {  	_ =	swait.ge [sflag:s29], $0x1  }
0xb3: {  	[sflag:s29] =	ssyncadd.s32 $0xFFFFFFFF  }
0xb4: {  	_ =	strace $0x90000048  }
0xb5: {  	_ =	sfence  }
0xb6: {  	s30 =	sld [smem:$0x0];
	_ =	sdelay $0x2  }
0xb7: {  	s31 =	sshll.u32 s1, $0xD;
	s1 =	sshrl.u32 s1, $0x2  }
0xb8: {  	s3 =	sand.u32 $0x4000, s31;
	s1 =	sadd.s32 s1, s30  }
0xb9: {  	s0 =	sor.u32 s3, s0;
	s1 =	sshll.u32 s1, $0x11  }
0xba: {  	s0 =	sor.u32 s1, s0  }
0xbb: {  	s0 =	sadd.s32 $0x8F2B, s0  }
0xbc: {  	[sflag:s0] =	ssyncadd.remote.s32 $0x1  }
0xbd: {  	_ =	sfence.sel $0xFFFF  }
0xbe: {  	[dreg:$0x0] =	wrdreg $0xFFFFFFFF;
	(pc) =	sbr.abs _section_cstart, $3  }
0xbf: {  	[dreg:$0x1] =	wrdreg $0xFFFFFFFF  }
0xc0: {  	_ =	task.clear_ibuf [dreg:s6], $0x2FFFF;
	_ =	strace $0x9FFFFFFF  }
0xc1: {  	(tm) =	ssettm $0x7FFFFFFF  }
tec
execute0_lowered:
.L_overlay_start_1:
0x0: {  	(tag) =	ssettag $0x1  }
0x1: {  	s0 =	srdreg.scid;
	s5 =	rddreg [dreg:$0x0]  }
0x2: {  	s1 =	stileid.u32;
	s6 =	simm.s32 $0x1;
	s9 =	simm.s32 $0x1  }
0x3: {  	s10 =	simm.s32 $0x3;
	s13 =	simm.s32 $0x0;
	s2 =	sshll.u32 s0, $0x8  }
0x4: {  	s12 =	simm.s32 $0x0;
	s3 =	sshll.u32 s1, $0x9;
	s4 =	sand.u32 $0x100, s2  }
0x5: {  	s0 =	rddreg [dreg:$0x1];
	_ =	strace $0x80000047;
	s3 =	sor.u32 s3, s4  }
0x6: {  	s2 =	sadd.s32 $0x100400, s5;
	[sflag:s6] =	ssyncpa.u1 $0x0;
	s8 =	ssub.s32 $0x4000, s3  }
.Ltmp0:
0x7: {  	s4 =	sadd.s32 $0x100C00, s5;
	s7 =	sand.u32 $0x1F00, s8;
	(pc) =	sbr.rel .LBB2_1-.Ltmp0, $4  }
0x8: {  	s5 =	sadd.s32 $0x101400, s5;
	s11 =	smov.u32 s3;
	p0 =	sne.s32 s7, $0x0  }
0x9: {  	s8 =	sshrl.u32 s8, $0xD;
	s7 =	simm.s32 $0x2;
	s9 =	simm.s32 @!p0 $0x0  }
0xa: {  	[sflag:s7] =	ssyncpa.u1 $0x0;
	p0 =	por $0x0, $0x0;
	s8 =	sadd.s32 s9, s8  }
0xb: {  	vm0 =	vmmov $0xffff;
	[sflag:s10] =	ssyncpa.u1 $0x0;
	s10 =	simm.s32 $0x0;
	s9 =	sadd.s32 $0x1, s8  }
.LBB2_4:
0xc: {  	v2 =	vnsel vm1, $0x0, v2  }
0xd: {  	vm1 =	vgt.s32 v0, $0x0;
	v2 =	vmin.u32 v2, $0x3FFF  }
0xe: {  	v0 =	vnsel vm1, $0x0, v0  }
0xf: {  	v0 =	vmin.u32 v0, $0x3FFF  }
0x10: {  	[tilespmem:s15], [sflag:$0x1] =	stream.indirect_vreg.gather [hbm4b:s2+s10], $0x1, v1, vm0, $0x4038;
	[tilespmem:$0x400] =	vst v63  }
0x11: {  	(ifvalue) =	ssetifvalue $0x7FFFFFFF  }
0x12: {  	[tilespmem:s16], [sflag:$0x1] =	stream.indirect_vreg.gather [hbm4b:s2+s10], $0x1, v2, vm0, $0x4038;
	[tilespmem:$0x400] =	vst v63  }
0x13: {  	s29 =	sadd.s32 $0x10, s16;
	(ifvalue) =	ssetifvalue $0x7FFFFFFF  }
0x14: {  	[tilespmem:s29], [sflag:$0x1] =	stream.indirect_vreg.gather [hbm4b:s2+s10], $0x1, v0, vm0, $0x4038;
	[tilespmem:$0x400] =	vst v63  }
0x15: {  	_ =	swait.ge [sflag:s6], $0x100  }
0x16: {  	s30 =	sshrl.u32 s13, $0x3;
	[sflag:s6] =	ssyncset.done $0x0  }
0x17: {  	s31 =	sand.u32 $0x7, s13;
	s15 =	sadd.s32 s5, s30;
	[sflag:s6] =	ssyncadd.s32 $0xFFFFFF00  }
0x18: {  	[hbm4b:s15+s31] =	stream.linear.scatter [tilespmem:s14], [sflag:$0x3], $0x100, $0x38;
	[tilespmem:$0x400] =	vst v63  }
.LBB2_5:
0x19: {  	s15 =	sadd.s32 $0x2000, s11  }
0x1a: {  	p2 =	sgt.s32 s15, $0x3FFF  }
0x1b: {  	s15 =	smov.u32 @p2 s3;
	p2 =	sne.s32 s12, s9  }
.Ltmp1:
0x1c: {  	p1 =	slt.u32 s12, $0x2;
	(pc) =	sbr.rel @!p2 .LBB2_6-.Ltmp1, $4  }
0x1d: {  	s14 =	simm.s32 @!p1 $0x3  }
0x1e: {  	s16 =	sadd.s32 $0x1, s12;
	_ =	swait.ge @!p1 [sflag:s14], $0x100  }
0x1f: {  	s13 =	smov.u32 s11;
	p0 =	por !p0, !p0;
	[sflag:s14] =	ssyncset.done @!p1 $0x0  }
0x20: {  	s12 =	smov.u32 s16;
	s11 =	smov.u32 s15;
	[sflag:s14] =	ssyncadd.s32 @!p1 $0xFFFFFF00  }
.LBB2_1:
0x21: {  	p1 =	sge.u32 s12, s8  }
0x22: {  	s14 =	sxor.u32 @!p1 $0xFFFFFFFF, s12  }
0x23: {  	s31 =	sadd.s32 $0xFFFFFFFF, s12;
	s15 =	sshrl.u32 @!p1 s11, $0x3;
	s14 =	sshll.u32 @!p1 s14, $0x8  }
0x24: {  	s16 =	sand.u32 @!p1 $0x7, s11;
	s15 =	sadd.s32 @!p1 s4, s15;
	s14 =	sand.u32 @!p1 $0x100, s14  }
0x25: {  	[tilespmem:s14], [sflag:$0x2] =	stream.linear.gather @!p1 [hbm4b:s15+s16], $0x100, $0x38;
	[tilespmem:$0x400] =	vst v63  }
0x26: {  	p1 =	sge.u32 s31, s8  }
.Ltmp2:
0x27: {  	_ = 	snop;
	(pc) =	sbr.rel @p1 .LBB2_5-.Ltmp2, $1  }
0x28: {  	_ =	sdelay $0x3  }
0x29: {  	s14 =	simm.s32 $0x1  }
0x2a: {  	_ =	swait.ge [sflag:s7], $0x100;
	s14 =	simm.s32 @!p0 $0x0  }
0x2b: {  	[sflag:s7] =	ssyncset.done $0x0;
	s14 =	sshll.u32 s14, $0x8  }
0x2c: {  	[sflag:s7] =	ssyncadd.s32 $0xFFFFFF00;
	(ifvalue) =	ssetifvalue $0x7FFFFFFF;
	v0 =	vld.msk [tilespmem:s14+$0x0 ss:$0x1], $0xffff;
	_ =	sdelay $0x4  }
0x2d: {  	s15 =	sadd.s32 $0x10, s14;
	vm1 =	vgt.s32 v0, $0x0  }
0x2e: {  	v2 =	vld.msk [tilespmem:s15+$0x0 ss:$0x1], $0xffff;
	v1 =	vnsel vm1, $0x0, v0  }
0x2f: {  	v1 =	vmin.u32 v1, $0x3FFF;
	_ =	sdelay $0x1  }
0x30: {  	s16 =	sshll.u32 s12, $0x8;
	s18 =	simm.s32 $0x20  }
0x31: {  	s16 =	sand.u32 $0x100, s16;
	s17 =	sadd.s32 $0x10, s15;
	s15 =	sor.u32 $0x200, s14  }
0x32: {  	s14 =	sor.u32 $0x200, s16;
	s16 =	sadd.s32 $0x10, s15;
	v0 =	vld.msk [tilespmem:s17+$0x0 ss:$0x1], $0xffff;
	vm1 =	vgt.s32 v2, $0x0;
	(ifvalue) =	ssetifvalue $0x7FFFFFFF  }
.LBB2_3:
0x33: {  	[tilespmem:s15], [sflag:$0x1] =	stream.indirect_vreg.gather [hbm4b:s2+s10], $0x1, v1, vm0, $0x4038;
	[tilespmem:$0x400] =	vst v63  }
0x34: {  	s18 =	sadd.s32 $0x10, s18  }
0x35: {  	v2 =	vnsel vm1, $0x0, v2;
	p1 =	slt.u32 s18, $0xF0  }
.Ltmp3:
0x36: {  	s15 =	smov.u32 s16;
	v1 =	vmin.u32 v2, $0x3FFF;
	(pc) =	sbr.rel @p1 .LBB2_3-.Ltmp3, $3  }
0x37: {  	_ =	sdelay $0x1  }
0x38: {  	s17 =	sadd.s32 $0x10, s17  }
0x39: {  	vm1 =	vgt.s32 v0, $0x0;
	s16 =	sadd.s32 $0x10, s16;
	v2 =	vmov v0;
	(ifvalue) =	ssetifvalue $0x7FFFFFFF;
	v0 =	vld.msk [tilespmem:s17+$0x0 ss:$0x1], $0xffff  }
.Ltmp4:
0x3a: {  	_ = 	snop;
	(pc) =	sbr.rel .LBB2_4-.Ltmp4, $1  }
0x3b: {  	_ =	sdelay $0x3  }
.LBB2_6:
0x3c: {  	_ =	sfence.sel $0x180000  }
0x3d: {  	s2 =	simm.s32 $0x2;
	[bflag:$0x0] =	sbarrier.arrive $0xFFFF  }
0x3e: {  	s30 =	simm.s32 $0x3;
	[sflag:s2] =	ssyncpa.u1 $0x1  }
0x3f: {  	s31 =	simm.s32 $0x1;
	[sflag:s30] =	ssyncpa.u1 $0x1  }
0x40: {  	[sflag:s31] =	ssyncpa.u1 $0x1  }
0x41: {  	p0 =	sne.s32 s1, $0x0;
	_ =	strace $0x90000047  }
0x42: {  	s0 =	sadd.s32 @!p0 $0x100000, s0;
	[bflag:$0x2] =	sbarrier.arrive $0xFFFF  }
0x43: {  	[sflag:s0] =	ssyncadd.tile.s32 @!p0 $0x1;
	_ =	shalt  }
.Lfunc_end2:
_tile_overlayer_lowered:
.L_overlay_start_2:
0x44: {  	(tag) =	ssettag $0x2  }
0x45: {  	s0 =	rddreg [dreg:$0x0];
	s2 =	stileid.u32  }
0x46: {  	s1 =	rddreg [dreg:$0x1];
	p0 =	sne.s32 s2, $0x0  }
0x47: {  	s3 =	rddreg [dreg:$0x2];
	[bflag:$0x3] =	sbarrier.arrive $0xFFFF;
	s2 =	simm.s32 @!p0 $0x1C01  }
0x48: {  	[timem:s3], [sflag:s2] =	dma.local @!p0 [hbm:s0], s1  }
0x49: {  	s0 =	simm.s32 @!p0 $0x1  }
0x4a: {  	_ =	swait.ge @!p0 [sflag:s0], s1  }
0x4b: {  	s1 =	ssub.s32 @!p0 $0x0, s1;
	[sflag:s0] =	ssyncset.done @!p0 $0x0  }
0x4c: {  	[sflag:s0] =	ssyncadd.s32 @!p0 s1  }
0x4d: {  	[bflag:$0x3] =	sbarrier.arrive $0xFFFF  }
0x4e: {  	_ =	shalt  }

// kernel: gather_offload_async_start.2
scs
__scs_entry_jumppad:
0x0: {  	(pc) =	sbr.rel $0x88, $3  }
0x1: {  	(tag) =	ssettag $0x0;
	lr =	simm.s32 $0x1  }
0x2: {  	[smem:$0x3FA0] =	sst lr;
	_ =	strace $0xD0000000  }
0x3: {  	_ = 	snop  }
0x4: {  	_ = 	snop  }
0x5: {  	_ = 	snop  }
0x6: {  	_ = 	snop  }
0x7: {  	_ = 	snop  }
__scs_overlays_trampoline_lowered:
0x8: {  	[smem:$0x3FAF] =	sst s0  }
0x9: {  	[smem:$0x3FB0] =	sst s1  }
0xa: {  	[smem:$0x3FB1] =	sst s2  }
0xb: {  	[smem:$0x3FB2] =	sst s3  }
0xc: {  	[smem:$0x3FB3] =	sst s4  }
0xd: {  	[smem:$0x3FB4] =	sst s5  }
0xe: {  	[smem:$0x3FB5] =	sst s6  }
0xf: {  	[smem:$0x3FB6] =	sst s7  }
0x10: {  	[smem:$0x3FB7] =	sst s8  }
0x11: {  	[smem:$0x3FB8] =	sst s9;
	s0 =	simm.s32 @!p0 $0x0  }
0x12: {  	s1 =	sld [smem:$0x3F9E];
	s0 =	simm.s32 @p0 $0x1  }
0x13: {  	[smem:$0x3FB9] =	sst s0;
	s0 =	simm.s32 @!p1 $0x0  }
0x14: {  	s2 =	sld [smem:$0x3F9D];
	s0 =	simm.s32 @p1 $0x1  }
0x15: {  	[smem:$0x3FBA] =	sst s0;
	s0 =	simm.s32 @!p2 $0x0  }
0x16: {  	s3 =	sld [smem:$0x3FDB];
	s0 =	simm.s32 @p2 $0x1  }
0x17: {  	s4 =	simm.s32 $0x1BF5;
	[smem:$0x3FBC] =	sst s0  }
0x18: {  	s0 =	sld [smem:$0x3F9F];
	_ =	swait.ge [sflag:s4], $0x0  }
0x19: {  	s7 =	sld [smem:$0x3FA0]  }
0x1a: {  	s8 =	sadd.s32 $0xFFFFE003, lr  }
0x1b: {  	s9 =	sadd.s32 $0xFFFFFEF7, lr;
	s5 =	simm.s32 $0xFFFFFFFF;
	p2 =	slt.u32 s8, $0xFFFFF086  }
0x1c: {  	p1 =	slt.u32 s9, $0xF7A;
	s5 =	simm.s32 @!p2 $0x0  }
0x1d: {  	s5 =	simm.s32 @p1 $0x1;
	p0 =	seq.s32 s7, s2  }
0x1e: {  	s7 =	smul.u32 @!p0 $0xF7A, s2;
	p2 =	seq.s32 @!p0 s5, $0x0  }
0x1f: {  	s9 =	smul.u32 $0xF7A, s1;
	s8 =	simm.s32 @!p0 $0x1BF5;
	p2 =	por !p2, p0  }
0x20: {  	[sflag:s8] =	ssyncset.s32 @!p0 $0xFFFFF086;
	s6 =	sadd.s32 @!p0 s3, s7;
	s7 =	simm.s32 @!p0 $0x108  }
0x21: {  	s3 =	sadd.s32 s3, s9;
	s6 =	sadd.s32 @!p0 $0x88, s6;
	s7 =	simm.s32 @p2 $0x1082  }
0x22: {  	[simem:s7], [sflag:s8] =	dma.local @!p0 [hbm:s6], $0xF7A  }
0x23: {  	s9 =	sor.u32 $0xD0000000, s2;
	s6 =	simm.s32 $0x108;
	_ =	swait.ge @!p0 [sflag:s8], $0x0  }
0x24: {  	s3 =	sadd.s32 $0x88, s3;
	s6 =	simm.s32 @!p1 $0x1082;
	[sflag:s4] =	ssyncset.s32 $0xFFFFF086  }
0x25: {  	[simem:s6], [sflag:s4] =	dma.local [hbm:s3], $0xF7A  }
0x26: {  	[smem:$0x3FA0] =	sst s1;
	(tag) =	ssettag s2;
	_ =	strace s9  }
0x27: {  	s1 =	sld [smem:$0x3FB0]  }
0x28: {  	s2 =	sld [smem:$0x3FB1]  }
0x29: {  	s4 =	sld [smem:$0x3FB3]  }
0x2a: {  	p0 =	seq.s32 s5, $0x0;
	s5 =	sld [smem:$0x3FB4]  }
0x2b: {  	s6 =	sld [smem:$0x3FB5]  }
0x2c: {  	s7 =	sld [smem:$0x3FB6]  }
0x2d: {  	s3 =	simm.s32 $0x108;
	s8 =	sld [smem:$0x3FB7]  }
0x2e: {  	s3 =	simm.s32 @!p0 $0x1082;
	s9 =	sld [smem:$0x3FB8]  }
0x2f: {  	lr =	sadd.s32 s0, s3;
	s0 =	sld [smem:$0x3FAF]  }
0x30: {  	s3 =	sld [smem:$0x3FB2]  }
0x31: {  	[smem:$0x3FBB] =	sst s10  }
0x32: {  	s10 =	sld [smem:$0x3FB9];
	_ =	sdelay $0x3  }
0x33: {  	p0 =	seq.s32 s10, $0x1;
	s10 =	sld [smem:$0x3FBB];
	_ =	sdelay $0x3  }
0x34: {  	[smem:$0x3FBB] =	sst s10  }
0x35: {  	s10 =	sld [smem:$0x3FBA];
	_ =	sdelay $0x3  }
0x36: {  	p1 =	seq.s32 s10, $0x1;
	s10 =	sld [smem:$0x3FBB];
	_ =	sdelay $0x3  }
0x37: {  	[smem:$0x3FBB] =	sst s10  }
0x38: {  	s10 =	sld [smem:$0x3FBC]  }
0x39: {  	_ = 	snop;
	(pc) =	sbr.ind lr, $3  }
0x3a: {  	_ = 	snop  }
0x3b: {  	_ = 	snop  }
0x3c: {  	p2 =	seq.s32 s10, $0x1;
	s10 =	sld [smem:$0x3FBB]  }
0x3d: {  	_ =	shalt  }
0x3e: {  	_ =	shalt  }
0x3f: {  	_ =	shalt  }
0x40: {  	_ =	shalt  }
0x41: {  	_ =	shalt  }
0x42: {  	_ =	shalt  }
0x43: {  	_ =	shalt  }
0x44: {  	_ =	shalt  }
0x45: {  	_ =	shalt  }
0x46: {  	_ =	shalt  }
0x47: {  	_ =	shalt  }
0x48: {  	_ =	shalt  }
0x49: {  	_ =	shalt  }
0x4a: {  	_ =	shalt  }
0x4b: {  	_ =	shalt  }
0x4c: {  	_ =	shalt  }
0x4d: {  	_ =	shalt  }
0x4e: {  	_ =	shalt  }
0x4f: {  	_ =	shalt  }
0x50: {  	_ =	shalt  }
0x51: {  	_ =	shalt  }
0x52: {  	_ =	shalt  }
0x53: {  	_ =	shalt  }
0x54: {  	_ =	shalt  }
0x55: {  	_ =	shalt  }
0x56: {  	_ =	shalt  }
0x57: {  	_ =	shalt  }
0x58: {  	_ =	shalt  }
0x59: {  	_ =	shalt  }
0x5a: {  	_ =	shalt  }
0x5b: {  	_ =	shalt  }
0x5c: {  	_ =	shalt  }
0x5d: {  	_ =	shalt  }
0x5e: {  	_ =	shalt  }
0x5f: {  	_ =	shalt  }
0x60: {  	_ =	shalt  }
0x61: {  	_ =	shalt  }
0x62: {  	_ =	shalt  }
0x63: {  	_ =	shalt  }
0x64: {  	_ =	shalt  }
0x65: {  	_ =	shalt  }
0x66: {  	_ =	shalt  }
0x67: {  	_ =	shalt  }
0x68: {  	_ =	shalt  }
0x69: {  	_ =	shalt  }
0x6a: {  	_ =	shalt  }
0x6b: {  	_ =	shalt  }
0x6c: {  	_ =	shalt  }
0x6d: {  	_ =	shalt  }
0x6e: {  	_ =	shalt  }
0x6f: {  	_ =	shalt  }
0x70: {  	_ =	shalt  }
0x71: {  	_ =	shalt  }
0x72: {  	_ =	shalt  }
0x73: {  	_ =	shalt  }
0x74: {  	_ =	shalt  }
0x75: {  	_ =	shalt  }
0x76: {  	_ =	shalt  }
0x77: {  	_ =	shalt  }
0x78: {  	_ =	shalt  }
0x79: {  	_ =	shalt  }
0x7a: {  	_ =	shalt  }
0x7b: {  	_ =	shalt  }
0x7c: {  	_ =	shalt  }
0x7d: {  	_ =	shalt  }
0x7e: {  	_ =	shalt  }
0x7f: {  	_ =	shalt  }
0x80: {  	_ =	shalt  }
0x81: {  	_ =	shalt  }
0x82: {  	_ =	shalt  }
0x83: {  	_ =	shalt  }
0x84: {  	_ =	shalt  }
0x85: {  	_ =	shalt  }
0x86: {  	_ =	shalt  }
0x87: {  	_ =	shalt  }
.Lfunc_end0:
.L_simem_size_0:
called_computation.2_lowered:
.L_overlay_start_0:
0x88: {  	s2 =	sld [smem:$0x3FD9]  }
0x89: {  	s3 =	sld [smem:$0x3FFE];
	_ =	sdelay $0x1  }
0x8a: {  	s1 =	srdreg.scid  }
0x8b: {  	s0 =	sand.u32 $0x1, s1  }
0x8c: {  	s17 =	sshll.u32 s0, $0xA;
	s2 =	sadd.s32 s3, s2  }
0x8d: {  	s2 =	sadd.s32 s2, s17  }
0x8e: {  	[smem:$0x3FC7] =	sst s2  }
0x8f: {  	_ = 	snop  }
0x90: {  	s2 =	sld [smem:$0x3FD0];
	(tm) =	ssettm $0x1  }
0x91: {  	s18 =	sld [smem:$0x3FFB];
	_ =	sdelay $0x3  }
0x92: {  	_ =	strace s18  }
0x93: {  	s3 =	sld [smem:$0x3FFC];
	_ =	sdelay $0x3  }
0x94: {  	_ =	strace s3  }
0x95: {  	s3 =	sld [smem:$0x3FFD];
	_ =	sdelay $0x3  }
0x96: {  	_ =	strace s3  }
0x97: {  	_ =	strace $0x8FFFFFFF  }
0x98: {  	s19 =	sld [smem:$0x3FDB];
	_ =	sdelay $0x1  }
0x99: {  	s4 =	simm.s32 $_scs_section_size  }
0x9a: {  	s5 =	simm.s32 $_size__tile_overlayer_lowered;
	s6 =	simm.s32 $_tile_overlayer_lowered  }
0x9b: {  	s22 =	simm.s32 $0x1BFF;
	s21 =	sshll.u32 s6, $0x1;
	s3 =	sadd.s32 s4, s19  }
0x9c: {  	s7 =	simm.s32 $0x0;
	s20 =	sshll.u32 s5, $0x1;
	s5 =	sadd.s32 s21, s3  }
0x9d: {  	[timem:s7], [sflag:s22] =	dma.local [hbm:s5], s20  }
0x9e: {  	_ =	swait.ge [sflag:s22], s20  }
0x9f: {  	s4 =	ssub.s32 $0x0, s20;
	[sflag:s22] =	ssyncset.done $0x0  }
0xa0: {  	[sflag:s22] =	ssyncadd.s32 s4;
	_ =	sdelay $0x1  }
0xa1: {  	s23 =	simm.s32 $0x1B8B  }
0xa2: {  	_ =	swait.ge [sflag:s23], $0x1  }
0xa3: {  	[sflag:s23] =	ssyncset.done $0x0  }
0xa4: {  	s25 =	simm.s32 $0x1B8E;
	s24 =	sld [smem:$0x3FFE];
	[sflag:s23] =	ssyncadd.s32 $0xFFFFFFFF  }
0xa5: {  	s26 =	simm.s32 $execute0_lowered;
	[smem:$0x3FD2] =	sst s25  }
0xa6: {  	s5 =	sshll.u32 s26, $0x1;
	_ =	strace $0x8000004C;
	[dreg:$0x1] =	wrdreg $0xFFFFFFFF  }
0xa7: {  	s28 =	simm.s32 $_size_execute0_lowered;
	s3 =	sadd.s32 s3, s5;
	[dreg:$0x0] =	wrdreg $0x0  }
0xa8: {  	s5 =	sshll.u32 s28, $0x1;
	[dreg:$0x2] =	wrdreg s3  }
0xa9: {  	[dreg:$0x3] =	wrdreg s5  }
0xaa: {  	[dreg:$0x4] =	wrdreg $0xC0  }
0xab: {  	_ =	task [dreg:s7], $0x5FFFF  }
0xac: {  	[dreg:$0x1] =	wrdreg $0xFFFFFFFF  }
0xad: {  	[dreg:$0x0] =	wrdreg $0x60  }
0xae: {  	[dreg:$0x2] =	wrdreg s24  }
0xaf: {  	[dreg:$0x3] =	wrdreg s2  }
0xb0: {  	[dreg:$0x4] =	wrdreg $0x9  }
0xb1: {  	_ =	task.clear_ibuf [dreg:s7], $0x5FFFF;
	_ =	strace $0x9000004C  }
0xb2: {  	s29 =	simm.s32 $0x9;
	_ =	strace $0x8000004E  }
0xb3: {  	_ =	swait.ge [sflag:s29], $0x1  }
0xb4: {  	[sflag:s29] =	ssyncadd.s32 $0xFFFFFFFF  }
0xb5: {  	_ =	strace $0x9000004E  }
0xb6: {  	_ =	sfence  }
0xb7: {  	s30 =	sld [smem:$0x0];
	_ =	sdelay $0x2  }
0xb8: {  	s31 =	sshll.u32 s1, $0xD;
	s1 =	sshrl.u32 s1, $0x2  }
0xb9: {  	s3 =	sand.u32 $0x4000, s31;
	s1 =	sadd.s32 s1, s30  }
0xba: {  	s0 =	sor.u32 s3, s0;
	s1 =	sshll.u32 s1, $0x11  }
0xbb: {  	s0 =	sor.u32 s1, s0  }
0xbc: {  	s0 =	sadd.s32 $0x8F2B, s0  }
0xbd: {  	[sflag:s0] =	ssyncadd.remote.s32 $0x1  }
0xbe: {  	_ =	sfence.sel $0xFFFF  }
0xbf: {  	[dreg:$0x0] =	wrdreg $0xFFFFFFFF;
	(pc) =	sbr.abs _section_cstart, $3  }
0xc0: {  	[dreg:$0x1] =	wrdreg $0xFFFFFFFF  }
0xc1: {  	_ =	task.clear_ibuf [dreg:s7], $0x2FFFF;
	_ =	strace $0x9FFFFFFF  }
0xc2: {  	(tm) =	ssettm $0x7FFFFFFF  }
0xc3: {  	_ =	shalt  }
tec
execute0_lowered:
.L_overlay_start_1:
0x0: {  	(tag) =	ssettag $0x1  }
0x1: {  	s2 =	rddreg [dreg:$0x0]  }
0x2: {  	s3 =	rddreg [dreg:$0x1]  }
0x3: {  	s0 =	rddreg [dreg:$0x2];
	s1 =	srdreg.scid;
	_ =	strace $0x8000004D  }
0x4: {  	s4 =	simm.s32 $0x1;
	s9 =	simm.s32 $0x3;
	s5 =	sshll.u32 s1, $0x4  }
.Ltmp0:
0x5: {  	s1 =	stileid.u32;
	s5 =	sand.u32 $0x10, s5;
	(pc) =	sbr.rel .LBB2_1-.Ltmp0, $4  }
0x6: {  	s11 =	simm.s32 $0x0;
	p0 =	por $0x0, $0x0;
	s6 =	sor.u32 s1, s5  }
0x7: {  	[sflag:s4] =	ssyncpa.u1 $0x0;
	s5 =	simm.s32 $0x2;
	s6 =	sshll.u32 s6, $0x9  }
0x8: {  	s7 =	sadd.s32 $0x201C00, s2;
	[sflag:s5] =	ssyncpa.u1 $0x0;
	s8 =	sadd.s32 $0x200, s6  }
0x9: {  	vm0 =	vmmov $0xff;
	vm1 =	vcmask $0x3F20;
	[sflag:s9] =	ssyncpa.u1 $0x0;
	s10 =	smov.u32 s6;
	s9 =	simm.s32 $0x0  }
.LBB2_7:
0xa: {  	p1 =	slt.u32 s9, $0x2;
	s11 =	sadd.s32 $0x100, s10  }
0xb: {  	s13 =	smov.u32 s6;
	s9 =	sadd.s32 $0x1, s9;
	p2 =	slt.s32 s11, s8  }
0xc: {  	s13 =	smov.u32 @p2 s11;
	p2 =	sne.s32 s9, $0x4  }
.Ltmp1:
0xd: {  	_ = 	snop;
	(pc) =	sbr.rel @!p2 .LBB2_8-.Ltmp1, $4  }
0xe: {  	s12 =	simm.s32 @!p1 $0x3  }
0xf: {  	_ =	swait.ge @!p1 [sflag:s12], $0x8000  }
0x10: {  	p0 =	por !p0, !p0;
	[sflag:s12] =	ssyncset.done @!p1 $0x0  }
0x11: {  	s11 =	smov.u32 s10;
	s10 =	smov.u32 s13;
	[sflag:s12] =	ssyncadd.s32 @!p1 $0xFFFF8000  }
.LBB2_1:
0x12: {  	p1 =	sgt.u32 s9, $0x1  }
0x13: {  	s12 =	sshll.u32 @!p1 s9, $0x8;
	s13 =	sshrl.u32 @!p1 s10, $0x3  }
0x14: {  	s14 =	sand.u32 @!p1 $0x7, s10;
	s12 =	sxor.u32 @!p1 $0x100, s12;
	s13 =	sadd.s32 @!p1 s7, s13  }
0x15: {  	[tilespmem:s12], [sflag:$0x2] =	stream.linear.gather @!p1 [hbm4b:s13+s14], $0x100, $0x38;
	[tilespmem:$0x10200] =	vst v63  }
0x16: {  	p1 =	seq.s32 s9, $0x0  }
0x17: {  	p2 =	seq.s32 @!p1 s9, $0x3  }
0x18: {  	p1 =	por p1, p2  }
.Ltmp2:
0x19: {  	_ = 	snop;
	(pc) =	sbr.rel @p1 .LBB2_7-.Ltmp2, $1  }
0x1a: {  	_ =	sdelay $0x3  }
0x1b: {  	s12 =	simm.s32 $0x1  }
0x1c: {  	_ =	swait.ge [sflag:s5], $0x100;
	s12 =	simm.s32 @!p0 $0x0  }
0x1d: {  	[sflag:s5] =	ssyncset.done $0x0;
	s14 =	sshll.u32 s12, $0x8  }
0x1e: {  	[sflag:s5] =	ssyncadd.s32 $0xFFFFFF00;
	s13 =	sadd.s32 $0x0, s14  }
0x1f: {  	v0 =	vld.msk [tilespmem:s13+$0x0 ss:$0x1], $0xffff;
	_ =	sdelay $0x4  }
0x20: {  	vm2 =	vgt.s32 v0, $0x0  }
0x21: {  	v0 =	vnsel vm2, $0x0, v0  }
0x22: {  	v0 =	vmin.u32 v0, $0x3FFF  }
0x23: {  	v0 =	vshll.u32 v0, $0x4;
	_ =	sdelay $0x2  }
0x24: {  	s12 =	sshll.u32 s12, $0xF  }
0x25: {  	s12 =	sor.u32 $0x200, s12  }
0x26: {  	[tilespmem:s12], [sflag:$0x1] =	stream.indirect_vreg.gather [hbm:s2], $0x80, v0, vm0, $0x38;
	[tilespmem:$0x10200] =	vst v63  }
0x27: {  	s15 =	sadd.s32 $0x10, s14;
	s13 =	sadd.s32 $0x400, s12  }
0x28: {  	[tilespmem:s13], [sflag:$0x1] =	stream.indirect_vreg.gather [hbm:s2], $0x80, v0, vm1, $0x38;
	[tilespmem:$0x10200] =	vst v63  }
0x29: {  	s16 =	simm.s32 $0x80;
	v0 =	vld.msk [tilespmem:s15+$0x0 ss:$0x1], $0xffff;
	s15 =	smov.u32 s12  }
.LBB2_3:
0x2a: {  	p1 =	sne.s32 s16, $0x3C0;
	_ =	sdelay $0x4  }
0x2b: {  	vm2 =	vgt.s32 v0, $0x0  }
0x2c: {  	v0 =	vnsel vm2, $0x0, v0  }
0x2d: {  	v0 =	vmin.u32 v0, $0x3FFF  }
0x2e: {  	v0 =	vshll.u32 v0, $0x4;
	_ =	sdelay $0x3  }
.Ltmp3:
0x2f: {  	s17 =	sshra.s32 s16, $0x2;
	s15 =	sadd.s32 $0x800, s15;
	(pc) =	sbr.rel @p1 .LBB2_3-.Ltmp3, $4  }
0x30: {  	[tilespmem:s15], [sflag:$0x1] =	stream.indirect_vreg.gather [hbm:s2], $0x80, v0, vm0, $0x38;
	[tilespmem:$0x10200] =	vst v63  }
0x31: {  	s17 =	sadd.s32 s17, s14;
	s18 =	sadd.s32 $0x400, s15  }
0x32: {  	[tilespmem:s18], [sflag:$0x1] =	stream.indirect_vreg.gather [hbm:s2], $0x80, v0, vm1, $0x38;
	[tilespmem:$0x10200] =	vst v63  }
0x33: {  	s16 =	sadd.s32 $0x40, s16;
	v0 =	vld.msk [tilespmem:s17+$0x0 ss:$0x1], $0xffff  }
0x34: {  	_ =	sdelay $0x3  }
0x35: {  	vm2 =	vgt.s32 v0, $0x0  }
0x36: {  	v0 =	vnsel vm2, $0x0, v0  }
0x37: {  	v0 =	vmin.u32 v0, $0x3FFF  }
0x38: {  	v0 =	vshll.u32 v0, $0x4;
	_ =	sdelay $0x3  }
0x39: {  	s14 =	sadd.s32 $0x800, s15  }
0x3a: {  	[tilespmem:s14], [sflag:$0x1] =	stream.indirect_vreg.gather [hbm:s2], $0x80, v0, vm0, $0x38;
	[tilespmem:$0x10200] =	vst v63  }
0x3b: {  	s14 =	sadd.s32 $0x400, s14  }
0x3c: {  	[tilespmem:s14], [sflag:$0x1] =	stream.indirect_vreg.gather [hbm:s2], $0x80, v0, vm1, $0x38;
	[tilespmem:$0x10200] =	vst v63  }
0x3d: {  	s11 =	sshll.u32 s11, $0x4;
	_ =	swait.ge [sflag:s4], $0x8000  }
0x3e: {  	s11 =	sadd.s32 s11, s3;
	[sflag:s4] =	ssyncset.done $0x0  }
0x3f: {  	s15 =	sadd.s32 $0x0, s11;
	s14 =	simm.s32 $0x80;
	[sflag:s4] =	ssyncadd.s32 $0xFFFF8000  }
.LBB2_5:
0x40: {  	[hbm:s15] =	stream.linear.scatter [tilespmem:s12], [sflag:$0x3], $0x400, $0x38;
	[tilespmem:$0x10200] =	vst v63  }
0x41: {  	s15 =	smov.u32 s14;
	s12 =	smov.u32 s13;
	p1 =	sne.s32 s14, $0xF80  }
.Ltmp4:
0x42: {  	s14 =	sadd.s32 $0x80, s14;
	(pc) =	sbr.rel @p1 .LBB2_5-.Ltmp4, $2  }
0x43: {  	_ =	sdelay $0x2  }
0x44: {  	s13 =	sadd.s32 $0x400, s13;
	s15 =	sadd.s32 s15, s11  }
.Ltmp5:
0x45: {  	(pc) =	sbr.rel .LBB2_7-.Ltmp5, $2  }
0x46: {  	_ =	sdelay $0x2  }
0x47: {  	[hbm:s15] =	stream.linear.scatter [tilespmem:s12], [sflag:$0x3], $0x400, $0x38;
	[tilespmem:$0x10200] =	vst v63  }
.LBB2_8:
0x48: {  	_ =	sfence.sel $0x180000  }
0x49: {  	s2 =	simm.s32 $0x2;
	[bflag:$0x0] =	sbarrier.arrive $0xFFFF  }
0x4a: {  	s30 =	simm.s32 $0x3;
	[sflag:s2] =	ssyncpa.u1 $0x1  }
0x4b: {  	s31 =	simm.s32 $0x1;
	[sflag:s30] =	ssyncpa.u1 $0x1  }
0x4c: {  	[sflag:s31] =	ssyncpa.u1 $0x1  }
0x4d: {  	p0 =	sne.s32 s1, $0x0;
	_ =	strace $0x9000004D  }
0x4e: {  	s0 =	sadd.s32 @!p0 $0x100000, s0;
	[bflag:$0x2] =	sbarrier.arrive $0xFFFF  }
0x4f: {  	[sflag:s0] =	ssyncadd.tile.s32 @!p0 $0x1;
	_ =	shalt  }
.Lfunc_end2:
_tile_overlayer_lowered:
.L_overlay_start_2:
0x50: {  	(tag) =	ssettag $0x2  }
0x51: {  	s0 =	rddreg [dreg:$0x0];
	s2 =	stileid.u32  }
0x52: {  	s1 =	rddreg [dreg:$0x1];
	p0 =	sne.s32 s2, $0x0  }
0x53: {  	s3 =	rddreg [dreg:$0x2];
	[bflag:$0x3] =	sbarrier.arrive $0xFFFF;
	s2 =	simm.s32 @!p0 $0x1C01  }
0x54: {  	[timem:s3], [sflag:s2] =	dma.local @!p0 [hbm:s0], s1  }
0x55: {  	s0 =	simm.s32 @!p0 $0x1  }
0x56: {  	_ =	swait.ge @!p0 [sflag:s0], s1  }
0x57: {  	s1 =	ssub.s32 @!p0 $0x0, s1;
	[sflag:s0] =	ssyncset.done @!p0 $0x0  }
0x58: {  	[sflag:s0] =	ssyncadd.s32 @!p0 s1  }
0x59: {  	[bflag:$0x3] =	sbarrier.arrive $0xFFFF  }
0x5a: {  	_ =	shalt  }

// kernel: gather_offload_async_start
scs
__scs_entry_jumppad:
0x0: {  	(pc) =	sbr.rel $0x88, $3  }
0x1: {  	(tag) =	ssettag $0x0;
	lr =	simm.s32 $0x1  }
0x2: {  	[smem:$0x3FA0] =	sst lr;
	_ =	strace $0xD0000000  }
0x3: {  	_ = 	snop  }
0x4: {  	_ = 	snop  }
0x5: {  	_ = 	snop  }
0x6: {  	_ = 	snop  }
0x7: {  	_ = 	snop  }
__scs_overlays_trampoline_lowered:
0x8: {  	[smem:$0x3FAF] =	sst s0  }
0x9: {  	[smem:$0x3FB0] =	sst s1  }
0xa: {  	[smem:$0x3FB1] =	sst s2  }
0xb: {  	[smem:$0x3FB2] =	sst s3  }
0xc: {  	[smem:$0x3FB3] =	sst s4  }
0xd: {  	[smem:$0x3FB4] =	sst s5  }
0xe: {  	[smem:$0x3FB5] =	sst s6  }
0xf: {  	[smem:$0x3FB6] =	sst s7  }
0x10: {  	[smem:$0x3FB7] =	sst s8  }
0x11: {  	[smem:$0x3FB8] =	sst s9;
	s0 =	simm.s32 @!p0 $0x0  }
0x12: {  	s1 =	sld [smem:$0x3F9E];
	s0 =	simm.s32 @p0 $0x1  }
0x13: {  	[smem:$0x3FB9] =	sst s0;
	s0 =	simm.s32 @!p1 $0x0  }
0x14: {  	s2 =	sld [smem:$0x3F9D];
	s0 =	simm.s32 @p1 $0x1  }
0x15: {  	[smem:$0x3FBA] =	sst s0;
	s0 =	simm.s32 @!p2 $0x0  }
0x16: {  	s3 =	sld [smem:$0x3FDB];
	s0 =	simm.s32 @p2 $0x1  }
0x17: {  	s4 =	simm.s32 $0x1BF5;
	[smem:$0x3FBC] =	sst s0  }
0x18: {  	s0 =	sld [smem:$0x3F9F];
	_ =	swait.ge [sflag:s4], $0x0  }
0x19: {  	s7 =	sld [smem:$0x3FA0]  }
0x1a: {  	s8 =	sadd.s32 $0xFFFFE003, lr  }
0x1b: {  	s9 =	sadd.s32 $0xFFFFFEF7, lr;
	s5 =	simm.s32 $0xFFFFFFFF;
	p2 =	slt.u32 s8, $0xFFFFF086  }
0x1c: {  	p1 =	slt.u32 s9, $0xF7A;
	s5 =	simm.s32 @!p2 $0x0  }
0x1d: {  	s5 =	simm.s32 @p1 $0x1;
	p0 =	seq.s32 s7, s2  }
0x1e: {  	s7 =	smul.u32 @!p0 $0xF7A, s2;
	p2 =	seq.s32 @!p0 s5, $0x0  }
0x1f: {  	s9 =	smul.u32 $0xF7A, s1;
	s8 =	simm.s32 @!p0 $0x1BF5;
	p2 =	por !p2, p0  }
0x20: {  	[sflag:s8] =	ssyncset.s32 @!p0 $0xFFFFF086;
	s6 =	sadd.s32 @!p0 s3, s7;
	s7 =	simm.s32 @!p0 $0x108  }
0x21: {  	s3 =	sadd.s32 s3, s9;
	s6 =	sadd.s32 @!p0 $0x88, s6;
	s7 =	simm.s32 @p2 $0x1082  }
0x22: {  	[simem:s7], [sflag:s8] =	dma.local @!p0 [hbm:s6], $0xF7A  }
0x23: {  	s9 =	sor.u32 $0xD0000000, s2;
	s6 =	simm.s32 $0x108;
	_ =	swait.ge @!p0 [sflag:s8], $0x0  }
0x24: {  	s3 =	sadd.s32 $0x88, s3;
	s6 =	simm.s32 @!p1 $0x1082;
	[sflag:s4] =	ssyncset.s32 $0xFFFFF086  }
0x25: {  	[simem:s6], [sflag:s4] =	dma.local [hbm:s3], $0xF7A  }
0x26: {  	[smem:$0x3FA0] =	sst s1;
	(tag) =	ssettag s2;
	_ =	strace s9  }
0x27: {  	s1 =	sld [smem:$0x3FB0]  }
0x28: {  	s2 =	sld [smem:$0x3FB1]  }
0x29: {  	s4 =	sld [smem:$0x3FB3]  }
0x2a: {  	p0 =	seq.s32 s5, $0x0;
	s5 =	sld [smem:$0x3FB4]  }
0x2b: {  	s6 =	sld [smem:$0x3FB5]  }
0x2c: {  	s7 =	sld [smem:$0x3FB6]  }
0x2d: {  	s3 =	simm.s32 $0x108;
	s8 =	sld [smem:$0x3FB7]  }
0x2e: {  	s3 =	simm.s32 @!p0 $0x1082;
	s9 =	sld [smem:$0x3FB8]  }
0x2f: {  	lr =	sadd.s32 s0, s3;
	s0 =	sld [smem:$0x3FAF]  }
0x30: {  	s3 =	sld [smem:$0x3FB2]  }
0x31: {  	[smem:$0x3FBB] =	sst s10  }
0x32: {  	s10 =	sld [smem:$0x3FB9];
	_ =	sdelay $0x3  }
0x33: {  	p0 =	seq.s32 s10, $0x1;
	s10 =	sld [smem:$0x3FBB];
	_ =	sdelay $0x3  }
0x34: {  	[smem:$0x3FBB] =	sst s10  }
0x35: {  	s10 =	sld [smem:$0x3FBA];
	_ =	sdelay $0x3  }
0x36: {  	p1 =	seq.s32 s10, $0x1;
	s10 =	sld [smem:$0x3FBB];
	_ =	sdelay $0x3  }
0x37: {  	[smem:$0x3FBB] =	sst s10  }
0x38: {  	s10 =	sld [smem:$0x3FBC]  }
0x39: {  	_ = 	snop;
	(pc) =	sbr.ind lr, $3  }
0x3a: {  	_ = 	snop  }
0x3b: {  	_ = 	snop  }
0x3c: {  	p2 =	seq.s32 s10, $0x1;
	s10 =	sld [smem:$0x3FBB]  }
0x3d: {  	_ =	shalt  }
0x3e: {  	_ =	shalt  }
0x3f: {  	_ =	shalt  }
0x40: {  	_ =	shalt  }
0x41: {  	_ =	shalt  }
0x42: {  	_ =	shalt  }
0x43: {  	_ =	shalt  }
0x44: {  	_ =	shalt  }
0x45: {  	_ =	shalt  }
0x46: {  	_ =	shalt  }
0x47: {  	_ =	shalt  }
0x48: {  	_ =	shalt  }
0x49: {  	_ =	shalt  }
0x4a: {  	_ =	shalt  }
0x4b: {  	_ =	shalt  }
0x4c: {  	_ =	shalt  }
0x4d: {  	_ =	shalt  }
0x4e: {  	_ =	shalt  }
0x4f: {  	_ =	shalt  }
0x50: {  	_ =	shalt  }
0x51: {  	_ =	shalt  }
0x52: {  	_ =	shalt  }
0x53: {  	_ =	shalt  }
0x54: {  	_ =	shalt  }
0x55: {  	_ =	shalt  }
0x56: {  	_ =	shalt  }
0x57: {  	_ =	shalt  }
0x58: {  	_ =	shalt  }
0x59: {  	_ =	shalt  }
0x5a: {  	_ =	shalt  }
0x5b: {  	_ =	shalt  }
0x5c: {  	_ =	shalt  }
0x5d: {  	_ =	shalt  }
0x5e: {  	_ =	shalt  }
0x5f: {  	_ =	shalt  }
0x60: {  	_ =	shalt  }
0x61: {  	_ =	shalt  }
0x62: {  	_ =	shalt  }
0x63: {  	_ =	shalt  }
0x64: {  	_ =	shalt  }
0x65: {  	_ =	shalt  }
0x66: {  	_ =	shalt  }
0x67: {  	_ =	shalt  }
0x68: {  	_ =	shalt  }
0x69: {  	_ =	shalt  }
0x6a: {  	_ =	shalt  }
0x6b: {  	_ =	shalt  }
0x6c: {  	_ =	shalt  }
0x6d: {  	_ =	shalt  }
0x6e: {  	_ =	shalt  }
0x6f: {  	_ =	shalt  }
0x70: {  	_ =	shalt  }
0x71: {  	_ =	shalt  }
0x72: {  	_ =	shalt  }
0x73: {  	_ =	shalt  }
0x74: {  	_ =	shalt  }
0x75: {  	_ =	shalt  }
0x76: {  	_ =	shalt  }
0x77: {  	_ =	shalt  }
0x78: {  	_ =	shalt  }
0x79: {  	_ =	shalt  }
0x7a: {  	_ =	shalt  }
0x7b: {  	_ =	shalt  }
0x7c: {  	_ =	shalt  }
0x7d: {  	_ =	shalt  }
0x7e: {  	_ =	shalt  }
0x7f: {  	_ =	shalt  }
0x80: {  	_ =	shalt  }
0x81: {  	_ =	shalt  }
0x82: {  	_ =	shalt  }
0x83: {  	_ =	shalt  }
0x84: {  	_ =	shalt  }
0x85: {  	_ =	shalt  }
0x86: {  	_ =	shalt  }
0x87: {  	_ =	shalt  }
.Lfunc_end0:
.L_simem_size_0:
called_computation_lowered:
.L_overlay_start_0:
0x88: {  	s2 =	sld [smem:$0x3FD9]  }
0x89: {  	s3 =	sld [smem:$0x3FFE];
	_ =	sdelay $0x1  }
0x8a: {  	s1 =	srdreg.scid  }
0x8b: {  	s0 =	sand.u32 $0x1, s1  }
0x8c: {  	s17 =	sshll.u32 s0, $0xA;
	s2 =	sadd.s32 s3, s2  }
0x8d: {  	s2 =	sadd.s32 s2, s17  }
0x8e: {  	[smem:$0x3FC7] =	sst s2  }
0x8f: {  	_ = 	snop  }
0x90: {  	(tm) =	ssettm $0x1  }
0x91: {  	s18 =	sld [smem:$0x3FFB];
	_ =	sdelay $0x3  }
0x92: {  	_ =	strace s18  }
0x93: {  	s2 =	sld [smem:$0x3FFC];
	_ =	sdelay $0x3  }
0x94: {  	_ =	strace s2  }
0x95: {  	s2 =	sld [smem:$0x3FFD];
	_ =	sdelay $0x3  }
0x96: {  	_ =	strace s2  }
0x97: {  	_ =	strace $0x8FFFFFFF  }
0x98: {  	s19 =	sld [smem:$0x3FDB];
	_ =	sdelay $0x1  }
0x99: {  	s20 =	simm.s32 $_scs_section_size  }
0x9a: {  	s4 =	simm.s32 $_size__tile_overlayer_lowered;
	s5 =	simm.s32 $_tile_overlayer_lowered  }
0x9b: {  	s6 =	simm.s32 $0x1BFF;
	s21 =	sshll.u32 s5, $0x1;
	s3 =	sadd.s32 s20, s19  }
0x9c: {  	s22 =	simm.s32 $0x0;
	s4 =	sshll.u32 s4, $0x1;
	s5 =	sadd.s32 s21, s3  }
0x9d: {  	[timem:s22], [sflag:s6] =	dma.local [hbm:s5], s4  }
0x9e: {  	_ =	swait.ge [sflag:s6], s4  }
0x9f: {  	s4 =	ssub.s32 $0x0, s4;
	[sflag:s6] =	ssyncset.done $0x0  }
0xa0: {  	[sflag:s6] =	ssyncadd.s32 s4;
	_ =	sdelay $0x1  }
0xa1: {  	s23 =	simm.s32 $0x1B8B  }
0xa2: {  	_ =	swait.ge [sflag:s23], $0x1  }
0xa3: {  	[sflag:s23] =	ssyncset.done $0x0  }
0xa4: {  	[sflag:s23] =	ssyncadd.s32 $0xFFFFFFFF  }
0xa5: {  	s4 =	sld [smem:$0x0]  }
0xa6: {  	s5 =	sand.u32 $0xFFFFFFFE, s1  }
0xa7: {  	p0 =	sne.s32 s1, s5  }
0xa8: {  	s5 =	sshll.u32 @p0 s5, $0xE  }
0xa9: {  	s5 =	sadd.s32 @p0 $0x11B8D, s5;
	s6 =	sshll.u32 @p0 s4, $0x11  }
0xaa: {  	s5 =	sor.u32 @p0 s6, s5  }
0xab: {  	[sflag:s5] =	ssyncadd.remote.s32 @p0 $0x1;
	_ =	sdelay $0x1  }
0xac: {  	s5 =	simm.s32 @p0 $0x1B8D  }
0xad: {  	_ =	swait.eq @p0 [sflag:s5], $0x1  }
0xae: {  	[sflag:s5] =	ssyncadd.s32 @p0 $0xFFFFFFFF  }
0xaf: {  	s6 =	sshll.u32 @!p0 s1, $0xE  }
0xb0: {  	s6 =	sor.u32 @!p0 $0x4000, s6;
	s5 =	simm.s32 @!p0 $0x1B8D  }
0xb1: {  	s4 =	sshll.u32 @!p0 s4, $0x11;
	s6 =	sadd.s32 @!p0 $0x11B8D, s6;
	_ =	swait.eq @!p0 [sflag:s5], $0x1  }
0xb2: {  	s4 =	sor.u32 @!p0 s4, s6;
	[sflag:s5] =	ssyncadd.s32 @!p0 $0xFFFFFFFF  }
0xb3: {  	s25 =	simm.s32 $0x1B8E;
	s24 =	sld [smem:$0x3FFE];
	[sflag:s4] =	ssyncadd.remote.s32 @!p0 $0x1  }
0xb4: {  	s26 =	simm.s32 $execute0_lowered;
	[smem:$0x3FD2] =	sst s25  }
0xb5: {  	s5 =	sshll.u32 s26, $0x1;
	_ =	strace $0x80000049;
	[dreg:$0x1] =	wrdreg $0xFFFFFFFF  }
0xb6: {  	s28 =	simm.s32 $_size_execute0_lowered;
	s3 =	sadd.s32 s3, s5;
	[dreg:$0x0] =	wrdreg $0x0  }
0xb7: {  	s5 =	sshll.u32 s28, $0x1;
	[dreg:$0x2] =	wrdreg s3  }
0xb8: {  	[dreg:$0x3] =	wrdreg s5  }
0xb9: {  	[dreg:$0x4] =	wrdreg $0xC0  }
0xba: {  	_ =	task [dreg:s22], $0x5FFFF  }
0xbb: {  	[dreg:$0x1] =	wrdreg $0xFFFFFFFF  }
0xbc: {  	[dreg:$0x0] =	wrdreg $0x60  }
0xbd: {  	[dreg:$0x2] =	wrdreg s24  }
0xbe: {  	[dreg:$0x3] =	wrdreg $0x9  }
0xbf: {  	_ =	task.clear_ibuf [dreg:s22], $0x4FFFF;
	_ =	strace $0x90000049  }
0xc0: {  	s29 =	simm.s32 $0x9;
	_ =	strace $0x8000004B  }
0xc1: {  	_ =	swait.ge [sflag:s29], $0x1  }
0xc2: {  	[sflag:s29] =	ssyncadd.s32 $0xFFFFFFFF  }
0xc3: {  	_ =	strace $0x9000004B  }
0xc4: {  	_ =	sfence  }
0xc5: {  	s30 =	sld [smem:$0x0];
	_ =	sdelay $0x2  }
0xc6: {  	s31 =	sshll.u32 s1, $0xD;
	s1 =	sshrl.u32 s1, $0x2  }
0xc7: {  	s4 =	sand.u32 $0x4000, s31;
	s1 =	sadd.s32 s1, s30  }
0xc8: {  	s0 =	sor.u32 s4, s0;
	s1 =	sshll.u32 s1, $0x11  }
0xc9: {  	s0 =	sor.u32 s1, s0  }
0xca: {  	s0 =	sadd.s32 $0x8F2B, s0  }
0xcb: {  	[sflag:s0] =	ssyncadd.remote.s32 $0x1  }
0xcc: {  	_ =	sfence.sel $0xFFFF  }
0xcd: {  	[dreg:$0x0] =	wrdreg $0xFFFFFFFF;
	(pc) =	sbr.abs _section_cstart, $3  }
0xce: {  	[dreg:$0x1] =	wrdreg $0xFFFFFFFF  }
0xcf: {  	_ =	task.clear_ibuf [dreg:s22], $0x2FFFF;
	_ =	strace $0x9FFFFFFF  }
0xd0: {  	(tm) =	ssettm $0x7FFFFFFF  }
0xd1: {  	_ =	shalt  }
tec
execute0_lowered:
.L_overlay_start_1:
0x0: {  	(tag) =	ssettag $0x1  }
0x1: {  	s7 =	rddreg [dreg:$0x0]  }
0x2: {  	s0 =	rddreg [dreg:$0x1];
	_ =	strace $0x8000004A  }
0x3: {  	s1 =	srdreg.scid;
	s4 =	simm.s32 $0x1;
	s9 =	simm.s32 $0x3  }
0x4: {  	s11 =	simm.s32 $0x0;
	p0 =	por $0x0, $0x0;
	s5 =	sshll.u32 s1, $0x4  }
.Ltmp0:
0x5: {  	s1 =	stileid.u32;
	s5 =	sand.u32 $0x10, s5;
	(pc) =	sbr.rel .LBB2_1-.Ltmp0, $4  }
0x6: {  	s2 =	sadd.s32 $0x400, s7;
	s3 =	sadd.s32 $0x100C00, s7;
	s6 =	sor.u32 s1, s5  }
0x7: {  	[sflag:s4] =	ssyncpa.u1 $0x0;
	s5 =	simm.s32 $0x2;
	s6 =	sshll.u32 s6, $0x9  }
0x8: {  	s7 =	sadd.s32 $0x101C00, s7;
	[sflag:s5] =	ssyncpa.u1 $0x0;
	s8 =	sadd.s32 $0x200, s6  }
0x9: {  	vm0 =	vmmov $0xff;
	vm1 =	vcmask $0x3F20;
	[sflag:s9] =	ssyncpa.u1 $0x0;
	s10 =	smov.u32 s6;
	s9 =	simm.s32 $0x0  }
.LBB2_9:
0xa: {  	p1 =	slt.u32 s9, $0x2;
	s11 =	sadd.s32 $0x40, s10  }
0xb: {  	s13 =	smov.u32 s6;
	s9 =	sadd.s32 $0x1, s9;
	p2 =	slt.s32 s11, s8  }
0xc: {  	s13 =	smov.u32 @p2 s11;
	p2 =	sne.s32 s9, $0xA  }
.Ltmp1:
0xd: {  	_ = 	snop;
	(pc) =	sbr.rel @!p2 .LBB2_10-.Ltmp1, $4  }
0xe: {  	s12 =	simm.s32 @!p1 $0x3  }
0xf: {  	_ =	swait.ge @!p1 [sflag:s12], $0x8000  }
0x10: {  	p0 =	por !p0, !p0;
	[sflag:s12] =	ssyncset.done @!p1 $0x0  }
0x11: {  	s11 =	smov.u32 s10;
	s10 =	smov.u32 s13;
	[sflag:s12] =	ssyncadd.s32 @!p1 $0xFFFF8000  }
.LBB2_1:
0x12: {  	p1 =	sgt.u32 s9, $0x7  }
0x13: {  	s12 =	sxor.u32 @!p1 $0xFFFFFFFF, s9  }
0x14: {  	s13 =	sshrl.u32 @!p1 s10, $0x3;
	s12 =	sshll.u32 @!p1 s12, $0x6  }
0x15: {  	s14 =	sand.u32 @!p1 $0x7, s10;
	s13 =	sadd.s32 @!p1 s3, s13;
	s12 =	sand.u32 @!p1 $0x40, s12  }
0x16: {  	[tilespmem:s12], [sflag:$0x2] =	stream.linear.gather @!p1 [hbm4b:s13+s14], $0x40, $0x38;
	[tilespmem:$0x10080] =	vst v63  }
0x17: {  	p1 =	seq.s32 s9, $0x0  }
0x18: {  	p2 =	seq.s32 @!p1 s9, $0x9  }
0x19: {  	p1 =	por p1, p2  }
.Ltmp2:
0x1a: {  	_ = 	snop;
	(pc) =	sbr.rel @p1 .LBB2_9-.Ltmp2, $1  }
0x1b: {  	_ =	sdelay $0x3  }
0x1c: {  	s12 =	simm.s32 $0x1  }
0x1d: {  	s12 =	simm.s32 @!p0 $0x0  }
0x1e: {  	_ =	swait.ge [sflag:s5], $0x40;
	s13 =	sand.u32 $0x1, s9;
	s12 =	sshll.u32 s12, $0xF  }
0x1f: {  	s14 =	simm.s32 $0x0;
	[sflag:s5] =	ssyncset.done $0x0;
	s12 =	sor.u32 $0x80, s12  }
0x20: {  	s13 =	sshll.u32 s13, $0x6;
	[sflag:s5] =	ssyncadd.s32 $0xFFFFFFC0;
	s15 =	smov.u32 s12  }
.LBB2_3:
0x21: {  	s16 =	sshll.u32 s14, $0x4  }
0x22: {  	s16 =	sand.u32 $0x3FFFFFF0, s16  }
0x23: {  	s16 =	sadd.s32 s16, s13  }
0x24: {  	v0 =	vld.msk [tilespmem:s16+$0x0 ss:$0x1], $0xffff;
	_ =	sdelay $0x4  }
0x25: {  	vm2 =	vgt.s32 v0, $0x0  }
0x26: {  	v0 =	vnsel vm2, $0x0, v0  }
0x27: {  	v0 =	vmin.u32 v0, $0x3FFF  }
0x28: {  	v1 =	vshll.u32 v0, $0x6;
	v0 =	vshll.u32 v0, $0x4  }
0x29: {  	v1 =	vand.u32 $0xFFE00, v1;
	v0 =	vand.u32 $0x70, v0  }
0x2a: {  	v0 =	vor.u32 v0, v1;
	_ =	sdelay $0x3  }
0x2b: {  	s17 =	sadd.s32 $0x0, s15  }
0x2c: {  	[tilespmem:s17], [sflag:$0x1] =	stream.indirect_vreg.gather [hbm:s2], $0x80, v0, vm0, $0x38;
	[tilespmem:$0x10080] =	vst v63  }
0x2d: {  	s16 =	simm.s32 $0x1000;
	v1 =	vadd.s32 $0x80, v0;
	s17 =	sadd.s32 $0x1000, s17  }
.LBB2_4:
0x2e: {  	[tilespmem:s17], [sflag:$0x1] =	stream.indirect_vreg.gather [hbm:s2], $0x80, v0, vm1, $0x38;
	[tilespmem:$0x10080] =	vst v63  }
0x2f: {  	v0 =	vmov v1;
	s17 =	smov.u32 s16;
	p1 =	sne.s32 s16, $0x3000  }
.Ltmp3:
0x30: {  	s16 =	sadd.s32 $0x1000, s16;
	(pc) =	sbr.rel @p1 .LBB2_4-.Ltmp3, $4  }
0x31: {  	s17 =	sshra.s32 s17, $0x2  }
0x32: {  	s17 =	sadd.s32 s17, s15  }
0x33: {  	[tilespmem:s17], [sflag:$0x1] =	stream.indirect_vreg.gather [hbm:s2], $0x80, v1, vm0, $0x38;
	[tilespmem:$0x10080] =	vst v63  }
0x34: {  	s17 =	sadd.s32 $0x1000, s17;
	v1 =	vadd.s32 $0x80, v1  }
0x35: {  	s14 =	sadd.s32 $0x1, s14  }
0x36: {  	p1 =	sne.s32 s14, $0x4  }
.Ltmp4:
0x37: {  	_ = 	snop;
	(pc) =	sbr.rel @p1 .LBB2_3-.Ltmp4, $3  }
0x38: {  	_ =	sdelay $0x1  }
0x39: {  	[tilespmem:s17], [sflag:$0x1] =	stream.indirect_vreg.gather [hbm:s2], $0x80, v0, vm1, $0x38;
	[tilespmem:$0x10080] =	vst v63  }
0x3a: {  	s15 =	sadd.s32 $0x2000, s15  }
0x3b: {  	s13 =	sshll.u32 s11, $0x6  }
0x3c: {  	s31 =	sshll.u32 s11, $0x4;
	s13 =	sand.u32 $0xFFFFFE00, s13  }
0x3d: {  	_ =	swait.ge [sflag:s4], $0x8000;
	s11 =	sand.u32 $0x70, s31;
	s13 =	sadd.s32 s13, s7  }
0x3e: {  	s14 =	sadd.s32 $0x1000, s12;
	[sflag:s4] =	ssyncset.done $0x0;
	s11 =	sadd.s32 s11, s13  }
0x3f: {  	[sflag:s4] =	ssyncadd.s32 $0xFFFF8000;
	s13 =	simm.s32 $0x200;
	s15 =	sadd.s32 $0x0, s11  }
.LBB2_7:
0x40: {  	[hbm:s15] =	stream.linear.scatter [tilespmem:s12], [sflag:$0x3], $0x1000, $0x38;
	[tilespmem:$0x10080] =	vst v63  }
0x41: {  	s15 =	smov.u32 s13;
	s12 =	smov.u32 s14;
	p1 =	sne.s32 s13, $0xE00  }
.Ltmp5:
0x42: {  	s13 =	sadd.s32 $0x200, s13;
	(pc) =	sbr.rel @p1 .LBB2_7-.Ltmp5, $2  }
0x43: {  	_ =	sdelay $0x2  }
0x44: {  	s14 =	sadd.s32 $0x1000, s14;
	s15 =	sadd.s32 s15, s11  }
.Ltmp6:
0x45: {  	(pc) =	sbr.rel .LBB2_9-.Ltmp6, $2  }
0x46: {  	_ =	sdelay $0x2  }
0x47: {  	[hbm:s15] =	stream.linear.scatter [tilespmem:s12], [sflag:$0x3], $0x1000, $0x38;
	[tilespmem:$0x10080] =	vst v63  }
.LBB2_10:
0x48: {  	_ =	sfence.sel $0x180000  }
0x49: {  	s2 =	simm.s32 $0x2;
	[bflag:$0x0] =	sbarrier.arrive $0xFFFF  }
0x4a: {  	s30 =	simm.s32 $0x3;
	[sflag:s2] =	ssyncpa.u1 $0x1  }
0x4b: {  	s31 =	simm.s32 $0x1;
	[sflag:s30] =	ssyncpa.u1 $0x1  }
0x4c: {  	[sflag:s31] =	ssyncpa.u1 $0x1  }
0x4d: {  	p0 =	sne.s32 s1, $0x0;
	_ =	strace $0x9000004A  }
0x4e: {  	s0 =	sadd.s32 @!p0 $0x100000, s0;
	[bflag:$0x2] =	sbarrier.arrive $0xFFFF  }
0x4f: {  	[sflag:s0] =	ssyncadd.tile.s32 @!p0 $0x1;
	_ =	shalt  }
.Lfunc_end2:
_tile_overlayer_lowered:
.L_overlay_start_2:
0x50: {  	(tag) =	ssettag $0x2  }
0x51: {  	s0 =	rddreg [dreg:$0x0];
	s2 =	stileid.u32  }
0x52: {  	s1 =	rddreg [dreg:$0x1];
	p0 =	sne.s32 s2, $0x0  }
0x53: {  	s3 =	rddreg [dreg:$0x2];
	[bflag:$0x3] =	sbarrier.arrive $0xFFFF;
	s2 =	simm.s32 @!p0 $0x1C01  }
0x54: {  	[timem:s3], [sflag:s2] =	dma.local @!p0 [hbm:s0], s1  }
0x55: {  	s0 =	simm.s32 @!p0 $0x1  }
0x56: {  	_ =	swait.ge @!p0 [sflag:s0], s1  }
0x57: {  	s1 =	ssub.s32 @!p0 $0x0, s1;
	[sflag:s0] =	ssyncset.done @!p0 $0x0  }
0x58: {  	[sflag:s0] =	ssyncadd.s32 @!p0 s1  }
0x59: {  	[bflag:$0x3] =	sbarrier.arrive $0xFFFF  }
0x5a: {  	_ =	shalt  }

</sc_bundles>
